<compile_context>
chip_gen: v7x
topology: tpu7x:2x2x1
jax: 0.10.2.dev20260603
libtpu: 0.0.44.dev20260713+nightly
codegen_flags: <defaults>
</compile_context>

<pallas_src>
import functools

import jax
import jax.numpy as jnp
from jax import lax
from jax.experimental import pallas as pl
from jax.experimental.pallas import tpu as pltpu
from jax.experimental.pallas import tpu_sc as plsc

SEQ = 200
NSEQ = 4096
DIM = 64
NC = 2
NS = 16
NW = NC * NS
BBLK = NSEQ // 128
UNITS = SEQ * BBLK
UPW = UNITS // NW
NBUF = 4


def _body(idxt_hbm, tok_hbm, pos_hbm, out_hbm,
          pos_v, rot_tbl, i0, i1, i2, i3, r0, r1, r2, r3, o0, o1, o2, o3,
          isem, gsem, osem):
    idxb = (i0, i1, i2, i3)
    rows = (r0, r1, r2, r3)
    outb = (o0, o1, o2, o3)
    wid = lax.axis_index("s") * NC + lax.axis_index("c")
    ubase = wid * UPW
    pltpu.sync_copy(pos_hbm, pos_v)

    iota = lax.iota(jnp.int32, 16)
    bvecs = [bg * 16 + iota for bg in range(8)]
    zvec = iota * 0
    for k in range(16):
        rot_tbl[k, pl.ds(0, 16)] = jnp.where(iota + k > 15, iota + k - 16,
                                             iota + k)

    def su(u):
        g = ubase + u
        return g // BBLK, g % BBLK

    def idx_cp(u, slot):
        s, bb = su(u)
        return pltpu.make_async_copy(
            idxt_hbm.at[s, pl.ds(bb * 128, 128)], idxb[slot], isem[slot])

    def gather_cp(u, slot):
        return pltpu.make_async_copy(
            tok_hbm.at[idxb[slot]], rows[slot], gsem[slot])

    def out_cps(u, slot):
        s, bb = su(u)
        return [pltpu.make_async_copy(
            outb[slot].at[pl.ds(dk * 8, 8)], out_hbm.at[s, dk, bb], osem[slot])
            for dk in range(8)]

    def transpose_add(u, slot):
        s, _ = su(u)
        pbase = zvec + s * DIM

        @plsc.parallel_loop(0, DIM, 16)
        def dloop(d0):
            @plsc.parallel_loop(0, 16, 1, unroll=4)
            def kloop(k):
                dvec = rot_tbl[k, pl.ds(0, 16)] + d0
                pv = plsc.load_gather(pos_v, [pbase + dvec])
                for bg in range(8):
                    v = plsc.load_gather(rows[slot], [bvecs[bg], dvec])
                    plsc.store_scatter(outb[slot], [dvec, bvecs[bg]], v + pv)

    def step(u, slot):
        gather_cp(u, slot).wait()
        transpose_add(u, slot)
        for cp in out_cps(u, slot):
            cp.start()

        @pl.when(u + NBUF < UPW)
        def _():
            idx_cp(u + NBUF, slot).start()

        sn = (slot + 2) % NBUF

        @pl.when(u >= 2)
        def _():
            for cp in out_cps(u - 2, sn):
                cp.wait()

        @pl.when(u + 2 < UPW)
        def _():
            idx_cp(u + 2, sn).wait()
            gather_cp(u + 2, sn).start()

    for u in range(NBUF):
        idx_cp(u, u).start()
    for u in range(2):
        idx_cp(u, u).wait()
        gather_cp(u, u).start()

    def group(k, carry):
        for j in range(NBUF):
            step(k * NBUF + j, j)
        return carry

    lax.fori_loop(0, UPW // NBUF, group, 0)

    for u in range(UPW - 2, UPW):
        for cp in out_cps(u, u % NBUF):
            cp.wait()


def kernel(inputs, token_table, pos_table):
    idx_t = inputs.astype(jnp.int32).T
    pos_flat = pos_table.reshape(-1)
    mesh = plsc.VectorSubcoreMesh(core_axis_name="c", subcore_axis_name="s")
    run = functools.partial(
        pl.kernel,
        mesh=mesh,
        compiler_params=pltpu.CompilerParams(
            use_tc_tiling_on_sc=False, needs_layout_passes=False),
        out_type=jax.ShapeDtypeStruct((SEQ, 8, BBLK, 8, 128), jnp.float32),
        scratch_types=[
            pltpu.VMEM((SEQ * DIM,), jnp.float32),
            pltpu.VMEM((16, 16), jnp.int32),
            pltpu.VMEM((128,), jnp.int32),
            pltpu.VMEM((128,), jnp.int32),
            pltpu.VMEM((128,), jnp.int32),
            pltpu.VMEM((128,), jnp.int32),
            pltpu.VMEM((128, DIM), jnp.float32),
            pltpu.VMEM((128, DIM), jnp.float32),
            pltpu.VMEM((128, DIM), jnp.float32),
            pltpu.VMEM((128, DIM), jnp.float32),
            pltpu.VMEM((DIM, 128), jnp.float32),
            pltpu.VMEM((DIM, 128), jnp.float32),
            pltpu.VMEM((DIM, 128), jnp.float32),
            pltpu.VMEM((DIM, 128), jnp.float32),
            [pltpu.SemaphoreType.DMA] * NBUF,
            [pltpu.SemaphoreType.DMA] * NBUF,
            [pltpu.SemaphoreType.DMA] * NBUF,
        ],
    )(_body)
    out5 = run(idx_t, token_table, pos_flat)
    return jnp.transpose(out5, (2, 4, 0, 1, 3)).reshape(NSEQ, SEQ, DIM)

# --- scband reference (transcript-rebuilt; emitter-appended) ---
"""Pipeline reference for scband-positional-embedding-67053029425558 (READ-ONLY COPY).

The authoritative reference and input builder live on the scoring server;
editing this copy changes nothing except your own understanding.
"""

import jax, jax.numpy as jnp
import numpy as np

VOCAB = 100000
SEQ_LEN = 200
EMBED_DIM = 64
BATCH = 4096

def setup_inputs(seed: int = 0) -> dict:
    key = jax.random.key(seed)
    k1, k2, k3 = jax.random.split(key, 3)
    inputs = jax.random.randint(k1, (BATCH, SEQ_LEN), 0, VOCAB, dtype=jnp.int64 if jax.config.read('jax_enable_x64') else jnp.int32)
    token_table = jax.random.normal(k2, (VOCAB, EMBED_DIM), dtype=jnp.float32) * 0.02
    pos_table = jax.random.normal(k3, (SEQ_LEN, EMBED_DIM), dtype=jnp.float32) * 0.02
    return {"inputs": inputs, "token_table": token_table, "pos_table": pos_table}

def reference(inputs, token_table, pos_table):
    # token embedding lookup: gather rows from the token table
    embedded_tokens = jnp.take(token_table, inputs, axis=0)  # [B, S, D]
    # positional embedding: positions = arange(sequence_length), gather from pos table
    positions = jnp.arange(SEQ_LEN)
    embedded_positions = jnp.take(pos_table, positions, axis=0)  # [S, D]
    return embedded_tokens + embedded_positions[None, :, :]

if __name__ == "__main__":
    import jax
    _d = setup_inputs()
    print(jax.jit(kernel)(*tuple(_d.values())))

</pallas_src>

<mosaic_0001>
#map = affine_map<(d0, d1) -> (0, 0)>
#map1 = affine_map<(d0, d1) -> (0)>
#map2 = affine_map<(d0, d1) -> (0, 0, 0, 0, 0)>
module attributes {stable_mosaic.version = 14 : i64} {
  func.func @_body(%arg0: i32, %arg1: i32, %arg2: memref<200x4096xi32, #tpu.memory_space<hbm>>, %arg3: memref<100000x64xf32, #tpu.memory_space<hbm>>, %arg4: memref<12800xf32, #tpu.memory_space<hbm>>, %arg5: memref<200x8x32x8x128xf32, #tpu.memory_space<hbm>>, %arg6: memref<12800xf32, #tpu.memory_space<vmem>>, %arg7: memref<16x16xi32, #tpu.memory_space<vmem>>, %arg8: memref<128xi32, #tpu.memory_space<vmem>>, %arg9: memref<128xi32, #tpu.memory_space<vmem>>, %arg10: memref<128xi32, #tpu.memory_space<vmem>>, %arg11: memref<128xi32, #tpu.memory_space<vmem>>, %arg12: memref<128x64xf32, #tpu.memory_space<vmem>>, %arg13: memref<128x64xf32, #tpu.memory_space<vmem>>, %arg14: memref<128x64xf32, #tpu.memory_space<vmem>>, %arg15: memref<128x64xf32, #tpu.memory_space<vmem>>, %arg16: memref<64x128xf32, #tpu.memory_space<vmem>>, %arg17: memref<64x128xf32, #tpu.memory_space<vmem>>, %arg18: memref<64x128xf32, #tpu.memory_space<vmem>>, %arg19: memref<64x128xf32, #tpu.memory_space<vmem>>, %arg20: memref<!tpu.dma_semaphore, #tpu.memory_space<semaphore_mem>>, %arg21: memref<!tpu.dma_semaphore, #tpu.memory_space<semaphore_mem>>, %arg22: memref<!tpu.dma_semaphore, #tpu.memory_space<semaphore_mem>>, %arg23: memref<!tpu.dma_semaphore, #tpu.memory_space<semaphore_mem>>, %arg24: memref<!tpu.dma_semaphore, #tpu.memory_space<semaphore_mem>>, %arg25: memref<!tpu.dma_semaphore, #tpu.memory_space<semaphore_mem>>, %arg26: memref<!tpu.dma_semaphore, #tpu.memory_space<semaphore_mem>>, %arg27: memref<!tpu.dma_semaphore, #tpu.memory_space<semaphore_mem>>, %arg28: memref<!tpu.dma_semaphore, #tpu.memory_space<semaphore_mem>>, %arg29: memref<!tpu.dma_semaphore, #tpu.memory_space<semaphore_mem>>, %arg30: memref<!tpu.dma_semaphore, #tpu.memory_space<semaphore_mem>>, %arg31: memref<!tpu.dma_semaphore, #tpu.memory_space<semaphore_mem>>) attributes {dimension_semantics = [#tpu.dimension_semantics<core_parallel>, #tpu.dimension_semantics<subcore_parallel>], iteration_bounds = array<i64: 2, 16>, scalar_prefetch = 0 : i64, scratch_operands = 26 : i64, tpu.core_type = #tpu.core_type<sc_vector_subcore>, window_params = [{transform_indices = #map}, {transform_indices = #map}, {transform_indices = #map1}, {transform_indices = #map2}]} {
    %mul3A = arith.constant 2 : i32
    %mul3A_0 = arith.muli %arg1, %mul3A : i32
    %add3A = arith.addi %mul3A_0, %arg0 : i32
    %mul3A_1 = arith.constant 200 : i32
    %mul3A_2 = arith.muli %add3A, %mul3A_1 : i32
    "tpu.region"() ({
      %run_scoped3A = tpu.sem_alloc : memref<!tpu.dma_semaphore, #tpu.memory_space<semaphore_mem>>
      tpu.enqueue_dma source(%arg4 : memref<12800xf32, #tpu.memory_space<hbm>>) target(%arg6 : memref<12800xf32, #tpu.memory_space<vmem>>) target_semaphore(%run_scoped3A : memref<!tpu.dma_semaphore, #tpu.memory_space<semaphore_mem>>)
      tpu.wait_dma2 semaphore(%run_scoped3A : memref<!tpu.dma_semaphore, #tpu.memory_space<semaphore_mem>>) src(%arg4 : memref<12800xf32, #tpu.memory_space<hbm>>) dst(%arg6 : memref<12800xf32, #tpu.memory_space<vmem>>)
      tpu.yield
    }) : () -> ()
    %iota3A = tpu.iota {dimensions = array<i32: 0>} : vector<16xi32>
    %add3A_3 = arith.constant 0 : i32
    %add3A_4 = vector.broadcast %add3A_3 : i32 to vector<16xi32>
    %add3A_5 = arith.addi %add3A_4, %iota3A : vector<16xi32>
    %add3A_6 = arith.constant 16 : i32
    %add3A_7 = vector.broadcast %add3A_6 : i32 to vector<16xi32>
    %add3A_8 = arith.addi %add3A_7, %iota3A : vector<16xi32>
    %add3A_9 = arith.constant 32 : i32
    %add3A_10 = vector.broadcast %add3A_9 : i32 to vector<16xi32>
    %add3A_11 = arith.addi %add3A_10, %iota3A : vector<16xi32>
    %add3A_12 = arith.constant 48 : i32
    %add3A_13 = vector.broadcast %add3A_12 : i32 to vector<16xi32>
    %add3A_14 = arith.addi %add3A_13, %iota3A : vector<16xi32>
    %add3A_15 = arith.constant 64 : i32
    %add3A_16 = vector.broadcast %add3A_15 : i32 to vector<16xi32>
    %add3A_17 = arith.addi %add3A_16, %iota3A : vector<16xi32>
    %add3A_18 = arith.constant 80 : i32
    %add3A_19 = vector.broadcast %add3A_18 : i32 to vector<16xi32>
    %add3A_20 = arith.addi %add3A_19, %iota3A : vector<16xi32>
    %add3A_21 = arith.constant 96 : i32
    %add3A_22 = vector.broadcast %add3A_21 : i32 to vector<16xi32>
    %add3A_23 = arith.addi %add3A_22, %iota3A : vector<16xi32>
    %add3A_24 = arith.constant 112 : i32
    %add3A_25 = vector.broadcast %add3A_24 : i32 to vector<16xi32>
    %add3A_26 = arith.addi %add3A_25, %iota3A : vector<16xi32>
    %mul3A_27 = arith.constant 0 : i32
    %mul3A_28 = vector.broadcast %mul3A_27 : i32 to vector<16xi32>
    %mul3A_29 = arith.muli %iota3A, %mul3A_28 : vector<16xi32>
    %add3A_30 = arith.constant 0 : i32
    %add3A_31 = vector.broadcast %add3A_30 : i32 to vector<16xi32>
    %add3A_32 = arith.addi %iota3A, %add3A_31 : vector<16xi32>
    %gt3A = arith.constant 15 : i32
    %gt3A_33 = vector.broadcast %gt3A : i32 to vector<16xi32>
    %gt3A_34 = arith.cmpi sgt, %add3A_32, %gt3A_33 : vector<16xi32>
    %add3A_35 = arith.constant 0 : i32
    %add3A_36 = vector.broadcast %add3A_35 : i32 to vector<16xi32>
    %add3A_37 = arith.addi %iota3A, %add3A_36 : vector<16xi32>
    %sub3A = arith.constant 16 : i32
    %sub3A_38 = vector.broadcast %sub3A : i32 to vector<16xi32>
    %sub3A_39 = arith.subi %add3A_37, %sub3A_38 : vector<16xi32>
    %add3A_40 = arith.constant 0 : i32
    %add3A_41 = vector.broadcast %add3A_40 : i32 to vector<16xi32>
    %add3A_42 = arith.addi %iota3A, %add3A_41 : vector<16xi32>
    %select_n3A = arith.select %gt3A_34, %sub3A_39, %add3A_42 : vector<16xi1>, vector<16xi32>
    %swap3A = arith.constant 0 : i32
    %swap3A_43 = arith.index_cast %swap3A : i32 to index
    %swap3A_44 = arith.constant 0 : index
    %swap3A_45 = tpu.vector_load %arg7[%swap3A_43, %swap3A_44] {strides = array<i32>} : memref<16x16xi32, #tpu.memory_space<vmem>>, vector<16xi32>,
    tpu.vector_store %arg7[%swap3A_43, %swap3A_44], %select_n3A {strides = array<i32>} : memref<16x16xi32, #tpu.memory_space<vmem>>, vector<16xi32>,
    %add3A_46 = arith.constant 1 : i32
    %add3A_47 = vector.broadcast %add3A_46 : i32 to vector<16xi32>
    %add3A_48 = arith.addi %iota3A, %add3A_47 : vector<16xi32>
    %gt3A_49 = arith.constant 15 : i32
    %gt3A_50 = vector.broadcast %gt3A_49 : i32 to vector<16xi32>
    %gt3A_51 = arith.cmpi sgt, %add3A_48, %gt3A_50 : vector<16xi32>
    %add3A_52 = arith.constant 1 : i32
    %add3A_53 = vector.broadcast %add3A_52 : i32 to vector<16xi32>
    %add3A_54 = arith.addi %iota3A, %add3A_53 : vector<16xi32>
    %sub3A_55 = arith.constant 16 : i32
    %sub3A_56 = vector.broadcast %sub3A_55 : i32 to vector<16xi32>
    %sub3A_57 = arith.subi %add3A_54, %sub3A_56 : vector<16xi32>
    %add3A_58 = arith.constant 1 : i32
    %add3A_59 = vector.broadcast %add3A_58 : i32 to vector<16xi32>
    %add3A_60 = arith.addi %iota3A, %add3A_59 : vector<16xi32>
    %select_n3A_61 = arith.select %gt3A_51, %sub3A_57, %add3A_60 : vector<16xi1>, vector<16xi32>
    %swap3A_62 = arith.constant 1 : i32
    %swap3A_63 = arith.index_cast %swap3A_62 : i32 to index
    %swap3A_64 = arith.constant 0 : index
    %swap3A_65 = tpu.vector_load %arg7[%swap3A_63, %swap3A_64] {strides = array<i32>} : memref<16x16xi32, #tpu.memory_space<vmem>>, vector<16xi32>,
    tpu.vector_store %arg7[%swap3A_63, %swap3A_64], %select_n3A_61 {strides = array<i32>} : memref<16x16xi32, #tpu.memory_space<vmem>>, vector<16xi32>,
    %add3A_66 = arith.constant 2 : i32
    %add3A_67 = vector.broadcast %add3A_66 : i32 to vector<16xi32>
    %add3A_68 = arith.addi %iota3A, %add3A_67 : vector<16xi32>
    %gt3A_69 = arith.constant 15 : i32
    %gt3A_70 = vector.broadcast %gt3A_69 : i32 to vector<16xi32>
    %gt3A_71 = arith.cmpi sgt, %add3A_68, %gt3A_70 : vector<16xi32>
    %add3A_72 = arith.constant 2 : i32
    %add3A_73 = vector.broadcast %add3A_72 : i32 to vector<16xi32>
    %add3A_74 = arith.addi %iota3A, %add3A_73 : vector<16xi32>
    %sub3A_75 = arith.constant 16 : i32
    %sub3A_76 = vector.broadcast %sub3A_75 : i32 to vector<16xi32>
    %sub3A_77 = arith.subi %add3A_74, %sub3A_76 : vector<16xi32>
    %add3A_78 = arith.constant 2 : i32
    %add3A_79 = vector.broadcast %add3A_78 : i32 to vector<16xi32>
    %add3A_80 = arith.addi %iota3A, %add3A_79 : vector<16xi32>
    %select_n3A_81 = arith.select %gt3A_71, %sub3A_77, %add3A_80 : vector<16xi1>, vector<16xi32>
    %swap3A_82 = arith.constant 2 : i32
    %swap3A_83 = arith.index_cast %swap3A_82 : i32 to index
    %swap3A_84 = arith.constant 0 : index
    %swap3A_85 = tpu.vector_load %arg7[%swap3A_83, %swap3A_84] {strides = array<i32>} : memref<16x16xi32, #tpu.memory_space<vmem>>, vector<16xi32>,
    tpu.vector_store %arg7[%swap3A_83, %swap3A_84], %select_n3A_81 {strides = array<i32>} : memref<16x16xi32, #tpu.memory_space<vmem>>, vector<16xi32>,
    %add3A_86 = arith.constant 3 : i32
    %add3A_87 = vector.broadcast %add3A_86 : i32 to vector<16xi32>
    %add3A_88 = arith.addi %iota3A, %add3A_87 : vector<16xi32>
    %gt3A_89 = arith.constant 15 : i32
    %gt3A_90 = vector.broadcast %gt3A_89 : i32 to vector<16xi32>
    %gt3A_91 = arith.cmpi sgt, %add3A_88, %gt3A_90 : vector<16xi32>
    %add3A_92 = arith.constant 3 : i32
    %add3A_93 = vector.broadcast %add3A_92 : i32 to vector<16xi32>
    %add3A_94 = arith.addi %iota3A, %add3A_93 : vector<16xi32>
    %sub3A_95 = arith.constant 16 : i32
    %sub3A_96 = vector.broadcast %sub3A_95 : i32 to vector<16xi32>
    %sub3A_97 = arith.subi %add3A_94, %sub3A_96 : vector<16xi32>
    %add3A_98 = arith.constant 3 : i32
    %add3A_99 = vector.broadcast %add3A_98 : i32 to vector<16xi32>
    %add3A_100 = arith.addi %iota3A, %add3A_99 : vector<16xi32>
    %select_n3A_101 = arith.select %gt3A_91, %sub3A_97, %add3A_100 : vector<16xi1>, vector<16xi32>
    %swap3A_102 = arith.constant 3 : i32
    %swap3A_103 = arith.index_cast %swap3A_102 : i32 to index
    %swap3A_104 = arith.constant 0 : index
    %swap3A_105 = tpu.vector_load %arg7[%swap3A_103, %swap3A_104] {strides = array<i32>} : memref<16x16xi32, #tpu.memory_space<vmem>>, vector<16xi32>,
    tpu.vector_store %arg7[%swap3A_103, %swap3A_104], %select_n3A_101 {strides = array<i32>} : memref<16x16xi32, #tpu.memory_space<vmem>>, vector<16xi32>,
    %add3A_106 = arith.constant 4 : i32
    %add3A_107 = vector.broadcast %add3A_106 : i32 to vector<16xi32>
    %add3A_108 = arith.addi %iota3A, %add3A_107 : vector<16xi32>
    %gt3A_109 = arith.constant 15 : i32
    %gt3A_110 = vector.broadcast %gt3A_109 : i32 to vector<16xi32>
    %gt3A_111 = arith.cmpi sgt, %add3A_108, %gt3A_110 : vector<16xi32>
    %add3A_112 = arith.constant 4 : i32
    %add3A_113 = vector.broadcast %add3A_112 : i32 to vector<16xi32>
    %add3A_114 = arith.addi %iota3A, %add3A_113 : vector<16xi32>
    %sub3A_115 = arith.constant 16 : i32
    %sub3A_116 = vector.broadcast %sub3A_115 : i32 to vector<16xi32>
    %sub3A_117 = arith.subi %add3A_114, %sub3A_116 : vector<16xi32>
    %add3A_118 = arith.constant 4 : i32
    %add3A_119 = vector.broadcast %add3A_118 : i32 to vector<16xi32>
    %add3A_120 = arith.addi %iota3A, %add3A_119 : vector<16xi32>
    %select_n3A_121 = arith.select %gt3A_111, %sub3A_117, %add3A_120 : vector<16xi1>, vector<16xi32>
    %swap3A_122 = arith.constant 4 : i32
    %swap3A_123 = arith.index_cast %swap3A_122 : i32 to index
    %swap3A_124 = arith.constant 0 : index
    %swap3A_125 = tpu.vector_load %arg7[%swap3A_123, %swap3A_124] {strides = array<i32>} : memref<16x16xi32, #tpu.memory_space<vmem>>, vector<16xi32>,
    tpu.vector_store %arg7[%swap3A_123, %swap3A_124], %select_n3A_121 {strides = array<i32>} : memref<16x16xi32, #tpu.memory_space<vmem>>, vector<16xi32>,
    %add3A_126 = arith.constant 5 : i32
    %add3A_127 = vector.broadcast %add3A_126 : i32 to vector<16xi32>
    %add3A_128 = arith.addi %iota3A, %add3A_127 : vector<16xi32>
    %gt3A_129 = arith.constant 15 : i32
    %gt3A_130 = vector.broadcast %gt3A_129 : i32 to vector<16xi32>
    %gt3A_131 = arith.cmpi sgt, %add3A_128, %gt3A_130 : vector<16xi32>
    %add3A_132 = arith.constant 5 : i32
    %add3A_133 = vector.broadcast %add3A_132 : i32 to vector<16xi32>
    %add3A_134 = arith.addi %iota3A, %add3A_133 : vector<16xi32>
    %sub3A_135 = arith.constant 16 : i32
    %sub3A_136 = vector.broadcast %sub3A_135 : i32 to vector<16xi32>
    %sub3A_137 = arith.subi %add3A_134, %sub3A_136 : vector<16xi32>
    %add3A_138 = arith.constant 5 : i32
    %add3A_139 = vector.broadcast %add3A_138 : i32 to vector<16xi32>
    %add3A_140 = arith.addi %iota3A, %add3A_139 : vector<16xi32>
    %select_n3A_141 = arith.select %gt3A_131, %sub3A_137, %add3A_140 : vector<16xi1>, vector<16xi32>
    %swap3A_142 = arith.constant 5 : i32
    %swap3A_143 = arith.index_cast %swap3A_142 : i32 to index
    %swap3A_144 = arith.constant 0 : index
    %swap3A_145 = tpu.vector_load %arg7[%swap3A_143, %swap3A_144] {strides = array<i32>} : memref<16x16xi32, #tpu.memory_space<vmem>>, vector<16xi32>,
    tpu.vector_store %arg7[%swap3A_143, %swap3A_144], %select_n3A_141 {strides = array<i32>} : memref<16x16xi32, #tpu.memory_space<vmem>>, vector<16xi32>,
    %add3A_146 = arith.constant 6 : i32
    %add3A_147 = vector.broadcast %add3A_146 : i32 to vector<16xi32>
    %add3A_148 = arith.addi %iota3A, %add3A_147 : vector<16xi32>
    %gt3A_149 = arith.constant 15 : i32
    %gt3A_150 = vector.broadcast %gt3A_149 : i32 to vector<16xi32>
    %gt3A_151 = arith.cmpi sgt, %add3A_148, %gt3A_150 : vector<16xi32>
    %add3A_152 = arith.constant 6 : i32
    %add3A_153 = vector.broadcast %add3A_152 : i32 to vector<16xi32>
    %add3A_154 = arith.addi %iota3A, %add3A_153 : vector<16xi32>
    %sub3A_155 = arith.constant 16 : i32
    %sub3A_156 = vector.broadcast %sub3A_155 : i32 to vector<16xi32>
    %sub3A_157 = arith.subi %add3A_154, %sub3A_156 : vector<16xi32>
    %add3A_158 = arith.constant 6 : i32
    %add3A_159 = vector.broadcast %add3A_158 : i32 to vector<16xi32>
    %add3A_160 = arith.addi %iota3A, %add3A_159 : vector<16xi32>
    %select_n3A_161 = arith.select %gt3A_151, %sub3A_157, %add3A_160 : vector<16xi1>, vector<16xi32>
    %swap3A_162 = arith.constant 6 : i32
    %swap3A_163 = arith.index_cast %swap3A_162 : i32 to index
    %swap3A_164 = arith.constant 0 : index
    %swap3A_165 = tpu.vector_load %arg7[%swap3A_163, %swap3A_164] {strides = array<i32>} : memref<16x16xi32, #tpu.memory_space<vmem>>, vector<16xi32>,
    tpu.vector_store %arg7[%swap3A_163, %swap3A_164], %select_n3A_161 {strides = array<i32>} : memref<16x16xi32, #tpu.memory_space<vmem>>, vector<16xi32>,
    %add3A_166 = arith.constant 7 : i32
    %add3A_167 = vector.broadcast %add3A_166 : i32 to vector<16xi32>
    %add3A_168 = arith.addi %iota3A, %add3A_167 : vector<16xi32>
    %gt3A_169 = arith.constant 15 : i32
    %gt3A_170 = vector.broadcast %gt3A_169 : i32 to vector<16xi32>
    %gt3A_171 = arith.cmpi sgt, %add3A_168, %gt3A_170 : vector<16xi32>
    %add3A_172 = arith.constant 7 : i32
    %add3A_173 = vector.broadcast %add3A_172 : i32 to vector<16xi32>
    %add3A_174 = arith.addi %iota3A, %add3A_173 : vector<16xi32>
    %sub3A_175 = arith.constant 16 : i32
    %sub3A_176 = vector.broadcast %sub3A_175 : i32 to vector<16xi32>
    %sub3A_177 = arith.subi %add3A_174, %sub3A_176 : vector<16xi32>
    %add3A_178 = arith.constant 7 : i32
    %add3A_179 = vector.broadcast %add3A_178 : i32 to vector<16xi32>
    %add3A_180 = arith.addi %iota3A, %add3A_179 : vector<16xi32>
    %select_n3A_181 = arith.select %gt3A_171, %sub3A_177, %add3A_180 : vector<16xi1>, vector<16xi32>
    %swap3A_182 = arith.constant 7 : i32
    %swap3A_183 = arith.index_cast %swap3A_182 : i32 to index
    %swap3A_184 = arith.constant 0 : index
    %swap3A_185 = tpu.vector_load %arg7[%swap3A_183, %swap3A_184] {strides = array<i32>} : memref<16x16xi32, #tpu.memory_space<vmem>>, vector<16xi32>,
    tpu.vector_store %arg7[%swap3A_183, %swap3A_184], %select_n3A_181 {strides = array<i32>} : memref<16x16xi32, #tpu.memory_space<vmem>>, vector<16xi32>,
    %add3A_186 = arith.constant 8 : i32
    %add3A_187 = vector.broadcast %add3A_186 : i32 to vector<16xi32>
    %add3A_188 = arith.addi %iota3A, %add3A_187 : vector<16xi32>
    %gt3A_189 = arith.constant 15 : i32
    %gt3A_190 = vector.broadcast %gt3A_189 : i32 to vector<16xi32>
    %gt3A_191 = arith.cmpi sgt, %add3A_188, %gt3A_190 : vector<16xi32>
    %add3A_192 = arith.constant 8 : i32
    %add3A_193 = vector.broadcast %add3A_192 : i32 to vector<16xi32>
    %add3A_194 = arith.addi %iota3A, %add3A_193 : vector<16xi32>
    %sub3A_195 = arith.constant 16 : i32
    %sub3A_196 = vector.broadcast %sub3A_195 : i32 to vector<16xi32>
    %sub3A_197 = arith.subi %add3A_194, %sub3A_196 : vector<16xi32>
    %add3A_198 = arith.constant 8 : i32
    %add3A_199 = vector.broadcast %add3A_198 : i32 to vector<16xi32>
    %add3A_200 = arith.addi %iota3A, %add3A_199 : vector<16xi32>
    %select_n3A_201 = arith.select %gt3A_191, %sub3A_197, %add3A_200 : vector<16xi1>, vector<16xi32>
    %swap3A_202 = arith.constant 8 : i32
    %swap3A_203 = arith.index_cast %swap3A_202 : i32 to index
    %swap3A_204 = arith.constant 0 : index
    %swap3A_205 = tpu.vector_load %arg7[%swap3A_203, %swap3A_204] {strides = array<i32>} : memref<16x16xi32, #tpu.memory_space<vmem>>, vector<16xi32>,
    tpu.vector_store %arg7[%swap3A_203, %swap3A_204], %select_n3A_201 {strides = array<i32>} : memref<16x16xi32, #tpu.memory_space<vmem>>, vector<16xi32>,
    %add3A_206 = arith.constant 9 : i32
    %add3A_207 = vector.broadcast %add3A_206 : i32 to vector<16xi32>
    %add3A_208 = arith.addi %iota3A, %add3A_207 : vector<16xi32>
    %gt3A_209 = arith.constant 15 : i32
    %gt3A_210 = vector.broadcast %gt3A_209 : i32 to vector<16xi32>
    %gt3A_211 = arith.cmpi sgt, %add3A_208, %gt3A_210 : vector<16xi32>
    %add3A_212 = arith.constant 9 : i32
    %add3A_213 = vector.broadcast %add3A_212 : i32 to vector<16xi32>
    %add3A_214 = arith.addi %iota3A, %add3A_213 : vector<16xi32>
    %sub3A_215 = arith.constant 16 : i32
    %sub3A_216 = vector.broadcast %sub3A_215 : i32 to vector<16xi32>
    %sub3A_217 = arith.subi %add3A_214, %sub3A_216 : vector<16xi32>
    %add3A_218 = arith.constant 9 : i32
    %add3A_219 = vector.broadcast %add3A_218 : i32 to vector<16xi32>
    %add3A_220 = arith.addi %iota3A, %add3A_219 : vector<16xi32>
    %select_n3A_221 = arith.select %gt3A_211, %sub3A_217, %add3A_220 : vector<16xi1>, vector<16xi32>
    %swap3A_222 = arith.constant 9 : i32
    %swap3A_223 = arith.index_cast %swap3A_222 : i32 to index
    %swap3A_224 = arith.constant 0 : index
    %swap3A_225 = tpu.vector_load %arg7[%swap3A_223, %swap3A_224] {strides = array<i32>} : memref<16x16xi32, #tpu.memory_space<vmem>>, vector<16xi32>,
    tpu.vector_store %arg7[%swap3A_223, %swap3A_224], %select_n3A_221 {strides = array<i32>} : memref<16x16xi32, #tpu.memory_space<vmem>>, vector<16xi32>,
    %add3A_226 = arith.constant 10 : i32
    %add3A_227 = vector.broadcast %add3A_226 : i32 to vector<16xi32>
    %add3A_228 = arith.addi %iota3A, %add3A_227 : vector<16xi32>
    %gt3A_229 = arith.constant 15 : i32
    %gt3A_230 = vector.broadcast %gt3A_229 : i32 to vector<16xi32>
    %gt3A_231 = arith.cmpi sgt, %add3A_228, %gt3A_230 : vector<16xi32>
    %add3A_232 = arith.constant 10 : i32
    %add3A_233 = vector.broadcast %add3A_232 : i32 to vector<16xi32>
    %add3A_234 = arith.addi %iota3A, %add3A_233 : vector<16xi32>
    %sub3A_235 = arith.constant 16 : i32
    %sub3A_236 = vector.broadcast %sub3A_235 : i32 to vector<16xi32>
    %sub3A_237 = arith.subi %add3A_234, %sub3A_236 : vector<16xi32>
    %add3A_238 = arith.constant 10 : i32
    %add3A_239 = vector.broadcast %add3A_238 : i32 to vector<16xi32>
    %add3A_240 = arith.addi %iota3A, %add3A_239 : vector<16xi32>
    %select_n3A_241 = arith.select %gt3A_231, %sub3A_237, %add3A_240 : vector<16xi1>, vector<16xi32>
    %swap3A_242 = arith.constant 10 : i32
    %swap3A_243 = arith.index_cast %swap3A_242 : i32 to index
    %swap3A_244 = arith.constant 0 : index
    %swap3A_245 = tpu.vector_load %arg7[%swap3A_243, %swap3A_244] {strides = array<i32>} : memref<16x16xi32, #tpu.memory_space<vmem>>, vector<16xi32>,
    tpu.vector_store %arg7[%swap3A_243, %swap3A_244], %select_n3A_241 {strides = array<i32>} : memref<16x16xi32, #tpu.memory_space<vmem>>, vector<16xi32>,
    %add3A_246 = arith.constant 11 : i32
    %add3A_247 = vector.broadcast %add3A_246 : i32 to vector<16xi32>
    %add3A_248 = arith.addi %iota3A, %add3A_247 : vector<16xi32>
    %gt3A_249 = arith.constant 15 : i32
    %gt3A_250 = vector.broadcast %gt3A_249 : i32 to vector<16xi32>
    %gt3A_251 = arith.cmpi sgt, %add3A_248, %gt3A_250 : vector<16xi32>
    %add3A_252 = arith.constant 11 : i32
    %add3A_253 = vector.broadcast %add3A_252 : i32 to vector<16xi32>
    %add3A_254 = arith.addi %iota3A, %add3A_253 : vector<16xi32>
    %sub3A_255 = arith.constant 16 : i32
    %sub3A_256 = vector.broadcast %sub3A_255 : i32 to vector<16xi32>
    %sub3A_257 = arith.subi %add3A_254, %sub3A_256 : vector<16xi32>
    %add3A_258 = arith.constant 11 : i32
    %add3A_259 = vector.broadcast %add3A_258 : i32 to vector<16xi32>
    %add3A_260 = arith.addi %iota3A, %add3A_259 : vector<16xi32>
    %select_n3A_261 = arith.select %gt3A_251, %sub3A_257, %add3A_260 : vector<16xi1>, vector<16xi32>
    %swap3A_262 = arith.constant 11 : i32
    %swap3A_263 = arith.index_cast %swap3A_262 : i32 to index
    %swap3A_264 = arith.constant 0 : index
    %swap3A_265 = tpu.vector_load %arg7[%swap3A_263, %swap3A_264] {strides = array<i32>} : memref<16x16xi32, #tpu.memory_space<vmem>>, vector<16xi32>,
    tpu.vector_store %arg7[%swap3A_263, %swap3A_264], %select_n3A_261 {strides = array<i32>} : memref<16x16xi32, #tpu.memory_space<vmem>>, vector<16xi32>,
    %add3A_266 = arith.constant 12 : i32
    %add3A_267 = vector.broadcast %add3A_266 : i32 to vector<16xi32>
    %add3A_268 = arith.addi %iota3A, %add3A_267 : vector<16xi32>
    %gt3A_269 = arith.constant 15 : i32
    %gt3A_270 = vector.broadcast %gt3A_269 : i32 to vector<16xi32>
    %gt3A_271 = arith.cmpi sgt, %add3A_268, %gt3A_270 : vector<16xi32>
    %add3A_272 = arith.constant 12 : i32
    %add3A_273 = vector.broadcast %add3A_272 : i32 to vector<16xi32>
    %add3A_274 = arith.addi %iota3A, %add3A_273 : vector<16xi32>
    %sub3A_275 = arith.constant 16 : i32
    %sub3A_276 = vector.broadcast %sub3A_275 : i32 to vector<16xi32>
    %sub3A_277 = arith.subi %add3A_274, %sub3A_276 : vector<16xi32>
    %add3A_278 = arith.constant 12 : i32
    %add3A_279 = vector.broadcast %add3A_278 : i32 to vector<16xi32>
    %add3A_280 = arith.addi %iota3A, %add3A_279 : vector<16xi32>
    %select_n3A_281 = arith.select %gt3A_271, %sub3A_277, %add3A_280 : vector<16xi1>, vector<16xi32>
    %swap3A_282 = arith.constant 12 : i32
    %swap3A_283 = arith.index_cast %swap3A_282 : i32 to index
    %swap3A_284 = arith.constant 0 : index
    %swap3A_285 = tpu.vector_load %arg7[%swap3A_283, %swap3A_284] {strides = array<i32>} : memref<16x16xi32, #tpu.memory_space<vmem>>, vector<16xi32>,
    tpu.vector_store %arg7[%swap3A_283, %swap3A_284], %select_n3A_281 {strides = array<i32>} : memref<16x16xi32, #tpu.memory_space<vmem>>, vector<16xi32>,
    %add3A_286 = arith.constant 13 : i32
    %add3A_287 = vector.broadcast %add3A_286 : i32 to vector<16xi32>
    %add3A_288 = arith.addi %iota3A, %add3A_287 : vector<16xi32>
    %gt3A_289 = arith.constant 15 : i32
    %gt3A_290 = vector.broadcast %gt3A_289 : i32 to vector<16xi32>
    %gt3A_291 = arith.cmpi sgt, %add3A_288, %gt3A_290 : vector<16xi32>
    %add3A_292 = arith.constant 13 : i32
    %add3A_293 = vector.broadcast %add3A_292 : i32 to vector<16xi32>
    %add3A_294 = arith.addi %iota3A, %add3A_293 : vector<16xi32>
    %sub3A_295 = arith.constant 16 : i32
    %sub3A_296 = vector.broadcast %sub3A_295 : i32 to vector<16xi32>
    %sub3A_297 = arith.subi %add3A_294, %sub3A_296 : vector<16xi32>
    %add3A_298 = arith.constant 13 : i32
    %add3A_299 = vector.broadcast %add3A_298 : i32 to vector<16xi32>
    %add3A_300 = arith.addi %iota3A, %add3A_299 : vector<16xi32>
    %select_n3A_301 = arith.select %gt3A_291, %sub3A_297, %add3A_300 : vector<16xi1>, vector<16xi32>
    %swap3A_302 = arith.constant 13 : i32
    %swap3A_303 = arith.index_cast %swap3A_302 : i32 to index
    %swap3A_304 = arith.constant 0 : index
    %swap3A_305 = tpu.vector_load %arg7[%swap3A_303, %swap3A_304] {strides = array<i32>} : memref<16x16xi32, #tpu.memory_space<vmem>>, vector<16xi32>,
    tpu.vector_store %arg7[%swap3A_303, %swap3A_304], %select_n3A_301 {strides = array<i32>} : memref<16x16xi32, #tpu.memory_space<vmem>>, vector<16xi32>,
    %add3A_306 = arith.constant 14 : i32
    %add3A_307 = vector.broadcast %add3A_306 : i32 to vector<16xi32>
    %add3A_308 = arith.addi %iota3A, %add3A_307 : vector<16xi32>
    %gt3A_309 = arith.constant 15 : i32
    %gt3A_310 = vector.broadcast %gt3A_309 : i32 to vector<16xi32>
    %gt3A_311 = arith.cmpi sgt, %add3A_308, %gt3A_310 : vector<16xi32>
    %add3A_312 = arith.constant 14 : i32
    %add3A_313 = vector.broadcast %add3A_312 : i32 to vector<16xi32>
    %add3A_314 = arith.addi %iota3A, %add3A_313 : vector<16xi32>
    %sub3A_315 = arith.constant 16 : i32
    %sub3A_316 = vector.broadcast %sub3A_315 : i32 to vector<16xi32>
    %sub3A_317 = arith.subi %add3A_314, %sub3A_316 : vector<16xi32>
    %add3A_318 = arith.constant 14 : i32
    %add3A_319 = vector.broadcast %add3A_318 : i32 to vector<16xi32>
    %add3A_320 = arith.addi %iota3A, %add3A_319 : vector<16xi32>
    %select_n3A_321 = arith.select %gt3A_311, %sub3A_317, %add3A_320 : vector<16xi1>, vector<16xi32>
    %swap3A_322 = arith.constant 14 : i32
    %swap3A_323 = arith.index_cast %swap3A_322 : i32 to index
    %swap3A_324 = arith.constant 0 : index
    %swap3A_325 = tpu.vector_load %arg7[%swap3A_323, %swap3A_324] {strides = array<i32>} : memref<16x16xi32, #tpu.memory_space<vmem>>, vector<16xi32>,
    tpu.vector_store %arg7[%swap3A_323, %swap3A_324], %select_n3A_321 {strides = array<i32>} : memref<16x16xi32, #tpu.memory_space<vmem>>, vector<16xi32>,
    %add3A_326 = arith.constant 15 : i32
    %add3A_327 = vector.broadcast %add3A_326 : i32 to vector<16xi32>
    %add3A_328 = arith.addi %iota3A, %add3A_327 : vector<16xi32>
    %gt3A_329 = arith.constant 15 : i32
    %gt3A_330 = vector.broadcast %gt3A_329 : i32 to vector<16xi32>
    %gt3A_331 = arith.cmpi sgt, %add3A_328, %gt3A_330 : vector<16xi32>
    %add3A_332 = arith.constant 15 : i32
    %add3A_333 = vector.broadcast %add3A_332 : i32 to vector<16xi32>
    %add3A_334 = arith.addi %iota3A, %add3A_333 : vector<16xi32>
    %sub3A_335 = arith.constant 16 : i32
    %sub3A_336 = vector.broadcast %sub3A_335 : i32 to vector<16xi32>
    %sub3A_337 = arith.subi %add3A_334, %sub3A_336 : vector<16xi32>
    %add3A_338 = arith.constant 15 : i32
    %add3A_339 = vector.broadcast %add3A_338 : i32 to vector<16xi32>
    %add3A_340 = arith.addi %iota3A, %add3A_339 : vector<16xi32>
    %select_n3A_341 = arith.select %gt3A_331, %sub3A_337, %add3A_340 : vector<16xi1>, vector<16xi32>
    %swap3A_342 = arith.constant 15 : i32
    %swap3A_343 = arith.index_cast %swap3A_342 : i32 to index
    %swap3A_344 = arith.constant 0 : index
    %swap3A_345 = tpu.vector_load %arg7[%swap3A_343, %swap3A_344] {strides = array<i32>} : memref<16x16xi32, #tpu.memory_space<vmem>>, vector<16xi32>,
    tpu.vector_store %arg7[%swap3A_343, %swap3A_344], %select_n3A_341 {strides = array<i32>} : memref<16x16xi32, #tpu.memory_space<vmem>>, vector<16xi32>,
    %add3A_346 = arith.constant 0 : i32
    %add3A_347 = arith.addi %mul3A_2, %add3A_346 : i32
    %jit3A = arith.constant 32 : i32
    %div3A = arith.divsi %add3A_347, %jit3A : i32
    %sign3A = arith.constant 0 : i32
    %sign3A_348 = arith.cmpi sgt, %add3A_347, %sign3A : i32
    %sign3A_349 = arith.extui %sign3A_348 : i1 to i32
    %sign3A_350 = arith.constant 0 : i32
    %sign3A_351 = arith.cmpi slt, %add3A_347, %sign3A_350 : i32
    %sign3A_352 = arith.extui %sign3A_351 : i1 to i32
    %sign3A_353 = arith.subi %sign3A_349, %sign3A_352 : i32
    %sign3A_354 = arith.constant 0 : i32
    %sign3A_355 = arith.cmpi sgt, %jit3A, %sign3A_354 : i32
    %sign3A_356 = arith.extui %sign3A_355 : i1 to i32
    %sign3A_357 = arith.constant 0 : i32
    %sign3A_358 = arith.cmpi slt, %jit3A, %sign3A_357 : i32
    %sign3A_359 = arith.extui %sign3A_358 : i1 to i32
    %sign3A_360 = arith.subi %sign3A_356, %sign3A_359 : i32
    %ne3A = arith.cmpi ne, %sign3A_353, %sign3A_360 : i32
    %rem3A = arith.remsi %add3A_347, %jit3A : i32
    %ne3A_361 = arith.constant 0 : i32
    %ne3A_362 = arith.cmpi ne, %rem3A, %ne3A_361 : i32
    %and3A = arith.andi %ne3A, %ne3A_362 : i1
    %sub3A_363 = arith.constant 1 : i32
    %sub3A_364 = arith.subi %div3A, %sub3A_363 : i32
    %select_n3A_365 = arith.select %and3A, %sub3A_364, %div3A : i32
    %jit3A_366 = arith.constant 32 : i32
    %eq3A = arith.constant 0 : i32
    %eq3A_367 = arith.cmpi eq, %jit3A_366, %eq3A : i32
    %jit3A_368 = arith.constant 1 : i32
    %select_n3A_369 = arith.select %eq3A_367, %jit3A_368, %jit3A_366 : i32
    %rem3A_370 = arith.remsi %add3A_347, %select_n3A_369 : i32
    %ne3A_371 = arith.constant 0 : i32
    %ne3A_372 = arith.cmpi ne, %rem3A_370, %ne3A_371 : i32
    %lt3A = arith.constant 0 : i32
    %lt3A_373 = arith.cmpi slt, %rem3A_370, %lt3A : i32
    %lt3A_374 = arith.constant 0 : i32
    %lt3A_375 = arith.cmpi slt, %select_n3A_369, %lt3A_374 : i32
    %ne3A_376 = arith.xori %lt3A_373, %lt3A_375 : i1
    %and3A_377 = arith.andi %ne3A_376, %ne3A_372 : i1
    %add3A_378 = arith.addi %rem3A_370, %select_n3A_369 : i32
    %select_n3A_379 = arith.select %and3A_377, %add3A_378, %rem3A_370 : i32
    %mul3A_380 = arith.constant 128 : i32
    %mul3A_381 = arith.muli %select_n3A_379, %mul3A_380 : i32
    %dma_start3A = tpu.memref_slice %arg2[%select_n3A_365, %mul3A_381] : memref<200x4096xi32, #tpu.memory_space<hbm>> -> memref<1x128xi32, #tpu.memory_space<hbm>>
    %dma_start3A_382 = tpu.memref_squeeze %dma_start3A : memref<1x128xi32, #tpu.memory_space<hbm>> -> memref<128xi32, #tpu.memory_space<hbm>>
    %dma_start3A_383 = tpu.memref_slice %arg2[%select_n3A_365, %mul3A_381] : memref<200x4096xi32, #tpu.memory_space<hbm>> -> memref<1x128xi32, #tpu.memory_space<hbm>>
    %dma_start3A_384 = tpu.memref_squeeze %dma_start3A_383 : memref<1x128xi32, #tpu.memory_space<hbm>> -> memref<128xi32, #tpu.memory_space<hbm>>
    tpu.enqueue_dma source(%dma_start3A_384 : memref<128xi32, #tpu.memory_space<hbm>>) target(%arg8 : memref<128xi32, #tpu.memory_space<vmem>>) target_semaphore(%arg20 : memref<!tpu.dma_semaphore, #tpu.memory_space<semaphore_mem>>)
    %add3A_385 = arith.constant 1 : i32
    %add3A_386 = arith.addi %mul3A_2, %add3A_385 : i32
    %jit3A_387 = arith.constant 32 : i32
    %div3A_388 = arith.divsi %add3A_386, %jit3A_387 : i32
    %sign3A_389 = arith.constant 0 : i32
    %sign3A_390 = arith.cmpi sgt, %add3A_386, %sign3A_389 : i32
    %sign3A_391 = arith.extui %sign3A_390 : i1 to i32
    %sign3A_392 = arith.constant 0 : i32
    %sign3A_393 = arith.cmpi slt, %add3A_386, %sign3A_392 : i32
    %sign3A_394 = arith.extui %sign3A_393 : i1 to i32
    %sign3A_395 = arith.subi %sign3A_391, %sign3A_394 : i32
    %sign3A_396 = arith.constant 0 : i32
    %sign3A_397 = arith.cmpi sgt, %jit3A_387, %sign3A_396 : i32
    %sign3A_398 = arith.extui %sign3A_397 : i1 to i32
    %sign3A_399 = arith.constant 0 : i32
    %sign3A_400 = arith.cmpi slt, %jit3A_387, %sign3A_399 : i32
    %sign3A_401 = arith.extui %sign3A_400 : i1 to i32
    %sign3A_402 = arith.subi %sign3A_398, %sign3A_401 : i32
    %ne3A_403 = arith.cmpi ne, %sign3A_395, %sign3A_402 : i32
    %rem3A_404 = arith.remsi %add3A_386, %jit3A_387 : i32
    %ne3A_405 = arith.constant 0 : i32
    %ne3A_406 = arith.cmpi ne, %rem3A_404, %ne3A_405 : i32
    %and3A_407 = arith.andi %ne3A_403, %ne3A_406 : i1
    %sub3A_408 = arith.constant 1 : i32
    %sub3A_409 = arith.subi %div3A_388, %sub3A_408 : i32
    %select_n3A_410 = arith.select %and3A_407, %sub3A_409, %div3A_388 : i32
    %jit3A_411 = arith.constant 32 : i32
    %eq3A_412 = arith.constant 0 : i32
    %eq3A_413 = arith.cmpi eq, %jit3A_411, %eq3A_412 : i32
    %jit3A_414 = arith.constant 1 : i32
    %select_n3A_415 = arith.select %eq3A_413, %jit3A_414, %jit3A_411 : i32
    %rem3A_416 = arith.remsi %add3A_386, %select_n3A_415 : i32
    %ne3A_417 = arith.constant 0 : i32
    %ne3A_418 = arith.cmpi ne, %rem3A_416, %ne3A_417 : i32
    %lt3A_419 = arith.constant 0 : i32
    %lt3A_420 = arith.cmpi slt, %rem3A_416, %lt3A_419 : i32
    %lt3A_421 = arith.constant 0 : i32
    %lt3A_422 = arith.cmpi slt, %select_n3A_415, %lt3A_421 : i32
    %ne3A_423 = arith.xori %lt3A_420, %lt3A_422 : i1
    %and3A_424 = arith.andi %ne3A_423, %ne3A_418 : i1
    %add3A_425 = arith.addi %rem3A_416, %select_n3A_415 : i32
    %select_n3A_426 = arith.select %and3A_424, %add3A_425, %rem3A_416 : i32
    %mul3A_427 = arith.constant 128 : i32
    %mul3A_428 = arith.muli %select_n3A_426, %mul3A_427 : i32
    %dma_start3A_429 = tpu.memref_slice %arg2[%select_n3A_410, %mul3A_428] : memref<200x4096xi32, #tpu.memory_space<hbm>> -> memref<1x128xi32, #tpu.memory_space<hbm>>
    %dma_start3A_430 = tpu.memref_squeeze %dma_start3A_429 : memref<1x128xi32, #tpu.memory_space<hbm>> -> memref<128xi32, #tpu.memory_space<hbm>>
    %dma_start3A_431 = tpu.memref_slice %arg2[%select_n3A_410, %mul3A_428] : memref<200x4096xi32, #tpu.memory_space<hbm>> -> memref<1x128xi32, #tpu.memory_space<hbm>>
    %dma_start3A_432 = tpu.memref_squeeze %dma_start3A_431 : memref<1x128xi32, #tpu.memory_space<hbm>> -> memref<128xi32, #tpu.memory_space<hbm>>
    tpu.enqueue_dma source(%dma_start3A_432 : memref<128xi32, #tpu.memory_space<hbm>>) target(%arg9 : memref<128xi32, #tpu.memory_space<vmem>>) target_semaphore(%arg21 : memref<!tpu.dma_semaphore, #tpu.memory_space<semaphore_mem>>)
    %add3A_433 = arith.constant 2 : i32
    %add3A_434 = arith.addi %mul3A_2, %add3A_433 : i32
    %jit3A_435 = arith.constant 32 : i32
    %div3A_436 = arith.divsi %add3A_434, %jit3A_435 : i32
    %sign3A_437 = arith.constant 0 : i32
    %sign3A_438 = arith.cmpi sgt, %add3A_434, %sign3A_437 : i32
    %sign3A_439 = arith.extui %sign3A_438 : i1 to i32
    %sign3A_440 = arith.constant 0 : i32
    %sign3A_441 = arith.cmpi slt, %add3A_434, %sign3A_440 : i32
    %sign3A_442 = arith.extui %sign3A_441 : i1 to i32
    %sign3A_443 = arith.subi %sign3A_439, %sign3A_442 : i32
    %sign3A_444 = arith.constant 0 : i32
    %sign3A_445 = arith.cmpi sgt, %jit3A_435, %sign3A_444 : i32
    %sign3A_446 = arith.extui %sign3A_445 : i1 to i32
    %sign3A_447 = arith.constant 0 : i32
    %sign3A_448 = arith.cmpi slt, %jit3A_435, %sign3A_447 : i32
    %sign3A_449 = arith.extui %sign3A_448 : i1 to i32
    %sign3A_450 = arith.subi %sign3A_446, %sign3A_449 : i32
    %ne3A_451 = arith.cmpi ne, %sign3A_443, %sign3A_450 : i32
    %rem3A_452 = arith.remsi %add3A_434, %jit3A_435 : i32
    %ne3A_453 = arith.constant 0 : i32
    %ne3A_454 = arith.cmpi ne, %rem3A_452, %ne3A_453 : i32
    %and3A_455 = arith.andi %ne3A_451, %ne3A_454 : i1
    %sub3A_456 = arith.constant 1 : i32
    %sub3A_457 = arith.subi %div3A_436, %sub3A_456 : i32
    %select_n3A_458 = arith.select %and3A_455, %sub3A_457, %div3A_436 : i32
    %jit3A_459 = arith.constant 32 : i32
    %eq3A_460 = arith.constant 0 : i32
    %eq3A_461 = arith.cmpi eq, %jit3A_459, %eq3A_460 : i32
    %jit3A_462 = arith.constant 1 : i32
    %select_n3A_463 = arith.select %eq3A_461, %jit3A_462, %jit3A_459 : i32
    %rem3A_464 = arith.remsi %add3A_434, %select_n3A_463 : i32
    %ne3A_465 = arith.constant 0 : i32
    %ne3A_466 = arith.cmpi ne, %rem3A_464, %ne3A_465 : i32
    %lt3A_467 = arith.constant 0 : i32
    %lt3A_468 = arith.cmpi slt, %rem3A_464, %lt3A_467 : i32
    %lt3A_469 = arith.constant 0 : i32
    %lt3A_470 = arith.cmpi slt, %select_n3A_463, %lt3A_469 : i32
    %ne3A_471 = arith.xori %lt3A_468, %lt3A_470 : i1
    %and3A_472 = arith.andi %ne3A_471, %ne3A_466 : i1
    %add3A_473 = arith.addi %rem3A_464, %select_n3A_463 : i32
    %select_n3A_474 = arith.select %and3A_472, %add3A_473, %rem3A_464 : i32
    %mul3A_475 = arith.constant 128 : i32
    %mul3A_476 = arith.muli %select_n3A_474, %mul3A_475 : i32
    %dma_start3A_477 = tpu.memref_slice %arg2[%select_n3A_458, %mul3A_476] : memref<200x4096xi32, #tpu.memory_space<hbm>> -> memref<1x128xi32, #tpu.memory_space<hbm>>
    %dma_start3A_478 = tpu.memref_squeeze %dma_start3A_477 : memref<1x128xi32, #tpu.memory_space<hbm>> -> memref<128xi32, #tpu.memory_space<hbm>>
    %dma_start3A_479 = tpu.memref_slice %arg2[%select_n3A_458, %mul3A_476] : memref<200x4096xi32, #tpu.memory_space<hbm>> -> memref<1x128xi32, #tpu.memory_space<hbm>>
    %dma_start3A_480 = tpu.memref_squeeze %dma_start3A_479 : memref<1x128xi32, #tpu.memory_space<hbm>> -> memref<128xi32, #tpu.memory_space<hbm>>
    tpu.enqueue_dma source(%dma_start3A_480 : memref<128xi32, #tpu.memory_space<hbm>>) target(%arg10 : memref<128xi32, #tpu.memory_space<vmem>>) target_semaphore(%arg22 : memref<!tpu.dma_semaphore, #tpu.memory_space<semaphore_mem>>)
    %add3A_481 = arith.constant 3 : i32
    %add3A_482 = arith.addi %mul3A_2, %add3A_481 : i32
    %jit3A_483 = arith.constant 32 : i32
    %div3A_484 = arith.divsi %add3A_482, %jit3A_483 : i32
    %sign3A_485 = arith.constant 0 : i32
    %sign3A_486 = arith.cmpi sgt, %add3A_482, %sign3A_485 : i32
    %sign3A_487 = arith.extui %sign3A_486 : i1 to i32
    %sign3A_488 = arith.constant 0 : i32
    %sign3A_489 = arith.cmpi slt, %add3A_482, %sign3A_488 : i32
    %sign3A_490 = arith.extui %sign3A_489 : i1 to i32
    %sign3A_491 = arith.subi %sign3A_487, %sign3A_490 : i32
    %sign3A_492 = arith.constant 0 : i32
    %sign3A_493 = arith.cmpi sgt, %jit3A_483, %sign3A_492 : i32
    %sign3A_494 = arith.extui %sign3A_493 : i1 to i32
    %sign3A_495 = arith.constant 0 : i32
    %sign3A_496 = arith.cmpi slt, %jit3A_483, %sign3A_495 : i32
    %sign3A_497 = arith.extui %sign3A_496 : i1 to i32
    %sign3A_498 = arith.subi %sign3A_494, %sign3A_497 : i32
    %ne3A_499 = arith.cmpi ne, %sign3A_491, %sign3A_498 : i32
    %rem3A_500 = arith.remsi %add3A_482, %jit3A_483 : i32
    %ne3A_501 = arith.constant 0 : i32
    %ne3A_502 = arith.cmpi ne, %rem3A_500, %ne3A_501 : i32
    %and3A_503 = arith.andi %ne3A_499, %ne3A_502 : i1
    %sub3A_504 = arith.constant 1 : i32
    %sub3A_505 = arith.subi %div3A_484, %sub3A_504 : i32
    %select_n3A_506 = arith.select %and3A_503, %sub3A_505, %div3A_484 : i32
    %jit3A_507 = arith.constant 32 : i32
    %eq3A_508 = arith.constant 0 : i32
    %eq3A_509 = arith.cmpi eq, %jit3A_507, %eq3A_508 : i32
    %jit3A_510 = arith.constant 1 : i32
    %select_n3A_511 = arith.select %eq3A_509, %jit3A_510, %jit3A_507 : i32
    %rem3A_512 = arith.remsi %add3A_482, %select_n3A_511 : i32
    %ne3A_513 = arith.constant 0 : i32
    %ne3A_514 = arith.cmpi ne, %rem3A_512, %ne3A_513 : i32
    %lt3A_515 = arith.constant 0 : i32
    %lt3A_516 = arith.cmpi slt, %rem3A_512, %lt3A_515 : i32
    %lt3A_517 = arith.constant 0 : i32
    %lt3A_518 = arith.cmpi slt, %select_n3A_511, %lt3A_517 : i32
    %ne3A_519 = arith.xori %lt3A_516, %lt3A_518 : i1
    %and3A_520 = arith.andi %ne3A_519, %ne3A_514 : i1
    %add3A_521 = arith.addi %rem3A_512, %select_n3A_511 : i32
    %select_n3A_522 = arith.select %and3A_520, %add3A_521, %rem3A_512 : i32
    %mul3A_523 = arith.constant 128 : i32
    %mul3A_524 = arith.muli %select_n3A_522, %mul3A_523 : i32
    %dma_start3A_525 = tpu.memref_slice %arg2[%select_n3A_506, %mul3A_524] : memref<200x4096xi32, #tpu.memory_space<hbm>> -> memref<1x128xi32, #tpu.memory_space<hbm>>
    %dma_start3A_526 = tpu.memref_squeeze %dma_start3A_525 : memref<1x128xi32, #tpu.memory_space<hbm>> -> memref<128xi32, #tpu.memory_space<hbm>>
    %dma_start3A_527 = tpu.memref_slice %arg2[%select_n3A_506, %mul3A_524] : memref<200x4096xi32, #tpu.memory_space<hbm>> -> memref<1x128xi32, #tpu.memory_space<hbm>>
    %dma_start3A_528 = tpu.memref_squeeze %dma_start3A_527 : memref<1x128xi32, #tpu.memory_space<hbm>> -> memref<128xi32, #tpu.memory_space<hbm>>
    tpu.enqueue_dma source(%dma_start3A_528 : memref<128xi32, #tpu.memory_space<hbm>>) target(%arg11 : memref<128xi32, #tpu.memory_space<vmem>>) target_semaphore(%arg23 : memref<!tpu.dma_semaphore, #tpu.memory_space<semaphore_mem>>)
    %add3A_529 = arith.constant 0 : i32
    %add3A_530 = arith.addi %mul3A_2, %add3A_529 : i32
    %jit3A_531 = arith.constant 32 : i32
    %div3A_532 = arith.divsi %add3A_530, %jit3A_531 : i32
    %sign3A_533 = arith.constant 0 : i32
    %sign3A_534 = arith.cmpi sgt, %add3A_530, %sign3A_533 : i32
    %sign3A_535 = arith.extui %sign3A_534 : i1 to i32
    %sign3A_536 = arith.constant 0 : i32
    %sign3A_537 = arith.cmpi slt, %add3A_530, %sign3A_536 : i32
    %sign3A_538 = arith.extui %sign3A_537 : i1 to i32
    %sign3A_539 = arith.subi %sign3A_535, %sign3A_538 : i32
    %sign3A_540 = arith.constant 0 : i32
    %sign3A_541 = arith.cmpi sgt, %jit3A_531, %sign3A_540 : i32
    %sign3A_542 = arith.extui %sign3A_541 : i1 to i32
    %sign3A_543 = arith.constant 0 : i32
    %sign3A_544 = arith.cmpi slt, %jit3A_531, %sign3A_543 : i32
    %sign3A_545 = arith.extui %sign3A_544 : i1 to i32
    %sign3A_546 = arith.subi %sign3A_542, %sign3A_545 : i32
    %ne3A_547 = arith.cmpi ne, %sign3A_539, %sign3A_546 : i32
    %rem3A_548 = arith.remsi %add3A_530, %jit3A_531 : i32
    %ne3A_549 = arith.constant 0 : i32
    %ne3A_550 = arith.cmpi ne, %rem3A_548, %ne3A_549 : i32
    %and3A_551 = arith.andi %ne3A_547, %ne3A_550 : i1
    %sub3A_552 = arith.constant 1 : i32
    %sub3A_553 = arith.subi %div3A_532, %sub3A_552 : i32
    %select_n3A_554 = arith.select %and3A_551, %sub3A_553, %div3A_532 : i32
    %jit3A_555 = arith.constant 32 : i32
    %eq3A_556 = arith.constant 0 : i32
    %eq3A_557 = arith.cmpi eq, %jit3A_555, %eq3A_556 : i32
    %jit3A_558 = arith.constant 1 : i32
    %select_n3A_559 = arith.select %eq3A_557, %jit3A_558, %jit3A_555 : i32
    %rem3A_560 = arith.remsi %add3A_530, %select_n3A_559 : i32
    %ne3A_561 = arith.constant 0 : i32
    %ne3A_562 = arith.cmpi ne, %rem3A_560, %ne3A_561 : i32
    %lt3A_563 = arith.constant 0 : i32
    %lt3A_564 = arith.cmpi slt, %rem3A_560, %lt3A_563 : i32
    %lt3A_565 = arith.constant 0 : i32
    %lt3A_566 = arith.cmpi slt, %select_n3A_559, %lt3A_565 : i32
    %ne3A_567 = arith.xori %lt3A_564, %lt3A_566 : i1
    %and3A_568 = arith.andi %ne3A_567, %ne3A_562 : i1
    %add3A_569 = arith.addi %rem3A_560, %select_n3A_559 : i32
    %select_n3A_570 = arith.select %and3A_568, %add3A_569, %rem3A_560 : i32
    %mul3A_571 = arith.constant 128 : i32
    %mul3A_572 = arith.muli %select_n3A_570, %mul3A_571 : i32
    %dma_wait3A = tpu.memref_slice %arg2[%select_n3A_554, %mul3A_572] : memref<200x4096xi32, #tpu.memory_space<hbm>> -> memref<1x128xi32, #tpu.memory_space<hbm>>
    %dma_wait3A_573 = tpu.memref_squeeze %dma_wait3A : memref<1x128xi32, #tpu.memory_space<hbm>> -> memref<128xi32, #tpu.memory_space<hbm>>
    %dma_wait3A_574 = tpu.memref_slice %arg2[%select_n3A_554, %mul3A_572] : memref<200x4096xi32, #tpu.memory_space<hbm>> -> memref<1x128xi32, #tpu.memory_space<hbm>>
    %dma_wait3A_575 = tpu.memref_squeeze %dma_wait3A_574 : memref<1x128xi32, #tpu.memory_space<hbm>> -> memref<128xi32, #tpu.memory_space<hbm>>
    tpu.wait_dma2 semaphore(%arg20 : memref<!tpu.dma_semaphore, #tpu.memory_space<semaphore_mem>>) src(%dma_wait3A_575 : memref<128xi32, #tpu.memory_space<hbm>>) dst(%arg8 : memref<128xi32, #tpu.memory_space<vmem>>)
    %dma_start3A_576 = arith.constant 0 : i32
    %dma_start3A_577 = arith.constant 0 : i32
    %dma_start3A_578 = tpu.memref_slice %arg3[%dma_start3A_576, %dma_start3A_577] : memref<100000x64xf32, #tpu.memory_space<hbm>> -> memref<100000x64xf32, #tpu.memory_space<hbm>>
    tpu.enqueue_indirect_dma source(%dma_start3A_578 : memref<100000x64xf32, #tpu.memory_space<hbm>>) target(%arg12 : memref<128x64xf32, #tpu.memory_space<vmem>>) offsets(%arg8 : memref<128xi32, #tpu.memory_space<vmem>>) semaphore(%arg24 : memref<!tpu.dma_semaphore, #tpu.memory_space<semaphore_mem>>)
    %add3A_579 = arith.constant 1 : i32
    %add3A_580 = arith.addi %mul3A_2, %add3A_579 : i32
    %jit3A_581 = arith.constant 32 : i32
    %div3A_582 = arith.divsi %add3A_580, %jit3A_581 : i32
    %sign3A_583 = arith.constant 0 : i32
    %sign3A_584 = arith.cmpi sgt, %add3A_580, %sign3A_583 : i32
    %sign3A_585 = arith.extui %sign3A_584 : i1 to i32
    %sign3A_586 = arith.constant 0 : i32
    %sign3A_587 = arith.cmpi slt, %add3A_580, %sign3A_586 : i32
    %sign3A_588 = arith.extui %sign3A_587 : i1 to i32
    %sign3A_589 = arith.subi %sign3A_585, %sign3A_588 : i32
    %sign3A_590 = arith.constant 0 : i32
    %sign3A_591 = arith.cmpi sgt, %jit3A_581, %sign3A_590 : i32
    %sign3A_592 = arith.extui %sign3A_591 : i1 to i32
    %sign3A_593 = arith.constant 0 : i32
    %sign3A_594 = arith.cmpi slt, %jit3A_581, %sign3A_593 : i32
    %sign3A_595 = arith.extui %sign3A_594 : i1 to i32
    %sign3A_596 = arith.subi %sign3A_592, %sign3A_595 : i32
    %ne3A_597 = arith.cmpi ne, %sign3A_589, %sign3A_596 : i32
    %rem3A_598 = arith.remsi %add3A_580, %jit3A_581 : i32
    %ne3A_599 = arith.constant 0 : i32
    %ne3A_600 = arith.cmpi ne, %rem3A_598, %ne3A_599 : i32
    %and3A_601 = arith.andi %ne3A_597, %ne3A_600 : i1
    %sub3A_602 = arith.constant 1 : i32
    %sub3A_603 = arith.subi %div3A_582, %sub3A_602 : i32
    %select_n3A_604 = arith.select %and3A_601, %sub3A_603, %div3A_582 : i32
    %jit3A_605 = arith.constant 32 : i32
    %eq3A_606 = arith.constant 0 : i32
    %eq3A_607 = arith.cmpi eq, %jit3A_605, %eq3A_606 : i32
    %jit3A_608 = arith.constant 1 : i32
    %select_n3A_609 = arith.select %eq3A_607, %jit3A_608, %jit3A_605 : i32
    %rem3A_610 = arith.remsi %add3A_580, %select_n3A_609 : i32
    %ne3A_611 = arith.constant 0 : i32
    %ne3A_612 = arith.cmpi ne, %rem3A_610, %ne3A_611 : i32
    %lt3A_613 = arith.constant 0 : i32
    %lt3A_614 = arith.cmpi slt, %rem3A_610, %lt3A_613 : i32
    %lt3A_615 = arith.constant 0 : i32
    %lt3A_616 = arith.cmpi slt, %select_n3A_609, %lt3A_615 : i32
    %ne3A_617 = arith.xori %lt3A_614, %lt3A_616 : i1
    %and3A_618 = arith.andi %ne3A_617, %ne3A_612 : i1
    %add3A_619 = arith.addi %rem3A_610, %select_n3A_609 : i32
    %select_n3A_620 = arith.select %and3A_618, %add3A_619, %rem3A_610 : i32
    %mul3A_621 = arith.constant 128 : i32
    %mul3A_622 = arith.muli %select_n3A_620, %mul3A_621 : i32
    %dma_wait3A_623 = tpu.memref_slice %arg2[%select_n3A_604, %mul3A_622] : memref<200x4096xi32, #tpu.memory_space<hbm>> -> memref<1x128xi32, #tpu.memory_space<hbm>>
    %dma_wait3A_624 = tpu.memref_squeeze %dma_wait3A_623 : memref<1x128xi32, #tpu.memory_space<hbm>> -> memref<128xi32, #tpu.memory_space<hbm>>
    %dma_wait3A_625 = tpu.memref_slice %arg2[%select_n3A_604, %mul3A_622] : memref<200x4096xi32, #tpu.memory_space<hbm>> -> memref<1x128xi32, #tpu.memory_space<hbm>>
    %dma_wait3A_626 = tpu.memref_squeeze %dma_wait3A_625 : memref<1x128xi32, #tpu.memory_space<hbm>> -> memref<128xi32, #tpu.memory_space<hbm>>
    tpu.wait_dma2 semaphore(%arg21 : memref<!tpu.dma_semaphore, #tpu.memory_space<semaphore_mem>>) src(%dma_wait3A_626 : memref<128xi32, #tpu.memory_space<hbm>>) dst(%arg9 : memref<128xi32, #tpu.memory_space<vmem>>)
    %dma_start3A_627 = arith.constant 0 : i32
    %dma_start3A_628 = arith.constant 0 : i32
    %dma_start3A_629 = tpu.memref_slice %arg3[%dma_start3A_627, %dma_start3A_628] : memref<100000x64xf32, #tpu.memory_space<hbm>> -> memref<100000x64xf32, #tpu.memory_space<hbm>>
    tpu.enqueue_indirect_dma source(%dma_start3A_629 : memref<100000x64xf32, #tpu.memory_space<hbm>>) target(%arg13 : memref<128x64xf32, #tpu.memory_space<vmem>>) offsets(%arg9 : memref<128xi32, #tpu.memory_space<vmem>>) semaphore(%arg25 : memref<!tpu.dma_semaphore, #tpu.memory_space<semaphore_mem>>)
    %scan3A = arith.constant 0 : i32
    %scan3A_630 = arith.constant 0 : i32
    %scan3A_631 = arith.constant 50 : i32
    %scan3A_632 = arith.addi %scan3A_630, %scan3A_631 : i32
    %scan3A_633 = arith.constant 1 : i32
    scf.for %scan3A_959 = %scan3A_630 to %scan3A_632 step %scan3A_633  : i32 {
      %mul3A_960 = arith.constant 4 : i32
      %mul3A_961 = arith.muli %scan3A_959, %mul3A_960 : i32
      %add3A_962 = arith.constant 0 : i32
      %add3A_963 = arith.addi %mul3A_961, %add3A_962 : i32
      %dma_wait3A_964 = arith.constant 0 : i32
      %dma_wait3A_965 = arith.constant 0 : i32
      %dma_wait3A_966 = tpu.memref_slice %arg3[%dma_wait3A_964, %dma_wait3A_965] : memref<100000x64xf32, #tpu.memory_space<hbm>> -> memref<100000x64xf32, #tpu.memory_space<hbm>>
      tpu.wait_indirect_dma semaphore(%arg24 : memref<!tpu.dma_semaphore, #tpu.memory_space<semaphore_mem>>) src(%dma_wait3A_966 : memref<100000x64xf32, #tpu.memory_space<hbm>>) dst(%arg12 : memref<128x64xf32, #tpu.memory_space<vmem>>)
      %add3A_967 = arith.addi %mul3A_2, %add3A_963 : i32
      %jit3A_968 = arith.constant 32 : i32
      %div3A_969 = arith.divsi %add3A_967, %jit3A_968 : i32
      %sign3A_970 = arith.constant 0 : i32
      %sign3A_971 = arith.cmpi sgt, %add3A_967, %sign3A_970 : i32
      %sign3A_972 = arith.extui %sign3A_971 : i1 to i32
      %sign3A_973 = arith.constant 0 : i32
      %sign3A_974 = arith.cmpi slt, %add3A_967, %sign3A_973 : i32
      %sign3A_975 = arith.extui %sign3A_974 : i1 to i32
      %sign3A_976 = arith.subi %sign3A_972, %sign3A_975 : i32
      %sign3A_977 = arith.constant 0 : i32
      %sign3A_978 = arith.cmpi sgt, %jit3A_968, %sign3A_977 : i32
      %sign3A_979 = arith.extui %sign3A_978 : i1 to i32
      %sign3A_980 = arith.constant 0 : i32
      %sign3A_981 = arith.cmpi slt, %jit3A_968, %sign3A_980 : i32
      %sign3A_982 = arith.extui %sign3A_981 : i1 to i32
      %sign3A_983 = arith.subi %sign3A_979, %sign3A_982 : i32
      %ne3A_984 = arith.cmpi ne, %sign3A_976, %sign3A_983 : i32
      %rem3A_985 = arith.remsi %add3A_967, %jit3A_968 : i32
      %ne3A_986 = arith.constant 0 : i32
      %ne3A_987 = arith.cmpi ne, %rem3A_985, %ne3A_986 : i32
      %and3A_988 = arith.andi %ne3A_984, %ne3A_987 : i1
      %sub3A_989 = arith.constant 1 : i32
      %sub3A_990 = arith.subi %div3A_969, %sub3A_989 : i32
      %select_n3A_991 = arith.select %and3A_988, %sub3A_990, %div3A_969 : i32
      %jit3A_992 = arith.constant 32 : i32
      %eq3A_993 = arith.constant 0 : i32
      %eq3A_994 = arith.cmpi eq, %jit3A_992, %eq3A_993 : i32
      %jit3A_995 = arith.constant 1 : i32
      %select_n3A_996 = arith.select %eq3A_994, %jit3A_995, %jit3A_992 : i32
      %rem3A_997 = arith.remsi %add3A_967, %select_n3A_996 : i32
      %ne3A_998 = arith.constant 0 : i32
      %ne3A_999 = arith.cmpi ne, %rem3A_997, %ne3A_998 : i32
      %lt3A_1000 = arith.constant 0 : i32
      %lt3A_1001 = arith.cmpi slt, %rem3A_997, %lt3A_1000 : i32
      %lt3A_1002 = arith.constant 0 : i32
      %lt3A_1003 = arith.cmpi slt, %select_n3A_996, %lt3A_1002 : i32
      %ne3A_1004 = arith.xori %lt3A_1001, %lt3A_1003 : i1
      %and3A_1005 = arith.andi %ne3A_1004, %ne3A_999 : i1
      %add3A_1006 = arith.addi %rem3A_997, %select_n3A_996 : i32
      %select_n3A_1007 = arith.select %and3A_1005, %add3A_1006, %rem3A_997 : i32
      %mul3A_1008 = arith.constant 64 : i32
      %mul3A_1009 = arith.muli %select_n3A_991, %mul3A_1008 : i32
      %add3A_1010 = vector.broadcast %mul3A_1009 : i32 to vector<16xi32>
      %add3A_1011 = arith.addi %mul3A_29, %add3A_1010 : vector<16xi32>
      %parallel_loop3A = arith.constant 0 : i32
      %parallel_loop3A_1012 = arith.constant 64 : i32
      %parallel_loop3A_1013 = arith.constant 16 : i32
      scf.for %parallel_loop3A_1896 = %parallel_loop3A to %parallel_loop3A_1012 step %parallel_loop3A_1013  : i32 {
        %parallel_loop3A_1897 = arith.constant 0 : i32
        %parallel_loop3A_1898 = arith.constant 16 : i32
        %parallel_loop3A_1899 = arith.constant 1 : i32
        scf.for %parallel_loop3A_1900 = %parallel_loop3A_1897 to %parallel_loop3A_1898 step %parallel_loop3A_1899  : i32 {
          %parallel_loop3A_1901 = arith.index_cast %parallel_loop3A_1900 : i32 to index
          %parallel_loop3A_1902 = arith.constant 0 : index
          %parallel_loop3A_1903 = tpu.vector_load %arg7[%parallel_loop3A_1901, %parallel_loop3A_1902] {strides = array<i32>} : memref<16x16xi32, #tpu.memory_space<vmem>>, vector<16xi32>,
          %parallel_loop3A_1904 = vector.broadcast %parallel_loop3A_1896 : i32 to vector<16xi32>
          %parallel_loop3A_1905 = arith.addi %parallel_loop3A_1903, %parallel_loop3A_1904 : vector<16xi32>
          %parallel_loop3A_1906 = arith.addi %add3A_1011, %parallel_loop3A_1905 : vector<16xi32>
          %parallel_loop3A_1907 = tpu.vector_load_idx %arg6[%parallel_loop3A_1906] : memref<12800xf32, #tpu.memory_space<vmem>>[vector<16xi32>], vector<16xf32>,
          %parallel_loop3A_1908 = tpu.vector_load_idx %arg12[%add3A_5, %parallel_loop3A_1905] : memref<128x64xf32, #tpu.memory_space<vmem>>[vector<16xi32>, vector<16xi32>], vector<16xf32>,
          %parallel_loop3A_1909 = arith.addf %parallel_loop3A_1908, %parallel_loop3A_1907 : vector<16xf32>
          tpu.vector_store_idx %arg16[%parallel_loop3A_1905, %add3A_5], %parallel_loop3A_1909 : memref<64x128xf32, #tpu.memory_space<vmem>>[vector<16xi32>, vector<16xi32>], vector<16xf32>,
          %parallel_loop3A_1910 = tpu.vector_load_idx %arg12[%add3A_8, %parallel_loop3A_1905] : memref<128x64xf32, #tpu.memory_space<vmem>>[vector<16xi32>, vector<16xi32>], vector<16xf32>,
          %parallel_loop3A_1911 = arith.addf %parallel_loop3A_1910, %parallel_loop3A_1907 : vector<16xf32>
          tpu.vector_store_idx %arg16[%parallel_loop3A_1905, %add3A_8], %parallel_loop3A_1911 : memref<64x128xf32, #tpu.memory_space<vmem>>[vector<16xi32>, vector<16xi32>], vector<16xf32>,
          %parallel_loop3A_1912 = tpu.vector_load_idx %arg12[%add3A_11, %parallel_loop3A_1905] : memref<128x64xf32, #tpu.memory_space<vmem>>[vector<16xi32>, vector<16xi32>], vector<16xf32>,
          %parallel_loop3A_1913 = arith.addf %parallel_loop3A_1912, %parallel_loop3A_1907 : vector<16xf32>
          tpu.vector_store_idx %arg16[%parallel_loop3A_1905, %add3A_11], %parallel_loop3A_1913 : memref<64x128xf32, #tpu.memory_space<vmem>>[vector<16xi32>, vector<16xi32>], vector<16xf32>,
          %parallel_loop3A_1914 = tpu.vector_load_idx %arg12[%add3A_14, %parallel_loop3A_1905] : memref<128x64xf32, #tpu.memory_space<vmem>>[vector<16xi32>, vector<16xi32>], vector<16xf32>,
          %parallel_loop3A_1915 = arith.addf %parallel_loop3A_1914, %parallel_loop3A_1907 : vector<16xf32>
          tpu.vector_store_idx %arg16[%parallel_loop3A_1905, %add3A_14], %parallel_loop3A_1915 : memref<64x128xf32, #tpu.memory_space<vmem>>[vector<16xi32>, vector<16xi32>], vector<16xf32>,
          %parallel_loop3A_1916 = tpu.vector_load_idx %arg12[%add3A_17, %parallel_loop3A_1905] : memref<128x64xf32, #tpu.memory_space<vmem>>[vector<16xi32>, vector<16xi32>], vector<16xf32>,
          %parallel_loop3A_1917 = arith.addf %parallel_loop3A_1916, %parallel_loop3A_1907 : vector<16xf32>
          tpu.vector_store_idx %arg16[%parallel_loop3A_1905, %add3A_17], %parallel_loop3A_1917 : memref<64x128xf32, #tpu.memory_space<vmem>>[vector<16xi32>, vector<16xi32>], vector<16xf32>,
          %parallel_loop3A_1918 = tpu.vector_load_idx %arg12[%add3A_20, %parallel_loop3A_1905] : memref<128x64xf32, #tpu.memory_space<vmem>>[vector<16xi32>, vector<16xi32>], vector<16xf32>,
          %parallel_loop3A_1919 = arith.addf %parallel_loop3A_1918, %parallel_loop3A_1907 : vector<16xf32>
          tpu.vector_store_idx %arg16[%parallel_loop3A_1905, %add3A_20], %parallel_loop3A_1919 : memref<64x128xf32, #tpu.memory_space<vmem>>[vector<16xi32>, vector<16xi32>], vector<16xf32>,
          %parallel_loop3A_1920 = tpu.vector_load_idx %arg12[%add3A_23, %parallel_loop3A_1905] : memref<128x64xf32, #tpu.memory_space<vmem>>[vector<16xi32>, vector<16xi32>], vector<16xf32>,
          %parallel_loop3A_1921 = arith.addf %parallel_loop3A_1920, %parallel_loop3A_1907 : vector<16xf32>
          tpu.vector_store_idx %arg16[%parallel_loop3A_1905, %add3A_23], %parallel_loop3A_1921 : memref<64x128xf32, #tpu.memory_space<vmem>>[vector<16xi32>, vector<16xi32>], vector<16xf32>,
          %parallel_loop3A_1922 = tpu.vector_load_idx %arg12[%add3A_26, %parallel_loop3A_1905] : memref<128x64xf32, #tpu.memory_space<vmem>>[vector<16xi32>, vector<16xi32>], vector<16xf32>,
          %parallel_loop3A_1923 = arith.addf %parallel_loop3A_1922, %parallel_loop3A_1907 : vector<16xf32>
          tpu.vector_store_idx %arg16[%parallel_loop3A_1905, %add3A_26], %parallel_loop3A_1923 : memref<64x128xf32, #tpu.memory_space<vmem>>[vector<16xi32>, vector<16xi32>], vector<16xf32>,
        } {sc.loop_unroll_factor = 4 : i64, sc.parallel_access}
      } {sc.loop_unroll_factor = 1 : i64, sc.parallel_access}
      %add3A_1014 = arith.addi %mul3A_2, %add3A_963 : i32
      %jit3A_1015 = arith.constant 32 : i32
      %div3A_1016 = arith.divsi %add3A_1014, %jit3A_1015 : i32
      %sign3A_1017 = arith.constant 0 : i32
      %sign3A_1018 = arith.cmpi sgt, %add3A_1014, %sign3A_1017 : i32
      %sign3A_1019 = arith.extui %sign3A_1018 : i1 to i32
      %sign3A_1020 = arith.constant 0 : i32
      %sign3A_1021 = arith.cmpi slt, %add3A_1014, %sign3A_1020 : i32
      %sign3A_1022 = arith.extui %sign3A_1021 : i1 to i32
      %sign3A_1023 = arith.subi %sign3A_1019, %sign3A_1022 : i32
      %sign3A_1024 = arith.constant 0 : i32
      %sign3A_1025 = arith.cmpi sgt, %jit3A_1015, %sign3A_1024 : i32
      %sign3A_1026 = arith.extui %sign3A_1025 : i1 to i32
      %sign3A_1027 = arith.constant 0 : i32
      %sign3A_1028 = arith.cmpi slt, %jit3A_1015, %sign3A_1027 : i32
      %sign3A_1029 = arith.extui %sign3A_1028 : i1 to i32
      %sign3A_1030 = arith.subi %sign3A_1026, %sign3A_1029 : i32
      %ne3A_1031 = arith.cmpi ne, %sign3A_1023, %sign3A_1030 : i32
      %rem3A_1032 = arith.remsi %add3A_1014, %jit3A_1015 : i32
      %ne3A_1033 = arith.constant 0 : i32
      %ne3A_1034 = arith.cmpi ne, %rem3A_1032, %ne3A_1033 : i32
      %and3A_1035 = arith.andi %ne3A_1031, %ne3A_1034 : i1
      %sub3A_1036 = arith.constant 1 : i32
      %sub3A_1037 = arith.subi %div3A_1016, %sub3A_1036 : i32
      %select_n3A_1038 = arith.select %and3A_1035, %sub3A_1037, %div3A_1016 : i32
      %jit3A_1039 = arith.constant 32 : i32
      %eq3A_1040 = arith.constant 0 : i32
      %eq3A_1041 = arith.cmpi eq, %jit3A_1039, %eq3A_1040 : i32
      %jit3A_1042 = arith.constant 1 : i32
      %select_n3A_1043 = arith.select %eq3A_1041, %jit3A_1042, %jit3A_1039 : i32
      %rem3A_1044 = arith.remsi %add3A_1014, %select_n3A_1043 : i32
      %ne3A_1045 = arith.constant 0 : i32
      %ne3A_1046 = arith.cmpi ne, %rem3A_1044, %ne3A_1045 : i32
      %lt3A_1047 = arith.constant 0 : i32
      %lt3A_1048 = arith.cmpi slt, %rem3A_1044, %lt3A_1047 : i32
      %lt3A_1049 = arith.constant 0 : i32
      %lt3A_1050 = arith.cmpi slt, %select_n3A_1043, %lt3A_1049 : i32
      %ne3A_1051 = arith.xori %lt3A_1048, %lt3A_1050 : i1
      %and3A_1052 = arith.andi %ne3A_1051, %ne3A_1046 : i1
      %add3A_1053 = arith.addi %rem3A_1044, %select_n3A_1043 : i32
      %select_n3A_1054 = arith.select %and3A_1052, %add3A_1053, %rem3A_1044 : i32
      %dma_start3A_1055 = arith.constant 0 : i32
      %dma_start3A_1056 = arith.constant 0 : i32
      %dma_start3A_1057 = arith.constant 0 : i32
      %dma_start3A_1058 = tpu.memref_slice %arg16[%dma_start3A_1056, %dma_start3A_1057] : memref<64x128xf32, #tpu.memory_space<vmem>> -> memref<8x128xf32, #tpu.memory_space<vmem>>
      %dma_start3A_1059 = arith.constant 0 : i32
      %dma_start3A_1060 = arith.constant 0 : i32
      %dma_start3A_1061 = tpu.memref_slice %arg5[%select_n3A_1038, %dma_start3A_1055, %select_n3A_1054, %dma_start3A_1059, %dma_start3A_1060] : memref<200x8x32x8x128xf32, #tpu.memory_space<hbm>> -> memref<1x1x1x8x128xf32, #tpu.memory_space<hbm>>
      %dma_start3A_1062 = tpu.memref_squeeze %dma_start3A_1061 : memref<1x1x1x8x128xf32, #tpu.memory_space<hbm>> -> memref<8x128xf32, #tpu.memory_space<hbm>>
      %dma_start3A_1063 = arith.constant 0 : i32
      %dma_start3A_1064 = arith.constant 0 : i32
      %dma_start3A_1065 = tpu.memref_slice %arg5[%select_n3A_1038, %dma_start3A_1055, %select_n3A_1054, %dma_start3A_1063, %dma_start3A_1064] : memref<200x8x32x8x128xf32, #tpu.memory_space<hbm>> -> memref<1x1x1x8x128xf32, #tpu.memory_space<hbm>>
      %dma_start3A_1066 = tpu.memref_squeeze %dma_start3A_1065 : memref<1x1x1x8x128xf32, #tpu.memory_space<hbm>> -> memref<8x128xf32, #tpu.memory_space<hbm>>
      %dma_start3A_1067 = arith.constant 0 : i32
      %dma_start3A_1068 = arith.constant 0 : i32
      %dma_start3A_1069 = tpu.memref_slice %arg16[%dma_start3A_1067, %dma_start3A_1068] : memref<64x128xf32, #tpu.memory_space<vmem>> -> memref<8x128xf32, #tpu.memory_space<vmem>>
      tpu.enqueue_dma source(%dma_start3A_1069 : memref<8x128xf32, #tpu.memory_space<vmem>>) target(%dma_start3A_1066 : memref<8x128xf32, #tpu.memory_space<hbm>>) target_semaphore(%arg28 : memref<!tpu.dma_semaphore, #tpu.memory_space<semaphore_mem>>)
      %dma_start3A_1070 = arith.constant 1 : i32
      %dma_start3A_1071 = arith.constant 8 : i32
      %dma_start3A_1072 = arith.constant 0 : i32
      %dma_start3A_1073 = tpu.memref_slice %arg16[%dma_start3A_1071, %dma_start3A_1072] : memref<64x128xf32, #tpu.memory_space<vmem>> -> memref<8x128xf32, #tpu.memory_space<vmem>>
      %dma_start3A_1074 = arith.constant 0 : i32
      %dma_start3A_1075 = arith.constant 0 : i32
      %dma_start3A_1076 = tpu.memref_slice %arg5[%select_n3A_1038, %dma_start3A_1070, %select_n3A_1054, %dma_start3A_1074, %dma_start3A_1075] : memref<200x8x32x8x128xf32, #tpu.memory_space<hbm>> -> memref<1x1x1x8x128xf32, #tpu.memory_space<hbm>>
      %dma_start3A_1077 = tpu.memref_squeeze %dma_start3A_1076 : memref<1x1x1x8x128xf32, #tpu.memory_space<hbm>> -> memref<8x128xf32, #tpu.memory_space<hbm>>
      %dma_start3A_1078 = arith.constant 0 : i32
      %dma_start3A_1079 = arith.constant 0 : i32
      %dma_start3A_1080 = tpu.memref_slice %arg5[%select_n3A_1038, %dma_start3A_1070, %select_n3A_1054, %dma_start3A_1078, %dma_start3A_1079] : memref<200x8x32x8x128xf32, #tpu.memory_space<hbm>> -> memref<1x1x1x8x128xf32, #tpu.memory_space<hbm>>
      %dma_start3A_1081 = tpu.memref_squeeze %dma_start3A_1080 : memref<1x1x1x8x128xf32, #tpu.memory_space<hbm>> -> memref<8x128xf32, #tpu.memory_space<hbm>>
      %dma_start3A_1082 = arith.constant 8 : i32
      %dma_start3A_1083 = arith.constant 0 : i32
      %dma_start3A_1084 = tpu.memref_slice %arg16[%dma_start3A_1082, %dma_start3A_1083] : memref<64x128xf32, #tpu.memory_space<vmem>> -> memref<8x128xf32, #tpu.memory_space<vmem>>
      tpu.enqueue_dma source(%dma_start3A_1084 : memref<8x128xf32, #tpu.memory_space<vmem>>) target(%dma_start3A_1081 : memref<8x128xf32, #tpu.memory_space<hbm>>) target_semaphore(%arg28 : memref<!tpu.dma_semaphore, #tpu.memory_space<semaphore_mem>>)
      %dma_start3A_1085 = arith.constant 2 : i32
      %dma_start3A_1086 = arith.constant 16 : i32
      %dma_start3A_1087 = arith.constant 0 : i32
      %dma_start3A_1088 = tpu.memref_slice %arg16[%dma_start3A_1086, %dma_start3A_1087] : memref<64x128xf32, #tpu.memory_space<vmem>> -> memref<8x128xf32, #tpu.memory_space<vmem>>
      %dma_start3A_1089 = arith.constant 0 : i32
      %dma_start3A_1090 = arith.constant 0 : i32
      %dma_start3A_1091 = tpu.memref_slice %arg5[%select_n3A_1038, %dma_start3A_1085, %select_n3A_1054, %dma_start3A_1089, %dma_start3A_1090] : memref<200x8x32x8x128xf32, #tpu.memory_space<hbm>> -> memref<1x1x1x8x128xf32, #tpu.memory_space<hbm>>
      %dma_start3A_1092 = tpu.memref_squeeze %dma_start3A_1091 : memref<1x1x1x8x128xf32, #tpu.memory_space<hbm>> -> memref<8x128xf32, #tpu.memory_space<hbm>>
      %dma_start3A_1093 = arith.constant 0 : i32
      %dma_start3A_1094 = arith.constant 0 : i32
      %dma_start3A_1095 = tpu.memref_slice %arg5[%select_n3A_1038, %dma_start3A_1085, %select_n3A_1054, %dma_start3A_1093, %dma_start3A_1094] : memref<200x8x32x8x128xf32, #tpu.memory_space<hbm>> -> memref<1x1x1x8x128xf32, #tpu.memory_space<hbm>>
      %dma_start3A_1096 = tpu.memref_squeeze %dma_start3A_1095 : memref<1x1x1x8x128xf32, #tpu.memory_space<hbm>> -> memref<8x128xf32, #tpu.memory_space<hbm>>
      %dma_start3A_1097 = arith.constant 16 : i32
      %dma_start3A_1098 = arith.constant 0 : i32
      %dma_start3A_1099 = tpu.memref_slice %arg16[%dma_start3A_1097, %dma_start3A_1098] : memref<64x128xf32, #tpu.memory_space<vmem>> -> memref<8x128xf32, #tpu.memory_space<vmem>>
      tpu.enqueue_dma source(%dma_start3A_1099 : memref<8x128xf32, #tpu.memory_space<vmem>>) target(%dma_start3A_1096 : memref<8x128xf32, #tpu.memory_space<hbm>>) target_semaphore(%arg28 : memref<!tpu.dma_semaphore, #tpu.memory_space<semaphore_mem>>)
      %dma_start3A_1100 = arith.constant 3 : i32
      %dma_start3A_1101 = arith.constant 24 : i32
      %dma_start3A_1102 = arith.constant 0 : i32
      %dma_start3A_1103 = tpu.memref_slice %arg16[%dma_start3A_1101, %dma_start3A_1102] : memref<64x128xf32, #tpu.memory_space<vmem>> -> memref<8x128xf32, #tpu.memory_space<vmem>>
      %dma_start3A_1104 = arith.constant 0 : i32
      %dma_start3A_1105 = arith.constant 0 : i32
      %dma_start3A_1106 = tpu.memref_slice %arg5[%select_n3A_1038, %dma_start3A_1100, %select_n3A_1054, %dma_start3A_1104, %dma_start3A_1105] : memref<200x8x32x8x128xf32, #tpu.memory_space<hbm>> -> memref<1x1x1x8x128xf32, #tpu.memory_space<hbm>>
      %dma_start3A_1107 = tpu.memref_squeeze %dma_start3A_1106 : memref<1x1x1x8x128xf32, #tpu.memory_space<hbm>> -> memref<8x128xf32, #tpu.memory_space<hbm>>
      %dma_start3A_1108 = arith.constant 0 : i32
      %dma_start3A_1109 = arith.constant 0 : i32
      %dma_start3A_1110 = tpu.memref_slice %arg5[%select_n3A_1038, %dma_start3A_1100, %select_n3A_1054, %dma_start3A_1108, %dma_start3A_1109] : memref<200x8x32x8x128xf32, #tpu.memory_space<hbm>> -> memref<1x1x1x8x128xf32, #tpu.memory_space<hbm>>
      %dma_start3A_1111 = tpu.memref_squeeze %dma_start3A_1110 : memref<1x1x1x8x128xf32, #tpu.memory_space<hbm>> -> memref<8x128xf32, #tpu.memory_space<hbm>>
      %dma_start3A_1112 = arith.constant 24 : i32
      %dma_start3A_1113 = arith.constant 0 : i32
      %dma_start3A_1114 = tpu.memref_slice %arg16[%dma_start3A_1112, %dma_start3A_1113] : memref<64x128xf32, #tpu.memory_space<vmem>> -> memref<8x128xf32, #tpu.memory_space<vmem>>
      tpu.enqueue_dma source(%dma_start3A_1114 : memref<8x128xf32, #tpu.memory_space<vmem>>) target(%dma_start3A_1111 : memref<8x128xf32, #tpu.memory_space<hbm>>) target_semaphore(%arg28 : memref<!tpu.dma_semaphore, #tpu.memory_space<semaphore_mem>>)
      %dma_start3A_1115 = arith.constant 4 : i32
      %dma_start3A_1116 = arith.constant 32 : i32
      %dma_start3A_1117 = arith.constant 0 : i32
      %dma_start3A_1118 = tpu.memref_slice %arg16[%dma_start3A_1116, %dma_start3A_1117] : memref<64x128xf32, #tpu.memory_space<vmem>> -> memref<8x128xf32, #tpu.memory_space<vmem>>
      %dma_start3A_1119 = arith.constant 0 : i32
      %dma_start3A_1120 = arith.constant 0 : i32
      %dma_start3A_1121 = tpu.memref_slice %arg5[%select_n3A_1038, %dma_start3A_1115, %select_n3A_1054, %dma_start3A_1119, %dma_start3A_1120] : memref<200x8x32x8x128xf32, #tpu.memory_space<hbm>> -> memref<1x1x1x8x128xf32, #tpu.memory_space<hbm>>
      %dma_start3A_1122 = tpu.memref_squeeze %dma_start3A_1121 : memref<1x1x1x8x128xf32, #tpu.memory_space<hbm>> -> memref<8x128xf32, #tpu.memory_space<hbm>>
      %dma_start3A_1123 = arith.constant 0 : i32
      %dma_start3A_1124 = arith.constant 0 : i32
      %dma_start3A_1125 = tpu.memref_slice %arg5[%select_n3A_1038, %dma_start3A_1115, %select_n3A_1054, %dma_start3A_1123, %dma_start3A_1124] : memref<200x8x32x8x128xf32, #tpu.memory_space<hbm>> -> memref<1x1x1x8x128xf32, #tpu.memory_space<hbm>>
      %dma_start3A_1126 = tpu.memref_squeeze %dma_start3A_1125 : memref<1x1x1x8x128xf32, #tpu.memory_space<hbm>> -> memref<8x128xf32, #tpu.memory_space<hbm>>
      %dma_start3A_1127 = arith.constant 32 : i32
      %dma_start3A_1128 = arith.constant 0 : i32
      %dma_start3A_1129 = tpu.memref_slice %arg16[%dma_start3A_1127, %dma_start3A_1128] : memref<64x128xf32, #tpu.memory_space<vmem>> -> memref<8x128xf32, #tpu.memory_space<vmem>>
      tpu.enqueue_dma source(%dma_start3A_1129 : memref<8x128xf32, #tpu.memory_space<vmem>>) target(%dma_start3A_1126 : memref<8x128xf32, #tpu.memory_space<hbm>>) target_semaphore(%arg28 : memref<!tpu.dma_semaphore, #tpu.memory_space<semaphore_mem>>)
      %dma_start3A_1130 = arith.constant 5 : i32
      %dma_start3A_1131 = arith.constant 40 : i32
      %dma_start3A_1132 = arith.constant 0 : i32
      %dma_start3A_1133 = tpu.memref_slice %arg16[%dma_start3A_1131, %dma_start3A_1132] : memref<64x128xf32, #tpu.memory_space<vmem>> -> memref<8x128xf32, #tpu.memory_space<vmem>>
      %dma_start3A_1134 = arith.constant 0 : i32
      %dma_start3A_1135 = arith.constant 0 : i32
      %dma_start3A_1136 = tpu.memref_slice %arg5[%select_n3A_1038, %dma_start3A_1130, %select_n3A_1054, %dma_start3A_1134, %dma_start3A_1135] : memref<200x8x32x8x128xf32, #tpu.memory_space<hbm>> -> memref<1x1x1x8x128xf32, #tpu.memory_space<hbm>>
      %dma_start3A_1137 = tpu.memref_squeeze %dma_start3A_1136 : memref<1x1x1x8x128xf32, #tpu.memory_space<hbm>> -> memref<8x128xf32, #tpu.memory_space<hbm>>
      %dma_start3A_1138 = arith.constant 0 : i32
      %dma_start3A_1139 = arith.constant 0 : i32
      %dma_start3A_1140 = tpu.memref_slice %arg5[%select_n3A_1038, %dma_start3A_1130, %select_n3A_1054, %dma_start3A_1138, %dma_start3A_1139] : memref<200x8x32x8x128xf32, #tpu.memory_space<hbm>> -> memref<1x1x1x8x128xf32, #tpu.memory_space<hbm>>
      %dma_start3A_1141 = tpu.memref_squeeze %dma_start3A_1140 : memref<1x1x1x8x128xf32, #tpu.memory_space<hbm>> -> memref<8x128xf32, #tpu.memory_space<hbm>>
      %dma_start3A_1142 = arith.constant 40 : i32
      %dma_start3A_1143 = arith.constant 0 : i32
      %dma_start3A_1144 = tpu.memref_slice %arg16[%dma_start3A_1142, %dma_start3A_1143] : memref<64x128xf32, #tpu.memory_space<vmem>> -> memref<8x128xf32, #tpu.memory_space<vmem>>
      tpu.enqueue_dma source(%dma_start3A_1144 : memref<8x128xf32, #tpu.memory_space<vmem>>) target(%dma_start3A_1141 : memref<8x128xf32, #tpu.memory_space<hbm>>) target_semaphore(%arg28 : memref<!tpu.dma_semaphore, #tpu.memory_space<semaphore_mem>>)
      %dma_start3A_1145 = arith.constant 6 : i32
      %dma_start3A_1146 = arith.constant 48 : i32
      %dma_start3A_1147 = arith.constant 0 : i32
      %dma_start3A_1148 = tpu.memref_slice %arg16[%dma_start3A_1146, %dma_start3A_1147] : memref<64x128xf32, #tpu.memory_space<vmem>> -> memref<8x128xf32, #tpu.memory_space<vmem>>
      %dma_start3A_1149 = arith.constant 0 : i32
      %dma_start3A_1150 = arith.constant 0 : i32
      %dma_start3A_1151 = tpu.memref_slice %arg5[%select_n3A_1038, %dma_start3A_1145, %select_n3A_1054, %dma_start3A_1149, %dma_start3A_1150] : memref<200x8x32x8x128xf32, #tpu.memory_space<hbm>> -> memref<1x1x1x8x128xf32, #tpu.memory_space<hbm>>
      %dma_start3A_1152 = tpu.memref_squeeze %dma_start3A_1151 : memref<1x1x1x8x128xf32, #tpu.memory_space<hbm>> -> memref<8x128xf32, #tpu.memory_space<hbm>>
      %dma_start3A_1153 = arith.constant 0 : i32
      %dma_start3A_1154 = arith.constant 0 : i32
      %dma_start3A_1155 = tpu.memref_slice %arg5[%select_n3A_1038, %dma_start3A_1145, %select_n3A_1054, %dma_start3A_1153, %dma_start3A_1154] : memref<200x8x32x8x128xf32, #tpu.memory_space<hbm>> -> memref<1x1x1x8x128xf32, #tpu.memory_space<hbm>>
      %dma_start3A_1156 = tpu.memref_squeeze %dma_start3A_1155 : memref<1x1x1x8x128xf32, #tpu.memory_space<hbm>> -> memref<8x128xf32, #tpu.memory_space<hbm>>
      %dma_start3A_1157 = arith.constant 48 : i32
      %dma_start3A_1158 = arith.constant 0 : i32
      %dma_start3A_1159 = tpu.memref_slice %arg16[%dma_start3A_1157, %dma_start3A_1158] : memref<64x128xf32, #tpu.memory_space<vmem>> -> memref<8x128xf32, #tpu.memory_space<vmem>>
      tpu.enqueue_dma source(%dma_start3A_1159 : memref<8x128xf32, #tpu.memory_space<vmem>>) target(%dma_start3A_1156 : memref<8x128xf32, #tpu.memory_space<hbm>>) target_semaphore(%arg28 : memref<!tpu.dma_semaphore, #tpu.memory_space<semaphore_mem>>)
      %dma_start3A_1160 = arith.constant 7 : i32
      %dma_start3A_1161 = arith.constant 56 : i32
      %dma_start3A_1162 = arith.constant 0 : i32
      %dma_start3A_1163 = tpu.memref_slice %arg16[%dma_start3A_1161, %dma_start3A_1162] : memref<64x128xf32, #tpu.memory_space<vmem>> -> memref<8x128xf32, #tpu.memory_space<vmem>>
      %dma_start3A_1164 = arith.constant 0 : i32
      %dma_start3A_1165 = arith.constant 0 : i32
      %dma_start3A_1166 = tpu.memref_slice %arg5[%select_n3A_1038, %dma_start3A_1160, %select_n3A_1054, %dma_start3A_1164, %dma_start3A_1165] : memref<200x8x32x8x128xf32, #tpu.memory_space<hbm>> -> memref<1x1x1x8x128xf32, #tpu.memory_space<hbm>>
      %dma_start3A_1167 = tpu.memref_squeeze %dma_start3A_1166 : memref<1x1x1x8x128xf32, #tpu.memory_space<hbm>> -> memref<8x128xf32, #tpu.memory_space<hbm>>
      %dma_start3A_1168 = arith.constant 0 : i32
      %dma_start3A_1169 = arith.constant 0 : i32
      %dma_start3A_1170 = tpu.memref_slice %arg5[%select_n3A_1038, %dma_start3A_1160, %select_n3A_1054, %dma_start3A_1168, %dma_start3A_1169] : memref<200x8x32x8x128xf32, #tpu.memory_space<hbm>> -> memref<1x1x1x8x128xf32, #tpu.memory_space<hbm>>
      %dma_start3A_1171 = tpu.memref_squeeze %dma_start3A_1170 : memref<1x1x1x8x128xf32, #tpu.memory_space<hbm>> -> memref<8x128xf32, #tpu.memory_space<hbm>>
      %dma_start3A_1172 = arith.constant 56 : i32
      %dma_start3A_1173 = arith.constant 0 : i32
      %dma_start3A_1174 = tpu.memref_slice %arg16[%dma_start3A_1172, %dma_start3A_1173] : memref<64x128xf32, #tpu.memory_space<vmem>> -> memref<8x128xf32, #tpu.memory_space<vmem>>
      tpu.enqueue_dma source(%dma_start3A_1174 : memref<8x128xf32, #tpu.memory_space<vmem>>) target(%dma_start3A_1171 : memref<8x128xf32, #tpu.memory_space<hbm>>) target_semaphore(%arg28 : memref<!tpu.dma_semaphore, #tpu.memory_space<semaphore_mem>>)
      %add3A_1175 = arith.constant 4 : i32
      %add3A_1176 = arith.addi %add3A_963, %add3A_1175 : i32
      %lt3A_1177 = arith.constant 200 : i32
      %lt3A_1178 = arith.cmpi slt, %add3A_1176, %lt3A_1177 : i32
      %convert_element_type3A = arith.extui %lt3A_1178 : i1 to i32
      %cond3A = arith.constant 0 : i32
      %cond3A_1179 = arith.cmpi ne, %convert_element_type3A, %cond3A : i32
      scf.if %cond3A_1179 {
        %add3A_1896 = arith.constant 4 : i32
        %add3A_1897 = arith.addi %add3A_963, %add3A_1896 : i32
        %add3A_1898 = arith.addi %mul3A_2, %add3A_1897 : i32
        %jit3A_1899 = arith.constant 32 : i32
        %div3A_1900 = arith.divsi %add3A_1898, %jit3A_1899 : i32
        %sign3A_1901 = arith.constant 0 : i32
        %sign3A_1902 = arith.cmpi sgt, %add3A_1898, %sign3A_1901 : i32
        %sign3A_1903 = arith.extui %sign3A_1902 : i1 to i32
        %sign3A_1904 = arith.constant 0 : i32
        %sign3A_1905 = arith.cmpi slt, %add3A_1898, %sign3A_1904 : i32
        %sign3A_1906 = arith.extui %sign3A_1905 : i1 to i32
        %sign3A_1907 = arith.subi %sign3A_1903, %sign3A_1906 : i32
        %sign3A_1908 = arith.constant 0 : i32
        %sign3A_1909 = arith.cmpi sgt, %jit3A_1899, %sign3A_1908 : i32
        %sign3A_1910 = arith.extui %sign3A_1909 : i1 to i32
        %sign3A_1911 = arith.constant 0 : i32
        %sign3A_1912 = arith.cmpi slt, %jit3A_1899, %sign3A_1911 : i32
        %sign3A_1913 = arith.extui %sign3A_1912 : i1 to i32
        %sign3A_1914 = arith.subi %sign3A_1910, %sign3A_1913 : i32
        %ne3A_1915 = arith.cmpi ne, %sign3A_1907, %sign3A_1914 : i32
        %rem3A_1916 = arith.remsi %add3A_1898, %jit3A_1899 : i32
        %ne3A_1917 = arith.constant 0 : i32
        %ne3A_1918 = arith.cmpi ne, %rem3A_1916, %ne3A_1917 : i32
        %and3A_1919 = arith.andi %ne3A_1915, %ne3A_1918 : i1
        %sub3A_1920 = arith.constant 1 : i32
        %sub3A_1921 = arith.subi %div3A_1900, %sub3A_1920 : i32
        %select_n3A_1922 = arith.select %and3A_1919, %sub3A_1921, %div3A_1900 : i32
        %jit3A_1923 = arith.constant 32 : i32
        %eq3A_1924 = arith.constant 0 : i32
        %eq3A_1925 = arith.cmpi eq, %jit3A_1923, %eq3A_1924 : i32
        %jit3A_1926 = arith.constant 1 : i32
        %select_n3A_1927 = arith.select %eq3A_1925, %jit3A_1926, %jit3A_1923 : i32
        %rem3A_1928 = arith.remsi %add3A_1898, %select_n3A_1927 : i32
        %ne3A_1929 = arith.constant 0 : i32
        %ne3A_1930 = arith.cmpi ne, %rem3A_1928, %ne3A_1929 : i32
        %lt3A_1931 = arith.constant 0 : i32
        %lt3A_1932 = arith.cmpi slt, %rem3A_1928, %lt3A_1931 : i32
        %lt3A_1933 = arith.constant 0 : i32
        %lt3A_1934 = arith.cmpi slt, %select_n3A_1927, %lt3A_1933 : i32
        %ne3A_1935 = arith.xori %lt3A_1932, %lt3A_1934 : i1
        %and3A_1936 = arith.andi %ne3A_1935, %ne3A_1930 : i1
        %add3A_1937 = arith.addi %rem3A_1928, %select_n3A_1927 : i32
        %select_n3A_1938 = arith.select %and3A_1936, %add3A_1937, %rem3A_1928 : i32
        %mul3A_1939 = arith.constant 128 : i32
        %mul3A_1940 = arith.muli %select_n3A_1938, %mul3A_1939 : i32
        %dma_start3A_1941 = tpu.memref_slice %arg2[%select_n3A_1922, %mul3A_1940] : memref<200x4096xi32, #tpu.memory_space<hbm>> -> memref<1x128xi32, #tpu.memory_space<hbm>>
        %dma_start3A_1942 = tpu.memref_squeeze %dma_start3A_1941 : memref<1x128xi32, #tpu.memory_space<hbm>> -> memref<128xi32, #tpu.memory_space<hbm>>
        %dma_start3A_1943 = tpu.memref_slice %arg2[%select_n3A_1922, %mul3A_1940] : memref<200x4096xi32, #tpu.memory_space<hbm>> -> memref<1x128xi32, #tpu.memory_space<hbm>>
        %dma_start3A_1944 = tpu.memref_squeeze %dma_start3A_1943 : memref<1x128xi32, #tpu.memory_space<hbm>> -> memref<128xi32, #tpu.memory_space<hbm>>
        tpu.enqueue_dma source(%dma_start3A_1944 : memref<128xi32, #tpu.memory_space<hbm>>) target(%arg8 : memref<128xi32, #tpu.memory_space<vmem>>) target_semaphore(%arg20 : memref<!tpu.dma_semaphore, #tpu.memory_space<semaphore_mem>>)
      } else {
      }
      %ge3A = arith.constant 2 : i32
      %ge3A_1180 = arith.cmpi sge, %add3A_963, %ge3A : i32
      %convert_element_type3A_1181 = arith.extui %ge3A_1180 : i1 to i32
      %cond3A_1182 = arith.constant 0 : i32
      %cond3A_1183 = arith.cmpi ne, %convert_element_type3A_1181, %cond3A_1182 : i32
      scf.if %cond3A_1183 {
        %sub3A_1896 = arith.constant 2 : i32
        %sub3A_1897 = arith.subi %add3A_963, %sub3A_1896 : i32
        %add3A_1898 = arith.addi %mul3A_2, %sub3A_1897 : i32
        %jit3A_1899 = arith.constant 32 : i32
        %div3A_1900 = arith.divsi %add3A_1898, %jit3A_1899 : i32
        %sign3A_1901 = arith.constant 0 : i32
        %sign3A_1902 = arith.cmpi sgt, %add3A_1898, %sign3A_1901 : i32
        %sign3A_1903 = arith.extui %sign3A_1902 : i1 to i32
        %sign3A_1904 = arith.constant 0 : i32
        %sign3A_1905 = arith.cmpi slt, %add3A_1898, %sign3A_1904 : i32
        %sign3A_1906 = arith.extui %sign3A_1905 : i1 to i32
        %sign3A_1907 = arith.subi %sign3A_1903, %sign3A_1906 : i32
        %sign3A_1908 = arith.constant 0 : i32
        %sign3A_1909 = arith.cmpi sgt, %jit3A_1899, %sign3A_1908 : i32
        %sign3A_1910 = arith.extui %sign3A_1909 : i1 to i32
        %sign3A_1911 = arith.constant 0 : i32
        %sign3A_1912 = arith.cmpi slt, %jit3A_1899, %sign3A_1911 : i32
        %sign3A_1913 = arith.extui %sign3A_1912 : i1 to i32
        %sign3A_1914 = arith.subi %sign3A_1910, %sign3A_1913 : i32
        %ne3A_1915 = arith.cmpi ne, %sign3A_1907, %sign3A_1914 : i32
        %rem3A_1916 = arith.remsi %add3A_1898, %jit3A_1899 : i32
        %ne3A_1917 = arith.constant 0 : i32
        %ne3A_1918 = arith.cmpi ne, %rem3A_1916, %ne3A_1917 : i32
        %and3A_1919 = arith.andi %ne3A_1915, %ne3A_1918 : i1
        %sub3A_1920 = arith.constant 1 : i32
        %sub3A_1921 = arith.subi %div3A_1900, %sub3A_1920 : i32
        %select_n3A_1922 = arith.select %and3A_1919, %sub3A_1921, %div3A_1900 : i32
        %jit3A_1923 = arith.constant 32 : i32
        %eq3A_1924 = arith.constant 0 : i32
        %eq3A_1925 = arith.cmpi eq, %jit3A_1923, %eq3A_1924 : i32
        %jit3A_1926 = arith.constant 1 : i32
        %select_n3A_1927 = arith.select %eq3A_1925, %jit3A_1926, %jit3A_1923 : i32
        %rem3A_1928 = arith.remsi %add3A_1898, %select_n3A_1927 : i32
        %ne3A_1929 = arith.constant 0 : i32
        %ne3A_1930 = arith.cmpi ne, %rem3A_1928, %ne3A_1929 : i32
        %lt3A_1931 = arith.constant 0 : i32
        %lt3A_1932 = arith.cmpi slt, %rem3A_1928, %lt3A_1931 : i32
        %lt3A_1933 = arith.constant 0 : i32
        %lt3A_1934 = arith.cmpi slt, %select_n3A_1927, %lt3A_1933 : i32
        %ne3A_1935 = arith.xori %lt3A_1932, %lt3A_1934 : i1
        %and3A_1936 = arith.andi %ne3A_1935, %ne3A_1930 : i1
        %add3A_1937 = arith.addi %rem3A_1928, %select_n3A_1927 : i32
        %select_n3A_1938 = arith.select %and3A_1936, %add3A_1937, %rem3A_1928 : i32
        %dma_wait3A_1939 = arith.constant 0 : i32
        %dma_wait3A_1940 = arith.constant 0 : i32
        %dma_wait3A_1941 = arith.constant 0 : i32
        %dma_wait3A_1942 = tpu.memref_slice %arg18[%dma_wait3A_1940, %dma_wait3A_1941] : memref<64x128xf32, #tpu.memory_space<vmem>> -> memref<8x128xf32, #tpu.memory_space<vmem>>
        %dma_wait3A_1943 = arith.constant 0 : i32
        %dma_wait3A_1944 = arith.constant 0 : i32
        %dma_wait3A_1945 = tpu.memref_slice %arg5[%select_n3A_1922, %dma_wait3A_1939, %select_n3A_1938, %dma_wait3A_1943, %dma_wait3A_1944] : memref<200x8x32x8x128xf32, #tpu.memory_space<hbm>> -> memref<1x1x1x8x128xf32, #tpu.memory_space<hbm>>
        %dma_wait3A_1946 = tpu.memref_squeeze %dma_wait3A_1945 : memref<1x1x1x8x128xf32, #tpu.memory_space<hbm>> -> memref<8x128xf32, #tpu.memory_space<hbm>>
        %dma_wait3A_1947 = arith.constant 0 : i32
        %dma_wait3A_1948 = arith.constant 0 : i32
        %dma_wait3A_1949 = tpu.memref_slice %arg5[%select_n3A_1922, %dma_wait3A_1939, %select_n3A_1938, %dma_wait3A_1947, %dma_wait3A_1948] : memref<200x8x32x8x128xf32, #tpu.memory_space<hbm>> -> memref<1x1x1x8x128xf32, #tpu.memory_space<hbm>>
        %dma_wait3A_1950 = tpu.memref_squeeze %dma_wait3A_1949 : memref<1x1x1x8x128xf32, #tpu.memory_space<hbm>> -> memref<8x128xf32, #tpu.memory_space<hbm>>
        %dma_wait3A_1951 = arith.constant 0 : i32
        %dma_wait3A_1952 = arith.constant 0 : i32
        %dma_wait3A_1953 = tpu.memref_slice %arg18[%dma_wait3A_1951, %dma_wait3A_1952] : memref<64x128xf32, #tpu.memory_space<vmem>> -> memref<8x128xf32, #tpu.memory_space<vmem>>
        tpu.wait_dma2 semaphore(%arg30 : memref<!tpu.dma_semaphore, #tpu.memory_space<semaphore_mem>>) src(%dma_wait3A_1953 : memref<8x128xf32, #tpu.memory_space<vmem>>) dst(%dma_wait3A_1950 : memref<8x128xf32, #tpu.memory_space<hbm>>)
        %dma_wait3A_1954 = arith.constant 1 : i32
        %dma_wait3A_1955 = arith.constant 8 : i32
        %dma_wait3A_1956 = arith.constant 0 : i32
        %dma_wait3A_1957 = tpu.memref_slice %arg18[%dma_wait3A_1955, %dma_wait3A_1956] : memref<64x128xf32, #tpu.memory_space<vmem>> -> memref<8x128xf32, #tpu.memory_space<vmem>>
        %dma_wait3A_1958 = arith.constant 0 : i32
        %dma_wait3A_1959 = arith.constant 0 : i32
        %dma_wait3A_1960 = tpu.memref_slice %arg5[%select_n3A_1922, %dma_wait3A_1954, %select_n3A_1938, %dma_wait3A_1958, %dma_wait3A_1959] : memref<200x8x32x8x128xf32, #tpu.memory_space<hbm>> -> memref<1x1x1x8x128xf32, #tpu.memory_space<hbm>>
        %dma_wait3A_1961 = tpu.memref_squeeze %dma_wait3A_1960 : memref<1x1x1x8x128xf32, #tpu.memory_space<hbm>> -> memref<8x128xf32, #tpu.memory_space<hbm>>
        %dma_wait3A_1962 = arith.constant 0 : i32
        %dma_wait3A_1963 = arith.constant 0 : i32
        %dma_wait3A_1964 = tpu.memref_slice %arg5[%select_n3A_1922, %dma_wait3A_1954, %select_n3A_1938, %dma_wait3A_1962, %dma_wait3A_1963] : memref<200x8x32x8x128xf32, #tpu.memory_space<hbm>> -> memref<1x1x1x8x128xf32, #tpu.memory_space<hbm>>
        %dma_wait3A_1965 = tpu.memref_squeeze %dma_wait3A_1964 : memref<1x1x1x8x128xf32, #tpu.memory_space<hbm>> -> memref<8x128xf32, #tpu.memory_space<hbm>>
        %dma_wait3A_1966 = arith.constant 8 : i32
        %dma_wait3A_1967 = arith.constant 0 : i32
        %dma_wait3A_1968 = tpu.memref_slice %arg18[%dma_wait3A_1966, %dma_wait3A_1967] : memref<64x128xf32, #tpu.memory_space<vmem>> -> memref<8x128xf32, #tpu.memory_space<vmem>>
        tpu.wait_dma2 semaphore(%arg30 : memref<!tpu.dma_semaphore, #tpu.memory_space<semaphore_mem>>) src(%dma_wait3A_1968 : memref<8x128xf32, #tpu.memory_space<vmem>>) dst(%dma_wait3A_1965 : memref<8x128xf32, #tpu.memory_space<hbm>>)
        %dma_wait3A_1969 = arith.constant 2 : i32
        %dma_wait3A_1970 = arith.constant 16 : i32
        %dma_wait3A_1971 = arith.constant 0 : i32
        %dma_wait3A_1972 = tpu.memref_slice %arg18[%dma_wait3A_1970, %dma_wait3A_1971] : memref<64x128xf32, #tpu.memory_space<vmem>> -> memref<8x128xf32, #tpu.memory_space<vmem>>
        %dma_wait3A_1973 = arith.constant 0 : i32
        %dma_wait3A_1974 = arith.constant 0 : i32
        %dma_wait3A_1975 = tpu.memref_slice %arg5[%select_n3A_1922, %dma_wait3A_1969, %select_n3A_1938, %dma_wait3A_1973, %dma_wait3A_1974] : memref<200x8x32x8x128xf32, #tpu.memory_space<hbm>> -> memref<1x1x1x8x128xf32, #tpu.memory_space<hbm>>
        %dma_wait3A_1976 = tpu.memref_squeeze %dma_wait3A_1975 : memref<1x1x1x8x128xf32, #tpu.memory_space<hbm>> -> memref<8x128xf32, #tpu.memory_space<hbm>>
        %dma_wait3A_1977 = arith.constant 0 : i32
        %dma_wait3A_1978 = arith.constant 0 : i32
        %dma_wait3A_1979 = tpu.memref_slice %arg5[%select_n3A_1922, %dma_wait3A_1969, %select_n3A_1938, %dma_wait3A_1977, %dma_wait3A_1978] : memref<200x8x32x8x128xf32, #tpu.memory_space<hbm>> -> memref<1x1x1x8x128xf32, #tpu.memory_space<hbm>>
        %dma_wait3A_1980 = tpu.memref_squeeze %dma_wait3A_1979 : memref<1x1x1x8x128xf32, #tpu.memory_space<hbm>> -> memref<8x128xf32, #tpu.memory_space<hbm>>
        %dma_wait3A_1981 = arith.constant 16 : i32
        %dma_wait3A_1982 = arith.constant 0 : i32
        %dma_wait3A_1983 = tpu.memref_slice %arg18[%dma_wait3A_1981, %dma_wait3A_1982] : memref<64x128xf32, #tpu.memory_space<vmem>> -> memref<8x128xf32, #tpu.memory_space<vmem>>
        tpu.wait_dma2 semaphore(%arg30 : memref<!tpu.dma_semaphore, #tpu.memory_space<semaphore_mem>>) src(%dma_wait3A_1983 : memref<8x128xf32, #tpu.memory_space<vmem>>) dst(%dma_wait3A_1980 : memref<8x128xf32, #tpu.memory_space<hbm>>)
        %dma_wait3A_1984 = arith.constant 3 : i32
        %dma_wait3A_1985 = arith.constant 24 : i32
        %dma_wait3A_1986 = arith.constant 0 : i32
        %dma_wait3A_1987 = tpu.memref_slice %arg18[%dma_wait3A_1985, %dma_wait3A_1986] : memref<64x128xf32, #tpu.memory_space<vmem>> -> memref<8x128xf32, #tpu.memory_space<vmem>>
        %dma_wait3A_1988 = arith.constant 0 : i32
        %dma_wait3A_1989 = arith.constant 0 : i32
        %dma_wait3A_1990 = tpu.memref_slice %arg5[%select_n3A_1922, %dma_wait3A_1984, %select_n3A_1938, %dma_wait3A_1988, %dma_wait3A_1989] : memref<200x8x32x8x128xf32, #tpu.memory_space<hbm>> -> memref<1x1x1x8x128xf32, #tpu.memory_space<hbm>>
        %dma_wait3A_1991 = tpu.memref_squeeze %dma_wait3A_1990 : memref<1x1x1x8x128xf32, #tpu.memory_space<hbm>> -> memref<8x128xf32, #tpu.memory_space<hbm>>
        %dma_wait3A_1992 = arith.constant 0 : i32
        %dma_wait3A_1993 = arith.constant 0 : i32
        %dma_wait3A_1994 = tpu.memref_slice %arg5[%select_n3A_1922, %dma_wait3A_1984, %select_n3A_1938, %dma_wait3A_1992, %dma_wait3A_1993] : memref<200x8x32x8x128xf32, #tpu.memory_space<hbm>> -> memref<1x1x1x8x128xf32, #tpu.memory_space<hbm>>
        %dma_wait3A_1995 = tpu.memref_squeeze %dma_wait3A_1994 : memref<1x1x1x8x128xf32, #tpu.memory_space<hbm>> -> memref<8x128xf32, #tpu.memory_space<hbm>>
        %dma_wait3A_1996 = arith.constant 24 : i32
        %dma_wait3A_1997 = arith.constant 0 : i32
        %dma_wait3A_1998 = tpu.memref_slice %arg18[%dma_wait3A_1996, %dma_wait3A_1997] : memref<64x128xf32, #tpu.memory_space<vmem>> -> memref<8x128xf32, #tpu.memory_space<vmem>>
        tpu.wait_dma2 semaphore(%arg30 : memref<!tpu.dma_semaphore, #tpu.memory_space<semaphore_mem>>) src(%dma_wait3A_1998 : memref<8x128xf32, #tpu.memory_space<vmem>>) dst(%dma_wait3A_1995 : memref<8x128xf32, #tpu.memory_space<hbm>>)
        %dma_wait3A_1999 = arith.constant 4 : i32
        %dma_wait3A_2000 = arith.constant 32 : i32
        %dma_wait3A_2001 = arith.constant 0 : i32
        %dma_wait3A_2002 = tpu.memref_slice %arg18[%dma_wait3A_2000, %dma_wait3A_2001] : memref<64x128xf32, #tpu.memory_space<vmem>> -> memref<8x128xf32, #tpu.memory_space<vmem>>
        %dma_wait3A_2003 = arith.constant 0 : i32
        %dma_wait3A_2004 = arith.constant 0 : i32
        %dma_wait3A_2005 = tpu.memref_slice %arg5[%select_n3A_1922, %dma_wait3A_1999, %select_n3A_1938, %dma_wait3A_2003, %dma_wait3A_2004] : memref<200x8x32x8x128xf32, #tpu.memory_space<hbm>> -> memref<1x1x1x8x128xf32, #tpu.memory_space<hbm>>
        %dma_wait3A_2006 = tpu.memref_squeeze %dma_wait3A_2005 : memref<1x1x1x8x128xf32, #tpu.memory_space<hbm>> -> memref<8x128xf32, #tpu.memory_space<hbm>>
        %dma_wait3A_2007 = arith.constant 0 : i32
        %dma_wait3A_2008 = arith.constant 0 : i32
        %dma_wait3A_2009 = tpu.memref_slice %arg5[%select_n3A_1922, %dma_wait3A_1999, %select_n3A_1938, %dma_wait3A_2007, %dma_wait3A_2008] : memref<200x8x32x8x128xf32, #tpu.memory_space<hbm>> -> memref<1x1x1x8x128xf32, #tpu.memory_space<hbm>>
        %dma_wait3A_2010 = tpu.memref_squeeze %dma_wait3A_2009 : memref<1x1x1x8x128xf32, #tpu.memory_space<hbm>> -> memref<8x128xf32, #tpu.memory_space<hbm>>
        %dma_wait3A_2011 = arith.constant 32 : i32
        %dma_wait3A_2012 = arith.constant 0 : i32
        %dma_wait3A_2013 = tpu.memref_slice %arg18[%dma_wait3A_2011, %dma_wait3A_2012] : memref<64x128xf32, #tpu.memory_space<vmem>> -> memref<8x128xf32, #tpu.memory_space<vmem>>
        tpu.wait_dma2 semaphore(%arg30 : memref<!tpu.dma_semaphore, #tpu.memory_space<semaphore_mem>>) src(%dma_wait3A_2013 : memref<8x128xf32, #tpu.memory_space<vmem>>) dst(%dma_wait3A_2010 : memref<8x128xf32, #tpu.memory_space<hbm>>)
        %dma_wait3A_2014 = arith.constant 5 : i32
        %dma_wait3A_2015 = arith.constant 40 : i32
        %dma_wait3A_2016 = arith.constant 0 : i32
        %dma_wait3A_2017 = tpu.memref_slice %arg18[%dma_wait3A_2015, %dma_wait3A_2016] : memref<64x128xf32, #tpu.memory_space<vmem>> -> memref<8x128xf32, #tpu.memory_space<vmem>>
        %dma_wait3A_2018 = arith.constant 0 : i32
        %dma_wait3A_2019 = arith.constant 0 : i32
        %dma_wait3A_2020 = tpu.memref_slice %arg5[%select_n3A_1922, %dma_wait3A_2014, %select_n3A_1938, %dma_wait3A_2018, %dma_wait3A_2019] : memref<200x8x32x8x128xf32, #tpu.memory_space<hbm>> -> memref<1x1x1x8x128xf32, #tpu.memory_space<hbm>>
        %dma_wait3A_2021 = tpu.memref_squeeze %dma_wait3A_2020 : memref<1x1x1x8x128xf32, #tpu.memory_space<hbm>> -> memref<8x128xf32, #tpu.memory_space<hbm>>
        %dma_wait3A_2022 = arith.constant 0 : i32
        %dma_wait3A_2023 = arith.constant 0 : i32
        %dma_wait3A_2024 = tpu.memref_slice %arg5[%select_n3A_1922, %dma_wait3A_2014, %select_n3A_1938, %dma_wait3A_2022, %dma_wait3A_2023] : memref<200x8x32x8x128xf32, #tpu.memory_space<hbm>> -> memref<1x1x1x8x128xf32, #tpu.memory_space<hbm>>
        %dma_wait3A_2025 = tpu.memref_squeeze %dma_wait3A_2024 : memref<1x1x1x8x128xf32, #tpu.memory_space<hbm>> -> memref<8x128xf32, #tpu.memory_space<hbm>>
        %dma_wait3A_2026 = arith.constant 40 : i32
        %dma_wait3A_2027 = arith.constant 0 : i32
        %dma_wait3A_2028 = tpu.memref_slice %arg18[%dma_wait3A_2026, %dma_wait3A_2027] : memref<64x128xf32, #tpu.memory_space<vmem>> -> memref<8x128xf32, #tpu.memory_space<vmem>>
        tpu.wait_dma2 semaphore(%arg30 : memref<!tpu.dma_semaphore, #tpu.memory_space<semaphore_mem>>) src(%dma_wait3A_2028 : memref<8x128xf32, #tpu.memory_space<vmem>>) dst(%dma_wait3A_2025 : memref<8x128xf32, #tpu.memory_space<hbm>>)
        %dma_wait3A_2029 = arith.constant 6 : i32
        %dma_wait3A_2030 = arith.constant 48 : i32
        %dma_wait3A_2031 = arith.constant 0 : i32
        %dma_wait3A_2032 = tpu.memref_slice %arg18[%dma_wait3A_2030, %dma_wait3A_2031] : memref<64x128xf32, #tpu.memory_space<vmem>> -> memref<8x128xf32, #tpu.memory_space<vmem>>
        %dma_wait3A_2033 = arith.constant 0 : i32
        %dma_wait3A_2034 = arith.constant 0 : i32
        %dma_wait3A_2035 = tpu.memref_slice %arg5[%select_n3A_1922, %dma_wait3A_2029, %select_n3A_1938, %dma_wait3A_2033, %dma_wait3A_2034] : memref<200x8x32x8x128xf32, #tpu.memory_space<hbm>> -> memref<1x1x1x8x128xf32, #tpu.memory_space<hbm>>
        %dma_wait3A_2036 = tpu.memref_squeeze %dma_wait3A_2035 : memref<1x1x1x8x128xf32, #tpu.memory_space<hbm>> -> memref<8x128xf32, #tpu.memory_space<hbm>>
        %dma_wait3A_2037 = arith.constant 0 : i32
        %dma_wait3A_2038 = arith.constant 0 : i32
        %dma_wait3A_2039 = tpu.memref_slice %arg5[%select_n3A_1922, %dma_wait3A_2029, %select_n3A_1938, %dma_wait3A_2037, %dma_wait3A_2038] : memref<200x8x32x8x128xf32, #tpu.memory_space<hbm>> -> memref<1x1x1x8x128xf32, #tpu.memory_space<hbm>>
        %dma_wait3A_2040 = tpu.memref_squeeze %dma_wait3A_2039 : memref<1x1x1x8x128xf32, #tpu.memory_space<hbm>> -> memref<8x128xf32, #tpu.memory_space<hbm>>
        %dma_wait3A_2041 = arith.constant 48 : i32
        %dma_wait3A_2042 = arith.constant 0 : i32
        %dma_wait3A_2043 = tpu.memref_slice %arg18[%dma_wait3A_2041, %dma_wait3A_2042] : memref<64x128xf32, #tpu.memory_space<vmem>> -> memref<8x128xf32, #tpu.memory_space<vmem>>
        tpu.wait_dma2 semaphore(%arg30 : memref<!tpu.dma_semaphore, #tpu.memory_space<semaphore_mem>>) src(%dma_wait3A_2043 : memref<8x128xf32, #tpu.memory_space<vmem>>) dst(%dma_wait3A_2040 : memref<8x128xf32, #tpu.memory_space<hbm>>)
        %dma_wait3A_2044 = arith.constant 7 : i32
        %dma_wait3A_2045 = arith.constant 56 : i32
        %dma_wait3A_2046 = arith.constant 0 : i32
        %dma_wait3A_2047 = tpu.memref_slice %arg18[%dma_wait3A_2045, %dma_wait3A_2046] : memref<64x128xf32, #tpu.memory_space<vmem>> -> memref<8x128xf32, #tpu.memory_space<vmem>>
        %dma_wait3A_2048 = arith.constant 0 : i32
        %dma_wait3A_2049 = arith.constant 0 : i32
        %dma_wait3A_2050 = tpu.memref_slice %arg5[%select_n3A_1922, %dma_wait3A_2044, %select_n3A_1938, %dma_wait3A_2048, %dma_wait3A_2049] : memref<200x8x32x8x128xf32, #tpu.memory_space<hbm>> -> memref<1x1x1x8x128xf32, #tpu.memory_space<hbm>>
        %dma_wait3A_2051 = tpu.memref_squeeze %dma_wait3A_2050 : memref<1x1x1x8x128xf32, #tpu.memory_space<hbm>> -> memref<8x128xf32, #tpu.memory_space<hbm>>
        %dma_wait3A_2052 = arith.constant 0 : i32
        %dma_wait3A_2053 = arith.constant 0 : i32
        %dma_wait3A_2054 = tpu.memref_slice %arg5[%select_n3A_1922, %dma_wait3A_2044, %select_n3A_1938, %dma_wait3A_2052, %dma_wait3A_2053] : memref<200x8x32x8x128xf32, #tpu.memory_space<hbm>> -> memref<1x1x1x8x128xf32, #tpu.memory_space<hbm>>
        %dma_wait3A_2055 = tpu.memref_squeeze %dma_wait3A_2054 : memref<1x1x1x8x128xf32, #tpu.memory_space<hbm>> -> memref<8x128xf32, #tpu.memory_space<hbm>>
        %dma_wait3A_2056 = arith.constant 56 : i32
        %dma_wait3A_2057 = arith.constant 0 : i32
        %dma_wait3A_2058 = tpu.memref_slice %arg18[%dma_wait3A_2056, %dma_wait3A_2057] : memref<64x128xf32, #tpu.memory_space<vmem>> -> memref<8x128xf32, #tpu.memory_space<vmem>>
        tpu.wait_dma2 semaphore(%arg30 : memref<!tpu.dma_semaphore, #tpu.memory_space<semaphore_mem>>) src(%dma_wait3A_2058 : memref<8x128xf32, #tpu.memory_space<vmem>>) dst(%dma_wait3A_2055 : memref<8x128xf32, #tpu.memory_space<hbm>>)
      } else {
      }
      %add3A_1184 = arith.constant 2 : i32
      %add3A_1185 = arith.addi %add3A_963, %add3A_1184 : i32
      %lt3A_1186 = arith.constant 200 : i32
      %lt3A_1187 = arith.cmpi slt, %add3A_1185, %lt3A_1186 : i32
      %convert_element_type3A_1188 = arith.extui %lt3A_1187 : i1 to i32
      %cond3A_1189 = arith.constant 0 : i32
      %cond3A_1190 = arith.cmpi ne, %convert_element_type3A_1188, %cond3A_1189 : i32
      scf.if %cond3A_1190 {
        %add3A_1896 = arith.constant 2 : i32
        %add3A_1897 = arith.addi %add3A_963, %add3A_1896 : i32
        %add3A_1898 = arith.addi %mul3A_2, %add3A_1897 : i32
        %jit3A_1899 = arith.constant 32 : i32
        %div3A_1900 = arith.divsi %add3A_1898, %jit3A_1899 : i32
        %sign3A_1901 = arith.constant 0 : i32
        %sign3A_1902 = arith.cmpi sgt, %add3A_1898, %sign3A_1901 : i32
        %sign3A_1903 = arith.extui %sign3A_1902 : i1 to i32
        %sign3A_1904 = arith.constant 0 : i32
        %sign3A_1905 = arith.cmpi slt, %add3A_1898, %sign3A_1904 : i32
        %sign3A_1906 = arith.extui %sign3A_1905 : i1 to i32
        %sign3A_1907 = arith.subi %sign3A_1903, %sign3A_1906 : i32
        %sign3A_1908 = arith.constant 0 : i32
        %sign3A_1909 = arith.cmpi sgt, %jit3A_1899, %sign3A_1908 : i32
        %sign3A_1910 = arith.extui %sign3A_1909 : i1 to i32
        %sign3A_1911 = arith.constant 0 : i32
        %sign3A_1912 = arith.cmpi slt, %jit3A_1899, %sign3A_1911 : i32
        %sign3A_1913 = arith.extui %sign3A_1912 : i1 to i32
        %sign3A_1914 = arith.subi %sign3A_1910, %sign3A_1913 : i32
        %ne3A_1915 = arith.cmpi ne, %sign3A_1907, %sign3A_1914 : i32
        %rem3A_1916 = arith.remsi %add3A_1898, %jit3A_1899 : i32
        %ne3A_1917 = arith.constant 0 : i32
        %ne3A_1918 = arith.cmpi ne, %rem3A_1916, %ne3A_1917 : i32
        %and3A_1919 = arith.andi %ne3A_1915, %ne3A_1918 : i1
        %sub3A_1920 = arith.constant 1 : i32
        %sub3A_1921 = arith.subi %div3A_1900, %sub3A_1920 : i32
        %select_n3A_1922 = arith.select %and3A_1919, %sub3A_1921, %div3A_1900 : i32
        %jit3A_1923 = arith.constant 32 : i32
        %eq3A_1924 = arith.constant 0 : i32
        %eq3A_1925 = arith.cmpi eq, %jit3A_1923, %eq3A_1924 : i32
        %jit3A_1926 = arith.constant 1 : i32
        %select_n3A_1927 = arith.select %eq3A_1925, %jit3A_1926, %jit3A_1923 : i32
        %rem3A_1928 = arith.remsi %add3A_1898, %select_n3A_1927 : i32
        %ne3A_1929 = arith.constant 0 : i32
        %ne3A_1930 = arith.cmpi ne, %rem3A_1928, %ne3A_1929 : i32
        %lt3A_1931 = arith.constant 0 : i32
        %lt3A_1932 = arith.cmpi slt, %rem3A_1928, %lt3A_1931 : i32
        %lt3A_1933 = arith.constant 0 : i32
        %lt3A_1934 = arith.cmpi slt, %select_n3A_1927, %lt3A_1933 : i32
        %ne3A_1935 = arith.xori %lt3A_1932, %lt3A_1934 : i1
        %and3A_1936 = arith.andi %ne3A_1935, %ne3A_1930 : i1
        %add3A_1937 = arith.addi %rem3A_1928, %select_n3A_1927 : i32
        %select_n3A_1938 = arith.select %and3A_1936, %add3A_1937, %rem3A_1928 : i32
        %mul3A_1939 = arith.constant 128 : i32
        %mul3A_1940 = arith.muli %select_n3A_1938, %mul3A_1939 : i32
        %dma_wait3A_1941 = tpu.memref_slice %arg2[%select_n3A_1922, %mul3A_1940] : memref<200x4096xi32, #tpu.memory_space<hbm>> -> memref<1x128xi32, #tpu.memory_space<hbm>>
        %dma_wait3A_1942 = tpu.memref_squeeze %dma_wait3A_1941 : memref<1x128xi32, #tpu.memory_space<hbm>> -> memref<128xi32, #tpu.memory_space<hbm>>
        %dma_wait3A_1943 = tpu.memref_slice %arg2[%select_n3A_1922, %mul3A_1940] : memref<200x4096xi32, #tpu.memory_space<hbm>> -> memref<1x128xi32, #tpu.memory_space<hbm>>
        %dma_wait3A_1944 = tpu.memref_squeeze %dma_wait3A_1943 : memref<1x128xi32, #tpu.memory_space<hbm>> -> memref<128xi32, #tpu.memory_space<hbm>>
        tpu.wait_dma2 semaphore(%arg22 : memref<!tpu.dma_semaphore, #tpu.memory_space<semaphore_mem>>) src(%dma_wait3A_1944 : memref<128xi32, #tpu.memory_space<hbm>>) dst(%arg10 : memref<128xi32, #tpu.memory_space<vmem>>)
        %add3A_1945 = arith.constant 2 : i32
        %add3A_1946 = arith.addi %add3A_963, %add3A_1945 : i32
        %dma_start3A_1947 = arith.constant 0 : i32
        %dma_start3A_1948 = arith.constant 0 : i32
        %dma_start3A_1949 = tpu.memref_slice %arg3[%dma_start3A_1947, %dma_start3A_1948] : memref<100000x64xf32, #tpu.memory_space<hbm>> -> memref<100000x64xf32, #tpu.memory_space<hbm>>
        tpu.enqueue_indirect_dma source(%dma_start3A_1949 : memref<100000x64xf32, #tpu.memory_space<hbm>>) target(%arg14 : memref<128x64xf32, #tpu.memory_space<vmem>>) offsets(%arg10 : memref<128xi32, #tpu.memory_space<vmem>>) semaphore(%arg26 : memref<!tpu.dma_semaphore, #tpu.memory_space<semaphore_mem>>)
      } else {
      }
      %mul3A_1191 = arith.constant 4 : i32
      %mul3A_1192 = arith.muli %scan3A_959, %mul3A_1191 : i32
      %add3A_1193 = arith.constant 1 : i32
      %add3A_1194 = arith.addi %mul3A_1192, %add3A_1193 : i32
      %dma_wait3A_1195 = arith.constant 0 : i32
      %dma_wait3A_1196 = arith.constant 0 : i32
      %dma_wait3A_1197 = tpu.memref_slice %arg3[%dma_wait3A_1195, %dma_wait3A_1196] : memref<100000x64xf32, #tpu.memory_space<hbm>> -> memref<100000x64xf32, #tpu.memory_space<hbm>>
      tpu.wait_indirect_dma semaphore(%arg25 : memref<!tpu.dma_semaphore, #tpu.memory_space<semaphore_mem>>) src(%dma_wait3A_1197 : memref<100000x64xf32, #tpu.memory_space<hbm>>) dst(%arg13 : memref<128x64xf32, #tpu.memory_space<vmem>>)
      %add3A_1198 = arith.addi %mul3A_2, %add3A_1194 : i32
      %jit3A_1199 = arith.constant 32 : i32
      %div3A_1200 = arith.divsi %add3A_1198, %jit3A_1199 : i32
      %sign3A_1201 = arith.constant 0 : i32
      %sign3A_1202 = arith.cmpi sgt, %add3A_1198, %sign3A_1201 : i32
      %sign3A_1203 = arith.extui %sign3A_1202 : i1 to i32
      %sign3A_1204 = arith.constant 0 : i32
      %sign3A_1205 = arith.cmpi slt, %add3A_1198, %sign3A_1204 : i32
      %sign3A_1206 = arith.extui %sign3A_1205 : i1 to i32
      %sign3A_1207 = arith.subi %sign3A_1203, %sign3A_1206 : i32
      %sign3A_1208 = arith.constant 0 : i32
      %sign3A_1209 = arith.cmpi sgt, %jit3A_1199, %sign3A_1208 : i32
      %sign3A_1210 = arith.extui %sign3A_1209 : i1 to i32
      %sign3A_1211 = arith.constant 0 : i32
      %sign3A_1212 = arith.cmpi slt, %jit3A_1199, %sign3A_1211 : i32
      %sign3A_1213 = arith.extui %sign3A_1212 : i1 to i32
      %sign3A_1214 = arith.subi %sign3A_1210, %sign3A_1213 : i32
      %ne3A_1215 = arith.cmpi ne, %sign3A_1207, %sign3A_1214 : i32
      %rem3A_1216 = arith.remsi %add3A_1198, %jit3A_1199 : i32
      %ne3A_1217 = arith.constant 0 : i32
      %ne3A_1218 = arith.cmpi ne, %rem3A_1216, %ne3A_1217 : i32
      %and3A_1219 = arith.andi %ne3A_1215, %ne3A_1218 : i1
      %sub3A_1220 = arith.constant 1 : i32
      %sub3A_1221 = arith.subi %div3A_1200, %sub3A_1220 : i32
      %select_n3A_1222 = arith.select %and3A_1219, %sub3A_1221, %div3A_1200 : i32
      %jit3A_1223 = arith.constant 32 : i32
      %eq3A_1224 = arith.constant 0 : i32
      %eq3A_1225 = arith.cmpi eq, %jit3A_1223, %eq3A_1224 : i32
      %jit3A_1226 = arith.constant 1 : i32
      %select_n3A_1227 = arith.select %eq3A_1225, %jit3A_1226, %jit3A_1223 : i32
      %rem3A_1228 = arith.remsi %add3A_1198, %select_n3A_1227 : i32
      %ne3A_1229 = arith.constant 0 : i32
      %ne3A_1230 = arith.cmpi ne, %rem3A_1228, %ne3A_1229 : i32
      %lt3A_1231 = arith.constant 0 : i32
      %lt3A_1232 = arith.cmpi slt, %rem3A_1228, %lt3A_1231 : i32
      %lt3A_1233 = arith.constant 0 : i32
      %lt3A_1234 = arith.cmpi slt, %select_n3A_1227, %lt3A_1233 : i32
      %ne3A_1235 = arith.xori %lt3A_1232, %lt3A_1234 : i1
      %and3A_1236 = arith.andi %ne3A_1235, %ne3A_1230 : i1
      %add3A_1237 = arith.addi %rem3A_1228, %select_n3A_1227 : i32
      %select_n3A_1238 = arith.select %and3A_1236, %add3A_1237, %rem3A_1228 : i32
      %mul3A_1239 = arith.constant 64 : i32
      %mul3A_1240 = arith.muli %select_n3A_1222, %mul3A_1239 : i32
      %add3A_1241 = vector.broadcast %mul3A_1240 : i32 to vector<16xi32>
      %add3A_1242 = arith.addi %mul3A_29, %add3A_1241 : vector<16xi32>
      %parallel_loop3A_1243 = arith.constant 0 : i32
      %parallel_loop3A_1244 = arith.constant 64 : i32
      %parallel_loop3A_1245 = arith.constant 16 : i32
      scf.for %parallel_loop3A_1896 = %parallel_loop3A_1243 to %parallel_loop3A_1244 step %parallel_loop3A_1245  : i32 {
        %parallel_loop3A_1897 = arith.constant 0 : i32
        %parallel_loop3A_1898 = arith.constant 16 : i32
        %parallel_loop3A_1899 = arith.constant 1 : i32
        scf.for %parallel_loop3A_1900 = %parallel_loop3A_1897 to %parallel_loop3A_1898 step %parallel_loop3A_1899  : i32 {
          %parallel_loop3A_1901 = arith.index_cast %parallel_loop3A_1900 : i32 to index
          %parallel_loop3A_1902 = arith.constant 0 : index
          %parallel_loop3A_1903 = tpu.vector_load %arg7[%parallel_loop3A_1901, %parallel_loop3A_1902] {strides = array<i32>} : memref<16x16xi32, #tpu.memory_space<vmem>>, vector<16xi32>,
          %parallel_loop3A_1904 = vector.broadcast %parallel_loop3A_1896 : i32 to vector<16xi32>
          %parallel_loop3A_1905 = arith.addi %parallel_loop3A_1903, %parallel_loop3A_1904 : vector<16xi32>
          %parallel_loop3A_1906 = arith.addi %add3A_1242, %parallel_loop3A_1905 : vector<16xi32>
          %parallel_loop3A_1907 = tpu.vector_load_idx %arg6[%parallel_loop3A_1906] : memref<12800xf32, #tpu.memory_space<vmem>>[vector<16xi32>], vector<16xf32>,
          %parallel_loop3A_1908 = tpu.vector_load_idx %arg13[%add3A_5, %parallel_loop3A_1905] : memref<128x64xf32, #tpu.memory_space<vmem>>[vector<16xi32>, vector<16xi32>], vector<16xf32>,
          %parallel_loop3A_1909 = arith.addf %parallel_loop3A_1908, %parallel_loop3A_1907 : vector<16xf32>
          tpu.vector_store_idx %arg17[%parallel_loop3A_1905, %add3A_5], %parallel_loop3A_1909 : memref<64x128xf32, #tpu.memory_space<vmem>>[vector<16xi32>, vector<16xi32>], vector<16xf32>,
          %parallel_loop3A_1910 = tpu.vector_load_idx %arg13[%add3A_8, %parallel_loop3A_1905] : memref<128x64xf32, #tpu.memory_space<vmem>>[vector<16xi32>, vector<16xi32>], vector<16xf32>,
          %parallel_loop3A_1911 = arith.addf %parallel_loop3A_1910, %parallel_loop3A_1907 : vector<16xf32>
          tpu.vector_store_idx %arg17[%parallel_loop3A_1905, %add3A_8], %parallel_loop3A_1911 : memref<64x128xf32, #tpu.memory_space<vmem>>[vector<16xi32>, vector<16xi32>], vector<16xf32>,
          %parallel_loop3A_1912 = tpu.vector_load_idx %arg13[%add3A_11, %parallel_loop3A_1905] : memref<128x64xf32, #tpu.memory_space<vmem>>[vector<16xi32>, vector<16xi32>], vector<16xf32>,
          %parallel_loop3A_1913 = arith.addf %parallel_loop3A_1912, %parallel_loop3A_1907 : vector<16xf32>
          tpu.vector_store_idx %arg17[%parallel_loop3A_1905, %add3A_11], %parallel_loop3A_1913 : memref<64x128xf32, #tpu.memory_space<vmem>>[vector<16xi32>, vector<16xi32>], vector<16xf32>,
          %parallel_loop3A_1914 = tpu.vector_load_idx %arg13[%add3A_14, %parallel_loop3A_1905] : memref<128x64xf32, #tpu.memory_space<vmem>>[vector<16xi32>, vector<16xi32>], vector<16xf32>,
          %parallel_loop3A_1915 = arith.addf %parallel_loop3A_1914, %parallel_loop3A_1907 : vector<16xf32>
          tpu.vector_store_idx %arg17[%parallel_loop3A_1905, %add3A_14], %parallel_loop3A_1915 : memref<64x128xf32, #tpu.memory_space<vmem>>[vector<16xi32>, vector<16xi32>], vector<16xf32>,
          %parallel_loop3A_1916 = tpu.vector_load_idx %arg13[%add3A_17, %parallel_loop3A_1905] : memref<128x64xf32, #tpu.memory_space<vmem>>[vector<16xi32>, vector<16xi32>], vector<16xf32>,
          %parallel_loop3A_1917 = arith.addf %parallel_loop3A_1916, %parallel_loop3A_1907 : vector<16xf32>
          tpu.vector_store_idx %arg17[%parallel_loop3A_1905, %add3A_17], %parallel_loop3A_1917 : memref<64x128xf32, #tpu.memory_space<vmem>>[vector<16xi32>, vector<16xi32>], vector<16xf32>,
          %parallel_loop3A_1918 = tpu.vector_load_idx %arg13[%add3A_20, %parallel_loop3A_1905] : memref<128x64xf32, #tpu.memory_space<vmem>>[vector<16xi32>, vector<16xi32>], vector<16xf32>,
          %parallel_loop3A_1919 = arith.addf %parallel_loop3A_1918, %parallel_loop3A_1907 : vector<16xf32>
          tpu.vector_store_idx %arg17[%parallel_loop3A_1905, %add3A_20], %parallel_loop3A_1919 : memref<64x128xf32, #tpu.memory_space<vmem>>[vector<16xi32>, vector<16xi32>], vector<16xf32>,
          %parallel_loop3A_1920 = tpu.vector_load_idx %arg13[%add3A_23, %parallel_loop3A_1905] : memref<128x64xf32, #tpu.memory_space<vmem>>[vector<16xi32>, vector<16xi32>], vector<16xf32>,
          %parallel_loop3A_1921 = arith.addf %parallel_loop3A_1920, %parallel_loop3A_1907 : vector<16xf32>
          tpu.vector_store_idx %arg17[%parallel_loop3A_1905, %add3A_23], %parallel_loop3A_1921 : memref<64x128xf32, #tpu.memory_space<vmem>>[vector<16xi32>, vector<16xi32>], vector<16xf32>,
          %parallel_loop3A_1922 = tpu.vector_load_idx %arg13[%add3A_26, %parallel_loop3A_1905] : memref<128x64xf32, #tpu.memory_space<vmem>>[vector<16xi32>, vector<16xi32>], vector<16xf32>,
          %parallel_loop3A_1923 = arith.addf %parallel_loop3A_1922, %parallel_loop3A_1907 : vector<16xf32>
          tpu.vector_store_idx %arg17[%parallel_loop3A_1905, %add3A_26], %parallel_loop3A_1923 : memref<64x128xf32, #tpu.memory_space<vmem>>[vector<16xi32>, vector<16xi32>], vector<16xf32>,
        } {sc.loop_unroll_factor = 4 : i64, sc.parallel_access}
      } {sc.loop_unroll_factor = 1 : i64, sc.parallel_access}
      %add3A_1246 = arith.addi %mul3A_2, %add3A_1194 : i32
      %jit3A_1247 = arith.constant 32 : i32
      %div3A_1248 = arith.divsi %add3A_1246, %jit3A_1247 : i32
      %sign3A_1249 = arith.constant 0 : i32
      %sign3A_1250 = arith.cmpi sgt, %add3A_1246, %sign3A_1249 : i32
      %sign3A_1251 = arith.extui %sign3A_1250 : i1 to i32
      %sign3A_1252 = arith.constant 0 : i32
      %sign3A_1253 = arith.cmpi slt, %add3A_1246, %sign3A_1252 : i32
      %sign3A_1254 = arith.extui %sign3A_1253 : i1 to i32
      %sign3A_1255 = arith.subi %sign3A_1251, %sign3A_1254 : i32
      %sign3A_1256 = arith.constant 0 : i32
      %sign3A_1257 = arith.cmpi sgt, %jit3A_1247, %sign3A_1256 : i32
      %sign3A_1258 = arith.extui %sign3A_1257 : i1 to i32
      %sign3A_1259 = arith.constant 0 : i32
      %sign3A_1260 = arith.cmpi slt, %jit3A_1247, %sign3A_1259 : i32
      %sign3A_1261 = arith.extui %sign3A_1260 : i1 to i32
      %sign3A_1262 = arith.subi %sign3A_1258, %sign3A_1261 : i32
      %ne3A_1263 = arith.cmpi ne, %sign3A_1255, %sign3A_1262 : i32
      %rem3A_1264 = arith.remsi %add3A_1246, %jit3A_1247 : i32
      %ne3A_1265 = arith.constant 0 : i32
      %ne3A_1266 = arith.cmpi ne, %rem3A_1264, %ne3A_1265 : i32
      %and3A_1267 = arith.andi %ne3A_1263, %ne3A_1266 : i1
      %sub3A_1268 = arith.constant 1 : i32
      %sub3A_1269 = arith.subi %div3A_1248, %sub3A_1268 : i32
      %select_n3A_1270 = arith.select %and3A_1267, %sub3A_1269, %div3A_1248 : i32
      %jit3A_1271 = arith.constant 32 : i32
      %eq3A_1272 = arith.constant 0 : i32
      %eq3A_1273 = arith.cmpi eq, %jit3A_1271, %eq3A_1272 : i32
      %jit3A_1274 = arith.constant 1 : i32
      %select_n3A_1275 = arith.select %eq3A_1273, %jit3A_1274, %jit3A_1271 : i32
      %rem3A_1276 = arith.remsi %add3A_1246, %select_n3A_1275 : i32
      %ne3A_1277 = arith.constant 0 : i32
      %ne3A_1278 = arith.cmpi ne, %rem3A_1276, %ne3A_1277 : i32
      %lt3A_1279 = arith.constant 0 : i32
      %lt3A_1280 = arith.cmpi slt, %rem3A_1276, %lt3A_1279 : i32
      %lt3A_1281 = arith.constant 0 : i32
      %lt3A_1282 = arith.cmpi slt, %select_n3A_1275, %lt3A_1281 : i32
      %ne3A_1283 = arith.xori %lt3A_1280, %lt3A_1282 : i1
      %and3A_1284 = arith.andi %ne3A_1283, %ne3A_1278 : i1
      %add3A_1285 = arith.addi %rem3A_1276, %select_n3A_1275 : i32
      %select_n3A_1286 = arith.select %and3A_1284, %add3A_1285, %rem3A_1276 : i32
      %dma_start3A_1287 = arith.constant 0 : i32
      %dma_start3A_1288 = arith.constant 0 : i32
      %dma_start3A_1289 = arith.constant 0 : i32
      %dma_start3A_1290 = tpu.memref_slice %arg17[%dma_start3A_1288, %dma_start3A_1289] : memref<64x128xf32, #tpu.memory_space<vmem>> -> memref<8x128xf32, #tpu.memory_space<vmem>>
      %dma_start3A_1291 = arith.constant 0 : i32
      %dma_start3A_1292 = arith.constant 0 : i32
      %dma_start3A_1293 = tpu.memref_slice %arg5[%select_n3A_1270, %dma_start3A_1287, %select_n3A_1286, %dma_start3A_1291, %dma_start3A_1292] : memref<200x8x32x8x128xf32, #tpu.memory_space<hbm>> -> memref<1x1x1x8x128xf32, #tpu.memory_space<hbm>>
      %dma_start3A_1294 = tpu.memref_squeeze %dma_start3A_1293 : memref<1x1x1x8x128xf32, #tpu.memory_space<hbm>> -> memref<8x128xf32, #tpu.memory_space<hbm>>
      %dma_start3A_1295 = arith.constant 0 : i32
      %dma_start3A_1296 = arith.constant 0 : i32
      %dma_start3A_1297 = tpu.memref_slice %arg5[%select_n3A_1270, %dma_start3A_1287, %select_n3A_1286, %dma_start3A_1295, %dma_start3A_1296] : memref<200x8x32x8x128xf32, #tpu.memory_space<hbm>> -> memref<1x1x1x8x128xf32, #tpu.memory_space<hbm>>
      %dma_start3A_1298 = tpu.memref_squeeze %dma_start3A_1297 : memref<1x1x1x8x128xf32, #tpu.memory_space<hbm>> -> memref<8x128xf32, #tpu.memory_space<hbm>>
      %dma_start3A_1299 = arith.constant 0 : i32
      %dma_start3A_1300 = arith.constant 0 : i32
      %dma_start3A_1301 = tpu.memref_slice %arg17[%dma_start3A_1299, %dma_start3A_1300] : memref<64x128xf32, #tpu.memory_space<vmem>> -> memref<8x128xf32, #tpu.memory_space<vmem>>
      tpu.enqueue_dma source(%dma_start3A_1301 : memref<8x128xf32, #tpu.memory_space<vmem>>) target(%dma_start3A_1298 : memref<8x128xf32, #tpu.memory_space<hbm>>) target_semaphore(%arg29 : memref<!tpu.dma_semaphore, #tpu.memory_space<semaphore_mem>>)
      %dma_start3A_1302 = arith.constant 1 : i32
      %dma_start3A_1303 = arith.constant 8 : i32
      %dma_start3A_1304 = arith.constant 0 : i32
      %dma_start3A_1305 = tpu.memref_slice %arg17[%dma_start3A_1303, %dma_start3A_1304] : memref<64x128xf32, #tpu.memory_space<vmem>> -> memref<8x128xf32, #tpu.memory_space<vmem>>
      %dma_start3A_1306 = arith.constant 0 : i32
      %dma_start3A_1307 = arith.constant 0 : i32
      %dma_start3A_1308 = tpu.memref_slice %arg5[%select_n3A_1270, %dma_start3A_1302, %select_n3A_1286, %dma_start3A_1306, %dma_start3A_1307] : memref<200x8x32x8x128xf32, #tpu.memory_space<hbm>> -> memref<1x1x1x8x128xf32, #tpu.memory_space<hbm>>
      %dma_start3A_1309 = tpu.memref_squeeze %dma_start3A_1308 : memref<1x1x1x8x128xf32, #tpu.memory_space<hbm>> -> memref<8x128xf32, #tpu.memory_space<hbm>>
      %dma_start3A_1310 = arith.constant 0 : i32
      %dma_start3A_1311 = arith.constant 0 : i32
      %dma_start3A_1312 = tpu.memref_slice %arg5[%select_n3A_1270, %dma_start3A_1302, %select_n3A_1286, %dma_start3A_1310, %dma_start3A_1311] : memref<200x8x32x8x128xf32, #tpu.memory_space<hbm>> -> memref<1x1x1x8x128xf32, #tpu.memory_space<hbm>>
      %dma_start3A_1313 = tpu.memref_squeeze %dma_start3A_1312 : memref<1x1x1x8x128xf32, #tpu.memory_space<hbm>> -> memref<8x128xf32, #tpu.memory_space<hbm>>
      %dma_start3A_1314 = arith.constant 8 : i32
      %dma_start3A_1315 = arith.constant 0 : i32
      %dma_start3A_1316 = tpu.memref_slice %arg17[%dma_start3A_1314, %dma_start3A_1315] : memref<64x128xf32, #tpu.memory_space<vmem>> -> memref<8x128xf32, #tpu.memory_space<vmem>>
      tpu.enqueue_dma source(%dma_start3A_1316 : memref<8x128xf32, #tpu.memory_space<vmem>>) target(%dma_start3A_1313 : memref<8x128xf32, #tpu.memory_space<hbm>>) target_semaphore(%arg29 : memref<!tpu.dma_semaphore, #tpu.memory_space<semaphore_mem>>)
      %dma_start3A_1317 = arith.constant 2 : i32
      %dma_start3A_1318 = arith.constant 16 : i32
      %dma_start3A_1319 = arith.constant 0 : i32
      %dma_start3A_1320 = tpu.memref_slice %arg17[%dma_start3A_1318, %dma_start3A_1319] : memref<64x128xf32, #tpu.memory_space<vmem>> -> memref<8x128xf32, #tpu.memory_space<vmem>>
      %dma_start3A_1321 = arith.constant 0 : i32
      %dma_start3A_1322 = arith.constant 0 : i32
      %dma_start3A_1323 = tpu.memref_slice %arg5[%select_n3A_1270, %dma_start3A_1317, %select_n3A_1286, %dma_start3A_1321, %dma_start3A_1322] : memref<200x8x32x8x128xf32, #tpu.memory_space<hbm>> -> memref<1x1x1x8x128xf32, #tpu.memory_space<hbm>>
      %dma_start3A_1324 = tpu.memref_squeeze %dma_start3A_1323 : memref<1x1x1x8x128xf32, #tpu.memory_space<hbm>> -> memref<8x128xf32, #tpu.memory_space<hbm>>
      %dma_start3A_1325 = arith.constant 0 : i32
      %dma_start3A_1326 = arith.constant 0 : i32
      %dma_start3A_1327 = tpu.memref_slice %arg5[%select_n3A_1270, %dma_start3A_1317, %select_n3A_1286, %dma_start3A_1325, %dma_start3A_1326] : memref<200x8x32x8x128xf32, #tpu.memory_space<hbm>> -> memref<1x1x1x8x128xf32, #tpu.memory_space<hbm>>
      %dma_start3A_1328 = tpu.memref_squeeze %dma_start3A_1327 : memref<1x1x1x8x128xf32, #tpu.memory_space<hbm>> -> memref<8x128xf32, #tpu.memory_space<hbm>>
      %dma_start3A_1329 = arith.constant 16 : i32
      %dma_start3A_1330 = arith.constant 0 : i32
      %dma_start3A_1331 = tpu.memref_slice %arg17[%dma_start3A_1329, %dma_start3A_1330] : memref<64x128xf32, #tpu.memory_space<vmem>> -> memref<8x128xf32, #tpu.memory_space<vmem>>
      tpu.enqueue_dma source(%dma_start3A_1331 : memref<8x128xf32, #tpu.memory_space<vmem>>) target(%dma_start3A_1328 : memref<8x128xf32, #tpu.memory_space<hbm>>) target_semaphore(%arg29 : memref<!tpu.dma_semaphore, #tpu.memory_space<semaphore_mem>>)
      %dma_start3A_1332 = arith.constant 3 : i32
      %dma_start3A_1333 = arith.constant 24 : i32
      %dma_start3A_1334 = arith.constant 0 : i32
      %dma_start3A_1335 = tpu.memref_slice %arg17[%dma_start3A_1333, %dma_start3A_1334] : memref<64x128xf32, #tpu.memory_space<vmem>> -> memref<8x128xf32, #tpu.memory_space<vmem>>
      %dma_start3A_1336 = arith.constant 0 : i32
      %dma_start3A_1337 = arith.constant 0 : i32
      %dma_start3A_1338 = tpu.memref_slice %arg5[%select_n3A_1270, %dma_start3A_1332, %select_n3A_1286, %dma_start3A_1336, %dma_start3A_1337] : memref<200x8x32x8x128xf32, #tpu.memory_space<hbm>> -> memref<1x1x1x8x128xf32, #tpu.memory_space<hbm>>
      %dma_start3A_1339 = tpu.memref_squeeze %dma_start3A_1338 : memref<1x1x1x8x128xf32, #tpu.memory_space<hbm>> -> memref<8x128xf32, #tpu.memory_space<hbm>>
      %dma_start3A_1340 = arith.constant 0 : i32
      %dma_start3A_1341 = arith.constant 0 : i32
      %dma_start3A_1342 = tpu.memref_slice %arg5[%select_n3A_1270, %dma_start3A_1332, %select_n3A_1286, %dma_start3A_1340, %dma_start3A_1341] : memref<200x8x32x8x128xf32, #tpu.memory_space<hbm>> -> memref<1x1x1x8x128xf32, #tpu.memory_space<hbm>>
      %dma_start3A_1343 = tpu.memref_squeeze %dma_start3A_1342 : memref<1x1x1x8x128xf32, #tpu.memory_space<hbm>> -> memref<8x128xf32, #tpu.memory_space<hbm>>
      %dma_start3A_1344 = arith.constant 24 : i32
      %dma_start3A_1345 = arith.constant 0 : i32
      %dma_start3A_1346 = tpu.memref_slice %arg17[%dma_start3A_1344, %dma_start3A_1345] : memref<64x128xf32, #tpu.memory_space<vmem>> -> memref<8x128xf32, #tpu.memory_space<vmem>>
      tpu.enqueue_dma source(%dma_start3A_1346 : memref<8x128xf32, #tpu.memory_space<vmem>>) target(%dma_start3A_1343 : memref<8x128xf32, #tpu.memory_space<hbm>>) target_semaphore(%arg29 : memref<!tpu.dma_semaphore, #tpu.memory_space<semaphore_mem>>)
      %dma_start3A_1347 = arith.constant 4 : i32
      %dma_start3A_1348 = arith.constant 32 : i32
      %dma_start3A_1349 = arith.constant 0 : i32
      %dma_start3A_1350 = tpu.memref_slice %arg17[%dma_start3A_1348, %dma_start3A_1349] : memref<64x128xf32, #tpu.memory_space<vmem>> -> memref<8x128xf32, #tpu.memory_space<vmem>>
      %dma_start3A_1351 = arith.constant 0 : i32
      %dma_start3A_1352 = arith.constant 0 : i32
      %dma_start3A_1353 = tpu.memref_slice %arg5[%select_n3A_1270, %dma_start3A_1347, %select_n3A_1286, %dma_start3A_1351, %dma_start3A_1352] : memref<200x8x32x8x128xf32, #tpu.memory_space<hbm>> -> memref<1x1x1x8x128xf32, #tpu.memory_space<hbm>>
      %dma_start3A_1354 = tpu.memref_squeeze %dma_start3A_1353 : memref<1x1x1x8x128xf32, #tpu.memory_space<hbm>> -> memref<8x128xf32, #tpu.memory_space<hbm>>
      %dma_start3A_1355 = arith.constant 0 : i32
      %dma_start3A_1356 = arith.constant 0 : i32
      %dma_start3A_1357 = tpu.memref_slice %arg5[%select_n3A_1270, %dma_start3A_1347, %select_n3A_1286, %dma_start3A_1355, %dma_start3A_1356] : memref<200x8x32x8x128xf32, #tpu.memory_space<hbm>> -> memref<1x1x1x8x128xf32, #tpu.memory_space<hbm>>
      %dma_start3A_1358 = tpu.memref_squeeze %dma_start3A_1357 : memref<1x1x1x8x128xf32, #tpu.memory_space<hbm>> -> memref<8x128xf32, #tpu.memory_space<hbm>>
      %dma_start3A_1359 = arith.constant 32 : i32
      %dma_start3A_1360 = arith.constant 0 : i32
      %dma_start3A_1361 = tpu.memref_slice %arg17[%dma_start3A_1359, %dma_start3A_1360] : memref<64x128xf32, #tpu.memory_space<vmem>> -> memref<8x128xf32, #tpu.memory_space<vmem>>
      tpu.enqueue_dma source(%dma_start3A_1361 : memref<8x128xf32, #tpu.memory_space<vmem>>) target(%dma_start3A_1358 : memref<8x128xf32, #tpu.memory_space<hbm>>) target_semaphore(%arg29 : memref<!tpu.dma_semaphore, #tpu.memory_space<semaphore_mem>>)
      %dma_start3A_1362 = arith.constant 5 : i32
      %dma_start3A_1363 = arith.constant 40 : i32
      %dma_start3A_1364 = arith.constant 0 : i32
      %dma_start3A_1365 = tpu.memref_slice %arg17[%dma_start3A_1363, %dma_start3A_1364] : memref<64x128xf32, #tpu.memory_space<vmem>> -> memref<8x128xf32, #tpu.memory_space<vmem>>
      %dma_start3A_1366 = arith.constant 0 : i32
      %dma_start3A_1367 = arith.constant 0 : i32
      %dma_start3A_1368 = tpu.memref_slice %arg5[%select_n3A_1270, %dma_start3A_1362, %select_n3A_1286, %dma_start3A_1366, %dma_start3A_1367] : memref<200x8x32x8x128xf32, #tpu.memory_space<hbm>> -> memref<1x1x1x8x128xf32, #tpu.memory_space<hbm>>
      %dma_start3A_1369 = tpu.memref_squeeze %dma_start3A_1368 : memref<1x1x1x8x128xf32, #tpu.memory_space<hbm>> -> memref<8x128xf32, #tpu.memory_space<hbm>>
      %dma_start3A_1370 = arith.constant 0 : i32
      %dma_start3A_1371 = arith.constant 0 : i32
      %dma_start3A_1372 = tpu.memref_slice %arg5[%select_n3A_1270, %dma_start3A_1362, %select_n3A_1286, %dma_start3A_1370, %dma_start3A_1371] : memref<200x8x32x8x128xf32, #tpu.memory_space<hbm>> -> memref<1x1x1x8x128xf32, #tpu.memory_space<hbm>>
      %dma_start3A_1373 = tpu.memref_squeeze %dma_start3A_1372 : memref<1x1x1x8x128xf32, #tpu.memory_space<hbm>> -> memref<8x128xf32, #tpu.memory_space<hbm>>
      %dma_start3A_1374 = arith.constant 40 : i32
      %dma_start3A_1375 = arith.constant 0 : i32
      %dma_start3A_1376 = tpu.memref_slice %arg17[%dma_start3A_1374, %dma_start3A_1375] : memref<64x128xf32, #tpu.memory_space<vmem>> -> memref<8x128xf32, #tpu.memory_space<vmem>>
      tpu.enqueue_dma source(%dma_start3A_1376 : memref<8x128xf32, #tpu.memory_space<vmem>>) target(%dma_start3A_1373 : memref<8x128xf32, #tpu.memory_space<hbm>>) target_semaphore(%arg29 : memref<!tpu.dma_semaphore, #tpu.memory_space<semaphore_mem>>)
      %dma_start3A_1377 = arith.constant 6 : i32
      %dma_start3A_1378 = arith.constant 48 : i32
      %dma_start3A_1379 = arith.constant 0 : i32
      %dma_start3A_1380 = tpu.memref_slice %arg17[%dma_start3A_1378, %dma_start3A_1379] : memref<64x128xf32, #tpu.memory_space<vmem>> -> memref<8x128xf32, #tpu.memory_space<vmem>>
      %dma_start3A_1381 = arith.constant 0 : i32
      %dma_start3A_1382 = arith.constant 0 : i32
      %dma_start3A_1383 = tpu.memref_slice %arg5[%select_n3A_1270, %dma_start3A_1377, %select_n3A_1286, %dma_start3A_1381, %dma_start3A_1382] : memref<200x8x32x8x128xf32, #tpu.memory_space<hbm>> -> memref<1x1x1x8x128xf32, #tpu.memory_space<hbm>>
      %dma_start3A_1384 = tpu.memref_squeeze %dma_start3A_1383 : memref<1x1x1x8x128xf32, #tpu.memory_space<hbm>> -> memref<8x128xf32, #tpu.memory_space<hbm>>
      %dma_start3A_1385 = arith.constant 0 : i32
      %dma_start3A_1386 = arith.constant 0 : i32
      %dma_start3A_1387 = tpu.memref_slice %arg5[%select_n3A_1270, %dma_start3A_1377, %select_n3A_1286, %dma_start3A_1385, %dma_start3A_1386] : memref<200x8x32x8x128xf32, #tpu.memory_space<hbm>> -> memref<1x1x1x8x128xf32, #tpu.memory_space<hbm>>
      %dma_start3A_1388 = tpu.memref_squeeze %dma_start3A_1387 : memref<1x1x1x8x128xf32, #tpu.memory_space<hbm>> -> memref<8x128xf32, #tpu.memory_space<hbm>>
      %dma_start3A_1389 = arith.constant 48 : i32
      %dma_start3A_1390 = arith.constant 0 : i32
      %dma_start3A_1391 = tpu.memref_slice %arg17[%dma_start3A_1389, %dma_start3A_1390] : memref<64x128xf32, #tpu.memory_space<vmem>> -> memref<8x128xf32, #tpu.memory_space<vmem>>
      tpu.enqueue_dma source(%dma_start3A_1391 : memref<8x128xf32, #tpu.memory_space<vmem>>) target(%dma_start3A_1388 : memref<8x128xf32, #tpu.memory_space<hbm>>) target_semaphore(%arg29 : memref<!tpu.dma_semaphore, #tpu.memory_space<semaphore_mem>>)
      %dma_start3A_1392 = arith.constant 7 : i32
      %dma_start3A_1393 = arith.constant 56 : i32
      %dma_start3A_1394 = arith.constant 0 : i32
      %dma_start3A_1395 = tpu.memref_slice %arg17[%dma_start3A_1393, %dma_start3A_1394] : memref<64x128xf32, #tpu.memory_space<vmem>> -> memref<8x128xf32, #tpu.memory_space<vmem>>
      %dma_start3A_1396 = arith.constant 0 : i32
      %dma_start3A_1397 = arith.constant 0 : i32
      %dma_start3A_1398 = tpu.memref_slice %arg5[%select_n3A_1270, %dma_start3A_1392, %select_n3A_1286, %dma_start3A_1396, %dma_start3A_1397] : memref<200x8x32x8x128xf32, #tpu.memory_space<hbm>> -> memref<1x1x1x8x128xf32, #tpu.memory_space<hbm>>
      %dma_start3A_1399 = tpu.memref_squeeze %dma_start3A_1398 : memref<1x1x1x8x128xf32, #tpu.memory_space<hbm>> -> memref<8x128xf32, #tpu.memory_space<hbm>>
      %dma_start3A_1400 = arith.constant 0 : i32
      %dma_start3A_1401 = arith.constant 0 : i32
      %dma_start3A_1402 = tpu.memref_slice %arg5[%select_n3A_1270, %dma_start3A_1392, %select_n3A_1286, %dma_start3A_1400, %dma_start3A_1401] : memref<200x8x32x8x128xf32, #tpu.memory_space<hbm>> -> memref<1x1x1x8x128xf32, #tpu.memory_space<hbm>>
      %dma_start3A_1403 = tpu.memref_squeeze %dma_start3A_1402 : memref<1x1x1x8x128xf32, #tpu.memory_space<hbm>> -> memref<8x128xf32, #tpu.memory_space<hbm>>
      %dma_start3A_1404 = arith.constant 56 : i32
      %dma_start3A_1405 = arith.constant 0 : i32
      %dma_start3A_1406 = tpu.memref_slice %arg17[%dma_start3A_1404, %dma_start3A_1405] : memref<64x128xf32, #tpu.memory_space<vmem>> -> memref<8x128xf32, #tpu.memory_space<vmem>>
      tpu.enqueue_dma source(%dma_start3A_1406 : memref<8x128xf32, #tpu.memory_space<vmem>>) target(%dma_start3A_1403 : memref<8x128xf32, #tpu.memory_space<hbm>>) target_semaphore(%arg29 : memref<!tpu.dma_semaphore, #tpu.memory_space<semaphore_mem>>)
      %add3A_1407 = arith.constant 4 : i32
      %add3A_1408 = arith.addi %add3A_1194, %add3A_1407 : i32
      %lt3A_1409 = arith.constant 200 : i32
      %lt3A_1410 = arith.cmpi slt, %add3A_1408, %lt3A_1409 : i32
      %convert_element_type3A_1411 = arith.extui %lt3A_1410 : i1 to i32
      %cond3A_1412 = arith.constant 0 : i32
      %cond3A_1413 = arith.cmpi ne, %convert_element_type3A_1411, %cond3A_1412 : i32
      scf.if %cond3A_1413 {
        %add3A_1896 = arith.constant 4 : i32
        %add3A_1897 = arith.addi %add3A_1194, %add3A_1896 : i32
        %add3A_1898 = arith.addi %mul3A_2, %add3A_1897 : i32
        %jit3A_1899 = arith.constant 32 : i32
        %div3A_1900 = arith.divsi %add3A_1898, %jit3A_1899 : i32
        %sign3A_1901 = arith.constant 0 : i32
        %sign3A_1902 = arith.cmpi sgt, %add3A_1898, %sign3A_1901 : i32
        %sign3A_1903 = arith.extui %sign3A_1902 : i1 to i32
        %sign3A_1904 = arith.constant 0 : i32
        %sign3A_1905 = arith.cmpi slt, %add3A_1898, %sign3A_1904 : i32
        %sign3A_1906 = arith.extui %sign3A_1905 : i1 to i32
        %sign3A_1907 = arith.subi %sign3A_1903, %sign3A_1906 : i32
        %sign3A_1908 = arith.constant 0 : i32
        %sign3A_1909 = arith.cmpi sgt, %jit3A_1899, %sign3A_1908 : i32
        %sign3A_1910 = arith.extui %sign3A_1909 : i1 to i32
        %sign3A_1911 = arith.constant 0 : i32
        %sign3A_1912 = arith.cmpi slt, %jit3A_1899, %sign3A_1911 : i32
        %sign3A_1913 = arith.extui %sign3A_1912 : i1 to i32
        %sign3A_1914 = arith.subi %sign3A_1910, %sign3A_1913 : i32
        %ne3A_1915 = arith.cmpi ne, %sign3A_1907, %sign3A_1914 : i32
        %rem3A_1916 = arith.remsi %add3A_1898, %jit3A_1899 : i32
        %ne3A_1917 = arith.constant 0 : i32
        %ne3A_1918 = arith.cmpi ne, %rem3A_1916, %ne3A_1917 : i32
        %and3A_1919 = arith.andi %ne3A_1915, %ne3A_1918 : i1
        %sub3A_1920 = arith.constant 1 : i32
        %sub3A_1921 = arith.subi %div3A_1900, %sub3A_1920 : i32
        %select_n3A_1922 = arith.select %and3A_1919, %sub3A_1921, %div3A_1900 : i32
        %jit3A_1923 = arith.constant 32 : i32
        %eq3A_1924 = arith.constant 0 : i32
        %eq3A_1925 = arith.cmpi eq, %jit3A_1923, %eq3A_1924 : i32
        %jit3A_1926 = arith.constant 1 : i32
        %select_n3A_1927 = arith.select %eq3A_1925, %jit3A_1926, %jit3A_1923 : i32
        %rem3A_1928 = arith.remsi %add3A_1898, %select_n3A_1927 : i32
        %ne3A_1929 = arith.constant 0 : i32
        %ne3A_1930 = arith.cmpi ne, %rem3A_1928, %ne3A_1929 : i32
        %lt3A_1931 = arith.constant 0 : i32
        %lt3A_1932 = arith.cmpi slt, %rem3A_1928, %lt3A_1931 : i32
        %lt3A_1933 = arith.constant 0 : i32
        %lt3A_1934 = arith.cmpi slt, %select_n3A_1927, %lt3A_1933 : i32
        %ne3A_1935 = arith.xori %lt3A_1932, %lt3A_1934 : i1
        %and3A_1936 = arith.andi %ne3A_1935, %ne3A_1930 : i1
        %add3A_1937 = arith.addi %rem3A_1928, %select_n3A_1927 : i32
        %select_n3A_1938 = arith.select %and3A_1936, %add3A_1937, %rem3A_1928 : i32
        %mul3A_1939 = arith.constant 128 : i32
        %mul3A_1940 = arith.muli %select_n3A_1938, %mul3A_1939 : i32
        %dma_start3A_1941 = tpu.memref_slice %arg2[%select_n3A_1922, %mul3A_1940] : memref<200x4096xi32, #tpu.memory_space<hbm>> -> memref<1x128xi32, #tpu.memory_space<hbm>>
        %dma_start3A_1942 = tpu.memref_squeeze %dma_start3A_1941 : memref<1x128xi32, #tpu.memory_space<hbm>> -> memref<128xi32, #tpu.memory_space<hbm>>
        %dma_start3A_1943 = tpu.memref_slice %arg2[%select_n3A_1922, %mul3A_1940] : memref<200x4096xi32, #tpu.memory_space<hbm>> -> memref<1x128xi32, #tpu.memory_space<hbm>>
        %dma_start3A_1944 = tpu.memref_squeeze %dma_start3A_1943 : memref<1x128xi32, #tpu.memory_space<hbm>> -> memref<128xi32, #tpu.memory_space<hbm>>
        tpu.enqueue_dma source(%dma_start3A_1944 : memref<128xi32, #tpu.memory_space<hbm>>) target(%arg9 : memref<128xi32, #tpu.memory_space<vmem>>) target_semaphore(%arg21 : memref<!tpu.dma_semaphore, #tpu.memory_space<semaphore_mem>>)
      } else {
      }
      %ge3A_1414 = arith.constant 2 : i32
      %ge3A_1415 = arith.cmpi sge, %add3A_1194, %ge3A_1414 : i32
      %convert_element_type3A_1416 = arith.extui %ge3A_1415 : i1 to i32
      %cond3A_1417 = arith.constant 0 : i32
      %cond3A_1418 = arith.cmpi ne, %convert_element_type3A_1416, %cond3A_1417 : i32
      scf.if %cond3A_1418 {
        %sub3A_1896 = arith.constant 2 : i32
        %sub3A_1897 = arith.subi %add3A_1194, %sub3A_1896 : i32
        %add3A_1898 = arith.addi %mul3A_2, %sub3A_1897 : i32
        %jit3A_1899 = arith.constant 32 : i32
        %div3A_1900 = arith.divsi %add3A_1898, %jit3A_1899 : i32
        %sign3A_1901 = arith.constant 0 : i32
        %sign3A_1902 = arith.cmpi sgt, %add3A_1898, %sign3A_1901 : i32
        %sign3A_1903 = arith.extui %sign3A_1902 : i1 to i32
        %sign3A_1904 = arith.constant 0 : i32
        %sign3A_1905 = arith.cmpi slt, %add3A_1898, %sign3A_1904 : i32
        %sign3A_1906 = arith.extui %sign3A_1905 : i1 to i32
        %sign3A_1907 = arith.subi %sign3A_1903, %sign3A_1906 : i32
        %sign3A_1908 = arith.constant 0 : i32
        %sign3A_1909 = arith.cmpi sgt, %jit3A_1899, %sign3A_1908 : i32
        %sign3A_1910 = arith.extui %sign3A_1909 : i1 to i32
        %sign3A_1911 = arith.constant 0 : i32
        %sign3A_1912 = arith.cmpi slt, %jit3A_1899, %sign3A_1911 : i32
        %sign3A_1913 = arith.extui %sign3A_1912 : i1 to i32
        %sign3A_1914 = arith.subi %sign3A_1910, %sign3A_1913 : i32
        %ne3A_1915 = arith.cmpi ne, %sign3A_1907, %sign3A_1914 : i32
        %rem3A_1916 = arith.remsi %add3A_1898, %jit3A_1899 : i32
        %ne3A_1917 = arith.constant 0 : i32
        %ne3A_1918 = arith.cmpi ne, %rem3A_1916, %ne3A_1917 : i32
        %and3A_1919 = arith.andi %ne3A_1915, %ne3A_1918 : i1
        %sub3A_1920 = arith.constant 1 : i32
        %sub3A_1921 = arith.subi %div3A_1900, %sub3A_1920 : i32
        %select_n3A_1922 = arith.select %and3A_1919, %sub3A_1921, %div3A_1900 : i32
        %jit3A_1923 = arith.constant 32 : i32
        %eq3A_1924 = arith.constant 0 : i32
        %eq3A_1925 = arith.cmpi eq, %jit3A_1923, %eq3A_1924 : i32
        %jit3A_1926 = arith.constant 1 : i32
        %select_n3A_1927 = arith.select %eq3A_1925, %jit3A_1926, %jit3A_1923 : i32
        %rem3A_1928 = arith.remsi %add3A_1898, %select_n3A_1927 : i32
        %ne3A_1929 = arith.constant 0 : i32
        %ne3A_1930 = arith.cmpi ne, %rem3A_1928, %ne3A_1929 : i32
        %lt3A_1931 = arith.constant 0 : i32
        %lt3A_1932 = arith.cmpi slt, %rem3A_1928, %lt3A_1931 : i32
        %lt3A_1933 = arith.constant 0 : i32
        %lt3A_1934 = arith.cmpi slt, %select_n3A_1927, %lt3A_1933 : i32
        %ne3A_1935 = arith.xori %lt3A_1932, %lt3A_1934 : i1
        %and3A_1936 = arith.andi %ne3A_1935, %ne3A_1930 : i1
        %add3A_1937 = arith.addi %rem3A_1928, %select_n3A_1927 : i32
        %select_n3A_1938 = arith.select %and3A_1936, %add3A_1937, %rem3A_1928 : i32
        %dma_wait3A_1939 = arith.constant 0 : i32
        %dma_wait3A_1940 = arith.constant 0 : i32
        %dma_wait3A_1941 = arith.constant 0 : i32
        %dma_wait3A_1942 = tpu.memref_slice %arg19[%dma_wait3A_1940, %dma_wait3A_1941] : memref<64x128xf32, #tpu.memory_space<vmem>> -> memref<8x128xf32, #tpu.memory_space<vmem>>
        %dma_wait3A_1943 = arith.constant 0 : i32
        %dma_wait3A_1944 = arith.constant 0 : i32
        %dma_wait3A_1945 = tpu.memref_slice %arg5[%select_n3A_1922, %dma_wait3A_1939, %select_n3A_1938, %dma_wait3A_1943, %dma_wait3A_1944] : memref<200x8x32x8x128xf32, #tpu.memory_space<hbm>> -> memref<1x1x1x8x128xf32, #tpu.memory_space<hbm>>
        %dma_wait3A_1946 = tpu.memref_squeeze %dma_wait3A_1945 : memref<1x1x1x8x128xf32, #tpu.memory_space<hbm>> -> memref<8x128xf32, #tpu.memory_space<hbm>>
        %dma_wait3A_1947 = arith.constant 0 : i32
        %dma_wait3A_1948 = arith.constant 0 : i32
        %dma_wait3A_1949 = tpu.memref_slice %arg5[%select_n3A_1922, %dma_wait3A_1939, %select_n3A_1938, %dma_wait3A_1947, %dma_wait3A_1948] : memref<200x8x32x8x128xf32, #tpu.memory_space<hbm>> -> memref<1x1x1x8x128xf32, #tpu.memory_space<hbm>>
        %dma_wait3A_1950 = tpu.memref_squeeze %dma_wait3A_1949 : memref<1x1x1x8x128xf32, #tpu.memory_space<hbm>> -> memref<8x128xf32, #tpu.memory_space<hbm>>
        %dma_wait3A_1951 = arith.constant 0 : i32
        %dma_wait3A_1952 = arith.constant 0 : i32
        %dma_wait3A_1953 = tpu.memref_slice %arg19[%dma_wait3A_1951, %dma_wait3A_1952] : memref<64x128xf32, #tpu.memory_space<vmem>> -> memref<8x128xf32, #tpu.memory_space<vmem>>
        tpu.wait_dma2 semaphore(%arg31 : memref<!tpu.dma_semaphore, #tpu.memory_space<semaphore_mem>>) src(%dma_wait3A_1953 : memref<8x128xf32, #tpu.memory_space<vmem>>) dst(%dma_wait3A_1950 : memref<8x128xf32, #tpu.memory_space<hbm>>)
        %dma_wait3A_1954 = arith.constant 1 : i32
        %dma_wait3A_1955 = arith.constant 8 : i32
        %dma_wait3A_1956 = arith.constant 0 : i32
        %dma_wait3A_1957 = tpu.memref_slice %arg19[%dma_wait3A_1955, %dma_wait3A_1956] : memref<64x128xf32, #tpu.memory_space<vmem>> -> memref<8x128xf32, #tpu.memory_space<vmem>>
        %dma_wait3A_1958 = arith.constant 0 : i32
        %dma_wait3A_1959 = arith.constant 0 : i32
        %dma_wait3A_1960 = tpu.memref_slice %arg5[%select_n3A_1922, %dma_wait3A_1954, %select_n3A_1938, %dma_wait3A_1958, %dma_wait3A_1959] : memref<200x8x32x8x128xf32, #tpu.memory_space<hbm>> -> memref<1x1x1x8x128xf32, #tpu.memory_space<hbm>>
        %dma_wait3A_1961 = tpu.memref_squeeze %dma_wait3A_1960 : memref<1x1x1x8x128xf32, #tpu.memory_space<hbm>> -> memref<8x128xf32, #tpu.memory_space<hbm>>
        %dma_wait3A_1962 = arith.constant 0 : i32
        %dma_wait3A_1963 = arith.constant 0 : i32
        %dma_wait3A_1964 = tpu.memref_slice %arg5[%select_n3A_1922, %dma_wait3A_1954, %select_n3A_1938, %dma_wait3A_1962, %dma_wait3A_1963] : memref<200x8x32x8x128xf32, #tpu.memory_space<hbm>> -> memref<1x1x1x8x128xf32, #tpu.memory_space<hbm>>
        %dma_wait3A_1965 = tpu.memref_squeeze %dma_wait3A_1964 : memref<1x1x1x8x128xf32, #tpu.memory_space<hbm>> -> memref<8x128xf32, #tpu.memory_space<hbm>>
        %dma_wait3A_1966 = arith.constant 8 : i32
        %dma_wait3A_1967 = arith.constant 0 : i32
        %dma_wait3A_1968 = tpu.memref_slice %arg19[%dma_wait3A_1966, %dma_wait3A_1967] : memref<64x128xf32, #tpu.memory_space<vmem>> -> memref<8x128xf32, #tpu.memory_space<vmem>>
        tpu.wait_dma2 semaphore(%arg31 : memref<!tpu.dma_semaphore, #tpu.memory_space<semaphore_mem>>) src(%dma_wait3A_1968 : memref<8x128xf32, #tpu.memory_space<vmem>>) dst(%dma_wait3A_1965 : memref<8x128xf32, #tpu.memory_space<hbm>>)
        %dma_wait3A_1969 = arith.constant 2 : i32
        %dma_wait3A_1970 = arith.constant 16 : i32
        %dma_wait3A_1971 = arith.constant 0 : i32
        %dma_wait3A_1972 = tpu.memref_slice %arg19[%dma_wait3A_1970, %dma_wait3A_1971] : memref<64x128xf32, #tpu.memory_space<vmem>> -> memref<8x128xf32, #tpu.memory_space<vmem>>
        %dma_wait3A_1973 = arith.constant 0 : i32
        %dma_wait3A_1974 = arith.constant 0 : i32
        %dma_wait3A_1975 = tpu.memref_slice %arg5[%select_n3A_1922, %dma_wait3A_1969, %select_n3A_1938, %dma_wait3A_1973, %dma_wait3A_1974] : memref<200x8x32x8x128xf32, #tpu.memory_space<hbm>> -> memref<1x1x1x8x128xf32, #tpu.memory_space<hbm>>
        %dma_wait3A_1976 = tpu.memref_squeeze %dma_wait3A_1975 : memref<1x1x1x8x128xf32, #tpu.memory_space<hbm>> -> memref<8x128xf32, #tpu.memory_space<hbm>>
        %dma_wait3A_1977 = arith.constant 0 : i32
        %dma_wait3A_1978 = arith.constant 0 : i32
        %dma_wait3A_1979 = tpu.memref_slice %arg5[%select_n3A_1922, %dma_wait3A_1969, %select_n3A_1938, %dma_wait3A_1977, %dma_wait3A_1978] : memref<200x8x32x8x128xf32, #tpu.memory_space<hbm>> -> memref<1x1x1x8x128xf32, #tpu.memory_space<hbm>>
        %dma_wait3A_1980 = tpu.memref_squeeze %dma_wait3A_1979 : memref<1x1x1x8x128xf32, #tpu.memory_space<hbm>> -> memref<8x128xf32, #tpu.memory_space<hbm>>
        %dma_wait3A_1981 = arith.constant 16 : i32
        %dma_wait3A_1982 = arith.constant 0 : i32
        %dma_wait3A_1983 = tpu.memref_slice %arg19[%dma_wait3A_1981, %dma_wait3A_1982] : memref<64x128xf32, #tpu.memory_space<vmem>> -> memref<8x128xf32, #tpu.memory_space<vmem>>
        tpu.wait_dma2 semaphore(%arg31 : memref<!tpu.dma_semaphore, #tpu.memory_space<semaphore_mem>>) src(%dma_wait3A_1983 : memref<8x128xf32, #tpu.memory_space<vmem>>) dst(%dma_wait3A_1980 : memref<8x128xf32, #tpu.memory_space<hbm>>)
        %dma_wait3A_1984 = arith.constant 3 : i32
        %dma_wait3A_1985 = arith.constant 24 : i32
        %dma_wait3A_1986 = arith.constant 0 : i32
        %dma_wait3A_1987 = tpu.memref_slice %arg19[%dma_wait3A_1985, %dma_wait3A_1986] : memref<64x128xf32, #tpu.memory_space<vmem>> -> memref<8x128xf32, #tpu.memory_space<vmem>>
        %dma_wait3A_1988 = arith.constant 0 : i32
        %dma_wait3A_1989 = arith.constant 0 : i32
        %dma_wait3A_1990 = tpu.memref_slice %arg5[%select_n3A_1922, %dma_wait3A_1984, %select_n3A_1938, %dma_wait3A_1988, %dma_wait3A_1989] : memref<200x8x32x8x128xf32, #tpu.memory_space<hbm>> -> memref<1x1x1x8x128xf32, #tpu.memory_space<hbm>>
        %dma_wait3A_1991 = tpu.memref_squeeze %dma_wait3A_1990 : memref<1x1x1x8x128xf32, #tpu.memory_space<hbm>> -> memref<8x128xf32, #tpu.memory_space<hbm>>
        %dma_wait3A_1992 = arith.constant 0 : i32
        %dma_wait3A_1993 = arith.constant 0 : i32
        %dma_wait3A_1994 = tpu.memref_slice %arg5[%select_n3A_1922, %dma_wait3A_1984, %select_n3A_1938, %dma_wait3A_1992, %dma_wait3A_1993] : memref<200x8x32x8x128xf32, #tpu.memory_space<hbm>> -> memref<1x1x1x8x128xf32, #tpu.memory_space<hbm>>
        %dma_wait3A_1995 = tpu.memref_squeeze %dma_wait3A_1994 : memref<1x1x1x8x128xf32, #tpu.memory_space<hbm>> -> memref<8x128xf32, #tpu.memory_space<hbm>>
        %dma_wait3A_1996 = arith.constant 24 : i32
        %dma_wait3A_1997 = arith.constant 0 : i32
        %dma_wait3A_1998 = tpu.memref_slice %arg19[%dma_wait3A_1996, %dma_wait3A_1997] : memref<64x128xf32, #tpu.memory_space<vmem>> -> memref<8x128xf32, #tpu.memory_space<vmem>>
        tpu.wait_dma2 semaphore(%arg31 : memref<!tpu.dma_semaphore, #tpu.memory_space<semaphore_mem>>) src(%dma_wait3A_1998 : memref<8x128xf32, #tpu.memory_space<vmem>>) dst(%dma_wait3A_1995 : memref<8x128xf32, #tpu.memory_space<hbm>>)
        %dma_wait3A_1999 = arith.constant 4 : i32
        %dma_wait3A_2000 = arith.constant 32 : i32
        %dma_wait3A_2001 = arith.constant 0 : i32
        %dma_wait3A_2002 = tpu.memref_slice %arg19[%dma_wait3A_2000, %dma_wait3A_2001] : memref<64x128xf32, #tpu.memory_space<vmem>> -> memref<8x128xf32, #tpu.memory_space<vmem>>
        %dma_wait3A_2003 = arith.constant 0 : i32
        %dma_wait3A_2004 = arith.constant 0 : i32
        %dma_wait3A_2005 = tpu.memref_slice %arg5[%select_n3A_1922, %dma_wait3A_1999, %select_n3A_1938, %dma_wait3A_2003, %dma_wait3A_2004] : memref<200x8x32x8x128xf32, #tpu.memory_space<hbm>> -> memref<1x1x1x8x128xf32, #tpu.memory_space<hbm>>
        %dma_wait3A_2006 = tpu.memref_squeeze %dma_wait3A_2005 : memref<1x1x1x8x128xf32, #tpu.memory_space<hbm>> -> memref<8x128xf32, #tpu.memory_space<hbm>>
        %dma_wait3A_2007 = arith.constant 0 : i32
        %dma_wait3A_2008 = arith.constant 0 : i32
        %dma_wait3A_2009 = tpu.memref_slice %arg5[%select_n3A_1922, %dma_wait3A_1999, %select_n3A_1938, %dma_wait3A_2007, %dma_wait3A_2008] : memref<200x8x32x8x128xf32, #tpu.memory_space<hbm>> -> memref<1x1x1x8x128xf32, #tpu.memory_space<hbm>>
        %dma_wait3A_2010 = tpu.memref_squeeze %dma_wait3A_2009 : memref<1x1x1x8x128xf32, #tpu.memory_space<hbm>> -> memref<8x128xf32, #tpu.memory_space<hbm>>
        %dma_wait3A_2011 = arith.constant 32 : i32
        %dma_wait3A_2012 = arith.constant 0 : i32
        %dma_wait3A_2013 = tpu.memref_slice %arg19[%dma_wait3A_2011, %dma_wait3A_2012] : memref<64x128xf32, #tpu.memory_space<vmem>> -> memref<8x128xf32, #tpu.memory_space<vmem>>
        tpu.wait_dma2 semaphore(%arg31 : memref<!tpu.dma_semaphore, #tpu.memory_space<semaphore_mem>>) src(%dma_wait3A_2013 : memref<8x128xf32, #tpu.memory_space<vmem>>) dst(%dma_wait3A_2010 : memref<8x128xf32, #tpu.memory_space<hbm>>)
        %dma_wait3A_2014 = arith.constant 5 : i32
        %dma_wait3A_2015 = arith.constant 40 : i32
        %dma_wait3A_2016 = arith.constant 0 : i32
        %dma_wait3A_2017 = tpu.memref_slice %arg19[%dma_wait3A_2015, %dma_wait3A_2016] : memref<64x128xf32, #tpu.memory_space<vmem>> -> memref<8x128xf32, #tpu.memory_space<vmem>>
        %dma_wait3A_2018 = arith.constant 0 : i32
        %dma_wait3A_2019 = arith.constant 0 : i32
        %dma_wait3A_2020 = tpu.memref_slice %arg5[%select_n3A_1922, %dma_wait3A_2014, %select_n3A_1938, %dma_wait3A_2018, %dma_wait3A_2019] : memref<200x8x32x8x128xf32, #tpu.memory_space<hbm>> -> memref<1x1x1x8x128xf32, #tpu.memory_space<hbm>>
        %dma_wait3A_2021 = tpu.memref_squeeze %dma_wait3A_2020 : memref<1x1x1x8x128xf32, #tpu.memory_space<hbm>> -> memref<8x128xf32, #tpu.memory_space<hbm>>
        %dma_wait3A_2022 = arith.constant 0 : i32
        %dma_wait3A_2023 = arith.constant 0 : i32
        %dma_wait3A_2024 = tpu.memref_slice %arg5[%select_n3A_1922, %dma_wait3A_2014, %select_n3A_1938, %dma_wait3A_2022, %dma_wait3A_2023] : memref<200x8x32x8x128xf32, #tpu.memory_space<hbm>> -> memref<1x1x1x8x128xf32, #tpu.memory_space<hbm>>
        %dma_wait3A_2025 = tpu.memref_squeeze %dma_wait3A_2024 : memref<1x1x1x8x128xf32, #tpu.memory_space<hbm>> -> memref<8x128xf32, #tpu.memory_space<hbm>>
        %dma_wait3A_2026 = arith.constant 40 : i32
        %dma_wait3A_2027 = arith.constant 0 : i32
        %dma_wait3A_2028 = tpu.memref_slice %arg19[%dma_wait3A_2026, %dma_wait3A_2027] : memref<64x128xf32, #tpu.memory_space<vmem>> -> memref<8x128xf32, #tpu.memory_space<vmem>>
        tpu.wait_dma2 semaphore(%arg31 : memref<!tpu.dma_semaphore, #tpu.memory_space<semaphore_mem>>) src(%dma_wait3A_2028 : memref<8x128xf32, #tpu.memory_space<vmem>>) dst(%dma_wait3A_2025 : memref<8x128xf32, #tpu.memory_space<hbm>>)
        %dma_wait3A_2029 = arith.constant 6 : i32
        %dma_wait3A_2030 = arith.constant 48 : i32
        %dma_wait3A_2031 = arith.constant 0 : i32
        %dma_wait3A_2032 = tpu.memref_slice %arg19[%dma_wait3A_2030, %dma_wait3A_2031] : memref<64x128xf32, #tpu.memory_space<vmem>> -> memref<8x128xf32, #tpu.memory_space<vmem>>
        %dma_wait3A_2033 = arith.constant 0 : i32
        %dma_wait3A_2034 = arith.constant 0 : i32
        %dma_wait3A_2035 = tpu.memref_slice %arg5[%select_n3A_1922, %dma_wait3A_2029, %select_n3A_1938, %dma_wait3A_2033, %dma_wait3A_2034] : memref<200x8x32x8x128xf32, #tpu.memory_space<hbm>> -> memref<1x1x1x8x128xf32, #tpu.memory_space<hbm>>
        %dma_wait3A_2036 = tpu.memref_squeeze %dma_wait3A_2035 : memref<1x1x1x8x128xf32, #tpu.memory_space<hbm>> -> memref<8x128xf32, #tpu.memory_space<hbm>>
        %dma_wait3A_2037 = arith.constant 0 : i32
        %dma_wait3A_2038 = arith.constant 0 : i32
        %dma_wait3A_2039 = tpu.memref_slice %arg5[%select_n3A_1922, %dma_wait3A_2029, %select_n3A_1938, %dma_wait3A_2037, %dma_wait3A_2038] : memref<200x8x32x8x128xf32, #tpu.memory_space<hbm>> -> memref<1x1x1x8x128xf32, #tpu.memory_space<hbm>>
        %dma_wait3A_2040 = tpu.memref_squeeze %dma_wait3A_2039 : memref<1x1x1x8x128xf32, #tpu.memory_space<hbm>> -> memref<8x128xf32, #tpu.memory_space<hbm>>
        %dma_wait3A_2041 = arith.constant 48 : i32
        %dma_wait3A_2042 = arith.constant 0 : i32
        %dma_wait3A_2043 = tpu.memref_slice %arg19[%dma_wait3A_2041, %dma_wait3A_2042] : memref<64x128xf32, #tpu.memory_space<vmem>> -> memref<8x128xf32, #tpu.memory_space<vmem>>
        tpu.wait_dma2 semaphore(%arg31 : memref<!tpu.dma_semaphore, #tpu.memory_space<semaphore_mem>>) src(%dma_wait3A_2043 : memref<8x128xf32, #tpu.memory_space<vmem>>) dst(%dma_wait3A_2040 : memref<8x128xf32, #tpu.memory_space<hbm>>)
        %dma_wait3A_2044 = arith.constant 7 : i32
        %dma_wait3A_2045 = arith.constant 56 : i32
        %dma_wait3A_2046 = arith.constant 0 : i32
        %dma_wait3A_2047 = tpu.memref_slice %arg19[%dma_wait3A_2045, %dma_wait3A_2046] : memref<64x128xf32, #tpu.memory_space<vmem>> -> memref<8x128xf32, #tpu.memory_space<vmem>>
        %dma_wait3A_2048 = arith.constant 0 : i32
        %dma_wait3A_2049 = arith.constant 0 : i32
        %dma_wait3A_2050 = tpu.memref_slice %arg5[%select_n3A_1922, %dma_wait3A_2044, %select_n3A_1938, %dma_wait3A_2048, %dma_wait3A_2049] : memref<200x8x32x8x128xf32, #tpu.memory_space<hbm>> -> memref<1x1x1x8x128xf32, #tpu.memory_space<hbm>>
        %dma_wait3A_2051 = tpu.memref_squeeze %dma_wait3A_2050 : memref<1x1x1x8x128xf32, #tpu.memory_space<hbm>> -> memref<8x128xf32, #tpu.memory_space<hbm>>
        %dma_wait3A_2052 = arith.constant 0 : i32
        %dma_wait3A_2053 = arith.constant 0 : i32
        %dma_wait3A_2054 = tpu.memref_slice %arg5[%select_n3A_1922, %dma_wait3A_2044, %select_n3A_1938, %dma_wait3A_2052, %dma_wait3A_2053] : memref<200x8x32x8x128xf32, #tpu.memory_space<hbm>> -> memref<1x1x1x8x128xf32, #tpu.memory_space<hbm>>
        %dma_wait3A_2055 = tpu.memref_squeeze %dma_wait3A_2054 : memref<1x1x1x8x128xf32, #tpu.memory_space<hbm>> -> memref<8x128xf32, #tpu.memory_space<hbm>>
        %dma_wait3A_2056 = arith.constant 56 : i32
        %dma_wait3A_2057 = arith.constant 0 : i32
        %dma_wait3A_2058 = tpu.memref_slice %arg19[%dma_wait3A_2056, %dma_wait3A_2057] : memref<64x128xf32, #tpu.memory_space<vmem>> -> memref<8x128xf32, #tpu.memory_space<vmem>>
        tpu.wait_dma2 semaphore(%arg31 : memref<!tpu.dma_semaphore, #tpu.memory_space<semaphore_mem>>) src(%dma_wait3A_2058 : memref<8x128xf32, #tpu.memory_space<vmem>>) dst(%dma_wait3A_2055 : memref<8x128xf32, #tpu.memory_space<hbm>>)
      } else {
      }
      %add3A_1419 = arith.constant 2 : i32
      %add3A_1420 = arith.addi %add3A_1194, %add3A_1419 : i32
      %lt3A_1421 = arith.constant 200 : i32
      %lt3A_1422 = arith.cmpi slt, %add3A_1420, %lt3A_1421 : i32
      %convert_element_type3A_1423 = arith.extui %lt3A_1422 : i1 to i32
      %cond3A_1424 = arith.constant 0 : i32
      %cond3A_1425 = arith.cmpi ne, %convert_element_type3A_1423, %cond3A_1424 : i32
      scf.if %cond3A_1425 {
        %add3A_1896 = arith.constant 2 : i32
        %add3A_1897 = arith.addi %add3A_1194, %add3A_1896 : i32
        %add3A_1898 = arith.addi %mul3A_2, %add3A_1897 : i32
        %jit3A_1899 = arith.constant 32 : i32
        %div3A_1900 = arith.divsi %add3A_1898, %jit3A_1899 : i32
        %sign3A_1901 = arith.constant 0 : i32
        %sign3A_1902 = arith.cmpi sgt, %add3A_1898, %sign3A_1901 : i32
        %sign3A_1903 = arith.extui %sign3A_1902 : i1 to i32
        %sign3A_1904 = arith.constant 0 : i32
        %sign3A_1905 = arith.cmpi slt, %add3A_1898, %sign3A_1904 : i32
        %sign3A_1906 = arith.extui %sign3A_1905 : i1 to i32
        %sign3A_1907 = arith.subi %sign3A_1903, %sign3A_1906 : i32
        %sign3A_1908 = arith.constant 0 : i32
        %sign3A_1909 = arith.cmpi sgt, %jit3A_1899, %sign3A_1908 : i32
        %sign3A_1910 = arith.extui %sign3A_1909 : i1 to i32
        %sign3A_1911 = arith.constant 0 : i32
        %sign3A_1912 = arith.cmpi slt, %jit3A_1899, %sign3A_1911 : i32
        %sign3A_1913 = arith.extui %sign3A_1912 : i1 to i32
        %sign3A_1914 = arith.subi %sign3A_1910, %sign3A_1913 : i32
        %ne3A_1915 = arith.cmpi ne, %sign3A_1907, %sign3A_1914 : i32
        %rem3A_1916 = arith.remsi %add3A_1898, %jit3A_1899 : i32
        %ne3A_1917 = arith.constant 0 : i32
        %ne3A_1918 = arith.cmpi ne, %rem3A_1916, %ne3A_1917 : i32
        %and3A_1919 = arith.andi %ne3A_1915, %ne3A_1918 : i1
        %sub3A_1920 = arith.constant 1 : i32
        %sub3A_1921 = arith.subi %div3A_1900, %sub3A_1920 : i32
        %select_n3A_1922 = arith.select %and3A_1919, %sub3A_1921, %div3A_1900 : i32
        %jit3A_1923 = arith.constant 32 : i32
        %eq3A_1924 = arith.constant 0 : i32
        %eq3A_1925 = arith.cmpi eq, %jit3A_1923, %eq3A_1924 : i32
        %jit3A_1926 = arith.constant 1 : i32
        %select_n3A_1927 = arith.select %eq3A_1925, %jit3A_1926, %jit3A_1923 : i32
        %rem3A_1928 = arith.remsi %add3A_1898, %select_n3A_1927 : i32
        %ne3A_1929 = arith.constant 0 : i32
        %ne3A_1930 = arith.cmpi ne, %rem3A_1928, %ne3A_1929 : i32
        %lt3A_1931 = arith.constant 0 : i32
        %lt3A_1932 = arith.cmpi slt, %rem3A_1928, %lt3A_1931 : i32
        %lt3A_1933 = arith.constant 0 : i32
        %lt3A_1934 = arith.cmpi slt, %select_n3A_1927, %lt3A_1933 : i32
        %ne3A_1935 = arith.xori %lt3A_1932, %lt3A_1934 : i1
        %and3A_1936 = arith.andi %ne3A_1935, %ne3A_1930 : i1
        %add3A_1937 = arith.addi %rem3A_1928, %select_n3A_1927 : i32
        %select_n3A_1938 = arith.select %and3A_1936, %add3A_1937, %rem3A_1928 : i32
        %mul3A_1939 = arith.constant 128 : i32
        %mul3A_1940 = arith.muli %select_n3A_1938, %mul3A_1939 : i32
        %dma_wait3A_1941 = tpu.memref_slice %arg2[%select_n3A_1922, %mul3A_1940] : memref<200x4096xi32, #tpu.memory_space<hbm>> -> memref<1x128xi32, #tpu.memory_space<hbm>>
        %dma_wait3A_1942 = tpu.memref_squeeze %dma_wait3A_1941 : memref<1x128xi32, #tpu.memory_space<hbm>> -> memref<128xi32, #tpu.memory_space<hbm>>
        %dma_wait3A_1943 = tpu.memref_slice %arg2[%select_n3A_1922, %mul3A_1940] : memref<200x4096xi32, #tpu.memory_space<hbm>> -> memref<1x128xi32, #tpu.memory_space<hbm>>
        %dma_wait3A_1944 = tpu.memref_squeeze %dma_wait3A_1943 : memref<1x128xi32, #tpu.memory_space<hbm>> -> memref<128xi32, #tpu.memory_space<hbm>>
        tpu.wait_dma2 semaphore(%arg23 : memref<!tpu.dma_semaphore, #tpu.memory_space<semaphore_mem>>) src(%dma_wait3A_1944 : memref<128xi32, #tpu.memory_space<hbm>>) dst(%arg11 : memref<128xi32, #tpu.memory_space<vmem>>)
        %add3A_1945 = arith.constant 2 : i32
        %add3A_1946 = arith.addi %add3A_1194, %add3A_1945 : i32
        %dma_start3A_1947 = arith.constant 0 : i32
        %dma_start3A_1948 = arith.constant 0 : i32
        %dma_start3A_1949 = tpu.memref_slice %arg3[%dma_start3A_1947, %dma_start3A_1948] : memref<100000x64xf32, #tpu.memory_space<hbm>> -> memref<100000x64xf32, #tpu.memory_space<hbm>>
        tpu.enqueue_indirect_dma source(%dma_start3A_1949 : memref<100000x64xf32, #tpu.memory_space<hbm>>) target(%arg15 : memref<128x64xf32, #tpu.memory_space<vmem>>) offsets(%arg11 : memref<128xi32, #tpu.memory_space<vmem>>) semaphore(%arg27 : memref<!tpu.dma_semaphore, #tpu.memory_space<semaphore_mem>>)
      } else {
      }
      %mul3A_1426 = arith.constant 4 : i32
      %mul3A_1427 = arith.muli %scan3A_959, %mul3A_1426 : i32
      %add3A_1428 = arith.constant 2 : i32
      %add3A_1429 = arith.addi %mul3A_1427, %add3A_1428 : i32
      %dma_wait3A_1430 = arith.constant 0 : i32
      %dma_wait3A_1431 = arith.constant 0 : i32
      %dma_wait3A_1432 = tpu.memref_slice %arg3[%dma_wait3A_1430, %dma_wait3A_1431] : memref<100000x64xf32, #tpu.memory_space<hbm>> -> memref<100000x64xf32, #tpu.memory_space<hbm>>
      tpu.wait_indirect_dma semaphore(%arg26 : memref<!tpu.dma_semaphore, #tpu.memory_space<semaphore_mem>>) src(%dma_wait3A_1432 : memref<100000x64xf32, #tpu.memory_space<hbm>>) dst(%arg14 : memref<128x64xf32, #tpu.memory_space<vmem>>)
      %add3A_1433 = arith.addi %mul3A_2, %add3A_1429 : i32
      %jit3A_1434 = arith.constant 32 : i32
      %div3A_1435 = arith.divsi %add3A_1433, %jit3A_1434 : i32
      %sign3A_1436 = arith.constant 0 : i32
      %sign3A_1437 = arith.cmpi sgt, %add3A_1433, %sign3A_1436 : i32
      %sign3A_1438 = arith.extui %sign3A_1437 : i1 to i32
      %sign3A_1439 = arith.constant 0 : i32
      %sign3A_1440 = arith.cmpi slt, %add3A_1433, %sign3A_1439 : i32
      %sign3A_1441 = arith.extui %sign3A_1440 : i1 to i32
      %sign3A_1442 = arith.subi %sign3A_1438, %sign3A_1441 : i32
      %sign3A_1443 = arith.constant 0 : i32
      %sign3A_1444 = arith.cmpi sgt, %jit3A_1434, %sign3A_1443 : i32
      %sign3A_1445 = arith.extui %sign3A_1444 : i1 to i32
      %sign3A_1446 = arith.constant 0 : i32
      %sign3A_1447 = arith.cmpi slt, %jit3A_1434, %sign3A_1446 : i32
      %sign3A_1448 = arith.extui %sign3A_1447 : i1 to i32
      %sign3A_1449 = arith.subi %sign3A_1445, %sign3A_1448 : i32
      %ne3A_1450 = arith.cmpi ne, %sign3A_1442, %sign3A_1449 : i32
      %rem3A_1451 = arith.remsi %add3A_1433, %jit3A_1434 : i32
      %ne3A_1452 = arith.constant 0 : i32
      %ne3A_1453 = arith.cmpi ne, %rem3A_1451, %ne3A_1452 : i32
      %and3A_1454 = arith.andi %ne3A_1450, %ne3A_1453 : i1
      %sub3A_1455 = arith.constant 1 : i32
      %sub3A_1456 = arith.subi %div3A_1435, %sub3A_1455 : i32
      %select_n3A_1457 = arith.select %and3A_1454, %sub3A_1456, %div3A_1435 : i32
      %jit3A_1458 = arith.constant 32 : i32
      %eq3A_1459 = arith.constant 0 : i32
      %eq3A_1460 = arith.cmpi eq, %jit3A_1458, %eq3A_1459 : i32
      %jit3A_1461 = arith.constant 1 : i32
      %select_n3A_1462 = arith.select %eq3A_1460, %jit3A_1461, %jit3A_1458 : i32
      %rem3A_1463 = arith.remsi %add3A_1433, %select_n3A_1462 : i32
      %ne3A_1464 = arith.constant 0 : i32
      %ne3A_1465 = arith.cmpi ne, %rem3A_1463, %ne3A_1464 : i32
      %lt3A_1466 = arith.constant 0 : i32
      %lt3A_1467 = arith.cmpi slt, %rem3A_1463, %lt3A_1466 : i32
      %lt3A_1468 = arith.constant 0 : i32
      %lt3A_1469 = arith.cmpi slt, %select_n3A_1462, %lt3A_1468 : i32
      %ne3A_1470 = arith.xori %lt3A_1467, %lt3A_1469 : i1
      %and3A_1471 = arith.andi %ne3A_1470, %ne3A_1465 : i1
      %add3A_1472 = arith.addi %rem3A_1463, %select_n3A_1462 : i32
      %select_n3A_1473 = arith.select %and3A_1471, %add3A_1472, %rem3A_1463 : i32
      %mul3A_1474 = arith.constant 64 : i32
      %mul3A_1475 = arith.muli %select_n3A_1457, %mul3A_1474 : i32
      %add3A_1476 = vector.broadcast %mul3A_1475 : i32 to vector<16xi32>
      %add3A_1477 = arith.addi %mul3A_29, %add3A_1476 : vector<16xi32>
      %parallel_loop3A_1478 = arith.constant 0 : i32
      %parallel_loop3A_1479 = arith.constant 64 : i32
      %parallel_loop3A_1480 = arith.constant 16 : i32
      scf.for %parallel_loop3A_1896 = %parallel_loop3A_1478 to %parallel_loop3A_1479 step %parallel_loop3A_1480  : i32 {
        %parallel_loop3A_1897 = arith.constant 0 : i32
        %parallel_loop3A_1898 = arith.constant 16 : i32
        %parallel_loop3A_1899 = arith.constant 1 : i32
        scf.for %parallel_loop3A_1900 = %parallel_loop3A_1897 to %parallel_loop3A_1898 step %parallel_loop3A_1899  : i32 {
          %parallel_loop3A_1901 = arith.index_cast %parallel_loop3A_1900 : i32 to index
          %parallel_loop3A_1902 = arith.constant 0 : index
          %parallel_loop3A_1903 = tpu.vector_load %arg7[%parallel_loop3A_1901, %parallel_loop3A_1902] {strides = array<i32>} : memref<16x16xi32, #tpu.memory_space<vmem>>, vector<16xi32>,
          %parallel_loop3A_1904 = vector.broadcast %parallel_loop3A_1896 : i32 to vector<16xi32>
          %parallel_loop3A_1905 = arith.addi %parallel_loop3A_1903, %parallel_loop3A_1904 : vector<16xi32>
          %parallel_loop3A_1906 = arith.addi %add3A_1477, %parallel_loop3A_1905 : vector<16xi32>
          %parallel_loop3A_1907 = tpu.vector_load_idx %arg6[%parallel_loop3A_1906] : memref<12800xf32, #tpu.memory_space<vmem>>[vector<16xi32>], vector<16xf32>,
          %parallel_loop3A_1908 = tpu.vector_load_idx %arg14[%add3A_5, %parallel_loop3A_1905] : memref<128x64xf32, #tpu.memory_space<vmem>>[vector<16xi32>, vector<16xi32>], vector<16xf32>,
          %parallel_loop3A_1909 = arith.addf %parallel_loop3A_1908, %parallel_loop3A_1907 : vector<16xf32>
          tpu.vector_store_idx %arg18[%parallel_loop3A_1905, %add3A_5], %parallel_loop3A_1909 : memref<64x128xf32, #tpu.memory_space<vmem>>[vector<16xi32>, vector<16xi32>], vector<16xf32>,
          %parallel_loop3A_1910 = tpu.vector_load_idx %arg14[%add3A_8, %parallel_loop3A_1905] : memref<128x64xf32, #tpu.memory_space<vmem>>[vector<16xi32>, vector<16xi32>], vector<16xf32>,
          %parallel_loop3A_1911 = arith.addf %parallel_loop3A_1910, %parallel_loop3A_1907 : vector<16xf32>
          tpu.vector_store_idx %arg18[%parallel_loop3A_1905, %add3A_8], %parallel_loop3A_1911 : memref<64x128xf32, #tpu.memory_space<vmem>>[vector<16xi32>, vector<16xi32>], vector<16xf32>,
          %parallel_loop3A_1912 = tpu.vector_load_idx %arg14[%add3A_11, %parallel_loop3A_1905] : memref<128x64xf32, #tpu.memory_space<vmem>>[vector<16xi32>, vector<16xi32>], vector<16xf32>,
          %parallel_loop3A_1913 = arith.addf %parallel_loop3A_1912, %parallel_loop3A_1907 : vector<16xf32>
          tpu.vector_store_idx %arg18[%parallel_loop3A_1905, %add3A_11], %parallel_loop3A_1913 : memref<64x128xf32, #tpu.memory_space<vmem>>[vector<16xi32>, vector<16xi32>], vector<16xf32>,
          %parallel_loop3A_1914 = tpu.vector_load_idx %arg14[%add3A_14, %parallel_loop3A_1905] : memref<128x64xf32, #tpu.memory_space<vmem>>[vector<16xi32>, vector<16xi32>], vector<16xf32>,
          %parallel_loop3A_1915 = arith.addf %parallel_loop3A_1914, %parallel_loop3A_1907 : vector<16xf32>
          tpu.vector_store_idx %arg18[%parallel_loop3A_1905, %add3A_14], %parallel_loop3A_1915 : memref<64x128xf32, #tpu.memory_space<vmem>>[vector<16xi32>, vector<16xi32>], vector<16xf32>,
          %parallel_loop3A_1916 = tpu.vector_load_idx %arg14[%add3A_17, %parallel_loop3A_1905] : memref<128x64xf32, #tpu.memory_space<vmem>>[vector<16xi32>, vector<16xi32>], vector<16xf32>,
          %parallel_loop3A_1917 = arith.addf %parallel_loop3A_1916, %parallel_loop3A_1907 : vector<16xf32>
          tpu.vector_store_idx %arg18[%parallel_loop3A_1905, %add3A_17], %parallel_loop3A_1917 : memref<64x128xf32, #tpu.memory_space<vmem>>[vector<16xi32>, vector<16xi32>], vector<16xf32>,
          %parallel_loop3A_1918 = tpu.vector_load_idx %arg14[%add3A_20, %parallel_loop3A_1905] : memref<128x64xf32, #tpu.memory_space<vmem>>[vector<16xi32>, vector<16xi32>], vector<16xf32>,
          %parallel_loop3A_1919 = arith.addf %parallel_loop3A_1918, %parallel_loop3A_1907 : vector<16xf32>
          tpu.vector_store_idx %arg18[%parallel_loop3A_1905, %add3A_20], %parallel_loop3A_1919 : memref<64x128xf32, #tpu.memory_space<vmem>>[vector<16xi32>, vector<16xi32>], vector<16xf32>,
          %parallel_loop3A_1920 = tpu.vector_load_idx %arg14[%add3A_23, %parallel_loop3A_1905] : memref<128x64xf32, #tpu.memory_space<vmem>>[vector<16xi32>, vector<16xi32>], vector<16xf32>,
          %parallel_loop3A_1921 = arith.addf %parallel_loop3A_1920, %parallel_loop3A_1907 : vector<16xf32>
          tpu.vector_store_idx %arg18[%parallel_loop3A_1905, %add3A_23], %parallel_loop3A_1921 : memref<64x128xf32, #tpu.memory_space<vmem>>[vector<16xi32>, vector<16xi32>], vector<16xf32>,
          %parallel_loop3A_1922 = tpu.vector_load_idx %arg14[%add3A_26, %parallel_loop3A_1905] : memref<128x64xf32, #tpu.memory_space<vmem>>[vector<16xi32>, vector<16xi32>], vector<16xf32>,
          %parallel_loop3A_1923 = arith.addf %parallel_loop3A_1922, %parallel_loop3A_1907 : vector<16xf32>
          tpu.vector_store_idx %arg18[%parallel_loop3A_1905, %add3A_26], %parallel_loop3A_1923 : memref<64x128xf32, #tpu.memory_space<vmem>>[vector<16xi32>, vector<16xi32>], vector<16xf32>,
        } {sc.loop_unroll_factor = 4 : i64, sc.parallel_access}
      } {sc.loop_unroll_factor = 1 : i64, sc.parallel_access}
      %add3A_1481 = arith.addi %mul3A_2, %add3A_1429 : i32
      %jit3A_1482 = arith.constant 32 : i32
      %div3A_1483 = arith.divsi %add3A_1481, %jit3A_1482 : i32
      %sign3A_1484 = arith.constant 0 : i32
      %sign3A_1485 = arith.cmpi sgt, %add3A_1481, %sign3A_1484 : i32
      %sign3A_1486 = arith.extui %sign3A_1485 : i1 to i32
      %sign3A_1487 = arith.constant 0 : i32
      %sign3A_1488 = arith.cmpi slt, %add3A_1481, %sign3A_1487 : i32
      %sign3A_1489 = arith.extui %sign3A_1488 : i1 to i32
      %sign3A_1490 = arith.subi %sign3A_1486, %sign3A_1489 : i32
      %sign3A_1491 = arith.constant 0 : i32
      %sign3A_1492 = arith.cmpi sgt, %jit3A_1482, %sign3A_1491 : i32
      %sign3A_1493 = arith.extui %sign3A_1492 : i1 to i32
      %sign3A_1494 = arith.constant 0 : i32
      %sign3A_1495 = arith.cmpi slt, %jit3A_1482, %sign3A_1494 : i32
      %sign3A_1496 = arith.extui %sign3A_1495 : i1 to i32
      %sign3A_1497 = arith.subi %sign3A_1493, %sign3A_1496 : i32
      %ne3A_1498 = arith.cmpi ne, %sign3A_1490, %sign3A_1497 : i32
      %rem3A_1499 = arith.remsi %add3A_1481, %jit3A_1482 : i32
      %ne3A_1500 = arith.constant 0 : i32
      %ne3A_1501 = arith.cmpi ne, %rem3A_1499, %ne3A_1500 : i32
      %and3A_1502 = arith.andi %ne3A_1498, %ne3A_1501 : i1
      %sub3A_1503 = arith.constant 1 : i32
      %sub3A_1504 = arith.subi %div3A_1483, %sub3A_1503 : i32
      %select_n3A_1505 = arith.select %and3A_1502, %sub3A_1504, %div3A_1483 : i32
      %jit3A_1506 = arith.constant 32 : i32
      %eq3A_1507 = arith.constant 0 : i32
      %eq3A_1508 = arith.cmpi eq, %jit3A_1506, %eq3A_1507 : i32
      %jit3A_1509 = arith.constant 1 : i32
      %select_n3A_1510 = arith.select %eq3A_1508, %jit3A_1509, %jit3A_1506 : i32
      %rem3A_1511 = arith.remsi %add3A_1481, %select_n3A_1510 : i32
      %ne3A_1512 = arith.constant 0 : i32
      %ne3A_1513 = arith.cmpi ne, %rem3A_1511, %ne3A_1512 : i32
      %lt3A_1514 = arith.constant 0 : i32
      %lt3A_1515 = arith.cmpi slt, %rem3A_1511, %lt3A_1514 : i32
      %lt3A_1516 = arith.constant 0 : i32
      %lt3A_1517 = arith.cmpi slt, %select_n3A_1510, %lt3A_1516 : i32
      %ne3A_1518 = arith.xori %lt3A_1515, %lt3A_1517 : i1
      %and3A_1519 = arith.andi %ne3A_1518, %ne3A_1513 : i1
      %add3A_1520 = arith.addi %rem3A_1511, %select_n3A_1510 : i32
      %select_n3A_1521 = arith.select %and3A_1519, %add3A_1520, %rem3A_1511 : i32
      %dma_start3A_1522 = arith.constant 0 : i32
      %dma_start3A_1523 = arith.constant 0 : i32
      %dma_start3A_1524 = arith.constant 0 : i32
      %dma_start3A_1525 = tpu.memref_slice %arg18[%dma_start3A_1523, %dma_start3A_1524] : memref<64x128xf32, #tpu.memory_space<vmem>> -> memref<8x128xf32, #tpu.memory_space<vmem>>
      %dma_start3A_1526 = arith.constant 0 : i32
      %dma_start3A_1527 = arith.constant 0 : i32
      %dma_start3A_1528 = tpu.memref_slice %arg5[%select_n3A_1505, %dma_start3A_1522, %select_n3A_1521, %dma_start3A_1526, %dma_start3A_1527] : memref<200x8x32x8x128xf32, #tpu.memory_space<hbm>> -> memref<1x1x1x8x128xf32, #tpu.memory_space<hbm>>
      %dma_start3A_1529 = tpu.memref_squeeze %dma_start3A_1528 : memref<1x1x1x8x128xf32, #tpu.memory_space<hbm>> -> memref<8x128xf32, #tpu.memory_space<hbm>>
      %dma_start3A_1530 = arith.constant 0 : i32
      %dma_start3A_1531 = arith.constant 0 : i32
      %dma_start3A_1532 = tpu.memref_slice %arg5[%select_n3A_1505, %dma_start3A_1522, %select_n3A_1521, %dma_start3A_1530, %dma_start3A_1531] : memref<200x8x32x8x128xf32, #tpu.memory_space<hbm>> -> memref<1x1x1x8x128xf32, #tpu.memory_space<hbm>>
      %dma_start3A_1533 = tpu.memref_squeeze %dma_start3A_1532 : memref<1x1x1x8x128xf32, #tpu.memory_space<hbm>> -> memref<8x128xf32, #tpu.memory_space<hbm>>
      %dma_start3A_1534 = arith.constant 0 : i32
      %dma_start3A_1535 = arith.constant 0 : i32
      %dma_start3A_1536 = tpu.memref_slice %arg18[%dma_start3A_1534, %dma_start3A_1535] : memref<64x128xf32, #tpu.memory_space<vmem>> -> memref<8x128xf32, #tpu.memory_space<vmem>>
      tpu.enqueue_dma source(%dma_start3A_1536 : memref<8x128xf32, #tpu.memory_space<vmem>>) target(%dma_start3A_1533 : memref<8x128xf32, #tpu.memory_space<hbm>>) target_semaphore(%arg30 : memref<!tpu.dma_semaphore, #tpu.memory_space<semaphore_mem>>)
      %dma_start3A_1537 = arith.constant 1 : i32
      %dma_start3A_1538 = arith.constant 8 : i32
      %dma_start3A_1539 = arith.constant 0 : i32
      %dma_start3A_1540 = tpu.memref_slice %arg18[%dma_start3A_1538, %dma_start3A_1539] : memref<64x128xf32, #tpu.memory_space<vmem>> -> memref<8x128xf32, #tpu.memory_space<vmem>>
      %dma_start3A_1541 = arith.constant 0 : i32
      %dma_start3A_1542 = arith.constant 0 : i32
      %dma_start3A_1543 = tpu.memref_slice %arg5[%select_n3A_1505, %dma_start3A_1537, %select_n3A_1521, %dma_start3A_1541, %dma_start3A_1542] : memref<200x8x32x8x128xf32, #tpu.memory_space<hbm>> -> memref<1x1x1x8x128xf32, #tpu.memory_space<hbm>>
      %dma_start3A_1544 = tpu.memref_squeeze %dma_start3A_1543 : memref<1x1x1x8x128xf32, #tpu.memory_space<hbm>> -> memref<8x128xf32, #tpu.memory_space<hbm>>
      %dma_start3A_1545 = arith.constant 0 : i32
      %dma_start3A_1546 = arith.constant 0 : i32
      %dma_start3A_1547 = tpu.memref_slice %arg5[%select_n3A_1505, %dma_start3A_1537, %select_n3A_1521, %dma_start3A_1545, %dma_start3A_1546] : memref<200x8x32x8x128xf32, #tpu.memory_space<hbm>> -> memref<1x1x1x8x128xf32, #tpu.memory_space<hbm>>
      %dma_start3A_1548 = tpu.memref_squeeze %dma_start3A_1547 : memref<1x1x1x8x128xf32, #tpu.memory_space<hbm>> -> memref<8x128xf32, #tpu.memory_space<hbm>>
      %dma_start3A_1549 = arith.constant 8 : i32
      %dma_start3A_1550 = arith.constant 0 : i32
      %dma_start3A_1551 = tpu.memref_slice %arg18[%dma_start3A_1549, %dma_start3A_1550] : memref<64x128xf32, #tpu.memory_space<vmem>> -> memref<8x128xf32, #tpu.memory_space<vmem>>
      tpu.enqueue_dma source(%dma_start3A_1551 : memref<8x128xf32, #tpu.memory_space<vmem>>) target(%dma_start3A_1548 : memref<8x128xf32, #tpu.memory_space<hbm>>) target_semaphore(%arg30 : memref<!tpu.dma_semaphore, #tpu.memory_space<semaphore_mem>>)
      %dma_start3A_1552 = arith.constant 2 : i32
      %dma_start3A_1553 = arith.constant 16 : i32
      %dma_start3A_1554 = arith.constant 0 : i32
      %dma_start3A_1555 = tpu.memref_slice %arg18[%dma_start3A_1553, %dma_start3A_1554] : memref<64x128xf32, #tpu.memory_space<vmem>> -> memref<8x128xf32, #tpu.memory_space<vmem>>
      %dma_start3A_1556 = arith.constant 0 : i32
      %dma_start3A_1557 = arith.constant 0 : i32
      %dma_start3A_1558 = tpu.memref_slice %arg5[%select_n3A_1505, %dma_start3A_1552, %select_n3A_1521, %dma_start3A_1556, %dma_start3A_1557] : memref<200x8x32x8x128xf32, #tpu.memory_space<hbm>> -> memref<1x1x1x8x128xf32, #tpu.memory_space<hbm>>
      %dma_start3A_1559 = tpu.memref_squeeze %dma_start3A_1558 : memref<1x1x1x8x128xf32, #tpu.memory_space<hbm>> -> memref<8x128xf32, #tpu.memory_space<hbm>>
      %dma_start3A_1560 = arith.constant 0 : i32
      %dma_start3A_1561 = arith.constant 0 : i32
      %dma_start3A_1562 = tpu.memref_slice %arg5[%select_n3A_1505, %dma_start3A_1552, %select_n3A_1521, %dma_start3A_1560, %dma_start3A_1561] : memref<200x8x32x8x128xf32, #tpu.memory_space<hbm>> -> memref<1x1x1x8x128xf32, #tpu.memory_space<hbm>>
      %dma_start3A_1563 = tpu.memref_squeeze %dma_start3A_1562 : memref<1x1x1x8x128xf32, #tpu.memory_space<hbm>> -> memref<8x128xf32, #tpu.memory_space<hbm>>
      %dma_start3A_1564 = arith.constant 16 : i32
      %dma_start3A_1565 = arith.constant 0 : i32
      %dma_start3A_1566 = tpu.memref_slice %arg18[%dma_start3A_1564, %dma_start3A_1565] : memref<64x128xf32, #tpu.memory_space<vmem>> -> memref<8x128xf32, #tpu.memory_space<vmem>>
      tpu.enqueue_dma source(%dma_start3A_1566 : memref<8x128xf32, #tpu.memory_space<vmem>>) target(%dma_start3A_1563 : memref<8x128xf32, #tpu.memory_space<hbm>>) target_semaphore(%arg30 : memref<!tpu.dma_semaphore, #tpu.memory_space<semaphore_mem>>)
      %dma_start3A_1567 = arith.constant 3 : i32
      %dma_start3A_1568 = arith.constant 24 : i32
      %dma_start3A_1569 = arith.constant 0 : i32
      %dma_start3A_1570 = tpu.memref_slice %arg18[%dma_start3A_1568, %dma_start3A_1569] : memref<64x128xf32, #tpu.memory_space<vmem>> -> memref<8x128xf32, #tpu.memory_space<vmem>>
      %dma_start3A_1571 = arith.constant 0 : i32
      %dma_start3A_1572 = arith.constant 0 : i32
      %dma_start3A_1573 = tpu.memref_slice %arg5[%select_n3A_1505, %dma_start3A_1567, %select_n3A_1521, %dma_start3A_1571, %dma_start3A_1572] : memref<200x8x32x8x128xf32, #tpu.memory_space<hbm>> -> memref<1x1x1x8x128xf32, #tpu.memory_space<hbm>>
      %dma_start3A_1574 = tpu.memref_squeeze %dma_start3A_1573 : memref<1x1x1x8x128xf32, #tpu.memory_space<hbm>> -> memref<8x128xf32, #tpu.memory_space<hbm>>
      %dma_start3A_1575 = arith.constant 0 : i32
      %dma_start3A_1576 = arith.constant 0 : i32
      %dma_start3A_1577 = tpu.memref_slice %arg5[%select_n3A_1505, %dma_start3A_1567, %select_n3A_1521, %dma_start3A_1575, %dma_start3A_1576] : memref<200x8x32x8x128xf32, #tpu.memory_space<hbm>> -> memref<1x1x1x8x128xf32, #tpu.memory_space<hbm>>
      %dma_start3A_1578 = tpu.memref_squeeze %dma_start3A_1577 : memref<1x1x1x8x128xf32, #tpu.memory_space<hbm>> -> memref<8x128xf32, #tpu.memory_space<hbm>>
      %dma_start3A_1579 = arith.constant 24 : i32
      %dma_start3A_1580 = arith.constant 0 : i32
      %dma_start3A_1581 = tpu.memref_slice %arg18[%dma_start3A_1579, %dma_start3A_1580] : memref<64x128xf32, #tpu.memory_space<vmem>> -> memref<8x128xf32, #tpu.memory_space<vmem>>
      tpu.enqueue_dma source(%dma_start3A_1581 : memref<8x128xf32, #tpu.memory_space<vmem>>) target(%dma_start3A_1578 : memref<8x128xf32, #tpu.memory_space<hbm>>) target_semaphore(%arg30 : memref<!tpu.dma_semaphore, #tpu.memory_space<semaphore_mem>>)
      %dma_start3A_1582 = arith.constant 4 : i32
      %dma_start3A_1583 = arith.constant 32 : i32
      %dma_start3A_1584 = arith.constant 0 : i32
      %dma_start3A_1585 = tpu.memref_slice %arg18[%dma_start3A_1583, %dma_start3A_1584] : memref<64x128xf32, #tpu.memory_space<vmem>> -> memref<8x128xf32, #tpu.memory_space<vmem>>
      %dma_start3A_1586 = arith.constant 0 : i32
      %dma_start3A_1587 = arith.constant 0 : i32
      %dma_start3A_1588 = tpu.memref_slice %arg5[%select_n3A_1505, %dma_start3A_1582, %select_n3A_1521, %dma_start3A_1586, %dma_start3A_1587] : memref<200x8x32x8x128xf32, #tpu.memory_space<hbm>> -> memref<1x1x1x8x128xf32, #tpu.memory_space<hbm>>
      %dma_start3A_1589 = tpu.memref_squeeze %dma_start3A_1588 : memref<1x1x1x8x128xf32, #tpu.memory_space<hbm>> -> memref<8x128xf32, #tpu.memory_space<hbm>>
      %dma_start3A_1590 = arith.constant 0 : i32
      %dma_start3A_1591 = arith.constant 0 : i32
      %dma_start3A_1592 = tpu.memref_slice %arg5[%select_n3A_1505, %dma_start3A_1582, %select_n3A_1521, %dma_start3A_1590, %dma_start3A_1591] : memref<200x8x32x8x128xf32, #tpu.memory_space<hbm>> -> memref<1x1x1x8x128xf32, #tpu.memory_space<hbm>>
      %dma_start3A_1593 = tpu.memref_squeeze %dma_start3A_1592 : memref<1x1x1x8x128xf32, #tpu.memory_space<hbm>> -> memref<8x128xf32, #tpu.memory_space<hbm>>
      %dma_start3A_1594 = arith.constant 32 : i32
      %dma_start3A_1595 = arith.constant 0 : i32
      %dma_start3A_1596 = tpu.memref_slice %arg18[%dma_start3A_1594, %dma_start3A_1595] : memref<64x128xf32, #tpu.memory_space<vmem>> -> memref<8x128xf32, #tpu.memory_space<vmem>>
      tpu.enqueue_dma source(%dma_start3A_1596 : memref<8x128xf32, #tpu.memory_space<vmem>>) target(%dma_start3A_1593 : memref<8x128xf32, #tpu.memory_space<hbm>>) target_semaphore(%arg30 : memref<!tpu.dma_semaphore, #tpu.memory_space<semaphore_mem>>)
      %dma_start3A_1597 = arith.constant 5 : i32
      %dma_start3A_1598 = arith.constant 40 : i32
      %dma_start3A_1599 = arith.constant 0 : i32
      %dma_start3A_1600 = tpu.memref_slice %arg18[%dma_start3A_1598, %dma_start3A_1599] : memref<64x128xf32, #tpu.memory_space<vmem>> -> memref<8x128xf32, #tpu.memory_space<vmem>>
      %dma_start3A_1601 = arith.constant 0 : i32
      %dma_start3A_1602 = arith.constant 0 : i32
      %dma_start3A_1603 = tpu.memref_slice %arg5[%select_n3A_1505, %dma_start3A_1597, %select_n3A_1521, %dma_start3A_1601, %dma_start3A_1602] : memref<200x8x32x8x128xf32, #tpu.memory_space<hbm>> -> memref<1x1x1x8x128xf32, #tpu.memory_space<hbm>>
      %dma_start3A_1604 = tpu.memref_squeeze %dma_start3A_1603 : memref<1x1x1x8x128xf32, #tpu.memory_space<hbm>> -> memref<8x128xf32, #tpu.memory_space<hbm>>
      %dma_start3A_1605 = arith.constant 0 : i32
      %dma_start3A_1606 = arith.constant 0 : i32
      %dma_start3A_1607 = tpu.memref_slice %arg5[%select_n3A_1505, %dma_start3A_1597, %select_n3A_1521, %dma_start3A_1605, %dma_start3A_1606] : memref<200x8x32x8x128xf32, #tpu.memory_space<hbm>> -> memref<1x1x1x8x128xf32, #tpu.memory_space<hbm>>
      %dma_start3A_1608 = tpu.memref_squeeze %dma_start3A_1607 : memref<1x1x1x8x128xf32, #tpu.memory_space<hbm>> -> memref<8x128xf32, #tpu.memory_space<hbm>>
      %dma_start3A_1609 = arith.constant 40 : i32
      %dma_start3A_1610 = arith.constant 0 : i32
      %dma_start3A_1611 = tpu.memref_slice %arg18[%dma_start3A_1609, %dma_start3A_1610] : memref<64x128xf32, #tpu.memory_space<vmem>> -> memref<8x128xf32, #tpu.memory_space<vmem>>
      tpu.enqueue_dma source(%dma_start3A_1611 : memref<8x128xf32, #tpu.memory_space<vmem>>) target(%dma_start3A_1608 : memref<8x128xf32, #tpu.memory_space<hbm>>) target_semaphore(%arg30 : memref<!tpu.dma_semaphore, #tpu.memory_space<semaphore_mem>>)
      %dma_start3A_1612 = arith.constant 6 : i32
      %dma_start3A_1613 = arith.constant 48 : i32
      %dma_start3A_1614 = arith.constant 0 : i32
      %dma_start3A_1615 = tpu.memref_slice %arg18[%dma_start3A_1613, %dma_start3A_1614] : memref<64x128xf32, #tpu.memory_space<vmem>> -> memref<8x128xf32, #tpu.memory_space<vmem>>
      %dma_start3A_1616 = arith.constant 0 : i32
      %dma_start3A_1617 = arith.constant 0 : i32
      %dma_start3A_1618 = tpu.memref_slice %arg5[%select_n3A_1505, %dma_start3A_1612, %select_n3A_1521, %dma_start3A_1616, %dma_start3A_1617] : memref<200x8x32x8x128xf32, #tpu.memory_space<hbm>> -> memref<1x1x1x8x128xf32, #tpu.memory_space<hbm>>
      %dma_start3A_1619 = tpu.memref_squeeze %dma_start3A_1618 : memref<1x1x1x8x128xf32, #tpu.memory_space<hbm>> -> memref<8x128xf32, #tpu.memory_space<hbm>>
      %dma_start3A_1620 = arith.constant 0 : i32
      %dma_start3A_1621 = arith.constant 0 : i32
      %dma_start3A_1622 = tpu.memref_slice %arg5[%select_n3A_1505, %dma_start3A_1612, %select_n3A_1521, %dma_start3A_1620, %dma_start3A_1621] : memref<200x8x32x8x128xf32, #tpu.memory_space<hbm>> -> memref<1x1x1x8x128xf32, #tpu.memory_space<hbm>>
      %dma_start3A_1623 = tpu.memref_squeeze %dma_start3A_1622 : memref<1x1x1x8x128xf32, #tpu.memory_space<hbm>> -> memref<8x128xf32, #tpu.memory_space<hbm>>
      %dma_start3A_1624 = arith.constant 48 : i32
      %dma_start3A_1625 = arith.constant 0 : i32
      %dma_start3A_1626 = tpu.memref_slice %arg18[%dma_start3A_1624, %dma_start3A_1625] : memref<64x128xf32, #tpu.memory_space<vmem>> -> memref<8x128xf32, #tpu.memory_space<vmem>>
      tpu.enqueue_dma source(%dma_start3A_1626 : memref<8x128xf32, #tpu.memory_space<vmem>>) target(%dma_start3A_1623 : memref<8x128xf32, #tpu.memory_space<hbm>>) target_semaphore(%arg30 : memref<!tpu.dma_semaphore, #tpu.memory_space<semaphore_mem>>)
      %dma_start3A_1627 = arith.constant 7 : i32
      %dma_start3A_1628 = arith.constant 56 : i32
      %dma_start3A_1629 = arith.constant 0 : i32
      %dma_start3A_1630 = tpu.memref_slice %arg18[%dma_start3A_1628, %dma_start3A_1629] : memref<64x128xf32, #tpu.memory_space<vmem>> -> memref<8x128xf32, #tpu.memory_space<vmem>>
      %dma_start3A_1631 = arith.constant 0 : i32
      %dma_start3A_1632 = arith.constant 0 : i32
      %dma_start3A_1633 = tpu.memref_slice %arg5[%select_n3A_1505, %dma_start3A_1627, %select_n3A_1521, %dma_start3A_1631, %dma_start3A_1632] : memref<200x8x32x8x128xf32, #tpu.memory_space<hbm>> -> memref<1x1x1x8x128xf32, #tpu.memory_space<hbm>>
      %dma_start3A_1634 = tpu.memref_squeeze %dma_start3A_1633 : memref<1x1x1x8x128xf32, #tpu.memory_space<hbm>> -> memref<8x128xf32, #tpu.memory_space<hbm>>
      %dma_start3A_1635 = arith.constant 0 : i32
      %dma_start3A_1636 = arith.constant 0 : i32
      %dma_start3A_1637 = tpu.memref_slice %arg5[%select_n3A_1505, %dma_start3A_1627, %select_n3A_1521, %dma_start3A_1635, %dma_start3A_1636] : memref<200x8x32x8x128xf32, #tpu.memory_space<hbm>> -> memref<1x1x1x8x128xf32, #tpu.memory_space<hbm>>
      %dma_start3A_1638 = tpu.memref_squeeze %dma_start3A_1637 : memref<1x1x1x8x128xf32, #tpu.memory_space<hbm>> -> memref<8x128xf32, #tpu.memory_space<hbm>>
      %dma_start3A_1639 = arith.constant 56 : i32
      %dma_start3A_1640 = arith.constant 0 : i32
      %dma_start3A_1641 = tpu.memref_slice %arg18[%dma_start3A_1639, %dma_start3A_1640] : memref<64x128xf32, #tpu.memory_space<vmem>> -> memref<8x128xf32, #tpu.memory_space<vmem>>
      tpu.enqueue_dma source(%dma_start3A_1641 : memref<8x128xf32, #tpu.memory_space<vmem>>) target(%dma_start3A_1638 : memref<8x128xf32, #tpu.memory_space<hbm>>) target_semaphore(%arg30 : memref<!tpu.dma_semaphore, #tpu.memory_space<semaphore_mem>>)
      %add3A_1642 = arith.constant 4 : i32
      %add3A_1643 = arith.addi %add3A_1429, %add3A_1642 : i32
      %lt3A_1644 = arith.constant 200 : i32
      %lt3A_1645 = arith.cmpi slt, %add3A_1643, %lt3A_1644 : i32
      %convert_element_type3A_1646 = arith.extui %lt3A_1645 : i1 to i32
      %cond3A_1647 = arith.constant 0 : i32
      %cond3A_1648 = arith.cmpi ne, %convert_element_type3A_1646, %cond3A_1647 : i32
      scf.if %cond3A_1648 {
        %add3A_1896 = arith.constant 4 : i32
        %add3A_1897 = arith.addi %add3A_1429, %add3A_1896 : i32
        %add3A_1898 = arith.addi %mul3A_2, %add3A_1897 : i32
        %jit3A_1899 = arith.constant 32 : i32
        %div3A_1900 = arith.divsi %add3A_1898, %jit3A_1899 : i32
        %sign3A_1901 = arith.constant 0 : i32
        %sign3A_1902 = arith.cmpi sgt, %add3A_1898, %sign3A_1901 : i32
        %sign3A_1903 = arith.extui %sign3A_1902 : i1 to i32
        %sign3A_1904 = arith.constant 0 : i32
        %sign3A_1905 = arith.cmpi slt, %add3A_1898, %sign3A_1904 : i32
        %sign3A_1906 = arith.extui %sign3A_1905 : i1 to i32
        %sign3A_1907 = arith.subi %sign3A_1903, %sign3A_1906 : i32
        %sign3A_1908 = arith.constant 0 : i32
        %sign3A_1909 = arith.cmpi sgt, %jit3A_1899, %sign3A_1908 : i32
        %sign3A_1910 = arith.extui %sign3A_1909 : i1 to i32
        %sign3A_1911 = arith.constant 0 : i32
        %sign3A_1912 = arith.cmpi slt, %jit3A_1899, %sign3A_1911 : i32
        %sign3A_1913 = arith.extui %sign3A_1912 : i1 to i32
        %sign3A_1914 = arith.subi %sign3A_1910, %sign3A_1913 : i32
        %ne3A_1915 = arith.cmpi ne, %sign3A_1907, %sign3A_1914 : i32
        %rem3A_1916 = arith.remsi %add3A_1898, %jit3A_1899 : i32
        %ne3A_1917 = arith.constant 0 : i32
        %ne3A_1918 = arith.cmpi ne, %rem3A_1916, %ne3A_1917 : i32
        %and3A_1919 = arith.andi %ne3A_1915, %ne3A_1918 : i1
        %sub3A_1920 = arith.constant 1 : i32
        %sub3A_1921 = arith.subi %div3A_1900, %sub3A_1920 : i32
        %select_n3A_1922 = arith.select %and3A_1919, %sub3A_1921, %div3A_1900 : i32
        %jit3A_1923 = arith.constant 32 : i32
        %eq3A_1924 = arith.constant 0 : i32
        %eq3A_1925 = arith.cmpi eq, %jit3A_1923, %eq3A_1924 : i32
        %jit3A_1926 = arith.constant 1 : i32
        %select_n3A_1927 = arith.select %eq3A_1925, %jit3A_1926, %jit3A_1923 : i32
        %rem3A_1928 = arith.remsi %add3A_1898, %select_n3A_1927 : i32
        %ne3A_1929 = arith.constant 0 : i32
        %ne3A_1930 = arith.cmpi ne, %rem3A_1928, %ne3A_1929 : i32
        %lt3A_1931 = arith.constant 0 : i32
        %lt3A_1932 = arith.cmpi slt, %rem3A_1928, %lt3A_1931 : i32
        %lt3A_1933 = arith.constant 0 : i32
        %lt3A_1934 = arith.cmpi slt, %select_n3A_1927, %lt3A_1933 : i32
        %ne3A_1935 = arith.xori %lt3A_1932, %lt3A_1934 : i1
        %and3A_1936 = arith.andi %ne3A_1935, %ne3A_1930 : i1
        %add3A_1937 = arith.addi %rem3A_1928, %select_n3A_1927 : i32
        %select_n3A_1938 = arith.select %and3A_1936, %add3A_1937, %rem3A_1928 : i32
        %mul3A_1939 = arith.constant 128 : i32
        %mul3A_1940 = arith.muli %select_n3A_1938, %mul3A_1939 : i32
        %dma_start3A_1941 = tpu.memref_slice %arg2[%select_n3A_1922, %mul3A_1940] : memref<200x4096xi32, #tpu.memory_space<hbm>> -> memref<1x128xi32, #tpu.memory_space<hbm>>
        %dma_start3A_1942 = tpu.memref_squeeze %dma_start3A_1941 : memref<1x128xi32, #tpu.memory_space<hbm>> -> memref<128xi32, #tpu.memory_space<hbm>>
        %dma_start3A_1943 = tpu.memref_slice %arg2[%select_n3A_1922, %mul3A_1940] : memref<200x4096xi32, #tpu.memory_space<hbm>> -> memref<1x128xi32, #tpu.memory_space<hbm>>
        %dma_start3A_1944 = tpu.memref_squeeze %dma_start3A_1943 : memref<1x128xi32, #tpu.memory_space<hbm>> -> memref<128xi32, #tpu.memory_space<hbm>>
        tpu.enqueue_dma source(%dma_start3A_1944 : memref<128xi32, #tpu.memory_space<hbm>>) target(%arg10 : memref<128xi32, #tpu.memory_space<vmem>>) target_semaphore(%arg22 : memref<!tpu.dma_semaphore, #tpu.memory_space<semaphore_mem>>)
      } else {
      }
      %ge3A_1649 = arith.constant 2 : i32
      %ge3A_1650 = arith.cmpi sge, %add3A_1429, %ge3A_1649 : i32
      %convert_element_type3A_1651 = arith.extui %ge3A_1650 : i1 to i32
      %cond3A_1652 = arith.constant 0 : i32
      %cond3A_1653 = arith.cmpi ne, %convert_element_type3A_1651, %cond3A_1652 : i32
      scf.if %cond3A_1653 {
        %sub3A_1896 = arith.constant 2 : i32
        %sub3A_1897 = arith.subi %add3A_1429, %sub3A_1896 : i32
        %add3A_1898 = arith.addi %mul3A_2, %sub3A_1897 : i32
        %jit3A_1899 = arith.constant 32 : i32
        %div3A_1900 = arith.divsi %add3A_1898, %jit3A_1899 : i32
        %sign3A_1901 = arith.constant 0 : i32
        %sign3A_1902 = arith.cmpi sgt, %add3A_1898, %sign3A_1901 : i32
        %sign3A_1903 = arith.extui %sign3A_1902 : i1 to i32
        %sign3A_1904 = arith.constant 0 : i32
        %sign3A_1905 = arith.cmpi slt, %add3A_1898, %sign3A_1904 : i32
        %sign3A_1906 = arith.extui %sign3A_1905 : i1 to i32
        %sign3A_1907 = arith.subi %sign3A_1903, %sign3A_1906 : i32
        %sign3A_1908 = arith.constant 0 : i32
        %sign3A_1909 = arith.cmpi sgt, %jit3A_1899, %sign3A_1908 : i32
        %sign3A_1910 = arith.extui %sign3A_1909 : i1 to i32
        %sign3A_1911 = arith.constant 0 : i32
        %sign3A_1912 = arith.cmpi slt, %jit3A_1899, %sign3A_1911 : i32
        %sign3A_1913 = arith.extui %sign3A_1912 : i1 to i32
        %sign3A_1914 = arith.subi %sign3A_1910, %sign3A_1913 : i32
        %ne3A_1915 = arith.cmpi ne, %sign3A_1907, %sign3A_1914 : i32
        %rem3A_1916 = arith.remsi %add3A_1898, %jit3A_1899 : i32
        %ne3A_1917 = arith.constant 0 : i32
        %ne3A_1918 = arith.cmpi ne, %rem3A_1916, %ne3A_1917 : i32
        %and3A_1919 = arith.andi %ne3A_1915, %ne3A_1918 : i1
        %sub3A_1920 = arith.constant 1 : i32
        %sub3A_1921 = arith.subi %div3A_1900, %sub3A_1920 : i32
        %select_n3A_1922 = arith.select %and3A_1919, %sub3A_1921, %div3A_1900 : i32
        %jit3A_1923 = arith.constant 32 : i32
        %eq3A_1924 = arith.constant 0 : i32
        %eq3A_1925 = arith.cmpi eq, %jit3A_1923, %eq3A_1924 : i32
        %jit3A_1926 = arith.constant 1 : i32
        %select_n3A_1927 = arith.select %eq3A_1925, %jit3A_1926, %jit3A_1923 : i32
        %rem3A_1928 = arith.remsi %add3A_1898, %select_n3A_1927 : i32
        %ne3A_1929 = arith.constant 0 : i32
        %ne3A_1930 = arith.cmpi ne, %rem3A_1928, %ne3A_1929 : i32
        %lt3A_1931 = arith.constant 0 : i32
        %lt3A_1932 = arith.cmpi slt, %rem3A_1928, %lt3A_1931 : i32
        %lt3A_1933 = arith.constant 0 : i32
        %lt3A_1934 = arith.cmpi slt, %select_n3A_1927, %lt3A_1933 : i32
        %ne3A_1935 = arith.xori %lt3A_1932, %lt3A_1934 : i1
        %and3A_1936 = arith.andi %ne3A_1935, %ne3A_1930 : i1
        %add3A_1937 = arith.addi %rem3A_1928, %select_n3A_1927 : i32
        %select_n3A_1938 = arith.select %and3A_1936, %add3A_1937, %rem3A_1928 : i32
        %dma_wait3A_1939 = arith.constant 0 : i32
        %dma_wait3A_1940 = arith.constant 0 : i32
        %dma_wait3A_1941 = arith.constant 0 : i32
        %dma_wait3A_1942 = tpu.memref_slice %arg16[%dma_wait3A_1940, %dma_wait3A_1941] : memref<64x128xf32, #tpu.memory_space<vmem>> -> memref<8x128xf32, #tpu.memory_space<vmem>>
        %dma_wait3A_1943 = arith.constant 0 : i32
        %dma_wait3A_1944 = arith.constant 0 : i32
        %dma_wait3A_1945 = tpu.memref_slice %arg5[%select_n3A_1922, %dma_wait3A_1939, %select_n3A_1938, %dma_wait3A_1943, %dma_wait3A_1944] : memref<200x8x32x8x128xf32, #tpu.memory_space<hbm>> -> memref<1x1x1x8x128xf32, #tpu.memory_space<hbm>>
        %dma_wait3A_1946 = tpu.memref_squeeze %dma_wait3A_1945 : memref<1x1x1x8x128xf32, #tpu.memory_space<hbm>> -> memref<8x128xf32, #tpu.memory_space<hbm>>
        %dma_wait3A_1947 = arith.constant 0 : i32
        %dma_wait3A_1948 = arith.constant 0 : i32
        %dma_wait3A_1949 = tpu.memref_slice %arg5[%select_n3A_1922, %dma_wait3A_1939, %select_n3A_1938, %dma_wait3A_1947, %dma_wait3A_1948] : memref<200x8x32x8x128xf32, #tpu.memory_space<hbm>> -> memref<1x1x1x8x128xf32, #tpu.memory_space<hbm>>
        %dma_wait3A_1950 = tpu.memref_squeeze %dma_wait3A_1949 : memref<1x1x1x8x128xf32, #tpu.memory_space<hbm>> -> memref<8x128xf32, #tpu.memory_space<hbm>>
        %dma_wait3A_1951 = arith.constant 0 : i32
        %dma_wait3A_1952 = arith.constant 0 : i32
        %dma_wait3A_1953 = tpu.memref_slice %arg16[%dma_wait3A_1951, %dma_wait3A_1952] : memref<64x128xf32, #tpu.memory_space<vmem>> -> memref<8x128xf32, #tpu.memory_space<vmem>>
        tpu.wait_dma2 semaphore(%arg28 : memref<!tpu.dma_semaphore, #tpu.memory_space<semaphore_mem>>) src(%dma_wait3A_1953 : memref<8x128xf32, #tpu.memory_space<vmem>>) dst(%dma_wait3A_1950 : memref<8x128xf32, #tpu.memory_space<hbm>>)
        %dma_wait3A_1954 = arith.constant 1 : i32
        %dma_wait3A_1955 = arith.constant 8 : i32
        %dma_wait3A_1956 = arith.constant 0 : i32
        %dma_wait3A_1957 = tpu.memref_slice %arg16[%dma_wait3A_1955, %dma_wait3A_1956] : memref<64x128xf32, #tpu.memory_space<vmem>> -> memref<8x128xf32, #tpu.memory_space<vmem>>
        %dma_wait3A_1958 = arith.constant 0 : i32
        %dma_wait3A_1959 = arith.constant 0 : i32
        %dma_wait3A_1960 = tpu.memref_slice %arg5[%select_n3A_1922, %dma_wait3A_1954, %select_n3A_1938, %dma_wait3A_1958, %dma_wait3A_1959] : memref<200x8x32x8x128xf32, #tpu.memory_space<hbm>> -> memref<1x1x1x8x128xf32, #tpu.memory_space<hbm>>
        %dma_wait3A_1961 = tpu.memref_squeeze %dma_wait3A_1960 : memref<1x1x1x8x128xf32, #tpu.memory_space<hbm>> -> memref<8x128xf32, #tpu.memory_space<hbm>>
        %dma_wait3A_1962 = arith.constant 0 : i32
        %dma_wait3A_1963 = arith.constant 0 : i32
        %dma_wait3A_1964 = tpu.memref_slice %arg5[%select_n3A_1922, %dma_wait3A_1954, %select_n3A_1938, %dma_wait3A_1962, %dma_wait3A_1963] : memref<200x8x32x8x128xf32, #tpu.memory_space<hbm>> -> memref<1x1x1x8x128xf32, #tpu.memory_space<hbm>>
        %dma_wait3A_1965 = tpu.memref_squeeze %dma_wait3A_1964 : memref<1x1x1x8x128xf32, #tpu.memory_space<hbm>> -> memref<8x128xf32, #tpu.memory_space<hbm>>
        %dma_wait3A_1966 = arith.constant 8 : i32
        %dma_wait3A_1967 = arith.constant 0 : i32
        %dma_wait3A_1968 = tpu.memref_slice %arg16[%dma_wait3A_1966, %dma_wait3A_1967] : memref<64x128xf32, #tpu.memory_space<vmem>> -> memref<8x128xf32, #tpu.memory_space<vmem>>
        tpu.wait_dma2 semaphore(%arg28 : memref<!tpu.dma_semaphore, #tpu.memory_space<semaphore_mem>>) src(%dma_wait3A_1968 : memref<8x128xf32, #tpu.memory_space<vmem>>) dst(%dma_wait3A_1965 : memref<8x128xf32, #tpu.memory_space<hbm>>)
        %dma_wait3A_1969 = arith.constant 2 : i32
        %dma_wait3A_1970 = arith.constant 16 : i32
        %dma_wait3A_1971 = arith.constant 0 : i32
        %dma_wait3A_1972 = tpu.memref_slice %arg16[%dma_wait3A_1970, %dma_wait3A_1971] : memref<64x128xf32, #tpu.memory_space<vmem>> -> memref<8x128xf32, #tpu.memory_space<vmem>>
        %dma_wait3A_1973 = arith.constant 0 : i32
        %dma_wait3A_1974 = arith.constant 0 : i32
        %dma_wait3A_1975 = tpu.memref_slice %arg5[%select_n3A_1922, %dma_wait3A_1969, %select_n3A_1938, %dma_wait3A_1973, %dma_wait3A_1974] : memref<200x8x32x8x128xf32, #tpu.memory_space<hbm>> -> memref<1x1x1x8x128xf32, #tpu.memory_space<hbm>>
        %dma_wait3A_1976 = tpu.memref_squeeze %dma_wait3A_1975 : memref<1x1x1x8x128xf32, #tpu.memory_space<hbm>> -> memref<8x128xf32, #tpu.memory_space<hbm>>
        %dma_wait3A_1977 = arith.constant 0 : i32
        %dma_wait3A_1978 = arith.constant 0 : i32
        %dma_wait3A_1979 = tpu.memref_slice %arg5[%select_n3A_1922, %dma_wait3A_1969, %select_n3A_1938, %dma_wait3A_1977, %dma_wait3A_1978] : memref<200x8x32x8x128xf32, #tpu.memory_space<hbm>> -> memref<1x1x1x8x128xf32, #tpu.memory_space<hbm>>
        %dma_wait3A_1980 = tpu.memref_squeeze %dma_wait3A_1979 : memref<1x1x1x8x128xf32, #tpu.memory_space<hbm>> -> memref<8x128xf32, #tpu.memory_space<hbm>>
        %dma_wait3A_1981 = arith.constant 16 : i32
        %dma_wait3A_1982 = arith.constant 0 : i32
        %dma_wait3A_1983 = tpu.memref_slice %arg16[%dma_wait3A_1981, %dma_wait3A_1982] : memref<64x128xf32, #tpu.memory_space<vmem>> -> memref<8x128xf32, #tpu.memory_space<vmem>>
        tpu.wait_dma2 semaphore(%arg28 : memref<!tpu.dma_semaphore, #tpu.memory_space<semaphore_mem>>) src(%dma_wait3A_1983 : memref<8x128xf32, #tpu.memory_space<vmem>>) dst(%dma_wait3A_1980 : memref<8x128xf32, #tpu.memory_space<hbm>>)
        %dma_wait3A_1984 = arith.constant 3 : i32
        %dma_wait3A_1985 = arith.constant 24 : i32
        %dma_wait3A_1986 = arith.constant 0 : i32
        %dma_wait3A_1987 = tpu.memref_slice %arg16[%dma_wait3A_1985, %dma_wait3A_1986] : memref<64x128xf32, #tpu.memory_space<vmem>> -> memref<8x128xf32, #tpu.memory_space<vmem>>
        %dma_wait3A_1988 = arith.constant 0 : i32
        %dma_wait3A_1989 = arith.constant 0 : i32
        %dma_wait3A_1990 = tpu.memref_slice %arg5[%select_n3A_1922, %dma_wait3A_1984, %select_n3A_1938, %dma_wait3A_1988, %dma_wait3A_1989] : memref<200x8x32x8x128xf32, #tpu.memory_space<hbm>> -> memref<1x1x1x8x128xf32, #tpu.memory_space<hbm>>
        %dma_wait3A_1991 = tpu.memref_squeeze %dma_wait3A_1990 : memref<1x1x1x8x128xf32, #tpu.memory_space<hbm>> -> memref<8x128xf32, #tpu.memory_space<hbm>>
        %dma_wait3A_1992 = arith.constant 0 : i32
        %dma_wait3A_1993 = arith.constant 0 : i32
        %dma_wait3A_1994 = tpu.memref_slice %arg5[%select_n3A_1922, %dma_wait3A_1984, %select_n3A_1938, %dma_wait3A_1992, %dma_wait3A_1993] : memref<200x8x32x8x128xf32, #tpu.memory_space<hbm>> -> memref<1x1x1x8x128xf32, #tpu.memory_space<hbm>>
        %dma_wait3A_1995 = tpu.memref_squeeze %dma_wait3A_1994 : memref<1x1x1x8x128xf32, #tpu.memory_space<hbm>> -> memref<8x128xf32, #tpu.memory_space<hbm>>
        %dma_wait3A_1996 = arith.constant 24 : i32
        %dma_wait3A_1997 = arith.constant 0 : i32
        %dma_wait3A_1998 = tpu.memref_slice %arg16[%dma_wait3A_1996, %dma_wait3A_1997] : memref<64x128xf32, #tpu.memory_space<vmem>> -> memref<8x128xf32, #tpu.memory_space<vmem>>
        tpu.wait_dma2 semaphore(%arg28 : memref<!tpu.dma_semaphore, #tpu.memory_space<semaphore_mem>>) src(%dma_wait3A_1998 : memref<8x128xf32, #tpu.memory_space<vmem>>) dst(%dma_wait3A_1995 : memref<8x128xf32, #tpu.memory_space<hbm>>)
        %dma_wait3A_1999 = arith.constant 4 : i32
        %dma_wait3A_2000 = arith.constant 32 : i32
        %dma_wait3A_2001 = arith.constant 0 : i32
        %dma_wait3A_2002 = tpu.memref_slice %arg16[%dma_wait3A_2000, %dma_wait3A_2001] : memref<64x128xf32, #tpu.memory_space<vmem>> -> memref<8x128xf32, #tpu.memory_space<vmem>>
        %dma_wait3A_2003 = arith.constant 0 : i32
        %dma_wait3A_2004 = arith.constant 0 : i32
        %dma_wait3A_2005 = tpu.memref_slice %arg5[%select_n3A_1922, %dma_wait3A_1999, %select_n3A_1938, %dma_wait3A_2003, %dma_wait3A_2004] : memref<200x8x32x8x128xf32, #tpu.memory_space<hbm>> -> memref<1x1x1x8x128xf32, #tpu.memory_space<hbm>>
        %dma_wait3A_2006 = tpu.memref_squeeze %dma_wait3A_2005 : memref<1x1x1x8x128xf32, #tpu.memory_space<hbm>> -> memref<8x128xf32, #tpu.memory_space<hbm>>
        %dma_wait3A_2007 = arith.constant 0 : i32
        %dma_wait3A_2008 = arith.constant 0 : i32
        %dma_wait3A_2009 = tpu.memref_slice %arg5[%select_n3A_1922, %dma_wait3A_1999, %select_n3A_1938, %dma_wait3A_2007, %dma_wait3A_2008] : memref<200x8x32x8x128xf32, #tpu.memory_space<hbm>> -> memref<1x1x1x8x128xf32, #tpu.memory_space<hbm>>
        %dma_wait3A_2010 = tpu.memref_squeeze %dma_wait3A_2009 : memref<1x1x1x8x128xf32, #tpu.memory_space<hbm>> -> memref<8x128xf32, #tpu.memory_space<hbm>>
        %dma_wait3A_2011 = arith.constant 32 : i32
        %dma_wait3A_2012 = arith.constant 0 : i32
        %dma_wait3A_2013 = tpu.memref_slice %arg16[%dma_wait3A_2011, %dma_wait3A_2012] : memref<64x128xf32, #tpu.memory_space<vmem>> -> memref<8x128xf32, #tpu.memory_space<vmem>>
        tpu.wait_dma2 semaphore(%arg28 : memref<!tpu.dma_semaphore, #tpu.memory_space<semaphore_mem>>) src(%dma_wait3A_2013 : memref<8x128xf32, #tpu.memory_space<vmem>>) dst(%dma_wait3A_2010 : memref<8x128xf32, #tpu.memory_space<hbm>>)
        %dma_wait3A_2014 = arith.constant 5 : i32
        %dma_wait3A_2015 = arith.constant 40 : i32
        %dma_wait3A_2016 = arith.constant 0 : i32
        %dma_wait3A_2017 = tpu.memref_slice %arg16[%dma_wait3A_2015, %dma_wait3A_2016] : memref<64x128xf32, #tpu.memory_space<vmem>> -> memref<8x128xf32, #tpu.memory_space<vmem>>
        %dma_wait3A_2018 = arith.constant 0 : i32
        %dma_wait3A_2019 = arith.constant 0 : i32
        %dma_wait3A_2020 = tpu.memref_slice %arg5[%select_n3A_1922, %dma_wait3A_2014, %select_n3A_1938, %dma_wait3A_2018, %dma_wait3A_2019] : memref<200x8x32x8x128xf32, #tpu.memory_space<hbm>> -> memref<1x1x1x8x128xf32, #tpu.memory_space<hbm>>
        %dma_wait3A_2021 = tpu.memref_squeeze %dma_wait3A_2020 : memref<1x1x1x8x128xf32, #tpu.memory_space<hbm>> -> memref<8x128xf32, #tpu.memory_space<hbm>>
        %dma_wait3A_2022 = arith.constant 0 : i32
        %dma_wait3A_2023 = arith.constant 0 : i32
        %dma_wait3A_2024 = tpu.memref_slice %arg5[%select_n3A_1922, %dma_wait3A_2014, %select_n3A_1938, %dma_wait3A_2022, %dma_wait3A_2023] : memref<200x8x32x8x128xf32, #tpu.memory_space<hbm>> -> memref<1x1x1x8x128xf32, #tpu.memory_space<hbm>>
        %dma_wait3A_2025 = tpu.memref_squeeze %dma_wait3A_2024 : memref<1x1x1x8x128xf32, #tpu.memory_space<hbm>> -> memref<8x128xf32, #tpu.memory_space<hbm>>
        %dma_wait3A_2026 = arith.constant 40 : i32
        %dma_wait3A_2027 = arith.constant 0 : i32
        %dma_wait3A_2028 = tpu.memref_slice %arg16[%dma_wait3A_2026, %dma_wait3A_2027] : memref<64x128xf32, #tpu.memory_space<vmem>> -> memref<8x128xf32, #tpu.memory_space<vmem>>
        tpu.wait_dma2 semaphore(%arg28 : memref<!tpu.dma_semaphore, #tpu.memory_space<semaphore_mem>>) src(%dma_wait3A_2028 : memref<8x128xf32, #tpu.memory_space<vmem>>) dst(%dma_wait3A_2025 : memref<8x128xf32, #tpu.memory_space<hbm>>)
        %dma_wait3A_2029 = arith.constant 6 : i32
        %dma_wait3A_2030 = arith.constant 48 : i32
        %dma_wait3A_2031 = arith.constant 0 : i32
        %dma_wait3A_2032 = tpu.memref_slice %arg16[%dma_wait3A_2030, %dma_wait3A_2031] : memref<64x128xf32, #tpu.memory_space<vmem>> -> memref<8x128xf32, #tpu.memory_space<vmem>>
        %dma_wait3A_2033 = arith.constant 0 : i32
        %dma_wait3A_2034 = arith.constant 0 : i32
        %dma_wait3A_2035 = tpu.memref_slice %arg5[%select_n3A_1922, %dma_wait3A_2029, %select_n3A_1938, %dma_wait3A_2033, %dma_wait3A_2034] : memref<200x8x32x8x128xf32, #tpu.memory_space<hbm>> -> memref<1x1x1x8x128xf32, #tpu.memory_space<hbm>>
        %dma_wait3A_2036 = tpu.memref_squeeze %dma_wait3A_2035 : memref<1x1x1x8x128xf32, #tpu.memory_space<hbm>> -> memref<8x128xf32, #tpu.memory_space<hbm>>
        %dma_wait3A_2037 = arith.constant 0 : i32
        %dma_wait3A_2038 = arith.constant 0 : i32
        %dma_wait3A_2039 = tpu.memref_slice %arg5[%select_n3A_1922, %dma_wait3A_2029, %select_n3A_1938, %dma_wait3A_2037, %dma_wait3A_2038] : memref<200x8x32x8x128xf32, #tpu.memory_space<hbm>> -> memref<1x1x1x8x128xf32, #tpu.memory_space<hbm>>
        %dma_wait3A_2040 = tpu.memref_squeeze %dma_wait3A_2039 : memref<1x1x1x8x128xf32, #tpu.memory_space<hbm>> -> memref<8x128xf32, #tpu.memory_space<hbm>>
        %dma_wait3A_2041 = arith.constant 48 : i32
        %dma_wait3A_2042 = arith.constant 0 : i32
        %dma_wait3A_2043 = tpu.memref_slice %arg16[%dma_wait3A_2041, %dma_wait3A_2042] : memref<64x128xf32, #tpu.memory_space<vmem>> -> memref<8x128xf32, #tpu.memory_space<vmem>>
        tpu.wait_dma2 semaphore(%arg28 : memref<!tpu.dma_semaphore, #tpu.memory_space<semaphore_mem>>) src(%dma_wait3A_2043 : memref<8x128xf32, #tpu.memory_space<vmem>>) dst(%dma_wait3A_2040 : memref<8x128xf32, #tpu.memory_space<hbm>>)
        %dma_wait3A_2044 = arith.constant 7 : i32
        %dma_wait3A_2045 = arith.constant 56 : i32
        %dma_wait3A_2046 = arith.constant 0 : i32
        %dma_wait3A_2047 = tpu.memref_slice %arg16[%dma_wait3A_2045, %dma_wait3A_2046] : memref<64x128xf32, #tpu.memory_space<vmem>> -> memref<8x128xf32, #tpu.memory_space<vmem>>
        %dma_wait3A_2048 = arith.constant 0 : i32
        %dma_wait3A_2049 = arith.constant 0 : i32
        %dma_wait3A_2050 = tpu.memref_slice %arg5[%select_n3A_1922, %dma_wait3A_2044, %select_n3A_1938, %dma_wait3A_2048, %dma_wait3A_2049] : memref<200x8x32x8x128xf32, #tpu.memory_space<hbm>> -> memref<1x1x1x8x128xf32, #tpu.memory_space<hbm>>
        %dma_wait3A_2051 = tpu.memref_squeeze %dma_wait3A_2050 : memref<1x1x1x8x128xf32, #tpu.memory_space<hbm>> -> memref<8x128xf32, #tpu.memory_space<hbm>>
        %dma_wait3A_2052 = arith.constant 0 : i32
        %dma_wait3A_2053 = arith.constant 0 : i32
        %dma_wait3A_2054 = tpu.memref_slice %arg5[%select_n3A_1922, %dma_wait3A_2044, %select_n3A_1938, %dma_wait3A_2052, %dma_wait3A_2053] : memref<200x8x32x8x128xf32, #tpu.memory_space<hbm>> -> memref<1x1x1x8x128xf32, #tpu.memory_space<hbm>>
        %dma_wait3A_2055 = tpu.memref_squeeze %dma_wait3A_2054 : memref<1x1x1x8x128xf32, #tpu.memory_space<hbm>> -> memref<8x128xf32, #tpu.memory_space<hbm>>
        %dma_wait3A_2056 = arith.constant 56 : i32
        %dma_wait3A_2057 = arith.constant 0 : i32
        %dma_wait3A_2058 = tpu.memref_slice %arg16[%dma_wait3A_2056, %dma_wait3A_2057] : memref<64x128xf32, #tpu.memory_space<vmem>> -> memref<8x128xf32, #tpu.memory_space<vmem>>
        tpu.wait_dma2 semaphore(%arg28 : memref<!tpu.dma_semaphore, #tpu.memory_space<semaphore_mem>>) src(%dma_wait3A_2058 : memref<8x128xf32, #tpu.memory_space<vmem>>) dst(%dma_wait3A_2055 : memref<8x128xf32, #tpu.memory_space<hbm>>)
      } else {
      }
      %add3A_1654 = arith.constant 2 : i32
      %add3A_1655 = arith.addi %add3A_1429, %add3A_1654 : i32
      %lt3A_1656 = arith.constant 200 : i32
      %lt3A_1657 = arith.cmpi slt, %add3A_1655, %lt3A_1656 : i32
      %convert_element_type3A_1658 = arith.extui %lt3A_1657 : i1 to i32
      %cond3A_1659 = arith.constant 0 : i32
      %cond3A_1660 = arith.cmpi ne, %convert_element_type3A_1658, %cond3A_1659 : i32
      scf.if %cond3A_1660 {
        %add3A_1896 = arith.constant 2 : i32
        %add3A_1897 = arith.addi %add3A_1429, %add3A_1896 : i32
        %add3A_1898 = arith.addi %mul3A_2, %add3A_1897 : i32
        %jit3A_1899 = arith.constant 32 : i32
        %div3A_1900 = arith.divsi %add3A_1898, %jit3A_1899 : i32
        %sign3A_1901 = arith.constant 0 : i32
        %sign3A_1902 = arith.cmpi sgt, %add3A_1898, %sign3A_1901 : i32
        %sign3A_1903 = arith.extui %sign3A_1902 : i1 to i32
        %sign3A_1904 = arith.constant 0 : i32
        %sign3A_1905 = arith.cmpi slt, %add3A_1898, %sign3A_1904 : i32
        %sign3A_1906 = arith.extui %sign3A_1905 : i1 to i32
        %sign3A_1907 = arith.subi %sign3A_1903, %sign3A_1906 : i32
        %sign3A_1908 = arith.constant 0 : i32
        %sign3A_1909 = arith.cmpi sgt, %jit3A_1899, %sign3A_1908 : i32
        %sign3A_1910 = arith.extui %sign3A_1909 : i1 to i32
        %sign3A_1911 = arith.constant 0 : i32
        %sign3A_1912 = arith.cmpi slt, %jit3A_1899, %sign3A_1911 : i32
        %sign3A_1913 = arith.extui %sign3A_1912 : i1 to i32
        %sign3A_1914 = arith.subi %sign3A_1910, %sign3A_1913 : i32
        %ne3A_1915 = arith.cmpi ne, %sign3A_1907, %sign3A_1914 : i32
        %rem3A_1916 = arith.remsi %add3A_1898, %jit3A_1899 : i32
        %ne3A_1917 = arith.constant 0 : i32
        %ne3A_1918 = arith.cmpi ne, %rem3A_1916, %ne3A_1917 : i32
        %and3A_1919 = arith.andi %ne3A_1915, %ne3A_1918 : i1
        %sub3A_1920 = arith.constant 1 : i32
        %sub3A_1921 = arith.subi %div3A_1900, %sub3A_1920 : i32
        %select_n3A_1922 = arith.select %and3A_1919, %sub3A_1921, %div3A_1900 : i32
        %jit3A_1923 = arith.constant 32 : i32
        %eq3A_1924 = arith.constant 0 : i32
        %eq3A_1925 = arith.cmpi eq, %jit3A_1923, %eq3A_1924 : i32
        %jit3A_1926 = arith.constant 1 : i32
        %select_n3A_1927 = arith.select %eq3A_1925, %jit3A_1926, %jit3A_1923 : i32
        %rem3A_1928 = arith.remsi %add3A_1898, %select_n3A_1927 : i32
        %ne3A_1929 = arith.constant 0 : i32
        %ne3A_1930 = arith.cmpi ne, %rem3A_1928, %ne3A_1929 : i32
        %lt3A_1931 = arith.constant 0 : i32
        %lt3A_1932 = arith.cmpi slt, %rem3A_1928, %lt3A_1931 : i32
        %lt3A_1933 = arith.constant 0 : i32
        %lt3A_1934 = arith.cmpi slt, %select_n3A_1927, %lt3A_1933 : i32
        %ne3A_1935 = arith.xori %lt3A_1932, %lt3A_1934 : i1
        %and3A_1936 = arith.andi %ne3A_1935, %ne3A_1930 : i1
        %add3A_1937 = arith.addi %rem3A_1928, %select_n3A_1927 : i32
        %select_n3A_1938 = arith.select %and3A_1936, %add3A_1937, %rem3A_1928 : i32
        %mul3A_1939 = arith.constant 128 : i32
        %mul3A_1940 = arith.muli %select_n3A_1938, %mul3A_1939 : i32
        %dma_wait3A_1941 = tpu.memref_slice %arg2[%select_n3A_1922, %mul3A_1940] : memref<200x4096xi32, #tpu.memory_space<hbm>> -> memref<1x128xi32, #tpu.memory_space<hbm>>
        %dma_wait3A_1942 = tpu.memref_squeeze %dma_wait3A_1941 : memref<1x128xi32, #tpu.memory_space<hbm>> -> memref<128xi32, #tpu.memory_space<hbm>>
        %dma_wait3A_1943 = tpu.memref_slice %arg2[%select_n3A_1922, %mul3A_1940] : memref<200x4096xi32, #tpu.memory_space<hbm>> -> memref<1x128xi32, #tpu.memory_space<hbm>>
        %dma_wait3A_1944 = tpu.memref_squeeze %dma_wait3A_1943 : memref<1x128xi32, #tpu.memory_space<hbm>> -> memref<128xi32, #tpu.memory_space<hbm>>
        tpu.wait_dma2 semaphore(%arg20 : memref<!tpu.dma_semaphore, #tpu.memory_space<semaphore_mem>>) src(%dma_wait3A_1944 : memref<128xi32, #tpu.memory_space<hbm>>) dst(%arg8 : memref<128xi32, #tpu.memory_space<vmem>>)
        %add3A_1945 = arith.constant 2 : i32
        %add3A_1946 = arith.addi %add3A_1429, %add3A_1945 : i32
        %dma_start3A_1947 = arith.constant 0 : i32
        %dma_start3A_1948 = arith.constant 0 : i32
        %dma_start3A_1949 = tpu.memref_slice %arg3[%dma_start3A_1947, %dma_start3A_1948] : memref<100000x64xf32, #tpu.memory_space<hbm>> -> memref<100000x64xf32, #tpu.memory_space<hbm>>
        tpu.enqueue_indirect_dma source(%dma_start3A_1949 : memref<100000x64xf32, #tpu.memory_space<hbm>>) target(%arg12 : memref<128x64xf32, #tpu.memory_space<vmem>>) offsets(%arg8 : memref<128xi32, #tpu.memory_space<vmem>>) semaphore(%arg24 : memref<!tpu.dma_semaphore, #tpu.memory_space<semaphore_mem>>)
      } else {
      }
      %mul3A_1661 = arith.constant 4 : i32
      %mul3A_1662 = arith.muli %scan3A_959, %mul3A_1661 : i32
      %add3A_1663 = arith.constant 3 : i32
      %add3A_1664 = arith.addi %mul3A_1662, %add3A_1663 : i32
      %dma_wait3A_1665 = arith.constant 0 : i32
      %dma_wait3A_1666 = arith.constant 0 : i32
      %dma_wait3A_1667 = tpu.memref_slice %arg3[%dma_wait3A_1665, %dma_wait3A_1666] : memref<100000x64xf32, #tpu.memory_space<hbm>> -> memref<100000x64xf32, #tpu.memory_space<hbm>>
      tpu.wait_indirect_dma semaphore(%arg27 : memref<!tpu.dma_semaphore, #tpu.memory_space<semaphore_mem>>) src(%dma_wait3A_1667 : memref<100000x64xf32, #tpu.memory_space<hbm>>) dst(%arg15 : memref<128x64xf32, #tpu.memory_space<vmem>>)
      %add3A_1668 = arith.addi %mul3A_2, %add3A_1664 : i32
      %jit3A_1669 = arith.constant 32 : i32
      %div3A_1670 = arith.divsi %add3A_1668, %jit3A_1669 : i32
      %sign3A_1671 = arith.constant 0 : i32
      %sign3A_1672 = arith.cmpi sgt, %add3A_1668, %sign3A_1671 : i32
      %sign3A_1673 = arith.extui %sign3A_1672 : i1 to i32
      %sign3A_1674 = arith.constant 0 : i32
      %sign3A_1675 = arith.cmpi slt, %add3A_1668, %sign3A_1674 : i32
      %sign3A_1676 = arith.extui %sign3A_1675 : i1 to i32
      %sign3A_1677 = arith.subi %sign3A_1673, %sign3A_1676 : i32
      %sign3A_1678 = arith.constant 0 : i32
      %sign3A_1679 = arith.cmpi sgt, %jit3A_1669, %sign3A_1678 : i32
      %sign3A_1680 = arith.extui %sign3A_1679 : i1 to i32
      %sign3A_1681 = arith.constant 0 : i32
      %sign3A_1682 = arith.cmpi slt, %jit3A_1669, %sign3A_1681 : i32
      %sign3A_1683 = arith.extui %sign3A_1682 : i1 to i32
      %sign3A_1684 = arith.subi %sign3A_1680, %sign3A_1683 : i32
      %ne3A_1685 = arith.cmpi ne, %sign3A_1677, %sign3A_1684 : i32
      %rem3A_1686 = arith.remsi %add3A_1668, %jit3A_1669 : i32
      %ne3A_1687 = arith.constant 0 : i32
      %ne3A_1688 = arith.cmpi ne, %rem3A_1686, %ne3A_1687 : i32
      %and3A_1689 = arith.andi %ne3A_1685, %ne3A_1688 : i1
      %sub3A_1690 = arith.constant 1 : i32
      %sub3A_1691 = arith.subi %div3A_1670, %sub3A_1690 : i32
      %select_n3A_1692 = arith.select %and3A_1689, %sub3A_1691, %div3A_1670 : i32
      %jit3A_1693 = arith.constant 32 : i32
      %eq3A_1694 = arith.constant 0 : i32
      %eq3A_1695 = arith.cmpi eq, %jit3A_1693, %eq3A_1694 : i32
      %jit3A_1696 = arith.constant 1 : i32
      %select_n3A_1697 = arith.select %eq3A_1695, %jit3A_1696, %jit3A_1693 : i32
      %rem3A_1698 = arith.remsi %add3A_1668, %select_n3A_1697 : i32
      %ne3A_1699 = arith.constant 0 : i32
      %ne3A_1700 = arith.cmpi ne, %rem3A_1698, %ne3A_1699 : i32
      %lt3A_1701 = arith.constant 0 : i32
      %lt3A_1702 = arith.cmpi slt, %rem3A_1698, %lt3A_1701 : i32
      %lt3A_1703 = arith.constant 0 : i32
      %lt3A_1704 = arith.cmpi slt, %select_n3A_1697, %lt3A_1703 : i32
      %ne3A_1705 = arith.xori %lt3A_1702, %lt3A_1704 : i1
      %and3A_1706 = arith.andi %ne3A_1705, %ne3A_1700 : i1
      %add3A_1707 = arith.addi %rem3A_1698, %select_n3A_1697 : i32
      %select_n3A_1708 = arith.select %and3A_1706, %add3A_1707, %rem3A_1698 : i32
      %mul3A_1709 = arith.constant 64 : i32
      %mul3A_1710 = arith.muli %select_n3A_1692, %mul3A_1709 : i32
      %add3A_1711 = vector.broadcast %mul3A_1710 : i32 to vector<16xi32>
      %add3A_1712 = arith.addi %mul3A_29, %add3A_1711 : vector<16xi32>
      %parallel_loop3A_1713 = arith.constant 0 : i32
      %parallel_loop3A_1714 = arith.constant 64 : i32
      %parallel_loop3A_1715 = arith.constant 16 : i32
      scf.for %parallel_loop3A_1896 = %parallel_loop3A_1713 to %parallel_loop3A_1714 step %parallel_loop3A_1715  : i32 {
        %parallel_loop3A_1897 = arith.constant 0 : i32
        %parallel_loop3A_1898 = arith.constant 16 : i32
        %parallel_loop3A_1899 = arith.constant 1 : i32
        scf.for %parallel_loop3A_1900 = %parallel_loop3A_1897 to %parallel_loop3A_1898 step %parallel_loop3A_1899  : i32 {
          %parallel_loop3A_1901 = arith.index_cast %parallel_loop3A_1900 : i32 to index
          %parallel_loop3A_1902 = arith.constant 0 : index
          %parallel_loop3A_1903 = tpu.vector_load %arg7[%parallel_loop3A_1901, %parallel_loop3A_1902] {strides = array<i32>} : memref<16x16xi32, #tpu.memory_space<vmem>>, vector<16xi32>,
          %parallel_loop3A_1904 = vector.broadcast %parallel_loop3A_1896 : i32 to vector<16xi32>
          %parallel_loop3A_1905 = arith.addi %parallel_loop3A_1903, %parallel_loop3A_1904 : vector<16xi32>
          %parallel_loop3A_1906 = arith.addi %add3A_1712, %parallel_loop3A_1905 : vector<16xi32>
          %parallel_loop3A_1907 = tpu.vector_load_idx %arg6[%parallel_loop3A_1906] : memref<12800xf32, #tpu.memory_space<vmem>>[vector<16xi32>], vector<16xf32>,
          %parallel_loop3A_1908 = tpu.vector_load_idx %arg15[%add3A_5, %parallel_loop3A_1905] : memref<128x64xf32, #tpu.memory_space<vmem>>[vector<16xi32>, vector<16xi32>], vector<16xf32>,
          %parallel_loop3A_1909 = arith.addf %parallel_loop3A_1908, %parallel_loop3A_1907 : vector<16xf32>
          tpu.vector_store_idx %arg19[%parallel_loop3A_1905, %add3A_5], %parallel_loop3A_1909 : memref<64x128xf32, #tpu.memory_space<vmem>>[vector<16xi32>, vector<16xi32>], vector<16xf32>,
          %parallel_loop3A_1910 = tpu.vector_load_idx %arg15[%add3A_8, %parallel_loop3A_1905] : memref<128x64xf32, #tpu.memory_space<vmem>>[vector<16xi32>, vector<16xi32>], vector<16xf32>,
          %parallel_loop3A_1911 = arith.addf %parallel_loop3A_1910, %parallel_loop3A_1907 : vector<16xf32>
          tpu.vector_store_idx %arg19[%parallel_loop3A_1905, %add3A_8], %parallel_loop3A_1911 : memref<64x128xf32, #tpu.memory_space<vmem>>[vector<16xi32>, vector<16xi32>], vector<16xf32>,
          %parallel_loop3A_1912 = tpu.vector_load_idx %arg15[%add3A_11, %parallel_loop3A_1905] : memref<128x64xf32, #tpu.memory_space<vmem>>[vector<16xi32>, vector<16xi32>], vector<16xf32>,
          %parallel_loop3A_1913 = arith.addf %parallel_loop3A_1912, %parallel_loop3A_1907 : vector<16xf32>
          tpu.vector_store_idx %arg19[%parallel_loop3A_1905, %add3A_11], %parallel_loop3A_1913 : memref<64x128xf32, #tpu.memory_space<vmem>>[vector<16xi32>, vector<16xi32>], vector<16xf32>,
          %parallel_loop3A_1914 = tpu.vector_load_idx %arg15[%add3A_14, %parallel_loop3A_1905] : memref<128x64xf32, #tpu.memory_space<vmem>>[vector<16xi32>, vector<16xi32>], vector<16xf32>,
          %parallel_loop3A_1915 = arith.addf %parallel_loop3A_1914, %parallel_loop3A_1907 : vector<16xf32>
          tpu.vector_store_idx %arg19[%parallel_loop3A_1905, %add3A_14], %parallel_loop3A_1915 : memref<64x128xf32, #tpu.memory_space<vmem>>[vector<16xi32>, vector<16xi32>], vector<16xf32>,
          %parallel_loop3A_1916 = tpu.vector_load_idx %arg15[%add3A_17, %parallel_loop3A_1905] : memref<128x64xf32, #tpu.memory_space<vmem>>[vector<16xi32>, vector<16xi32>], vector<16xf32>,
          %parallel_loop3A_1917 = arith.addf %parallel_loop3A_1916, %parallel_loop3A_1907 : vector<16xf32>
          tpu.vector_store_idx %arg19[%parallel_loop3A_1905, %add3A_17], %parallel_loop3A_1917 : memref<64x128xf32, #tpu.memory_space<vmem>>[vector<16xi32>, vector<16xi32>], vector<16xf32>,
          %parallel_loop3A_1918 = tpu.vector_load_idx %arg15[%add3A_20, %parallel_loop3A_1905] : memref<128x64xf32, #tpu.memory_space<vmem>>[vector<16xi32>, vector<16xi32>], vector<16xf32>,
          %parallel_loop3A_1919 = arith.addf %parallel_loop3A_1918, %parallel_loop3A_1907 : vector<16xf32>
          tpu.vector_store_idx %arg19[%parallel_loop3A_1905, %add3A_20], %parallel_loop3A_1919 : memref<64x128xf32, #tpu.memory_space<vmem>>[vector<16xi32>, vector<16xi32>], vector<16xf32>,
          %parallel_loop3A_1920 = tpu.vector_load_idx %arg15[%add3A_23, %parallel_loop3A_1905] : memref<128x64xf32, #tpu.memory_space<vmem>>[vector<16xi32>, vector<16xi32>], vector<16xf32>,
          %parallel_loop3A_1921 = arith.addf %parallel_loop3A_1920, %parallel_loop3A_1907 : vector<16xf32>
          tpu.vector_store_idx %arg19[%parallel_loop3A_1905, %add3A_23], %parallel_loop3A_1921 : memref<64x128xf32, #tpu.memory_space<vmem>>[vector<16xi32>, vector<16xi32>], vector<16xf32>,
          %parallel_loop3A_1922 = tpu.vector_load_idx %arg15[%add3A_26, %parallel_loop3A_1905] : memref<128x64xf32, #tpu.memory_space<vmem>>[vector<16xi32>, vector<16xi32>], vector<16xf32>,
          %parallel_loop3A_1923 = arith.addf %parallel_loop3A_1922, %parallel_loop3A_1907 : vector<16xf32>
          tpu.vector_store_idx %arg19[%parallel_loop3A_1905, %add3A_26], %parallel_loop3A_1923 : memref<64x128xf32, #tpu.memory_space<vmem>>[vector<16xi32>, vector<16xi32>], vector<16xf32>,
        } {sc.loop_unroll_factor = 4 : i64, sc.parallel_access}
      } {sc.loop_unroll_factor = 1 : i64, sc.parallel_access}
      %add3A_1716 = arith.addi %mul3A_2, %add3A_1664 : i32
      %jit3A_1717 = arith.constant 32 : i32
      %div3A_1718 = arith.divsi %add3A_1716, %jit3A_1717 : i32
      %sign3A_1719 = arith.constant 0 : i32
      %sign3A_1720 = arith.cmpi sgt, %add3A_1716, %sign3A_1719 : i32
      %sign3A_1721 = arith.extui %sign3A_1720 : i1 to i32
      %sign3A_1722 = arith.constant 0 : i32
      %sign3A_1723 = arith.cmpi slt, %add3A_1716, %sign3A_1722 : i32
      %sign3A_1724 = arith.extui %sign3A_1723 : i1 to i32
      %sign3A_1725 = arith.subi %sign3A_1721, %sign3A_1724 : i32
      %sign3A_1726 = arith.constant 0 : i32
      %sign3A_1727 = arith.cmpi sgt, %jit3A_1717, %sign3A_1726 : i32
      %sign3A_1728 = arith.extui %sign3A_1727 : i1 to i32
      %sign3A_1729 = arith.constant 0 : i32
      %sign3A_1730 = arith.cmpi slt, %jit3A_1717, %sign3A_1729 : i32
      %sign3A_1731 = arith.extui %sign3A_1730 : i1 to i32
      %sign3A_1732 = arith.subi %sign3A_1728, %sign3A_1731 : i32
      %ne3A_1733 = arith.cmpi ne, %sign3A_1725, %sign3A_1732 : i32
      %rem3A_1734 = arith.remsi %add3A_1716, %jit3A_1717 : i32
      %ne3A_1735 = arith.constant 0 : i32
      %ne3A_1736 = arith.cmpi ne, %rem3A_1734, %ne3A_1735 : i32
      %and3A_1737 = arith.andi %ne3A_1733, %ne3A_1736 : i1
      %sub3A_1738 = arith.constant 1 : i32
      %sub3A_1739 = arith.subi %div3A_1718, %sub3A_1738 : i32
      %select_n3A_1740 = arith.select %and3A_1737, %sub3A_1739, %div3A_1718 : i32
      %jit3A_1741 = arith.constant 32 : i32
      %eq3A_1742 = arith.constant 0 : i32
      %eq3A_1743 = arith.cmpi eq, %jit3A_1741, %eq3A_1742 : i32
      %jit3A_1744 = arith.constant 1 : i32
      %select_n3A_1745 = arith.select %eq3A_1743, %jit3A_1744, %jit3A_1741 : i32
      %rem3A_1746 = arith.remsi %add3A_1716, %select_n3A_1745 : i32
      %ne3A_1747 = arith.constant 0 : i32
      %ne3A_1748 = arith.cmpi ne, %rem3A_1746, %ne3A_1747 : i32
      %lt3A_1749 = arith.constant 0 : i32
      %lt3A_1750 = arith.cmpi slt, %rem3A_1746, %lt3A_1749 : i32
      %lt3A_1751 = arith.constant 0 : i32
      %lt3A_1752 = arith.cmpi slt, %select_n3A_1745, %lt3A_1751 : i32
      %ne3A_1753 = arith.xori %lt3A_1750, %lt3A_1752 : i1
      %and3A_1754 = arith.andi %ne3A_1753, %ne3A_1748 : i1
      %add3A_1755 = arith.addi %rem3A_1746, %select_n3A_1745 : i32
      %select_n3A_1756 = arith.select %and3A_1754, %add3A_1755, %rem3A_1746 : i32
      %dma_start3A_1757 = arith.constant 0 : i32
      %dma_start3A_1758 = arith.constant 0 : i32
      %dma_start3A_1759 = arith.constant 0 : i32
      %dma_start3A_1760 = tpu.memref_slice %arg19[%dma_start3A_1758, %dma_start3A_1759] : memref<64x128xf32, #tpu.memory_space<vmem>> -> memref<8x128xf32, #tpu.memory_space<vmem>>
      %dma_start3A_1761 = arith.constant 0 : i32
      %dma_start3A_1762 = arith.constant 0 : i32
      %dma_start3A_1763 = tpu.memref_slice %arg5[%select_n3A_1740, %dma_start3A_1757, %select_n3A_1756, %dma_start3A_1761, %dma_start3A_1762] : memref<200x8x32x8x128xf32, #tpu.memory_space<hbm>> -> memref<1x1x1x8x128xf32, #tpu.memory_space<hbm>>
      %dma_start3A_1764 = tpu.memref_squeeze %dma_start3A_1763 : memref<1x1x1x8x128xf32, #tpu.memory_space<hbm>> -> memref<8x128xf32, #tpu.memory_space<hbm>>
      %dma_start3A_1765 = arith.constant 0 : i32
      %dma_start3A_1766 = arith.constant 0 : i32
      %dma_start3A_1767 = tpu.memref_slice %arg5[%select_n3A_1740, %dma_start3A_1757, %select_n3A_1756, %dma_start3A_1765, %dma_start3A_1766] : memref<200x8x32x8x128xf32, #tpu.memory_space<hbm>> -> memref<1x1x1x8x128xf32, #tpu.memory_space<hbm>>
      %dma_start3A_1768 = tpu.memref_squeeze %dma_start3A_1767 : memref<1x1x1x8x128xf32, #tpu.memory_space<hbm>> -> memref<8x128xf32, #tpu.memory_space<hbm>>
      %dma_start3A_1769 = arith.constant 0 : i32
      %dma_start3A_1770 = arith.constant 0 : i32
      %dma_start3A_1771 = tpu.memref_slice %arg19[%dma_start3A_1769, %dma_start3A_1770] : memref<64x128xf32, #tpu.memory_space<vmem>> -> memref<8x128xf32, #tpu.memory_space<vmem>>
      tpu.enqueue_dma source(%dma_start3A_1771 : memref<8x128xf32, #tpu.memory_space<vmem>>) target(%dma_start3A_1768 : memref<8x128xf32, #tpu.memory_space<hbm>>) target_semaphore(%arg31 : memref<!tpu.dma_semaphore, #tpu.memory_space<semaphore_mem>>)
      %dma_start3A_1772 = arith.constant 1 : i32
      %dma_start3A_1773 = arith.constant 8 : i32
      %dma_start3A_1774 = arith.constant 0 : i32
      %dma_start3A_1775 = tpu.memref_slice %arg19[%dma_start3A_1773, %dma_start3A_1774] : memref<64x128xf32, #tpu.memory_space<vmem>> -> memref<8x128xf32, #tpu.memory_space<vmem>>
      %dma_start3A_1776 = arith.constant 0 : i32
      %dma_start3A_1777 = arith.constant 0 : i32
      %dma_start3A_1778 = tpu.memref_slice %arg5[%select_n3A_1740, %dma_start3A_1772, %select_n3A_1756, %dma_start3A_1776, %dma_start3A_1777] : memref<200x8x32x8x128xf32, #tpu.memory_space<hbm>> -> memref<1x1x1x8x128xf32, #tpu.memory_space<hbm>>
      %dma_start3A_1779 = tpu.memref_squeeze %dma_start3A_1778 : memref<1x1x1x8x128xf32, #tpu.memory_space<hbm>> -> memref<8x128xf32, #tpu.memory_space<hbm>>
      %dma_start3A_1780 = arith.constant 0 : i32
      %dma_start3A_1781 = arith.constant 0 : i32
      %dma_start3A_1782 = tpu.memref_slice %arg5[%select_n3A_1740, %dma_start3A_1772, %select_n3A_1756, %dma_start3A_1780, %dma_start3A_1781] : memref<200x8x32x8x128xf32, #tpu.memory_space<hbm>> -> memref<1x1x1x8x128xf32, #tpu.memory_space<hbm>>
      %dma_start3A_1783 = tpu.memref_squeeze %dma_start3A_1782 : memref<1x1x1x8x128xf32, #tpu.memory_space<hbm>> -> memref<8x128xf32, #tpu.memory_space<hbm>>
      %dma_start3A_1784 = arith.constant 8 : i32
      %dma_start3A_1785 = arith.constant 0 : i32
      %dma_start3A_1786 = tpu.memref_slice %arg19[%dma_start3A_1784, %dma_start3A_1785] : memref<64x128xf32, #tpu.memory_space<vmem>> -> memref<8x128xf32, #tpu.memory_space<vmem>>
      tpu.enqueue_dma source(%dma_start3A_1786 : memref<8x128xf32, #tpu.memory_space<vmem>>) target(%dma_start3A_1783 : memref<8x128xf32, #tpu.memory_space<hbm>>) target_semaphore(%arg31 : memref<!tpu.dma_semaphore, #tpu.memory_space<semaphore_mem>>)
      %dma_start3A_1787 = arith.constant 2 : i32
      %dma_start3A_1788 = arith.constant 16 : i32
      %dma_start3A_1789 = arith.constant 0 : i32
      %dma_start3A_1790 = tpu.memref_slice %arg19[%dma_start3A_1788, %dma_start3A_1789] : memref<64x128xf32, #tpu.memory_space<vmem>> -> memref<8x128xf32, #tpu.memory_space<vmem>>
      %dma_start3A_1791 = arith.constant 0 : i32
      %dma_start3A_1792 = arith.constant 0 : i32
      %dma_start3A_1793 = tpu.memref_slice %arg5[%select_n3A_1740, %dma_start3A_1787, %select_n3A_1756, %dma_start3A_1791, %dma_start3A_1792] : memref<200x8x32x8x128xf32, #tpu.memory_space<hbm>> -> memref<1x1x1x8x128xf32, #tpu.memory_space<hbm>>
      %dma_start3A_1794 = tpu.memref_squeeze %dma_start3A_1793 : memref<1x1x1x8x128xf32, #tpu.memory_space<hbm>> -> memref<8x128xf32, #tpu.memory_space<hbm>>
      %dma_start3A_1795 = arith.constant 0 : i32
      %dma_start3A_1796 = arith.constant 0 : i32
      %dma_start3A_1797 = tpu.memref_slice %arg5[%select_n3A_1740, %dma_start3A_1787, %select_n3A_1756, %dma_start3A_1795, %dma_start3A_1796] : memref<200x8x32x8x128xf32, #tpu.memory_space<hbm>> -> memref<1x1x1x8x128xf32, #tpu.memory_space<hbm>>
      %dma_start3A_1798 = tpu.memref_squeeze %dma_start3A_1797 : memref<1x1x1x8x128xf32, #tpu.memory_space<hbm>> -> memref<8x128xf32, #tpu.memory_space<hbm>>
      %dma_start3A_1799 = arith.constant 16 : i32
      %dma_start3A_1800 = arith.constant 0 : i32
      %dma_start3A_1801 = tpu.memref_slice %arg19[%dma_start3A_1799, %dma_start3A_1800] : memref<64x128xf32, #tpu.memory_space<vmem>> -> memref<8x128xf32, #tpu.memory_space<vmem>>
      tpu.enqueue_dma source(%dma_start3A_1801 : memref<8x128xf32, #tpu.memory_space<vmem>>) target(%dma_start3A_1798 : memref<8x128xf32, #tpu.memory_space<hbm>>) target_semaphore(%arg31 : memref<!tpu.dma_semaphore, #tpu.memory_space<semaphore_mem>>)
      %dma_start3A_1802 = arith.constant 3 : i32
      %dma_start3A_1803 = arith.constant 24 : i32
      %dma_start3A_1804 = arith.constant 0 : i32
      %dma_start3A_1805 = tpu.memref_slice %arg19[%dma_start3A_1803, %dma_start3A_1804] : memref<64x128xf32, #tpu.memory_space<vmem>> -> memref<8x128xf32, #tpu.memory_space<vmem>>
      %dma_start3A_1806 = arith.constant 0 : i32
      %dma_start3A_1807 = arith.constant 0 : i32
      %dma_start3A_1808 = tpu.memref_slice %arg5[%select_n3A_1740, %dma_start3A_1802, %select_n3A_1756, %dma_start3A_1806, %dma_start3A_1807] : memref<200x8x32x8x128xf32, #tpu.memory_space<hbm>> -> memref<1x1x1x8x128xf32, #tpu.memory_space<hbm>>
      %dma_start3A_1809 = tpu.memref_squeeze %dma_start3A_1808 : memref<1x1x1x8x128xf32, #tpu.memory_space<hbm>> -> memref<8x128xf32, #tpu.memory_space<hbm>>
      %dma_start3A_1810 = arith.constant 0 : i32
      %dma_start3A_1811 = arith.constant 0 : i32
      %dma_start3A_1812 = tpu.memref_slice %arg5[%select_n3A_1740, %dma_start3A_1802, %select_n3A_1756, %dma_start3A_1810, %dma_start3A_1811] : memref<200x8x32x8x128xf32, #tpu.memory_space<hbm>> -> memref<1x1x1x8x128xf32, #tpu.memory_space<hbm>>
      %dma_start3A_1813 = tpu.memref_squeeze %dma_start3A_1812 : memref<1x1x1x8x128xf32, #tpu.memory_space<hbm>> -> memref<8x128xf32, #tpu.memory_space<hbm>>
      %dma_start3A_1814 = arith.constant 24 : i32
      %dma_start3A_1815 = arith.constant 0 : i32
      %dma_start3A_1816 = tpu.memref_slice %arg19[%dma_start3A_1814, %dma_start3A_1815] : memref<64x128xf32, #tpu.memory_space<vmem>> -> memref<8x128xf32, #tpu.memory_space<vmem>>
      tpu.enqueue_dma source(%dma_start3A_1816 : memref<8x128xf32, #tpu.memory_space<vmem>>) target(%dma_start3A_1813 : memref<8x128xf32, #tpu.memory_space<hbm>>) target_semaphore(%arg31 : memref<!tpu.dma_semaphore, #tpu.memory_space<semaphore_mem>>)
      %dma_start3A_1817 = arith.constant 4 : i32
      %dma_start3A_1818 = arith.constant 32 : i32
      %dma_start3A_1819 = arith.constant 0 : i32
      %dma_start3A_1820 = tpu.memref_slice %arg19[%dma_start3A_1818, %dma_start3A_1819] : memref<64x128xf32, #tpu.memory_space<vmem>> -> memref<8x128xf32, #tpu.memory_space<vmem>>
      %dma_start3A_1821 = arith.constant 0 : i32
      %dma_start3A_1822 = arith.constant 0 : i32
      %dma_start3A_1823 = tpu.memref_slice %arg5[%select_n3A_1740, %dma_start3A_1817, %select_n3A_1756, %dma_start3A_1821, %dma_start3A_1822] : memref<200x8x32x8x128xf32, #tpu.memory_space<hbm>> -> memref<1x1x1x8x128xf32, #tpu.memory_space<hbm>>
      %dma_start3A_1824 = tpu.memref_squeeze %dma_start3A_1823 : memref<1x1x1x8x128xf32, #tpu.memory_space<hbm>> -> memref<8x128xf32, #tpu.memory_space<hbm>>
      %dma_start3A_1825 = arith.constant 0 : i32
      %dma_start3A_1826 = arith.constant 0 : i32
      %dma_start3A_1827 = tpu.memref_slice %arg5[%select_n3A_1740, %dma_start3A_1817, %select_n3A_1756, %dma_start3A_1825, %dma_start3A_1826] : memref<200x8x32x8x128xf32, #tpu.memory_space<hbm>> -> memref<1x1x1x8x128xf32, #tpu.memory_space<hbm>>
      %dma_start3A_1828 = tpu.memref_squeeze %dma_start3A_1827 : memref<1x1x1x8x128xf32, #tpu.memory_space<hbm>> -> memref<8x128xf32, #tpu.memory_space<hbm>>
      %dma_start3A_1829 = arith.constant 32 : i32
      %dma_start3A_1830 = arith.constant 0 : i32
      %dma_start3A_1831 = tpu.memref_slice %arg19[%dma_start3A_1829, %dma_start3A_1830] : memref<64x128xf32, #tpu.memory_space<vmem>> -> memref<8x128xf32, #tpu.memory_space<vmem>>
      tpu.enqueue_dma source(%dma_start3A_1831 : memref<8x128xf32, #tpu.memory_space<vmem>>) target(%dma_start3A_1828 : memref<8x128xf32, #tpu.memory_space<hbm>>) target_semaphore(%arg31 : memref<!tpu.dma_semaphore, #tpu.memory_space<semaphore_mem>>)
      %dma_start3A_1832 = arith.constant 5 : i32
      %dma_start3A_1833 = arith.constant 40 : i32
      %dma_start3A_1834 = arith.constant 0 : i32
      %dma_start3A_1835 = tpu.memref_slice %arg19[%dma_start3A_1833, %dma_start3A_1834] : memref<64x128xf32, #tpu.memory_space<vmem>> -> memref<8x128xf32, #tpu.memory_space<vmem>>
      %dma_start3A_1836 = arith.constant 0 : i32
      %dma_start3A_1837 = arith.constant 0 : i32
      %dma_start3A_1838 = tpu.memref_slice %arg5[%select_n3A_1740, %dma_start3A_1832, %select_n3A_1756, %dma_start3A_1836, %dma_start3A_1837] : memref<200x8x32x8x128xf32, #tpu.memory_space<hbm>> -> memref<1x1x1x8x128xf32, #tpu.memory_space<hbm>>
      %dma_start3A_1839 = tpu.memref_squeeze %dma_start3A_1838 : memref<1x1x1x8x128xf32, #tpu.memory_space<hbm>> -> memref<8x128xf32, #tpu.memory_space<hbm>>
      %dma_start3A_1840 = arith.constant 0 : i32
      %dma_start3A_1841 = arith.constant 0 : i32
      %dma_start3A_1842 = tpu.memref_slice %arg5[%select_n3A_1740, %dma_start3A_1832, %select_n3A_1756, %dma_start3A_1840, %dma_start3A_1841] : memref<200x8x32x8x128xf32, #tpu.memory_space<hbm>> -> memref<1x1x1x8x128xf32, #tpu.memory_space<hbm>>
      %dma_start3A_1843 = tpu.memref_squeeze %dma_start3A_1842 : memref<1x1x1x8x128xf32, #tpu.memory_space<hbm>> -> memref<8x128xf32, #tpu.memory_space<hbm>>
      %dma_start3A_1844 = arith.constant 40 : i32
      %dma_start3A_1845 = arith.constant 0 : i32
      %dma_start3A_1846 = tpu.memref_slice %arg19[%dma_start3A_1844, %dma_start3A_1845] : memref<64x128xf32, #tpu.memory_space<vmem>> -> memref<8x128xf32, #tpu.memory_space<vmem>>
      tpu.enqueue_dma source(%dma_start3A_1846 : memref<8x128xf32, #tpu.memory_space<vmem>>) target(%dma_start3A_1843 : memref<8x128xf32, #tpu.memory_space<hbm>>) target_semaphore(%arg31 : memref<!tpu.dma_semaphore, #tpu.memory_space<semaphore_mem>>)
      %dma_start3A_1847 = arith.constant 6 : i32
      %dma_start3A_1848 = arith.constant 48 : i32
      %dma_start3A_1849 = arith.constant 0 : i32
      %dma_start3A_1850 = tpu.memref_slice %arg19[%dma_start3A_1848, %dma_start3A_1849] : memref<64x128xf32, #tpu.memory_space<vmem>> -> memref<8x128xf32, #tpu.memory_space<vmem>>
      %dma_start3A_1851 = arith.constant 0 : i32
      %dma_start3A_1852 = arith.constant 0 : i32
      %dma_start3A_1853 = tpu.memref_slice %arg5[%select_n3A_1740, %dma_start3A_1847, %select_n3A_1756, %dma_start3A_1851, %dma_start3A_1852] : memref<200x8x32x8x128xf32, #tpu.memory_space<hbm>> -> memref<1x1x1x8x128xf32, #tpu.memory_space<hbm>>
      %dma_start3A_1854 = tpu.memref_squeeze %dma_start3A_1853 : memref<1x1x1x8x128xf32, #tpu.memory_space<hbm>> -> memref<8x128xf32, #tpu.memory_space<hbm>>
      %dma_start3A_1855 = arith.constant 0 : i32
      %dma_start3A_1856 = arith.constant 0 : i32
      %dma_start3A_1857 = tpu.memref_slice %arg5[%select_n3A_1740, %dma_start3A_1847, %select_n3A_1756, %dma_start3A_1855, %dma_start3A_1856] : memref<200x8x32x8x128xf32, #tpu.memory_space<hbm>> -> memref<1x1x1x8x128xf32, #tpu.memory_space<hbm>>
      %dma_start3A_1858 = tpu.memref_squeeze %dma_start3A_1857 : memref<1x1x1x8x128xf32, #tpu.memory_space<hbm>> -> memref<8x128xf32, #tpu.memory_space<hbm>>
      %dma_start3A_1859 = arith.constant 48 : i32
      %dma_start3A_1860 = arith.constant 0 : i32
      %dma_start3A_1861 = tpu.memref_slice %arg19[%dma_start3A_1859, %dma_start3A_1860] : memref<64x128xf32, #tpu.memory_space<vmem>> -> memref<8x128xf32, #tpu.memory_space<vmem>>
      tpu.enqueue_dma source(%dma_start3A_1861 : memref<8x128xf32, #tpu.memory_space<vmem>>) target(%dma_start3A_1858 : memref<8x128xf32, #tpu.memory_space<hbm>>) target_semaphore(%arg31 : memref<!tpu.dma_semaphore, #tpu.memory_space<semaphore_mem>>)
      %dma_start3A_1862 = arith.constant 7 : i32
      %dma_start3A_1863 = arith.constant 56 : i32
      %dma_start3A_1864 = arith.constant 0 : i32
      %dma_start3A_1865 = tpu.memref_slice %arg19[%dma_start3A_1863, %dma_start3A_1864] : memref<64x128xf32, #tpu.memory_space<vmem>> -> memref<8x128xf32, #tpu.memory_space<vmem>>
      %dma_start3A_1866 = arith.constant 0 : i32
      %dma_start3A_1867 = arith.constant 0 : i32
      %dma_start3A_1868 = tpu.memref_slice %arg5[%select_n3A_1740, %dma_start3A_1862, %select_n3A_1756, %dma_start3A_1866, %dma_start3A_1867] : memref<200x8x32x8x128xf32, #tpu.memory_space<hbm>> -> memref<1x1x1x8x128xf32, #tpu.memory_space<hbm>>
      %dma_start3A_1869 = tpu.memref_squeeze %dma_start3A_1868 : memref<1x1x1x8x128xf32, #tpu.memory_space<hbm>> -> memref<8x128xf32, #tpu.memory_space<hbm>>
      %dma_start3A_1870 = arith.constant 0 : i32
      %dma_start3A_1871 = arith.constant 0 : i32
      %dma_start3A_1872 = tpu.memref_slice %arg5[%select_n3A_1740, %dma_start3A_1862, %select_n3A_1756, %dma_start3A_1870, %dma_start3A_1871] : memref<200x8x32x8x128xf32, #tpu.memory_space<hbm>> -> memref<1x1x1x8x128xf32, #tpu.memory_space<hbm>>
      %dma_start3A_1873 = tpu.memref_squeeze %dma_start3A_1872 : memref<1x1x1x8x128xf32, #tpu.memory_space<hbm>> -> memref<8x128xf32, #tpu.memory_space<hbm>>
      %dma_start3A_1874 = arith.constant 56 : i32
      %dma_start3A_1875 = arith.constant 0 : i32
      %dma_start3A_1876 = tpu.memref_slice %arg19[%dma_start3A_1874, %dma_start3A_1875] : memref<64x128xf32, #tpu.memory_space<vmem>> -> memref<8x128xf32, #tpu.memory_space<vmem>>
      tpu.enqueue_dma source(%dma_start3A_1876 : memref<8x128xf32, #tpu.memory_space<vmem>>) target(%dma_start3A_1873 : memref<8x128xf32, #tpu.memory_space<hbm>>) target_semaphore(%arg31 : memref<!tpu.dma_semaphore, #tpu.memory_space<semaphore_mem>>)
      %add3A_1877 = arith.constant 4 : i32
      %add3A_1878 = arith.addi %add3A_1664, %add3A_1877 : i32
      %lt3A_1879 = arith.constant 200 : i32
      %lt3A_1880 = arith.cmpi slt, %add3A_1878, %lt3A_1879 : i32
      %convert_element_type3A_1881 = arith.extui %lt3A_1880 : i1 to i32
      %cond3A_1882 = arith.constant 0 : i32
      %cond3A_1883 = arith.cmpi ne, %convert_element_type3A_1881, %cond3A_1882 : i32
      scf.if %cond3A_1883 {
        %add3A_1896 = arith.constant 4 : i32
        %add3A_1897 = arith.addi %add3A_1664, %add3A_1896 : i32
        %add3A_1898 = arith.addi %mul3A_2, %add3A_1897 : i32
        %jit3A_1899 = arith.constant 32 : i32
        %div3A_1900 = arith.divsi %add3A_1898, %jit3A_1899 : i32
        %sign3A_1901 = arith.constant 0 : i32
        %sign3A_1902 = arith.cmpi sgt, %add3A_1898, %sign3A_1901 : i32
        %sign3A_1903 = arith.extui %sign3A_1902 : i1 to i32
        %sign3A_1904 = arith.constant 0 : i32
        %sign3A_1905 = arith.cmpi slt, %add3A_1898, %sign3A_1904 : i32
        %sign3A_1906 = arith.extui %sign3A_1905 : i1 to i32
        %sign3A_1907 = arith.subi %sign3A_1903, %sign3A_1906 : i32
        %sign3A_1908 = arith.constant 0 : i32
        %sign3A_1909 = arith.cmpi sgt, %jit3A_1899, %sign3A_1908 : i32
        %sign3A_1910 = arith.extui %sign3A_1909 : i1 to i32
        %sign3A_1911 = arith.constant 0 : i32
        %sign3A_1912 = arith.cmpi slt, %jit3A_1899, %sign3A_1911 : i32
        %sign3A_1913 = arith.extui %sign3A_1912 : i1 to i32
        %sign3A_1914 = arith.subi %sign3A_1910, %sign3A_1913 : i32
        %ne3A_1915 = arith.cmpi ne, %sign3A_1907, %sign3A_1914 : i32
        %rem3A_1916 = arith.remsi %add3A_1898, %jit3A_1899 : i32
        %ne3A_1917 = arith.constant 0 : i32
        %ne3A_1918 = arith.cmpi ne, %rem3A_1916, %ne3A_1917 : i32
        %and3A_1919 = arith.andi %ne3A_1915, %ne3A_1918 : i1
        %sub3A_1920 = arith.constant 1 : i32
        %sub3A_1921 = arith.subi %div3A_1900, %sub3A_1920 : i32
        %select_n3A_1922 = arith.select %and3A_1919, %sub3A_1921, %div3A_1900 : i32
        %jit3A_1923 = arith.constant 32 : i32
        %eq3A_1924 = arith.constant 0 : i32
        %eq3A_1925 = arith.cmpi eq, %jit3A_1923, %eq3A_1924 : i32
        %jit3A_1926 = arith.constant 1 : i32
        %select_n3A_1927 = arith.select %eq3A_1925, %jit3A_1926, %jit3A_1923 : i32
        %rem3A_1928 = arith.remsi %add3A_1898, %select_n3A_1927 : i32
        %ne3A_1929 = arith.constant 0 : i32
        %ne3A_1930 = arith.cmpi ne, %rem3A_1928, %ne3A_1929 : i32
        %lt3A_1931 = arith.constant 0 : i32
        %lt3A_1932 = arith.cmpi slt, %rem3A_1928, %lt3A_1931 : i32
        %lt3A_1933 = arith.constant 0 : i32
        %lt3A_1934 = arith.cmpi slt, %select_n3A_1927, %lt3A_1933 : i32
        %ne3A_1935 = arith.xori %lt3A_1932, %lt3A_1934 : i1
        %and3A_1936 = arith.andi %ne3A_1935, %ne3A_1930 : i1
        %add3A_1937 = arith.addi %rem3A_1928, %select_n3A_1927 : i32
        %select_n3A_1938 = arith.select %and3A_1936, %add3A_1937, %rem3A_1928 : i32
        %mul3A_1939 = arith.constant 128 : i32
        %mul3A_1940 = arith.muli %select_n3A_1938, %mul3A_1939 : i32
        %dma_start3A_1941 = tpu.memref_slice %arg2[%select_n3A_1922, %mul3A_1940] : memref<200x4096xi32, #tpu.memory_space<hbm>> -> memref<1x128xi32, #tpu.memory_space<hbm>>
        %dma_start3A_1942 = tpu.memref_squeeze %dma_start3A_1941 : memref<1x128xi32, #tpu.memory_space<hbm>> -> memref<128xi32, #tpu.memory_space<hbm>>
        %dma_start3A_1943 = tpu.memref_slice %arg2[%select_n3A_1922, %mul3A_1940] : memref<200x4096xi32, #tpu.memory_space<hbm>> -> memref<1x128xi32, #tpu.memory_space<hbm>>
        %dma_start3A_1944 = tpu.memref_squeeze %dma_start3A_1943 : memref<1x128xi32, #tpu.memory_space<hbm>> -> memref<128xi32, #tpu.memory_space<hbm>>
        tpu.enqueue_dma source(%dma_start3A_1944 : memref<128xi32, #tpu.memory_space<hbm>>) target(%arg11 : memref<128xi32, #tpu.memory_space<vmem>>) target_semaphore(%arg23 : memref<!tpu.dma_semaphore, #tpu.memory_space<semaphore_mem>>)
      } else {
      }
      %ge3A_1884 = arith.constant 2 : i32
      %ge3A_1885 = arith.cmpi sge, %add3A_1664, %ge3A_1884 : i32
      %convert_element_type3A_1886 = arith.extui %ge3A_1885 : i1 to i32
      %cond3A_1887 = arith.constant 0 : i32
      %cond3A_1888 = arith.cmpi ne, %convert_element_type3A_1886, %cond3A_1887 : i32
      scf.if %cond3A_1888 {
        %sub3A_1896 = arith.constant 2 : i32
        %sub3A_1897 = arith.subi %add3A_1664, %sub3A_1896 : i32
        %add3A_1898 = arith.addi %mul3A_2, %sub3A_1897 : i32
        %jit3A_1899 = arith.constant 32 : i32
        %div3A_1900 = arith.divsi %add3A_1898, %jit3A_1899 : i32
        %sign3A_1901 = arith.constant 0 : i32
        %sign3A_1902 = arith.cmpi sgt, %add3A_1898, %sign3A_1901 : i32
        %sign3A_1903 = arith.extui %sign3A_1902 : i1 to i32
        %sign3A_1904 = arith.constant 0 : i32
        %sign3A_1905 = arith.cmpi slt, %add3A_1898, %sign3A_1904 : i32
        %sign3A_1906 = arith.extui %sign3A_1905 : i1 to i32
        %sign3A_1907 = arith.subi %sign3A_1903, %sign3A_1906 : i32
        %sign3A_1908 = arith.constant 0 : i32
        %sign3A_1909 = arith.cmpi sgt, %jit3A_1899, %sign3A_1908 : i32
        %sign3A_1910 = arith.extui %sign3A_1909 : i1 to i32
        %sign3A_1911 = arith.constant 0 : i32
        %sign3A_1912 = arith.cmpi slt, %jit3A_1899, %sign3A_1911 : i32
        %sign3A_1913 = arith.extui %sign3A_1912 : i1 to i32
        %sign3A_1914 = arith.subi %sign3A_1910, %sign3A_1913 : i32
        %ne3A_1915 = arith.cmpi ne, %sign3A_1907, %sign3A_1914 : i32
        %rem3A_1916 = arith.remsi %add3A_1898, %jit3A_1899 : i32
        %ne3A_1917 = arith.constant 0 : i32
        %ne3A_1918 = arith.cmpi ne, %rem3A_1916, %ne3A_1917 : i32
        %and3A_1919 = arith.andi %ne3A_1915, %ne3A_1918 : i1
        %sub3A_1920 = arith.constant 1 : i32
        %sub3A_1921 = arith.subi %div3A_1900, %sub3A_1920 : i32
        %select_n3A_1922 = arith.select %and3A_1919, %sub3A_1921, %div3A_1900 : i32
        %jit3A_1923 = arith.constant 32 : i32
        %eq3A_1924 = arith.constant 0 : i32
        %eq3A_1925 = arith.cmpi eq, %jit3A_1923, %eq3A_1924 : i32
        %jit3A_1926 = arith.constant 1 : i32
        %select_n3A_1927 = arith.select %eq3A_1925, %jit3A_1926, %jit3A_1923 : i32
        %rem3A_1928 = arith.remsi %add3A_1898, %select_n3A_1927 : i32
        %ne3A_1929 = arith.constant 0 : i32
        %ne3A_1930 = arith.cmpi ne, %rem3A_1928, %ne3A_1929 : i32
        %lt3A_1931 = arith.constant 0 : i32
        %lt3A_1932 = arith.cmpi slt, %rem3A_1928, %lt3A_1931 : i32
        %lt3A_1933 = arith.constant 0 : i32
        %lt3A_1934 = arith.cmpi slt, %select_n3A_1927, %lt3A_1933 : i32
        %ne3A_1935 = arith.xori %lt3A_1932, %lt3A_1934 : i1
        %and3A_1936 = arith.andi %ne3A_1935, %ne3A_1930 : i1
        %add3A_1937 = arith.addi %rem3A_1928, %select_n3A_1927 : i32
        %select_n3A_1938 = arith.select %and3A_1936, %add3A_1937, %rem3A_1928 : i32
        %dma_wait3A_1939 = arith.constant 0 : i32
        %dma_wait3A_1940 = arith.constant 0 : i32
        %dma_wait3A_1941 = arith.constant 0 : i32
        %dma_wait3A_1942 = tpu.memref_slice %arg17[%dma_wait3A_1940, %dma_wait3A_1941] : memref<64x128xf32, #tpu.memory_space<vmem>> -> memref<8x128xf32, #tpu.memory_space<vmem>>
        %dma_wait3A_1943 = arith.constant 0 : i32
        %dma_wait3A_1944 = arith.constant 0 : i32
        %dma_wait3A_1945 = tpu.memref_slice %arg5[%select_n3A_1922, %dma_wait3A_1939, %select_n3A_1938, %dma_wait3A_1943, %dma_wait3A_1944] : memref<200x8x32x8x128xf32, #tpu.memory_space<hbm>> -> memref<1x1x1x8x128xf32, #tpu.memory_space<hbm>>
        %dma_wait3A_1946 = tpu.memref_squeeze %dma_wait3A_1945 : memref<1x1x1x8x128xf32, #tpu.memory_space<hbm>> -> memref<8x128xf32, #tpu.memory_space<hbm>>
        %dma_wait3A_1947 = arith.constant 0 : i32
        %dma_wait3A_1948 = arith.constant 0 : i32
        %dma_wait3A_1949 = tpu.memref_slice %arg5[%select_n3A_1922, %dma_wait3A_1939, %select_n3A_1938, %dma_wait3A_1947, %dma_wait3A_1948] : memref<200x8x32x8x128xf32, #tpu.memory_space<hbm>> -> memref<1x1x1x8x128xf32, #tpu.memory_space<hbm>>
        %dma_wait3A_1950 = tpu.memref_squeeze %dma_wait3A_1949 : memref<1x1x1x8x128xf32, #tpu.memory_space<hbm>> -> memref<8x128xf32, #tpu.memory_space<hbm>>
        %dma_wait3A_1951 = arith.constant 0 : i32
        %dma_wait3A_1952 = arith.constant 0 : i32
        %dma_wait3A_1953 = tpu.memref_slice %arg17[%dma_wait3A_1951, %dma_wait3A_1952] : memref<64x128xf32, #tpu.memory_space<vmem>> -> memref<8x128xf32, #tpu.memory_space<vmem>>
        tpu.wait_dma2 semaphore(%arg29 : memref<!tpu.dma_semaphore, #tpu.memory_space<semaphore_mem>>) src(%dma_wait3A_1953 : memref<8x128xf32, #tpu.memory_space<vmem>>) dst(%dma_wait3A_1950 : memref<8x128xf32, #tpu.memory_space<hbm>>)
        %dma_wait3A_1954 = arith.constant 1 : i32
        %dma_wait3A_1955 = arith.constant 8 : i32
        %dma_wait3A_1956 = arith.constant 0 : i32
        %dma_wait3A_1957 = tpu.memref_slice %arg17[%dma_wait3A_1955, %dma_wait3A_1956] : memref<64x128xf32, #tpu.memory_space<vmem>> -> memref<8x128xf32, #tpu.memory_space<vmem>>
        %dma_wait3A_1958 = arith.constant 0 : i32
        %dma_wait3A_1959 = arith.constant 0 : i32
        %dma_wait3A_1960 = tpu.memref_slice %arg5[%select_n3A_1922, %dma_wait3A_1954, %select_n3A_1938, %dma_wait3A_1958, %dma_wait3A_1959] : memref<200x8x32x8x128xf32, #tpu.memory_space<hbm>> -> memref<1x1x1x8x128xf32, #tpu.memory_space<hbm>>
        %dma_wait3A_1961 = tpu.memref_squeeze %dma_wait3A_1960 : memref<1x1x1x8x128xf32, #tpu.memory_space<hbm>> -> memref<8x128xf32, #tpu.memory_space<hbm>>
        %dma_wait3A_1962 = arith.constant 0 : i32
        %dma_wait3A_1963 = arith.constant 0 : i32
        %dma_wait3A_1964 = tpu.memref_slice %arg5[%select_n3A_1922, %dma_wait3A_1954, %select_n3A_1938, %dma_wait3A_1962, %dma_wait3A_1963] : memref<200x8x32x8x128xf32, #tpu.memory_space<hbm>> -> memref<1x1x1x8x128xf32, #tpu.memory_space<hbm>>
        %dma_wait3A_1965 = tpu.memref_squeeze %dma_wait3A_1964 : memref<1x1x1x8x128xf32, #tpu.memory_space<hbm>> -> memref<8x128xf32, #tpu.memory_space<hbm>>
        %dma_wait3A_1966 = arith.constant 8 : i32
        %dma_wait3A_1967 = arith.constant 0 : i32
        %dma_wait3A_1968 = tpu.memref_slice %arg17[%dma_wait3A_1966, %dma_wait3A_1967] : memref<64x128xf32, #tpu.memory_space<vmem>> -> memref<8x128xf32, #tpu.memory_space<vmem>>
        tpu.wait_dma2 semaphore(%arg29 : memref<!tpu.dma_semaphore, #tpu.memory_space<semaphore_mem>>) src(%dma_wait3A_1968 : memref<8x128xf32, #tpu.memory_space<vmem>>) dst(%dma_wait3A_1965 : memref<8x128xf32, #tpu.memory_space<hbm>>)
        %dma_wait3A_1969 = arith.constant 2 : i32
        %dma_wait3A_1970 = arith.constant 16 : i32
        %dma_wait3A_1971 = arith.constant 0 : i32
        %dma_wait3A_1972 = tpu.memref_slice %arg17[%dma_wait3A_1970, %dma_wait3A_1971] : memref<64x128xf32, #tpu.memory_space<vmem>> -> memref<8x128xf32, #tpu.memory_space<vmem>>
        %dma_wait3A_1973 = arith.constant 0 : i32
        %dma_wait3A_1974 = arith.constant 0 : i32
        %dma_wait3A_1975 = tpu.memref_slice %arg5[%select_n3A_1922, %dma_wait3A_1969, %select_n3A_1938, %dma_wait3A_1973, %dma_wait3A_1974] : memref<200x8x32x8x128xf32, #tpu.memory_space<hbm>> -> memref<1x1x1x8x128xf32, #tpu.memory_space<hbm>>
        %dma_wait3A_1976 = tpu.memref_squeeze %dma_wait3A_1975 : memref<1x1x1x8x128xf32, #tpu.memory_space<hbm>> -> memref<8x128xf32, #tpu.memory_space<hbm>>
        %dma_wait3A_1977 = arith.constant 0 : i32
        %dma_wait3A_1978 = arith.constant 0 : i32
        %dma_wait3A_1979 = tpu.memref_slice %arg5[%select_n3A_1922, %dma_wait3A_1969, %select_n3A_1938, %dma_wait3A_1977, %dma_wait3A_1978] : memref<200x8x32x8x128xf32, #tpu.memory_space<hbm>> -> memref<1x1x1x8x128xf32, #tpu.memory_space<hbm>>
        %dma_wait3A_1980 = tpu.memref_squeeze %dma_wait3A_1979 : memref<1x1x1x8x128xf32, #tpu.memory_space<hbm>> -> memref<8x128xf32, #tpu.memory_space<hbm>>
        %dma_wait3A_1981 = arith.constant 16 : i32
        %dma_wait3A_1982 = arith.constant 0 : i32
        %dma_wait3A_1983 = tpu.memref_slice %arg17[%dma_wait3A_1981, %dma_wait3A_1982] : memref<64x128xf32, #tpu.memory_space<vmem>> -> memref<8x128xf32, #tpu.memory_space<vmem>>
        tpu.wait_dma2 semaphore(%arg29 : memref<!tpu.dma_semaphore, #tpu.memory_space<semaphore_mem>>) src(%dma_wait3A_1983 : memref<8x128xf32, #tpu.memory_space<vmem>>) dst(%dma_wait3A_1980 : memref<8x128xf32, #tpu.memory_space<hbm>>)
        %dma_wait3A_1984 = arith.constant 3 : i32
        %dma_wait3A_1985 = arith.constant 24 : i32
        %dma_wait3A_1986 = arith.constant 0 : i32
        %dma_wait3A_1987 = tpu.memref_slice %arg17[%dma_wait3A_1985, %dma_wait3A_1986] : memref<64x128xf32, #tpu.memory_space<vmem>> -> memref<8x128xf32, #tpu.memory_space<vmem>>
        %dma_wait3A_1988 = arith.constant 0 : i32
        %dma_wait3A_1989 = arith.constant 0 : i32
        %dma_wait3A_1990 = tpu.memref_slice %arg5[%select_n3A_1922, %dma_wait3A_1984, %select_n3A_1938, %dma_wait3A_1988, %dma_wait3A_1989] : memref<200x8x32x8x128xf32, #tpu.memory_space<hbm>> -> memref<1x1x1x8x128xf32, #tpu.memory_space<hbm>>
        %dma_wait3A_1991 = tpu.memref_squeeze %dma_wait3A_1990 : memref<1x1x1x8x128xf32, #tpu.memory_space<hbm>> -> memref<8x128xf32, #tpu.memory_space<hbm>>
        %dma_wait3A_1992 = arith.constant 0 : i32
        %dma_wait3A_1993 = arith.constant 0 : i32
        %dma_wait3A_1994 = tpu.memref_slice %arg5[%select_n3A_1922, %dma_wait3A_1984, %select_n3A_1938, %dma_wait3A_1992, %dma_wait3A_1993] : memref<200x8x32x8x128xf32, #tpu.memory_space<hbm>> -> memref<1x1x1x8x128xf32, #tpu.memory_space<hbm>>
        %dma_wait3A_1995 = tpu.memref_squeeze %dma_wait3A_1994 : memref<1x1x1x8x128xf32, #tpu.memory_space<hbm>> -> memref<8x128xf32, #tpu.memory_space<hbm>>
        %dma_wait3A_1996 = arith.constant 24 : i32
        %dma_wait3A_1997 = arith.constant 0 : i32
        %dma_wait3A_1998 = tpu.memref_slice %arg17[%dma_wait3A_1996, %dma_wait3A_1997] : memref<64x128xf32, #tpu.memory_space<vmem>> -> memref<8x128xf32, #tpu.memory_space<vmem>>
        tpu.wait_dma2 semaphore(%arg29 : memref<!tpu.dma_semaphore, #tpu.memory_space<semaphore_mem>>) src(%dma_wait3A_1998 : memref<8x128xf32, #tpu.memory_space<vmem>>) dst(%dma_wait3A_1995 : memref<8x128xf32, #tpu.memory_space<hbm>>)
        %dma_wait3A_1999 = arith.constant 4 : i32
        %dma_wait3A_2000 = arith.constant 32 : i32
        %dma_wait3A_2001 = arith.constant 0 : i32
        %dma_wait3A_2002 = tpu.memref_slice %arg17[%dma_wait3A_2000, %dma_wait3A_2001] : memref<64x128xf32, #tpu.memory_space<vmem>> -> memref<8x128xf32, #tpu.memory_space<vmem>>
        %dma_wait3A_2003 = arith.constant 0 : i32
        %dma_wait3A_2004 = arith.constant 0 : i32
        %dma_wait3A_2005 = tpu.memref_slice %arg5[%select_n3A_1922, %dma_wait3A_1999, %select_n3A_1938, %dma_wait3A_2003, %dma_wait3A_2004] : memref<200x8x32x8x128xf32, #tpu.memory_space<hbm>> -> memref<1x1x1x8x128xf32, #tpu.memory_space<hbm>>
        %dma_wait3A_2006 = tpu.memref_squeeze %dma_wait3A_2005 : memref<1x1x1x8x128xf32, #tpu.memory_space<hbm>> -> memref<8x128xf32, #tpu.memory_space<hbm>>
        %dma_wait3A_2007 = arith.constant 0 : i32
        %dma_wait3A_2008 = arith.constant 0 : i32
        %dma_wait3A_2009 = tpu.memref_slice %arg5[%select_n3A_1922, %dma_wait3A_1999, %select_n3A_1938, %dma_wait3A_2007, %dma_wait3A_2008] : memref<200x8x32x8x128xf32, #tpu.memory_space<hbm>> -> memref<1x1x1x8x128xf32, #tpu.memory_space<hbm>>
        %dma_wait3A_2010 = tpu.memref_squeeze %dma_wait3A_2009 : memref<1x1x1x8x128xf32, #tpu.memory_space<hbm>> -> memref<8x128xf32, #tpu.memory_space<hbm>>
        %dma_wait3A_2011 = arith.constant 32 : i32
        %dma_wait3A_2012 = arith.constant 0 : i32
        %dma_wait3A_2013 = tpu.memref_slice %arg17[%dma_wait3A_2011, %dma_wait3A_2012] : memref<64x128xf32, #tpu.memory_space<vmem>> -> memref<8x128xf32, #tpu.memory_space<vmem>>
        tpu.wait_dma2 semaphore(%arg29 : memref<!tpu.dma_semaphore, #tpu.memory_space<semaphore_mem>>) src(%dma_wait3A_2013 : memref<8x128xf32, #tpu.memory_space<vmem>>) dst(%dma_wait3A_2010 : memref<8x128xf32, #tpu.memory_space<hbm>>)
        %dma_wait3A_2014 = arith.constant 5 : i32
        %dma_wait3A_2015 = arith.constant 40 : i32
        %dma_wait3A_2016 = arith.constant 0 : i32
        %dma_wait3A_2017 = tpu.memref_slice %arg17[%dma_wait3A_2015, %dma_wait3A_2016] : memref<64x128xf32, #tpu.memory_space<vmem>> -> memref<8x128xf32, #tpu.memory_space<vmem>>
        %dma_wait3A_2018 = arith.constant 0 : i32
        %dma_wait3A_2019 = arith.constant 0 : i32
        %dma_wait3A_2020 = tpu.memref_slice %arg5[%select_n3A_1922, %dma_wait3A_2014, %select_n3A_1938, %dma_wait3A_2018, %dma_wait3A_2019] : memref<200x8x32x8x128xf32, #tpu.memory_space<hbm>> -> memref<1x1x1x8x128xf32, #tpu.memory_space<hbm>>
        %dma_wait3A_2021 = tpu.memref_squeeze %dma_wait3A_2020 : memref<1x1x1x8x128xf32, #tpu.memory_space<hbm>> -> memref<8x128xf32, #tpu.memory_space<hbm>>
        %dma_wait3A_2022 = arith.constant 0 : i32
        %dma_wait3A_2023 = arith.constant 0 : i32
        %dma_wait3A_2024 = tpu.memref_slice %arg5[%select_n3A_1922, %dma_wait3A_2014, %select_n3A_1938, %dma_wait3A_2022, %dma_wait3A_2023] : memref<200x8x32x8x128xf32, #tpu.memory_space<hbm>> -> memref<1x1x1x8x128xf32, #tpu.memory_space<hbm>>
        %dma_wait3A_2025 = tpu.memref_squeeze %dma_wait3A_2024 : memref<1x1x1x8x128xf32, #tpu.memory_space<hbm>> -> memref<8x128xf32, #tpu.memory_space<hbm>>
        %dma_wait3A_2026 = arith.constant 40 : i32
        %dma_wait3A_2027 = arith.constant 0 : i32
        %dma_wait3A_2028 = tpu.memref_slice %arg17[%dma_wait3A_2026, %dma_wait3A_2027] : memref<64x128xf32, #tpu.memory_space<vmem>> -> memref<8x128xf32, #tpu.memory_space<vmem>>
        tpu.wait_dma2 semaphore(%arg29 : memref<!tpu.dma_semaphore, #tpu.memory_space<semaphore_mem>>) src(%dma_wait3A_2028 : memref<8x128xf32, #tpu.memory_space<vmem>>) dst(%dma_wait3A_2025 : memref<8x128xf32, #tpu.memory_space<hbm>>)
        %dma_wait3A_2029 = arith.constant 6 : i32
        %dma_wait3A_2030 = arith.constant 48 : i32
        %dma_wait3A_2031 = arith.constant 0 : i32
        %dma_wait3A_2032 = tpu.memref_slice %arg17[%dma_wait3A_2030, %dma_wait3A_2031] : memref<64x128xf32, #tpu.memory_space<vmem>> -> memref<8x128xf32, #tpu.memory_space<vmem>>
        %dma_wait3A_2033 = arith.constant 0 : i32
        %dma_wait3A_2034 = arith.constant 0 : i32
        %dma_wait3A_2035 = tpu.memref_slice %arg5[%select_n3A_1922, %dma_wait3A_2029, %select_n3A_1938, %dma_wait3A_2033, %dma_wait3A_2034] : memref<200x8x32x8x128xf32, #tpu.memory_space<hbm>> -> memref<1x1x1x8x128xf32, #tpu.memory_space<hbm>>
        %dma_wait3A_2036 = tpu.memref_squeeze %dma_wait3A_2035 : memref<1x1x1x8x128xf32, #tpu.memory_space<hbm>> -> memref<8x128xf32, #tpu.memory_space<hbm>>
        %dma_wait3A_2037 = arith.constant 0 : i32
        %dma_wait3A_2038 = arith.constant 0 : i32
        %dma_wait3A_2039 = tpu.memref_slice %arg5[%select_n3A_1922, %dma_wait3A_2029, %select_n3A_1938, %dma_wait3A_2037, %dma_wait3A_2038] : memref<200x8x32x8x128xf32, #tpu.memory_space<hbm>> -> memref<1x1x1x8x128xf32, #tpu.memory_space<hbm>>
        %dma_wait3A_2040 = tpu.memref_squeeze %dma_wait3A_2039 : memref<1x1x1x8x128xf32, #tpu.memory_space<hbm>> -> memref<8x128xf32, #tpu.memory_space<hbm>>
        %dma_wait3A_2041 = arith.constant 48 : i32
        %dma_wait3A_2042 = arith.constant 0 : i32
        %dma_wait3A_2043 = tpu.memref_slice %arg17[%dma_wait3A_2041, %dma_wait3A_2042] : memref<64x128xf32, #tpu.memory_space<vmem>> -> memref<8x128xf32, #tpu.memory_space<vmem>>
        tpu.wait_dma2 semaphore(%arg29 : memref<!tpu.dma_semaphore, #tpu.memory_space<semaphore_mem>>) src(%dma_wait3A_2043 : memref<8x128xf32, #tpu.memory_space<vmem>>) dst(%dma_wait3A_2040 : memref<8x128xf32, #tpu.memory_space<hbm>>)
        %dma_wait3A_2044 = arith.constant 7 : i32
        %dma_wait3A_2045 = arith.constant 56 : i32
        %dma_wait3A_2046 = arith.constant 0 : i32
        %dma_wait3A_2047 = tpu.memref_slice %arg17[%dma_wait3A_2045, %dma_wait3A_2046] : memref<64x128xf32, #tpu.memory_space<vmem>> -> memref<8x128xf32, #tpu.memory_space<vmem>>
        %dma_wait3A_2048 = arith.constant 0 : i32
        %dma_wait3A_2049 = arith.constant 0 : i32
        %dma_wait3A_2050 = tpu.memref_slice %arg5[%select_n3A_1922, %dma_wait3A_2044, %select_n3A_1938, %dma_wait3A_2048, %dma_wait3A_2049] : memref<200x8x32x8x128xf32, #tpu.memory_space<hbm>> -> memref<1x1x1x8x128xf32, #tpu.memory_space<hbm>>
        %dma_wait3A_2051 = tpu.memref_squeeze %dma_wait3A_2050 : memref<1x1x1x8x128xf32, #tpu.memory_space<hbm>> -> memref<8x128xf32, #tpu.memory_space<hbm>>
        %dma_wait3A_2052 = arith.constant 0 : i32
        %dma_wait3A_2053 = arith.constant 0 : i32
        %dma_wait3A_2054 = tpu.memref_slice %arg5[%select_n3A_1922, %dma_wait3A_2044, %select_n3A_1938, %dma_wait3A_2052, %dma_wait3A_2053] : memref<200x8x32x8x128xf32, #tpu.memory_space<hbm>> -> memref<1x1x1x8x128xf32, #tpu.memory_space<hbm>>
        %dma_wait3A_2055 = tpu.memref_squeeze %dma_wait3A_2054 : memref<1x1x1x8x128xf32, #tpu.memory_space<hbm>> -> memref<8x128xf32, #tpu.memory_space<hbm>>
        %dma_wait3A_2056 = arith.constant 56 : i32
        %dma_wait3A_2057 = arith.constant 0 : i32
        %dma_wait3A_2058 = tpu.memref_slice %arg17[%dma_wait3A_2056, %dma_wait3A_2057] : memref<64x128xf32, #tpu.memory_space<vmem>> -> memref<8x128xf32, #tpu.memory_space<vmem>>
        tpu.wait_dma2 semaphore(%arg29 : memref<!tpu.dma_semaphore, #tpu.memory_space<semaphore_mem>>) src(%dma_wait3A_2058 : memref<8x128xf32, #tpu.memory_space<vmem>>) dst(%dma_wait3A_2055 : memref<8x128xf32, #tpu.memory_space<hbm>>)
      } else {
      }
      %add3A_1889 = arith.constant 2 : i32
      %add3A_1890 = arith.addi %add3A_1664, %add3A_1889 : i32
      %lt3A_1891 = arith.constant 200 : i32
      %lt3A_1892 = arith.cmpi slt, %add3A_1890, %lt3A_1891 : i32
      %convert_element_type3A_1893 = arith.extui %lt3A_1892 : i1 to i32
      %cond3A_1894 = arith.constant 0 : i32
      %cond3A_1895 = arith.cmpi ne, %convert_element_type3A_1893, %cond3A_1894 : i32
      scf.if %cond3A_1895 {
        %add3A_1896 = arith.constant 2 : i32
        %add3A_1897 = arith.addi %add3A_1664, %add3A_1896 : i32
        %add3A_1898 = arith.addi %mul3A_2, %add3A_1897 : i32
        %jit3A_1899 = arith.constant 32 : i32
        %div3A_1900 = arith.divsi %add3A_1898, %jit3A_1899 : i32
        %sign3A_1901 = arith.constant 0 : i32
        %sign3A_1902 = arith.cmpi sgt, %add3A_1898, %sign3A_1901 : i32
        %sign3A_1903 = arith.extui %sign3A_1902 : i1 to i32
        %sign3A_1904 = arith.constant 0 : i32
        %sign3A_1905 = arith.cmpi slt, %add3A_1898, %sign3A_1904 : i32
        %sign3A_1906 = arith.extui %sign3A_1905 : i1 to i32
        %sign3A_1907 = arith.subi %sign3A_1903, %sign3A_1906 : i32
        %sign3A_1908 = arith.constant 0 : i32
        %sign3A_1909 = arith.cmpi sgt, %jit3A_1899, %sign3A_1908 : i32
        %sign3A_1910 = arith.extui %sign3A_1909 : i1 to i32
        %sign3A_1911 = arith.constant 0 : i32
        %sign3A_1912 = arith.cmpi slt, %jit3A_1899, %sign3A_1911 : i32
        %sign3A_1913 = arith.extui %sign3A_1912 : i1 to i32
        %sign3A_1914 = arith.subi %sign3A_1910, %sign3A_1913 : i32
        %ne3A_1915 = arith.cmpi ne, %sign3A_1907, %sign3A_1914 : i32
        %rem3A_1916 = arith.remsi %add3A_1898, %jit3A_1899 : i32
        %ne3A_1917 = arith.constant 0 : i32
        %ne3A_1918 = arith.cmpi ne, %rem3A_1916, %ne3A_1917 : i32
        %and3A_1919 = arith.andi %ne3A_1915, %ne3A_1918 : i1
        %sub3A_1920 = arith.constant 1 : i32
        %sub3A_1921 = arith.subi %div3A_1900, %sub3A_1920 : i32
        %select_n3A_1922 = arith.select %and3A_1919, %sub3A_1921, %div3A_1900 : i32
        %jit3A_1923 = arith.constant 32 : i32
        %eq3A_1924 = arith.constant 0 : i32
        %eq3A_1925 = arith.cmpi eq, %jit3A_1923, %eq3A_1924 : i32
        %jit3A_1926 = arith.constant 1 : i32
        %select_n3A_1927 = arith.select %eq3A_1925, %jit3A_1926, %jit3A_1923 : i32
        %rem3A_1928 = arith.remsi %add3A_1898, %select_n3A_1927 : i32
        %ne3A_1929 = arith.constant 0 : i32
        %ne3A_1930 = arith.cmpi ne, %rem3A_1928, %ne3A_1929 : i32
        %lt3A_1931 = arith.constant 0 : i32
        %lt3A_1932 = arith.cmpi slt, %rem3A_1928, %lt3A_1931 : i32
        %lt3A_1933 = arith.constant 0 : i32
        %lt3A_1934 = arith.cmpi slt, %select_n3A_1927, %lt3A_1933 : i32
        %ne3A_1935 = arith.xori %lt3A_1932, %lt3A_1934 : i1
        %and3A_1936 = arith.andi %ne3A_1935, %ne3A_1930 : i1
        %add3A_1937 = arith.addi %rem3A_1928, %select_n3A_1927 : i32
        %select_n3A_1938 = arith.select %and3A_1936, %add3A_1937, %rem3A_1928 : i32
        %mul3A_1939 = arith.constant 128 : i32
        %mul3A_1940 = arith.muli %select_n3A_1938, %mul3A_1939 : i32
        %dma_wait3A_1941 = tpu.memref_slice %arg2[%select_n3A_1922, %mul3A_1940] : memref<200x4096xi32, #tpu.memory_space<hbm>> -> memref<1x128xi32, #tpu.memory_space<hbm>>
        %dma_wait3A_1942 = tpu.memref_squeeze %dma_wait3A_1941 : memref<1x128xi32, #tpu.memory_space<hbm>> -> memref<128xi32, #tpu.memory_space<hbm>>
        %dma_wait3A_1943 = tpu.memref_slice %arg2[%select_n3A_1922, %mul3A_1940] : memref<200x4096xi32, #tpu.memory_space<hbm>> -> memref<1x128xi32, #tpu.memory_space<hbm>>
        %dma_wait3A_1944 = tpu.memref_squeeze %dma_wait3A_1943 : memref<1x128xi32, #tpu.memory_space<hbm>> -> memref<128xi32, #tpu.memory_space<hbm>>
        tpu.wait_dma2 semaphore(%arg21 : memref<!tpu.dma_semaphore, #tpu.memory_space<semaphore_mem>>) src(%dma_wait3A_1944 : memref<128xi32, #tpu.memory_space<hbm>>) dst(%arg9 : memref<128xi32, #tpu.memory_space<vmem>>)
        %add3A_1945 = arith.constant 2 : i32
        %add3A_1946 = arith.addi %add3A_1664, %add3A_1945 : i32
        %dma_start3A_1947 = arith.constant 0 : i32
        %dma_start3A_1948 = arith.constant 0 : i32
        %dma_start3A_1949 = tpu.memref_slice %arg3[%dma_start3A_1947, %dma_start3A_1948] : memref<100000x64xf32, #tpu.memory_space<hbm>> -> memref<100000x64xf32, #tpu.memory_space<hbm>>
        tpu.enqueue_indirect_dma source(%dma_start3A_1949 : memref<100000x64xf32, #tpu.memory_space<hbm>>) target(%arg13 : memref<128x64xf32, #tpu.memory_space<vmem>>) offsets(%arg9 : memref<128xi32, #tpu.memory_space<vmem>>) semaphore(%arg25 : memref<!tpu.dma_semaphore, #tpu.memory_space<semaphore_mem>>)
      } else {
      }
    }
    %scan3A_634 = arith.constant 50 : i32
    %add3A_635 = arith.constant 198 : i32
    %add3A_636 = arith.addi %mul3A_2, %add3A_635 : i32
    %jit3A_637 = arith.constant 32 : i32
    %div3A_638 = arith.divsi %add3A_636, %jit3A_637 : i32
    %sign3A_639 = arith.constant 0 : i32
    %sign3A_640 = arith.cmpi sgt, %add3A_636, %sign3A_639 : i32
    %sign3A_641 = arith.extui %sign3A_640 : i1 to i32
    %sign3A_642 = arith.constant 0 : i32
    %sign3A_643 = arith.cmpi slt, %add3A_636, %sign3A_642 : i32
    %sign3A_644 = arith.extui %sign3A_643 : i1 to i32
    %sign3A_645 = arith.subi %sign3A_641, %sign3A_644 : i32
    %sign3A_646 = arith.constant 0 : i32
    %sign3A_647 = arith.cmpi sgt, %jit3A_637, %sign3A_646 : i32
    %sign3A_648 = arith.extui %sign3A_647 : i1 to i32
    %sign3A_649 = arith.constant 0 : i32
    %sign3A_650 = arith.cmpi slt, %jit3A_637, %sign3A_649 : i32
    %sign3A_651 = arith.extui %sign3A_650 : i1 to i32
    %sign3A_652 = arith.subi %sign3A_648, %sign3A_651 : i32
    %ne3A_653 = arith.cmpi ne, %sign3A_645, %sign3A_652 : i32
    %rem3A_654 = arith.remsi %add3A_636, %jit3A_637 : i32
    %ne3A_655 = arith.constant 0 : i32
    %ne3A_656 = arith.cmpi ne, %rem3A_654, %ne3A_655 : i32
    %and3A_657 = arith.andi %ne3A_653, %ne3A_656 : i1
    %sub3A_658 = arith.constant 1 : i32
    %sub3A_659 = arith.subi %div3A_638, %sub3A_658 : i32
    %select_n3A_660 = arith.select %and3A_657, %sub3A_659, %div3A_638 : i32
    %jit3A_661 = arith.constant 32 : i32
    %eq3A_662 = arith.constant 0 : i32
    %eq3A_663 = arith.cmpi eq, %jit3A_661, %eq3A_662 : i32
    %jit3A_664 = arith.constant 1 : i32
    %select_n3A_665 = arith.select %eq3A_663, %jit3A_664, %jit3A_661 : i32
    %rem3A_666 = arith.remsi %add3A_636, %select_n3A_665 : i32
    %ne3A_667 = arith.constant 0 : i32
    %ne3A_668 = arith.cmpi ne, %rem3A_666, %ne3A_667 : i32
    %lt3A_669 = arith.constant 0 : i32
    %lt3A_670 = arith.cmpi slt, %rem3A_666, %lt3A_669 : i32
    %lt3A_671 = arith.constant 0 : i32
    %lt3A_672 = arith.cmpi slt, %select_n3A_665, %lt3A_671 : i32
    %ne3A_673 = arith.xori %lt3A_670, %lt3A_672 : i1
    %and3A_674 = arith.andi %ne3A_673, %ne3A_668 : i1
    %add3A_675 = arith.addi %rem3A_666, %select_n3A_665 : i32
    %select_n3A_676 = arith.select %and3A_674, %add3A_675, %rem3A_666 : i32
    %dma_wait3A_677 = arith.constant 0 : i32
    %dma_wait3A_678 = arith.constant 0 : i32
    %dma_wait3A_679 = arith.constant 0 : i32
    %dma_wait3A_680 = tpu.memref_slice %arg18[%dma_wait3A_678, %dma_wait3A_679] : memref<64x128xf32, #tpu.memory_space<vmem>> -> memref<8x128xf32, #tpu.memory_space<vmem>>
    %dma_wait3A_681 = arith.constant 0 : i32
    %dma_wait3A_682 = arith.constant 0 : i32
    %dma_wait3A_683 = tpu.memref_slice %arg5[%select_n3A_660, %dma_wait3A_677, %select_n3A_676, %dma_wait3A_681, %dma_wait3A_682] : memref<200x8x32x8x128xf32, #tpu.memory_space<hbm>> -> memref<1x1x1x8x128xf32, #tpu.memory_space<hbm>>
    %dma_wait3A_684 = tpu.memref_squeeze %dma_wait3A_683 : memref<1x1x1x8x128xf32, #tpu.memory_space<hbm>> -> memref<8x128xf32, #tpu.memory_space<hbm>>
    %dma_wait3A_685 = arith.constant 0 : i32
    %dma_wait3A_686 = arith.constant 0 : i32
    %dma_wait3A_687 = tpu.memref_slice %arg5[%select_n3A_660, %dma_wait3A_677, %select_n3A_676, %dma_wait3A_685, %dma_wait3A_686] : memref<200x8x32x8x128xf32, #tpu.memory_space<hbm>> -> memref<1x1x1x8x128xf32, #tpu.memory_space<hbm>>
    %dma_wait3A_688 = tpu.memref_squeeze %dma_wait3A_687 : memref<1x1x1x8x128xf32, #tpu.memory_space<hbm>> -> memref<8x128xf32, #tpu.memory_space<hbm>>
    %dma_wait3A_689 = arith.constant 0 : i32
    %dma_wait3A_690 = arith.constant 0 : i32
    %dma_wait3A_691 = tpu.memref_slice %arg18[%dma_wait3A_689, %dma_wait3A_690] : memref<64x128xf32, #tpu.memory_space<vmem>> -> memref<8x128xf32, #tpu.memory_space<vmem>>
    tpu.wait_dma2 semaphore(%arg30 : memref<!tpu.dma_semaphore, #tpu.memory_space<semaphore_mem>>) src(%dma_wait3A_691 : memref<8x128xf32, #tpu.memory_space<vmem>>) dst(%dma_wait3A_688 : memref<8x128xf32, #tpu.memory_space<hbm>>)
    %dma_wait3A_692 = arith.constant 1 : i32
    %dma_wait3A_693 = arith.constant 8 : i32
    %dma_wait3A_694 = arith.constant 0 : i32
    %dma_wait3A_695 = tpu.memref_slice %arg18[%dma_wait3A_693, %dma_wait3A_694] : memref<64x128xf32, #tpu.memory_space<vmem>> -> memref<8x128xf32, #tpu.memory_space<vmem>>
    %dma_wait3A_696 = arith.constant 0 : i32
    %dma_wait3A_697 = arith.constant 0 : i32
    %dma_wait3A_698 = tpu.memref_slice %arg5[%select_n3A_660, %dma_wait3A_692, %select_n3A_676, %dma_wait3A_696, %dma_wait3A_697] : memref<200x8x32x8x128xf32, #tpu.memory_space<hbm>> -> memref<1x1x1x8x128xf32, #tpu.memory_space<hbm>>
    %dma_wait3A_699 = tpu.memref_squeeze %dma_wait3A_698 : memref<1x1x1x8x128xf32, #tpu.memory_space<hbm>> -> memref<8x128xf32, #tpu.memory_space<hbm>>
    %dma_wait3A_700 = arith.constant 0 : i32
    %dma_wait3A_701 = arith.constant 0 : i32
    %dma_wait3A_702 = tpu.memref_slice %arg5[%select_n3A_660, %dma_wait3A_692, %select_n3A_676, %dma_wait3A_700, %dma_wait3A_701] : memref<200x8x32x8x128xf32, #tpu.memory_space<hbm>> -> memref<1x1x1x8x128xf32, #tpu.memory_space<hbm>>
    %dma_wait3A_703 = tpu.memref_squeeze %dma_wait3A_702 : memref<1x1x1x8x128xf32, #tpu.memory_space<hbm>> -> memref<8x128xf32, #tpu.memory_space<hbm>>
    %dma_wait3A_704 = arith.constant 8 : i32
    %dma_wait3A_705 = arith.constant 0 : i32
    %dma_wait3A_706 = tpu.memref_slice %arg18[%dma_wait3A_704, %dma_wait3A_705] : memref<64x128xf32, #tpu.memory_space<vmem>> -> memref<8x128xf32, #tpu.memory_space<vmem>>
    tpu.wait_dma2 semaphore(%arg30 : memref<!tpu.dma_semaphore, #tpu.memory_space<semaphore_mem>>) src(%dma_wait3A_706 : memref<8x128xf32, #tpu.memory_space<vmem>>) dst(%dma_wait3A_703 : memref<8x128xf32, #tpu.memory_space<hbm>>)
    %dma_wait3A_707 = arith.constant 2 : i32
    %dma_wait3A_708 = arith.constant 16 : i32
    %dma_wait3A_709 = arith.constant 0 : i32
    %dma_wait3A_710 = tpu.memref_slice %arg18[%dma_wait3A_708, %dma_wait3A_709] : memref<64x128xf32, #tpu.memory_space<vmem>> -> memref<8x128xf32, #tpu.memory_space<vmem>>
    %dma_wait3A_711 = arith.constant 0 : i32
    %dma_wait3A_712 = arith.constant 0 : i32
    %dma_wait3A_713 = tpu.memref_slice %arg5[%select_n3A_660, %dma_wait3A_707, %select_n3A_676, %dma_wait3A_711, %dma_wait3A_712] : memref<200x8x32x8x128xf32, #tpu.memory_space<hbm>> -> memref<1x1x1x8x128xf32, #tpu.memory_space<hbm>>
    %dma_wait3A_714 = tpu.memref_squeeze %dma_wait3A_713 : memref<1x1x1x8x128xf32, #tpu.memory_space<hbm>> -> memref<8x128xf32, #tpu.memory_space<hbm>>
    %dma_wait3A_715 = arith.constant 0 : i32
    %dma_wait3A_716 = arith.constant 0 : i32
    %dma_wait3A_717 = tpu.memref_slice %arg5[%select_n3A_660, %dma_wait3A_707, %select_n3A_676, %dma_wait3A_715, %dma_wait3A_716] : memref<200x8x32x8x128xf32, #tpu.memory_space<hbm>> -> memref<1x1x1x8x128xf32, #tpu.memory_space<hbm>>
    %dma_wait3A_718 = tpu.memref_squeeze %dma_wait3A_717 : memref<1x1x1x8x128xf32, #tpu.memory_space<hbm>> -> memref<8x128xf32, #tpu.memory_space<hbm>>
    %dma_wait3A_719 = arith.constant 16 : i32
    %dma_wait3A_720 = arith.constant 0 : i32
    %dma_wait3A_721 = tpu.memref_slice %arg18[%dma_wait3A_719, %dma_wait3A_720] : memref<64x128xf32, #tpu.memory_space<vmem>> -> memref<8x128xf32, #tpu.memory_space<vmem>>
    tpu.wait_dma2 semaphore(%arg30 : memref<!tpu.dma_semaphore, #tpu.memory_space<semaphore_mem>>) src(%dma_wait3A_721 : memref<8x128xf32, #tpu.memory_space<vmem>>) dst(%dma_wait3A_718 : memref<8x128xf32, #tpu.memory_space<hbm>>)
    %dma_wait3A_722 = arith.constant 3 : i32
    %dma_wait3A_723 = arith.constant 24 : i32
    %dma_wait3A_724 = arith.constant 0 : i32
    %dma_wait3A_725 = tpu.memref_slice %arg18[%dma_wait3A_723, %dma_wait3A_724] : memref<64x128xf32, #tpu.memory_space<vmem>> -> memref<8x128xf32, #tpu.memory_space<vmem>>
    %dma_wait3A_726 = arith.constant 0 : i32
    %dma_wait3A_727 = arith.constant 0 : i32
    %dma_wait3A_728 = tpu.memref_slice %arg5[%select_n3A_660, %dma_wait3A_722, %select_n3A_676, %dma_wait3A_726, %dma_wait3A_727] : memref<200x8x32x8x128xf32, #tpu.memory_space<hbm>> -> memref<1x1x1x8x128xf32, #tpu.memory_space<hbm>>
    %dma_wait3A_729 = tpu.memref_squeeze %dma_wait3A_728 : memref<1x1x1x8x128xf32, #tpu.memory_space<hbm>> -> memref<8x128xf32, #tpu.memory_space<hbm>>
    %dma_wait3A_730 = arith.constant 0 : i32
    %dma_wait3A_731 = arith.constant 0 : i32
    %dma_wait3A_732 = tpu.memref_slice %arg5[%select_n3A_660, %dma_wait3A_722, %select_n3A_676, %dma_wait3A_730, %dma_wait3A_731] : memref<200x8x32x8x128xf32, #tpu.memory_space<hbm>> -> memref<1x1x1x8x128xf32, #tpu.memory_space<hbm>>
    %dma_wait3A_733 = tpu.memref_squeeze %dma_wait3A_732 : memref<1x1x1x8x128xf32, #tpu.memory_space<hbm>> -> memref<8x128xf32, #tpu.memory_space<hbm>>
    %dma_wait3A_734 = arith.constant 24 : i32
    %dma_wait3A_735 = arith.constant 0 : i32
    %dma_wait3A_736 = tpu.memref_slice %arg18[%dma_wait3A_734, %dma_wait3A_735] : memref<64x128xf32, #tpu.memory_space<vmem>> -> memref<8x128xf32, #tpu.memory_space<vmem>>
    tpu.wait_dma2 semaphore(%arg30 : memref<!tpu.dma_semaphore, #tpu.memory_space<semaphore_mem>>) src(%dma_wait3A_736 : memref<8x128xf32, #tpu.memory_space<vmem>>) dst(%dma_wait3A_733 : memref<8x128xf32, #tpu.memory_space<hbm>>)
    %dma_wait3A_737 = arith.constant 4 : i32
    %dma_wait3A_738 = arith.constant 32 : i32
    %dma_wait3A_739 = arith.constant 0 : i32
    %dma_wait3A_740 = tpu.memref_slice %arg18[%dma_wait3A_738, %dma_wait3A_739] : memref<64x128xf32, #tpu.memory_space<vmem>> -> memref<8x128xf32, #tpu.memory_space<vmem>>
    %dma_wait3A_741 = arith.constant 0 : i32
    %dma_wait3A_742 = arith.constant 0 : i32
    %dma_wait3A_743 = tpu.memref_slice %arg5[%select_n3A_660, %dma_wait3A_737, %select_n3A_676, %dma_wait3A_741, %dma_wait3A_742] : memref<200x8x32x8x128xf32, #tpu.memory_space<hbm>> -> memref<1x1x1x8x128xf32, #tpu.memory_space<hbm>>
    %dma_wait3A_744 = tpu.memref_squeeze %dma_wait3A_743 : memref<1x1x1x8x128xf32, #tpu.memory_space<hbm>> -> memref<8x128xf32, #tpu.memory_space<hbm>>
    %dma_wait3A_745 = arith.constant 0 : i32
    %dma_wait3A_746 = arith.constant 0 : i32
    %dma_wait3A_747 = tpu.memref_slice %arg5[%select_n3A_660, %dma_wait3A_737, %select_n3A_676, %dma_wait3A_745, %dma_wait3A_746] : memref<200x8x32x8x128xf32, #tpu.memory_space<hbm>> -> memref<1x1x1x8x128xf32, #tpu.memory_space<hbm>>
    %dma_wait3A_748 = tpu.memref_squeeze %dma_wait3A_747 : memref<1x1x1x8x128xf32, #tpu.memory_space<hbm>> -> memref<8x128xf32, #tpu.memory_space<hbm>>
    %dma_wait3A_749 = arith.constant 32 : i32
    %dma_wait3A_750 = arith.constant 0 : i32
    %dma_wait3A_751 = tpu.memref_slice %arg18[%dma_wait3A_749, %dma_wait3A_750] : memref<64x128xf32, #tpu.memory_space<vmem>> -> memref<8x128xf32, #tpu.memory_space<vmem>>
    tpu.wait_dma2 semaphore(%arg30 : memref<!tpu.dma_semaphore, #tpu.memory_space<semaphore_mem>>) src(%dma_wait3A_751 : memref<8x128xf32, #tpu.memory_space<vmem>>) dst(%dma_wait3A_748 : memref<8x128xf32, #tpu.memory_space<hbm>>)
    %dma_wait3A_752 = arith.constant 5 : i32
    %dma_wait3A_753 = arith.constant 40 : i32
    %dma_wait3A_754 = arith.constant 0 : i32
    %dma_wait3A_755 = tpu.memref_slice %arg18[%dma_wait3A_753, %dma_wait3A_754] : memref<64x128xf32, #tpu.memory_space<vmem>> -> memref<8x128xf32, #tpu.memory_space<vmem>>
    %dma_wait3A_756 = arith.constant 0 : i32
    %dma_wait3A_757 = arith.constant 0 : i32
    %dma_wait3A_758 = tpu.memref_slice %arg5[%select_n3A_660, %dma_wait3A_752, %select_n3A_676, %dma_wait3A_756, %dma_wait3A_757] : memref<200x8x32x8x128xf32, #tpu.memory_space<hbm>> -> memref<1x1x1x8x128xf32, #tpu.memory_space<hbm>>
    %dma_wait3A_759 = tpu.memref_squeeze %dma_wait3A_758 : memref<1x1x1x8x128xf32, #tpu.memory_space<hbm>> -> memref<8x128xf32, #tpu.memory_space<hbm>>
    %dma_wait3A_760 = arith.constant 0 : i32
    %dma_wait3A_761 = arith.constant 0 : i32
    %dma_wait3A_762 = tpu.memref_slice %arg5[%select_n3A_660, %dma_wait3A_752, %select_n3A_676, %dma_wait3A_760, %dma_wait3A_761] : memref<200x8x32x8x128xf32, #tpu.memory_space<hbm>> -> memref<1x1x1x8x128xf32, #tpu.memory_space<hbm>>
    %dma_wait3A_763 = tpu.memref_squeeze %dma_wait3A_762 : memref<1x1x1x8x128xf32, #tpu.memory_space<hbm>> -> memref<8x128xf32, #tpu.memory_space<hbm>>
    %dma_wait3A_764 = arith.constant 40 : i32
    %dma_wait3A_765 = arith.constant 0 : i32
    %dma_wait3A_766 = tpu.memref_slice %arg18[%dma_wait3A_764, %dma_wait3A_765] : memref<64x128xf32, #tpu.memory_space<vmem>> -> memref<8x128xf32, #tpu.memory_space<vmem>>
    tpu.wait_dma2 semaphore(%arg30 : memref<!tpu.dma_semaphore, #tpu.memory_space<semaphore_mem>>) src(%dma_wait3A_766 : memref<8x128xf32, #tpu.memory_space<vmem>>) dst(%dma_wait3A_763 : memref<8x128xf32, #tpu.memory_space<hbm>>)
    %dma_wait3A_767 = arith.constant 6 : i32
    %dma_wait3A_768 = arith.constant 48 : i32
    %dma_wait3A_769 = arith.constant 0 : i32
    %dma_wait3A_770 = tpu.memref_slice %arg18[%dma_wait3A_768, %dma_wait3A_769] : memref<64x128xf32, #tpu.memory_space<vmem>> -> memref<8x128xf32, #tpu.memory_space<vmem>>
    %dma_wait3A_771 = arith.constant 0 : i32
    %dma_wait3A_772 = arith.constant 0 : i32
    %dma_wait3A_773 = tpu.memref_slice %arg5[%select_n3A_660, %dma_wait3A_767, %select_n3A_676, %dma_wait3A_771, %dma_wait3A_772] : memref<200x8x32x8x128xf32, #tpu.memory_space<hbm>> -> memref<1x1x1x8x128xf32, #tpu.memory_space<hbm>>
    %dma_wait3A_774 = tpu.memref_squeeze %dma_wait3A_773 : memref<1x1x1x8x128xf32, #tpu.memory_space<hbm>> -> memref<8x128xf32, #tpu.memory_space<hbm>>
    %dma_wait3A_775 = arith.constant 0 : i32
    %dma_wait3A_776 = arith.constant 0 : i32
    %dma_wait3A_777 = tpu.memref_slice %arg5[%select_n3A_660, %dma_wait3A_767, %select_n3A_676, %dma_wait3A_775, %dma_wait3A_776] : memref<200x8x32x8x128xf32, #tpu.memory_space<hbm>> -> memref<1x1x1x8x128xf32, #tpu.memory_space<hbm>>
    %dma_wait3A_778 = tpu.memref_squeeze %dma_wait3A_777 : memref<1x1x1x8x128xf32, #tpu.memory_space<hbm>> -> memref<8x128xf32, #tpu.memory_space<hbm>>
    %dma_wait3A_779 = arith.constant 48 : i32
    %dma_wait3A_780 = arith.constant 0 : i32
    %dma_wait3A_781 = tpu.memref_slice %arg18[%dma_wait3A_779, %dma_wait3A_780] : memref<64x128xf32, #tpu.memory_space<vmem>> -> memref<8x128xf32, #tpu.memory_space<vmem>>
    tpu.wait_dma2 semaphore(%arg30 : memref<!tpu.dma_semaphore, #tpu.memory_space<semaphore_mem>>) src(%dma_wait3A_781 : memref<8x128xf32, #tpu.memory_space<vmem>>) dst(%dma_wait3A_778 : memref<8x128xf32, #tpu.memory_space<hbm>>)
    %dma_wait3A_782 = arith.constant 7 : i32
    %dma_wait3A_783 = arith.constant 56 : i32
    %dma_wait3A_784 = arith.constant 0 : i32
    %dma_wait3A_785 = tpu.memref_slice %arg18[%dma_wait3A_783, %dma_wait3A_784] : memref<64x128xf32, #tpu.memory_space<vmem>> -> memref<8x128xf32, #tpu.memory_space<vmem>>
    %dma_wait3A_786 = arith.constant 0 : i32
    %dma_wait3A_787 = arith.constant 0 : i32
    %dma_wait3A_788 = tpu.memref_slice %arg5[%select_n3A_660, %dma_wait3A_782, %select_n3A_676, %dma_wait3A_786, %dma_wait3A_787] : memref<200x8x32x8x128xf32, #tpu.memory_space<hbm>> -> memref<1x1x1x8x128xf32, #tpu.memory_space<hbm>>
    %dma_wait3A_789 = tpu.memref_squeeze %dma_wait3A_788 : memref<1x1x1x8x128xf32, #tpu.memory_space<hbm>> -> memref<8x128xf32, #tpu.memory_space<hbm>>
    %dma_wait3A_790 = arith.constant 0 : i32
    %dma_wait3A_791 = arith.constant 0 : i32
    %dma_wait3A_792 = tpu.memref_slice %arg5[%select_n3A_660, %dma_wait3A_782, %select_n3A_676, %dma_wait3A_790, %dma_wait3A_791] : memref<200x8x32x8x128xf32, #tpu.memory_space<hbm>> -> memref<1x1x1x8x128xf32, #tpu.memory_space<hbm>>
    %dma_wait3A_793 = tpu.memref_squeeze %dma_wait3A_792 : memref<1x1x1x8x128xf32, #tpu.memory_space<hbm>> -> memref<8x128xf32, #tpu.memory_space<hbm>>
    %dma_wait3A_794 = arith.constant 56 : i32
    %dma_wait3A_795 = arith.constant 0 : i32
    %dma_wait3A_796 = tpu.memref_slice %arg18[%dma_wait3A_794, %dma_wait3A_795] : memref<64x128xf32, #tpu.memory_space<vmem>> -> memref<8x128xf32, #tpu.memory_space<vmem>>
    tpu.wait_dma2 semaphore(%arg30 : memref<!tpu.dma_semaphore, #tpu.memory_space<semaphore_mem>>) src(%dma_wait3A_796 : memref<8x128xf32, #tpu.memory_space<vmem>>) dst(%dma_wait3A_793 : memref<8x128xf32, #tpu.memory_space<hbm>>)
    %add3A_797 = arith.constant 199 : i32
    %add3A_798 = arith.addi %mul3A_2, %add3A_797 : i32
    %jit3A_799 = arith.constant 32 : i32
    %div3A_800 = arith.divsi %add3A_798, %jit3A_799 : i32
    %sign3A_801 = arith.constant 0 : i32
    %sign3A_802 = arith.cmpi sgt, %add3A_798, %sign3A_801 : i32
    %sign3A_803 = arith.extui %sign3A_802 : i1 to i32
    %sign3A_804 = arith.constant 0 : i32
    %sign3A_805 = arith.cmpi slt, %add3A_798, %sign3A_804 : i32
    %sign3A_806 = arith.extui %sign3A_805 : i1 to i32
    %sign3A_807 = arith.subi %sign3A_803, %sign3A_806 : i32
    %sign3A_808 = arith.constant 0 : i32
    %sign3A_809 = arith.cmpi sgt, %jit3A_799, %sign3A_808 : i32
    %sign3A_810 = arith.extui %sign3A_809 : i1 to i32
    %sign3A_811 = arith.constant 0 : i32
    %sign3A_812 = arith.cmpi slt, %jit3A_799, %sign3A_811 : i32
    %sign3A_813 = arith.extui %sign3A_812 : i1 to i32
    %sign3A_814 = arith.subi %sign3A_810, %sign3A_813 : i32
    %ne3A_815 = arith.cmpi ne, %sign3A_807, %sign3A_814 : i32
    %rem3A_816 = arith.remsi %add3A_798, %jit3A_799 : i32
    %ne3A_817 = arith.constant 0 : i32
    %ne3A_818 = arith.cmpi ne, %rem3A_816, %ne3A_817 : i32
    %and3A_819 = arith.andi %ne3A_815, %ne3A_818 : i1
    %sub3A_820 = arith.constant 1 : i32
    %sub3A_821 = arith.subi %div3A_800, %sub3A_820 : i32
    %select_n3A_822 = arith.select %and3A_819, %sub3A_821, %div3A_800 : i32
    %jit3A_823 = arith.constant 32 : i32
    %eq3A_824 = arith.constant 0 : i32
    %eq3A_825 = arith.cmpi eq, %jit3A_823, %eq3A_824 : i32
    %jit3A_826 = arith.constant 1 : i32
    %select_n3A_827 = arith.select %eq3A_825, %jit3A_826, %jit3A_823 : i32
    %rem3A_828 = arith.remsi %add3A_798, %select_n3A_827 : i32
    %ne3A_829 = arith.constant 0 : i32
    %ne3A_830 = arith.cmpi ne, %rem3A_828, %ne3A_829 : i32
    %lt3A_831 = arith.constant 0 : i32
    %lt3A_832 = arith.cmpi slt, %rem3A_828, %lt3A_831 : i32
    %lt3A_833 = arith.constant 0 : i32
    %lt3A_834 = arith.cmpi slt, %select_n3A_827, %lt3A_833 : i32
    %ne3A_835 = arith.xori %lt3A_832, %lt3A_834 : i1
    %and3A_836 = arith.andi %ne3A_835, %ne3A_830 : i1
    %add3A_837 = arith.addi %rem3A_828, %select_n3A_827 : i32
    %select_n3A_838 = arith.select %and3A_836, %add3A_837, %rem3A_828 : i32
    %dma_wait3A_839 = arith.constant 0 : i32
    %dma_wait3A_840 = arith.constant 0 : i32
    %dma_wait3A_841 = arith.constant 0 : i32
    %dma_wait3A_842 = tpu.memref_slice %arg19[%dma_wait3A_840, %dma_wait3A_841] : memref<64x128xf32, #tpu.memory_space<vmem>> -> memref<8x128xf32, #tpu.memory_space<vmem>>
    %dma_wait3A_843 = arith.constant 0 : i32
    %dma_wait3A_844 = arith.constant 0 : i32
    %dma_wait3A_845 = tpu.memref_slice %arg5[%select_n3A_822, %dma_wait3A_839, %select_n3A_838, %dma_wait3A_843, %dma_wait3A_844] : memref<200x8x32x8x128xf32, #tpu.memory_space<hbm>> -> memref<1x1x1x8x128xf32, #tpu.memory_space<hbm>>
    %dma_wait3A_846 = tpu.memref_squeeze %dma_wait3A_845 : memref<1x1x1x8x128xf32, #tpu.memory_space<hbm>> -> memref<8x128xf32, #tpu.memory_space<hbm>>
    %dma_wait3A_847 = arith.constant 0 : i32
    %dma_wait3A_848 = arith.constant 0 : i32
    %dma_wait3A_849 = tpu.memref_slice %arg5[%select_n3A_822, %dma_wait3A_839, %select_n3A_838, %dma_wait3A_847, %dma_wait3A_848] : memref<200x8x32x8x128xf32, #tpu.memory_space<hbm>> -> memref<1x1x1x8x128xf32, #tpu.memory_space<hbm>>
    %dma_wait3A_850 = tpu.memref_squeeze %dma_wait3A_849 : memref<1x1x1x8x128xf32, #tpu.memory_space<hbm>> -> memref<8x128xf32, #tpu.memory_space<hbm>>
    %dma_wait3A_851 = arith.constant 0 : i32
    %dma_wait3A_852 = arith.constant 0 : i32
    %dma_wait3A_853 = tpu.memref_slice %arg19[%dma_wait3A_851, %dma_wait3A_852] : memref<64x128xf32, #tpu.memory_space<vmem>> -> memref<8x128xf32, #tpu.memory_space<vmem>>
    tpu.wait_dma2 semaphore(%arg31 : memref<!tpu.dma_semaphore, #tpu.memory_space<semaphore_mem>>) src(%dma_wait3A_853 : memref<8x128xf32, #tpu.memory_space<vmem>>) dst(%dma_wait3A_850 : memref<8x128xf32, #tpu.memory_space<hbm>>)
    %dma_wait3A_854 = arith.constant 1 : i32
    %dma_wait3A_855 = arith.constant 8 : i32
    %dma_wait3A_856 = arith.constant 0 : i32
    %dma_wait3A_857 = tpu.memref_slice %arg19[%dma_wait3A_855, %dma_wait3A_856] : memref<64x128xf32, #tpu.memory_space<vmem>> -> memref<8x128xf32, #tpu.memory_space<vmem>>
    %dma_wait3A_858 = arith.constant 0 : i32
    %dma_wait3A_859 = arith.constant 0 : i32
    %dma_wait3A_860 = tpu.memref_slice %arg5[%select_n3A_822, %dma_wait3A_854, %select_n3A_838, %dma_wait3A_858, %dma_wait3A_859] : memref<200x8x32x8x128xf32, #tpu.memory_space<hbm>> -> memref<1x1x1x8x128xf32, #tpu.memory_space<hbm>>
    %dma_wait3A_861 = tpu.memref_squeeze %dma_wait3A_860 : memref<1x1x1x8x128xf32, #tpu.memory_space<hbm>> -> memref<8x128xf32, #tpu.memory_space<hbm>>
    %dma_wait3A_862 = arith.constant 0 : i32
    %dma_wait3A_863 = arith.constant 0 : i32
    %dma_wait3A_864 = tpu.memref_slice %arg5[%select_n3A_822, %dma_wait3A_854, %select_n3A_838, %dma_wait3A_862, %dma_wait3A_863] : memref<200x8x32x8x128xf32, #tpu.memory_space<hbm>> -> memref<1x1x1x8x128xf32, #tpu.memory_space<hbm>>
    %dma_wait3A_865 = tpu.memref_squeeze %dma_wait3A_864 : memref<1x1x1x8x128xf32, #tpu.memory_space<hbm>> -> memref<8x128xf32, #tpu.memory_space<hbm>>
    %dma_wait3A_866 = arith.constant 8 : i32
    %dma_wait3A_867 = arith.constant 0 : i32
    %dma_wait3A_868 = tpu.memref_slice %arg19[%dma_wait3A_866, %dma_wait3A_867] : memref<64x128xf32, #tpu.memory_space<vmem>> -> memref<8x128xf32, #tpu.memory_space<vmem>>
    tpu.wait_dma2 semaphore(%arg31 : memref<!tpu.dma_semaphore, #tpu.memory_space<semaphore_mem>>) src(%dma_wait3A_868 : memref<8x128xf32, #tpu.memory_space<vmem>>) dst(%dma_wait3A_865 : memref<8x128xf32, #tpu.memory_space<hbm>>)
    %dma_wait3A_869 = arith.constant 2 : i32
    %dma_wait3A_870 = arith.constant 16 : i32
    %dma_wait3A_871 = arith.constant 0 : i32
    %dma_wait3A_872 = tpu.memref_slice %arg19[%dma_wait3A_870, %dma_wait3A_871] : memref<64x128xf32, #tpu.memory_space<vmem>> -> memref<8x128xf32, #tpu.memory_space<vmem>>
    %dma_wait3A_873 = arith.constant 0 : i32
    %dma_wait3A_874 = arith.constant 0 : i32
    %dma_wait3A_875 = tpu.memref_slice %arg5[%select_n3A_822, %dma_wait3A_869, %select_n3A_838, %dma_wait3A_873, %dma_wait3A_874] : memref<200x8x32x8x128xf32, #tpu.memory_space<hbm>> -> memref<1x1x1x8x128xf32, #tpu.memory_space<hbm>>
    %dma_wait3A_876 = tpu.memref_squeeze %dma_wait3A_875 : memref<1x1x1x8x128xf32, #tpu.memory_space<hbm>> -> memref<8x128xf32, #tpu.memory_space<hbm>>
    %dma_wait3A_877 = arith.constant 0 : i32
    %dma_wait3A_878 = arith.constant 0 : i32
    %dma_wait3A_879 = tpu.memref_slice %arg5[%select_n3A_822, %dma_wait3A_869, %select_n3A_838, %dma_wait3A_877, %dma_wait3A_878] : memref<200x8x32x8x128xf32, #tpu.memory_space<hbm>> -> memref<1x1x1x8x128xf32, #tpu.memory_space<hbm>>
    %dma_wait3A_880 = tpu.memref_squeeze %dma_wait3A_879 : memref<1x1x1x8x128xf32, #tpu.memory_space<hbm>> -> memref<8x128xf32, #tpu.memory_space<hbm>>
    %dma_wait3A_881 = arith.constant 16 : i32
    %dma_wait3A_882 = arith.constant 0 : i32
    %dma_wait3A_883 = tpu.memref_slice %arg19[%dma_wait3A_881, %dma_wait3A_882] : memref<64x128xf32, #tpu.memory_space<vmem>> -> memref<8x128xf32, #tpu.memory_space<vmem>>
    tpu.wait_dma2 semaphore(%arg31 : memref<!tpu.dma_semaphore, #tpu.memory_space<semaphore_mem>>) src(%dma_wait3A_883 : memref<8x128xf32, #tpu.memory_space<vmem>>) dst(%dma_wait3A_880 : memref<8x128xf32, #tpu.memory_space<hbm>>)
    %dma_wait3A_884 = arith.constant 3 : i32
    %dma_wait3A_885 = arith.constant 24 : i32
    %dma_wait3A_886 = arith.constant 0 : i32
    %dma_wait3A_887 = tpu.memref_slice %arg19[%dma_wait3A_885, %dma_wait3A_886] : memref<64x128xf32, #tpu.memory_space<vmem>> -> memref<8x128xf32, #tpu.memory_space<vmem>>
    %dma_wait3A_888 = arith.constant 0 : i32
    %dma_wait3A_889 = arith.constant 0 : i32
    %dma_wait3A_890 = tpu.memref_slice %arg5[%select_n3A_822, %dma_wait3A_884, %select_n3A_838, %dma_wait3A_888, %dma_wait3A_889] : memref<200x8x32x8x128xf32, #tpu.memory_space<hbm>> -> memref<1x1x1x8x128xf32, #tpu.memory_space<hbm>>
    %dma_wait3A_891 = tpu.memref_squeeze %dma_wait3A_890 : memref<1x1x1x8x128xf32, #tpu.memory_space<hbm>> -> memref<8x128xf32, #tpu.memory_space<hbm>>
    %dma_wait3A_892 = arith.constant 0 : i32
    %dma_wait3A_893 = arith.constant 0 : i32
    %dma_wait3A_894 = tpu.memref_slice %arg5[%select_n3A_822, %dma_wait3A_884, %select_n3A_838, %dma_wait3A_892, %dma_wait3A_893] : memref<200x8x32x8x128xf32, #tpu.memory_space<hbm>> -> memref<1x1x1x8x128xf32, #tpu.memory_space<hbm>>
    %dma_wait3A_895 = tpu.memref_squeeze %dma_wait3A_894 : memref<1x1x1x8x128xf32, #tpu.memory_space<hbm>> -> memref<8x128xf32, #tpu.memory_space<hbm>>
    %dma_wait3A_896 = arith.constant 24 : i32
    %dma_wait3A_897 = arith.constant 0 : i32
    %dma_wait3A_898 = tpu.memref_slice %arg19[%dma_wait3A_896, %dma_wait3A_897] : memref<64x128xf32, #tpu.memory_space<vmem>> -> memref<8x128xf32, #tpu.memory_space<vmem>>
    tpu.wait_dma2 semaphore(%arg31 : memref<!tpu.dma_semaphore, #tpu.memory_space<semaphore_mem>>) src(%dma_wait3A_898 : memref<8x128xf32, #tpu.memory_space<vmem>>) dst(%dma_wait3A_895 : memref<8x128xf32, #tpu.memory_space<hbm>>)
    %dma_wait3A_899 = arith.constant 4 : i32
    %dma_wait3A_900 = arith.constant 32 : i32
    %dma_wait3A_901 = arith.constant 0 : i32
    %dma_wait3A_902 = tpu.memref_slice %arg19[%dma_wait3A_900, %dma_wait3A_901] : memref<64x128xf32, #tpu.memory_space<vmem>> -> memref<8x128xf32, #tpu.memory_space<vmem>>
    %dma_wait3A_903 = arith.constant 0 : i32
    %dma_wait3A_904 = arith.constant 0 : i32
    %dma_wait3A_905 = tpu.memref_slice %arg5[%select_n3A_822, %dma_wait3A_899, %select_n3A_838, %dma_wait3A_903, %dma_wait3A_904] : memref<200x8x32x8x128xf32, #tpu.memory_space<hbm>> -> memref<1x1x1x8x128xf32, #tpu.memory_space<hbm>>
    %dma_wait3A_906 = tpu.memref_squeeze %dma_wait3A_905 : memref<1x1x1x8x128xf32, #tpu.memory_space<hbm>> -> memref<8x128xf32, #tpu.memory_space<hbm>>
    %dma_wait3A_907 = arith.constant 0 : i32
    %dma_wait3A_908 = arith.constant 0 : i32
    %dma_wait3A_909 = tpu.memref_slice %arg5[%select_n3A_822, %dma_wait3A_899, %select_n3A_838, %dma_wait3A_907, %dma_wait3A_908] : memref<200x8x32x8x128xf32, #tpu.memory_space<hbm>> -> memref<1x1x1x8x128xf32, #tpu.memory_space<hbm>>
    %dma_wait3A_910 = tpu.memref_squeeze %dma_wait3A_909 : memref<1x1x1x8x128xf32, #tpu.memory_space<hbm>> -> memref<8x128xf32, #tpu.memory_space<hbm>>
    %dma_wait3A_911 = arith.constant 32 : i32
    %dma_wait3A_912 = arith.constant 0 : i32
    %dma_wait3A_913 = tpu.memref_slice %arg19[%dma_wait3A_911, %dma_wait3A_912] : memref<64x128xf32, #tpu.memory_space<vmem>> -> memref<8x128xf32, #tpu.memory_space<vmem>>
    tpu.wait_dma2 semaphore(%arg31 : memref<!tpu.dma_semaphore, #tpu.memory_space<semaphore_mem>>) src(%dma_wait3A_913 : memref<8x128xf32, #tpu.memory_space<vmem>>) dst(%dma_wait3A_910 : memref<8x128xf32, #tpu.memory_space<hbm>>)
    %dma_wait3A_914 = arith.constant 5 : i32
    %dma_wait3A_915 = arith.constant 40 : i32
    %dma_wait3A_916 = arith.constant 0 : i32
    %dma_wait3A_917 = tpu.memref_slice %arg19[%dma_wait3A_915, %dma_wait3A_916] : memref<64x128xf32, #tpu.memory_space<vmem>> -> memref<8x128xf32, #tpu.memory_space<vmem>>
    %dma_wait3A_918 = arith.constant 0 : i32
    %dma_wait3A_919 = arith.constant 0 : i32
    %dma_wait3A_920 = tpu.memref_slice %arg5[%select_n3A_822, %dma_wait3A_914, %select_n3A_838, %dma_wait3A_918, %dma_wait3A_919] : memref<200x8x32x8x128xf32, #tpu.memory_space<hbm>> -> memref<1x1x1x8x128xf32, #tpu.memory_space<hbm>>
    %dma_wait3A_921 = tpu.memref_squeeze %dma_wait3A_920 : memref<1x1x1x8x128xf32, #tpu.memory_space<hbm>> -> memref<8x128xf32, #tpu.memory_space<hbm>>
    %dma_wait3A_922 = arith.constant 0 : i32
    %dma_wait3A_923 = arith.constant 0 : i32
    %dma_wait3A_924 = tpu.memref_slice %arg5[%select_n3A_822, %dma_wait3A_914, %select_n3A_838, %dma_wait3A_922, %dma_wait3A_923] : memref<200x8x32x8x128xf32, #tpu.memory_space<hbm>> -> memref<1x1x1x8x128xf32, #tpu.memory_space<hbm>>
    %dma_wait3A_925 = tpu.memref_squeeze %dma_wait3A_924 : memref<1x1x1x8x128xf32, #tpu.memory_space<hbm>> -> memref<8x128xf32, #tpu.memory_space<hbm>>
    %dma_wait3A_926 = arith.constant 40 : i32
    %dma_wait3A_927 = arith.constant 0 : i32
    %dma_wait3A_928 = tpu.memref_slice %arg19[%dma_wait3A_926, %dma_wait3A_927] : memref<64x128xf32, #tpu.memory_space<vmem>> -> memref<8x128xf32, #tpu.memory_space<vmem>>
    tpu.wait_dma2 semaphore(%arg31 : memref<!tpu.dma_semaphore, #tpu.memory_space<semaphore_mem>>) src(%dma_wait3A_928 : memref<8x128xf32, #tpu.memory_space<vmem>>) dst(%dma_wait3A_925 : memref<8x128xf32, #tpu.memory_space<hbm>>)
    %dma_wait3A_929 = arith.constant 6 : i32
    %dma_wait3A_930 = arith.constant 48 : i32
    %dma_wait3A_931 = arith.constant 0 : i32
    %dma_wait3A_932 = tpu.memref_slice %arg19[%dma_wait3A_930, %dma_wait3A_931] : memref<64x128xf32, #tpu.memory_space<vmem>> -> memref<8x128xf32, #tpu.memory_space<vmem>>
    %dma_wait3A_933 = arith.constant 0 : i32
    %dma_wait3A_934 = arith.constant 0 : i32
    %dma_wait3A_935 = tpu.memref_slice %arg5[%select_n3A_822, %dma_wait3A_929, %select_n3A_838, %dma_wait3A_933, %dma_wait3A_934] : memref<200x8x32x8x128xf32, #tpu.memory_space<hbm>> -> memref<1x1x1x8x128xf32, #tpu.memory_space<hbm>>
    %dma_wait3A_936 = tpu.memref_squeeze %dma_wait3A_935 : memref<1x1x1x8x128xf32, #tpu.memory_space<hbm>> -> memref<8x128xf32, #tpu.memory_space<hbm>>
    %dma_wait3A_937 = arith.constant 0 : i32
    %dma_wait3A_938 = arith.constant 0 : i32
    %dma_wait3A_939 = tpu.memref_slice %arg5[%select_n3A_822, %dma_wait3A_929, %select_n3A_838, %dma_wait3A_937, %dma_wait3A_938] : memref<200x8x32x8x128xf32, #tpu.memory_space<hbm>> -> memref<1x1x1x8x128xf32, #tpu.memory_space<hbm>>
    %dma_wait3A_940 = tpu.memref_squeeze %dma_wait3A_939 : memref<1x1x1x8x128xf32, #tpu.memory_space<hbm>> -> memref<8x128xf32, #tpu.memory_space<hbm>>
    %dma_wait3A_941 = arith.constant 48 : i32
    %dma_wait3A_942 = arith.constant 0 : i32
    %dma_wait3A_943 = tpu.memref_slice %arg19[%dma_wait3A_941, %dma_wait3A_942] : memref<64x128xf32, #tpu.memory_space<vmem>> -> memref<8x128xf32, #tpu.memory_space<vmem>>
    tpu.wait_dma2 semaphore(%arg31 : memref<!tpu.dma_semaphore, #tpu.memory_space<semaphore_mem>>) src(%dma_wait3A_943 : memref<8x128xf32, #tpu.memory_space<vmem>>) dst(%dma_wait3A_940 : memref<8x128xf32, #tpu.memory_space<hbm>>)
    %dma_wait3A_944 = arith.constant 7 : i32
    %dma_wait3A_945 = arith.constant 56 : i32
    %dma_wait3A_946 = arith.constant 0 : i32
    %dma_wait3A_947 = tpu.memref_slice %arg19[%dma_wait3A_945, %dma_wait3A_946] : memref<64x128xf32, #tpu.memory_space<vmem>> -> memref<8x128xf32, #tpu.memory_space<vmem>>
    %dma_wait3A_948 = arith.constant 0 : i32
    %dma_wait3A_949 = arith.constant 0 : i32
    %dma_wait3A_950 = tpu.memref_slice %arg5[%select_n3A_822, %dma_wait3A_944, %select_n3A_838, %dma_wait3A_948, %dma_wait3A_949] : memref<200x8x32x8x128xf32, #tpu.memory_space<hbm>> -> memref<1x1x1x8x128xf32, #tpu.memory_space<hbm>>
    %dma_wait3A_951 = tpu.memref_squeeze %dma_wait3A_950 : memref<1x1x1x8x128xf32, #tpu.memory_space<hbm>> -> memref<8x128xf32, #tpu.memory_space<hbm>>
    %dma_wait3A_952 = arith.constant 0 : i32
    %dma_wait3A_953 = arith.constant 0 : i32
    %dma_wait3A_954 = tpu.memref_slice %arg5[%select_n3A_822, %dma_wait3A_944, %select_n3A_838, %dma_wait3A_952, %dma_wait3A_953] : memref<200x8x32x8x128xf32, #tpu.memory_space<hbm>> -> memref<1x1x1x8x128xf32, #tpu.memory_space<hbm>>
    %dma_wait3A_955 = tpu.memref_squeeze %dma_wait3A_954 : memref<1x1x1x8x128xf32, #tpu.memory_space<hbm>> -> memref<8x128xf32, #tpu.memory_space<hbm>>
    %dma_wait3A_956 = arith.constant 56 : i32
    %dma_wait3A_957 = arith.constant 0 : i32
    %dma_wait3A_958 = tpu.memref_slice %arg19[%dma_wait3A_956, %dma_wait3A_957] : memref<64x128xf32, #tpu.memory_space<vmem>> -> memref<8x128xf32, #tpu.memory_space<vmem>>
    tpu.wait_dma2 semaphore(%arg31 : memref<!tpu.dma_semaphore, #tpu.memory_space<semaphore_mem>>) src(%dma_wait3A_958 : memref<8x128xf32, #tpu.memory_space<vmem>>) dst(%dma_wait3A_955 : memref<8x128xf32, #tpu.memory_space<hbm>>)
    return
  }
}

</mosaic_0001>

<sc_bundles>
// kernel: kernel.3.cloned.1.call-start
scs
__scs_entry_jumppad:
0x0: {  	(pc) =	sbr.rel $0x88, $3  }
0x1: {  	(tag) =	ssettag $0x0;
	lr =	simm.s32 $0x1  }
0x2: {  	[smem:$0x3F9E] =	sst lr;
	_ =	strace $0xD0000000  }
0x3: {  	_ = 	snop  }
0x4: {  	_ = 	snop  }
0x5: {  	_ = 	snop  }
0x6: {  	_ = 	snop  }
0x7: {  	_ = 	snop  }
__scs_overlays_trampoline_lowered:
0x8: {  	[smem:$0x3FAD] =	sst s0  }
0x9: {  	[smem:$0x3FAE] =	sst s1  }
0xa: {  	[smem:$0x3FAF] =	sst s2  }
0xb: {  	[smem:$0x3FB0] =	sst s3  }
0xc: {  	[smem:$0x3FB1] =	sst s4  }
0xd: {  	[smem:$0x3FB2] =	sst s5  }
0xe: {  	[smem:$0x3FB3] =	sst s6  }
0xf: {  	[smem:$0x3FB4] =	sst s7  }
0x10: {  	[smem:$0x3FB5] =	sst s8  }
0x11: {  	[smem:$0x3FB6] =	sst s9;
	s0 =	simm.s32 @!p0 $0x0  }
0x12: {  	s1 =	sld [smem:$0x3F9C];
	s0 =	simm.s32 @p0 $0x1  }
0x13: {  	[smem:$0x3FB7] =	sst s0;
	s0 =	simm.s32 @!p1 $0x0  }
0x14: {  	s2 =	sld [smem:$0x3F9B];
	s0 =	simm.s32 @p1 $0x1  }
0x15: {  	[smem:$0x3FB8] =	sst s0;
	s0 =	simm.s32 @!p2 $0x0  }
0x16: {  	s3 =	sld [smem:$0x3FDB];
	s0 =	simm.s32 @p2 $0x1  }
0x17: {  	s4 =	simm.s32 $0x1BF5;
	[smem:$0x3FBA] =	sst s0  }
0x18: {  	s0 =	sld [smem:$0x3F9D];
	_ =	swait.ge [sflag:s4], $0x0  }
0x19: {  	s7 =	sld [smem:$0x3F9E]  }
0x1a: {  	s8 =	sadd.s32 $0xFFFFE003, lr  }
0x1b: {  	s9 =	sadd.s32 $0xFFFFFEF7, lr;
	s5 =	simm.s32 $0xFFFFFFFF;
	p2 =	slt.u32 s8, $0xFFFFF086  }
0x1c: {  	p1 =	slt.u32 s9, $0xF7A;
	s5 =	simm.s32 @!p2 $0x0  }
0x1d: {  	s5 =	simm.s32 @p1 $0x1;
	p0 =	seq.s32 s7, s2  }
0x1e: {  	s7 =	smul.u32 @!p0 $0xF7A, s2;
	p2 =	seq.s32 @!p0 s5, $0x0  }
0x1f: {  	s9 =	smul.u32 $0xF7A, s1;
	s8 =	simm.s32 @!p0 $0x1BF5;
	p2 =	por !p2, p0  }
0x20: {  	[sflag:s8] =	ssyncset.s32 @!p0 $0xFFFFF086;
	s6 =	sadd.s32 @!p0 s3, s7;
	s7 =	simm.s32 @!p0 $0x108  }
0x21: {  	s3 =	sadd.s32 s3, s9;
	s6 =	sadd.s32 @!p0 $0x88, s6;
	s7 =	simm.s32 @p2 $0x1082  }
0x22: {  	[simem:s7], [sflag:s8] =	dma.local @!p0 [hbm:s6], $0xF7A  }
0x23: {  	s9 =	sor.u32 $0xD0000000, s2;
	s6 =	simm.s32 $0x108;
	_ =	swait.ge @!p0 [sflag:s8], $0x0  }
0x24: {  	s3 =	sadd.s32 $0x88, s3;
	s6 =	simm.s32 @!p1 $0x1082;
	[sflag:s4] =	ssyncset.s32 $0xFFFFF086  }
0x25: {  	[simem:s6], [sflag:s4] =	dma.local [hbm:s3], $0xF7A  }
0x26: {  	[smem:$0x3F9E] =	sst s1;
	(tag) =	ssettag s2;
	_ =	strace s9  }
0x27: {  	s1 =	sld [smem:$0x3FAE]  }
0x28: {  	s2 =	sld [smem:$0x3FAF]  }
0x29: {  	s4 =	sld [smem:$0x3FB1]  }
0x2a: {  	p0 =	seq.s32 s5, $0x0;
	s5 =	sld [smem:$0x3FB2]  }
0x2b: {  	s6 =	sld [smem:$0x3FB3]  }
0x2c: {  	s7 =	sld [smem:$0x3FB4]  }
0x2d: {  	s3 =	simm.s32 $0x108;
	s8 =	sld [smem:$0x3FB5]  }
0x2e: {  	s3 =	simm.s32 @!p0 $0x1082;
	s9 =	sld [smem:$0x3FB6]  }
0x2f: {  	lr =	sadd.s32 s0, s3;
	s0 =	sld [smem:$0x3FAD]  }
0x30: {  	s3 =	sld [smem:$0x3FB0]  }
0x31: {  	[smem:$0x3FB9] =	sst s10  }
0x32: {  	s10 =	sld [smem:$0x3FB7];
	_ =	sdelay $0x3  }
0x33: {  	p0 =	seq.s32 s10, $0x1;
	s10 =	sld [smem:$0x3FB9];
	_ =	sdelay $0x3  }
0x34: {  	[smem:$0x3FB9] =	sst s10  }
0x35: {  	s10 =	sld [smem:$0x3FB8];
	_ =	sdelay $0x3  }
0x36: {  	p1 =	seq.s32 s10, $0x1;
	s10 =	sld [smem:$0x3FB9];
	_ =	sdelay $0x3  }
0x37: {  	[smem:$0x3FB9] =	sst s10  }
0x38: {  	s10 =	sld [smem:$0x3FBA]  }
0x39: {  	_ = 	snop;
	(pc) =	sbr.ind lr, $3  }
0x3a: {  	_ = 	snop  }
0x3b: {  	_ = 	snop  }
0x3c: {  	p2 =	seq.s32 s10, $0x1;
	s10 =	sld [smem:$0x3FB9]  }
0x3d: {  	_ =	shalt  }
0x3e: {  	_ =	shalt  }
0x3f: {  	_ =	shalt  }
0x40: {  	_ =	shalt  }
0x41: {  	_ =	shalt  }
0x42: {  	_ =	shalt  }
0x43: {  	_ =	shalt  }
0x44: {  	_ =	shalt  }
0x45: {  	_ =	shalt  }
0x46: {  	_ =	shalt  }
0x47: {  	_ =	shalt  }
0x48: {  	_ =	shalt  }
0x49: {  	_ =	shalt  }
0x4a: {  	_ =	shalt  }
0x4b: {  	_ =	shalt  }
0x4c: {  	_ =	shalt  }
0x4d: {  	_ =	shalt  }
0x4e: {  	_ =	shalt  }
0x4f: {  	_ =	shalt  }
0x50: {  	_ =	shalt  }
0x51: {  	_ =	shalt  }
0x52: {  	_ =	shalt  }
0x53: {  	_ =	shalt  }
0x54: {  	_ =	shalt  }
0x55: {  	_ =	shalt  }
0x56: {  	_ =	shalt  }
0x57: {  	_ =	shalt  }
0x58: {  	_ =	shalt  }
0x59: {  	_ =	shalt  }
0x5a: {  	_ =	shalt  }
0x5b: {  	_ =	shalt  }
0x5c: {  	_ =	shalt  }
0x5d: {  	_ =	shalt  }
0x5e: {  	_ =	shalt  }
0x5f: {  	_ =	shalt  }
0x60: {  	_ =	shalt  }
0x61: {  	_ =	shalt  }
0x62: {  	_ =	shalt  }
0x63: {  	_ =	shalt  }
0x64: {  	_ =	shalt  }
0x65: {  	_ =	shalt  }
0x66: {  	_ =	shalt  }
0x67: {  	_ =	shalt  }
0x68: {  	_ =	shalt  }
0x69: {  	_ =	shalt  }
0x6a: {  	_ =	shalt  }
0x6b: {  	_ =	shalt  }
0x6c: {  	_ =	shalt  }
0x6d: {  	_ =	shalt  }
0x6e: {  	_ =	shalt  }
0x6f: {  	_ =	shalt  }
0x70: {  	_ =	shalt  }
0x71: {  	_ =	shalt  }
0x72: {  	_ =	shalt  }
0x73: {  	_ =	shalt  }
0x74: {  	_ =	shalt  }
0x75: {  	_ =	shalt  }
0x76: {  	_ =	shalt  }
0x77: {  	_ =	shalt  }
0x78: {  	_ =	shalt  }
0x79: {  	_ =	shalt  }
0x7a: {  	_ =	shalt  }
0x7b: {  	_ =	shalt  }
0x7c: {  	_ =	shalt  }
0x7d: {  	_ =	shalt  }
0x7e: {  	_ =	shalt  }
0x7f: {  	_ =	shalt  }
0x80: {  	_ =	shalt  }
0x81: {  	_ =	shalt  }
0x82: {  	_ =	shalt  }
0x83: {  	_ =	shalt  }
0x84: {  	_ =	shalt  }
0x85: {  	_ =	shalt  }
0x86: {  	_ =	shalt  }
0x87: {  	_ =	shalt  }
.Lfunc_end0:
.L_simem_size_0:
called_computation_lowered:
.L_overlay_start_0:
0x88: {  	s2 =	sld [smem:$0x3FD9]  }
0x89: {  	s3 =	sld [smem:$0x3FFE];
	_ =	sdelay $0x1  }
0x8a: {  	s1 =	srdreg.scid  }
0x8b: {  	s0 =	sand.u32 $0x1, s1  }
0x8c: {  	s17 =	sshll.u32 s0, $0xA;
	s2 =	sadd.s32 s3, s2  }
0x8d: {  	s2 =	sadd.s32 s2, s17  }
0x8e: {  	[smem:$0x3FC5] =	sst s2  }
0x8f: {  	_ = 	snop  }
0x90: {  	s2 =	sld [smem:$0x3FD0];
	(tm) =	ssettm $0x1  }
0x91: {  	s18 =	sld [smem:$0x3FFB];
	_ =	sdelay $0x3  }
0x92: {  	_ =	strace s18  }
0x93: {  	s3 =	sld [smem:$0x3FFC];
	_ =	sdelay $0x3  }
0x94: {  	_ =	strace s3  }
0x95: {  	s3 =	sld [smem:$0x3FFD];
	_ =	sdelay $0x3  }
0x96: {  	_ =	strace s3  }
0x97: {  	_ =	strace $0x8FFFFFFF  }
0x98: {  	s19 =	sld [smem:$0x3FDB];
	_ =	sdelay $0x1  }
0x99: {  	s4 =	simm.s32 $_scs_section_size  }
0x9a: {  	s5 =	simm.s32 $_size__tile_overlayer_lowered;
	s6 =	simm.s32 $_tile_overlayer_lowered  }
0x9b: {  	s22 =	simm.s32 $0x1BFF;
	s21 =	sshll.u32 s6, $0x1;
	s3 =	sadd.s32 s4, s19  }
0x9c: {  	s7 =	simm.s32 $0x0;
	s20 =	sshll.u32 s5, $0x1;
	s5 =	sadd.s32 s21, s3  }
0x9d: {  	[timem:s7], [sflag:s22] =	dma.local [hbm:s5], s20  }
0x9e: {  	_ =	swait.ge [sflag:s22], s20  }
0x9f: {  	s4 =	ssub.s32 $0x0, s20;
	[sflag:s22] =	ssyncset.done $0x0  }
0xa0: {  	[sflag:s22] =	ssyncadd.s32 s4;
	_ =	sdelay $0x1  }
0xa1: {  	s23 =	simm.s32 $0x1B8B  }
0xa2: {  	_ =	swait.ge [sflag:s23], $0x1  }
0xa3: {  	[sflag:s23] =	ssyncset.done $0x0  }
0xa4: {  	s25 =	simm.s32 $0x1B8E;
	s24 =	sld [smem:$0x3FFE];
	[sflag:s23] =	ssyncadd.s32 $0xFFFFFFFF  }
0xa5: {  	s26 =	simm.s32 $execute0_lowered;
	[smem:$0x3FD2] =	sst s25  }
0xa6: {  	s5 =	sshll.u32 s26, $0x1;
	_ =	strace $0x80000046;
	[dreg:$0x1] =	wrdreg $0xFFFFFFFF  }
0xa7: {  	s28 =	simm.s32 $_size_execute0_lowered;
	s3 =	sadd.s32 s3, s5;
	[dreg:$0x0] =	wrdreg $0x0  }
0xa8: {  	s5 =	sshll.u32 s28, $0x1;
	[dreg:$0x2] =	wrdreg s3  }
0xa9: {  	[dreg:$0x3] =	wrdreg s5  }
0xaa: {  	[dreg:$0x4] =	wrdreg $0xC0  }
0xab: {  	_ =	task [dreg:s7], $0x5FFFF  }
0xac: {  	[dreg:$0x1] =	wrdreg $0xFFFFFFFF  }
0xad: {  	[dreg:$0x0] =	wrdreg $0x60  }
0xae: {  	[dreg:$0x2] =	wrdreg s24  }
0xaf: {  	[dreg:$0x3] =	wrdreg s2  }
0xb0: {  	[dreg:$0x4] =	wrdreg $0x9  }
0xb1: {  	_ =	task.clear_ibuf [dreg:s7], $0x5FFFF;
	_ =	strace $0x90000046  }
0xb2: {  	s29 =	simm.s32 $0x9;
	_ =	strace $0x80000048  }
0xb3: {  	_ =	swait.ge [sflag:s29], $0x1  }
0xb4: {  	[sflag:s29] =	ssyncadd.s32 $0xFFFFFFFF  }
0xb5: {  	_ =	strace $0x90000048  }
0xb6: {  	_ =	sfence  }
0xb7: {  	s30 =	sld [smem:$0x0];
	_ =	sdelay $0x2  }
0xb8: {  	s31 =	sshll.u32 s1, $0xD;
	s1 =	sshrl.u32 s1, $0x2  }
0xb9: {  	s3 =	sand.u32 $0x4000, s31;
	s1 =	sadd.s32 s1, s30  }
0xba: {  	s0 =	sor.u32 s3, s0;
	s1 =	sshll.u32 s1, $0x11  }
0xbb: {  	s0 =	sor.u32 s1, s0  }
0xbc: {  	s0 =	sadd.s32 $0x8F2B, s0  }
0xbd: {  	[sflag:s0] =	ssyncadd.remote.s32 $0x1  }
0xbe: {  	_ =	sfence.sel $0xFFFF  }
0xbf: {  	[dreg:$0x0] =	wrdreg $0xFFFFFFFF;
	(pc) =	sbr.abs _section_cstart, $3  }
0xc0: {  	[dreg:$0x1] =	wrdreg $0xFFFFFFFF  }
0xc1: {  	_ =	task.clear_ibuf [dreg:s7], $0x2FFFF;
	_ =	strace $0x9FFFFFFF  }
0xc2: {  	(tm) =	ssettm $0x7FFFFFFF  }
0xc3: {  	_ =	shalt  }
tec
execute0_lowered:
.L_overlay_start_1:
0x0: {  	(tag) =	ssettag $0x1  }
0x1: {  	v0 =	vimm.s32 $0xFEDCBA9;
	v1 =	vimm.s32 $0x87654321;
	v2 =	vimm.s32 $0x10FEDCBA  }
0x2: {  	v3 =	vimm.s32 $0x98765432;
	v5 =	vimm.s32 $0x210FEDCB;
	v6 =	vimm.s32 $0xA9876543  }
0x3: {  	v18 =	vlaneseq.u32;
	v7 =	vimm.s32 $0x3210FEDC;
	v8 =	vimm.s32 $0xBA987654  }
0x4: {  	v9 =	vimm.s32 $0x43210FED;
	v10 =	vimm.s32 $0xCBA98765;
	v12 =	vimm.s32 $0x543210FE  }
0x5: {  	s6 =	rddreg [dreg:$0x0];
	s3 =	simm.s32 $0x0;
	v13 =	vimm.s32 $0xDCBA9876;
	v14 =	vimm.s32 $0x6543210F;
	v15 =	vimm.s32 $0xEDCBA987  }
0x6: {  	v16 =	vimm.s32 $0xFEDCBA98;
	[smem:$0x7FF] =	sst s3;
	v58 =	vor.u32 $0x60, v18  }
0x7: {  	s2 =	rddreg [dreg:$0x1];
	v17 =	vimm.s32 $0x76543210;
	v29 =	vor.u32 $0x30, v18;
	_ =	strace $0x80000047;
	[tilespmem:$0x1FF20] =	vst v58  }
0x8: {  	v0 =	vunpack.c.l.s4.s8 v0;
	v1 =	vunpack.c.l.s4.s8 v1;
	v24 =	vor.u32 $0x40, v18;
	[tilespmem:$0x1FF50] =	vst v29  }
0x9: {  	v2 =	vunpack.c.l.s4.s8 v2;
	v3 =	vunpack.c.l.s4.s8 v3;
	v61 =	vor.u32 $0x70, v18;
	[tilespmem:$0x1FF60] =	vst v24  }
0xa: {  	v5 =	vunpack.c.l.s4.s8 v5;
	v37 =	vunpack.c.l.s4.s8 v6;
	v28 =	vor.u32 $0x10, v18;
	[tilespmem:$0x1FF80] =	vst v61  }
0xb: {  	v7 =	vunpack.c.l.s4.s8 v7;
	v8 =	vunpack.c.l.s4.s8 v8;
	v21 =	vor.u32 $0x20, v18;
	[tilespmem:$0x1FF90] =	vst v28  }
0xc: {  	v9 =	vunpack.c.l.s4.s8 v9;
	v53 =	vmul.u32 $0x40, v18;
	v57 =	vor.u32 $0x50, v18;
	[tilespmem:$0x1FFB0] =	vst v21  }
0xd: {  	v10 =	vunpack.c.l.s4.s8 v10;
	v12 =	vunpack.c.l.s4.s8 v12;
	v13 =	vunpack.c.l.s4.s8 v13;
	[tilespmem:$0x1FFC0] =	vst v57  }
0xe: {  	v14 =	vunpack.c.l.s4.s8 v14;
	v15 =	vunpack.c.l.s4.s8 v15;
	v56 =	vor.u32 $0xC00, v53;
	[tilespmem:$0x1FF30] =	vst v53  }
0xf: {  	v16 =	vunpack.c.l.s4.s8 v16;
	v17 =	vunpack.c.l.s4.s8 v17;
	v55 =	vor.u32 $0x400, v53;
	[tilespmem:$0x1FF10] =	vst v56  }
0x10: {  	v0 =	vunpack.c.0.s8.s32 v0;
	v1 =	vunpack.c.0.s8.s32 v1;
	v59 =	vor.u32 $0x1C00, v53;
	[tilespmem:$0x1FF40] =	vst v55  }
0x11: {  	s0 =	srdreg.scid;
	v2 =	vunpack.c.0.s8.s32 v2;
	v3 =	vunpack.c.0.s8.s32 v3;
	v31 =	vor.u32 $0x800, v53;
	[tilespmem:$0x1FF70] =	vst v59  }
0x12: {  	s1 =	stileid.u32;
	s9 =	simm.s32 $0xB500;
	s30 =	simm.s32 $0x9500;
	v7 =	vunpack.c.0.s8.s32 v7;
	v14 =	vunpack.c.0.s8.s32 v14;
	v23 =	vor.u32 $0x1400, v53;
	[tilespmem:$0x1FFA0] =	vst v31  }
0x13: {  	s28 =	simm.s32 $0xF500;
	s29 =	simm.s32 $0x9;
	s19 =	simm.s32 $0x80;
	v15 =	vunpack.c.0.s8.s32 v15;
	v62 =	vor.u32 $0x1800, v53;
	[tilespmem:$0x1FFD0] =	vst v23;
	v4 =	vcombine.low v1, v0  }
0x14: {  	s0 =	sand.u32 $0x1, s0;
	s1 =	sshll.u32 s1, $0x1;
	s12 =	sadd.s32 $0x1000, s2;
	v16 =	vunpack.c.0.s8.s32 v16;
	v63 =	vor.u32 $0x1000, v53;
	[tilespmem:$0x1FFE0] =	vst v62;
	v38 =	vcombine.low v3, v2  }
0x15: {  	s13 =	sadd.s32 $0x2000, s2;
	s14 =	sadd.s32 $0x3000, s2;
	s15 =	sadd.s32 $0x4000, s2;
	v17 =	vunpack.c.0.s8.s32 v17;
	[tilespmem:$0x1FFF0] =	vst v63;
	v43 =	vcombine.low v15, v14;
	v4 =	vand.u32 $0xF, v4  }
0x16: {  	s16 =	sadd.s32 $0x5000, s2;
	s17 =	sadd.s32 $0x6000, s2;
	s1 =	sor.u32 s0, s1;
	v8 =	vunpack.c.0.s8.s32 v8;
	v44 =	vand.u32 $0xF, v16;
	v6 =	vand.u32 $0xF, v38;
	[tilespmem:$0x1FE20] =	vst v4  }
0x17: {  	s18 =	sadd.s32 $0x7000, s2;
	s0 =	ssub.s32 $0x2, s0;
	s8 =	smul.u32 $0xC8, s1;
	v0 =	vcombine.low v0, v1;
	v46 =	vcombine.low v44, v17;
	v45 =	vand.u32 $0xF, v43;
	[tilespmem:$0x1FE30] =	vst v6  }
0x18: {  	s4 =	smul.u32 $0x6400, s1;
	s5 =	sshll.u32 s1, $0xA;
	s20 =	sshrl.u32 s0, $0x1;
	v12 =	vunpack.c.0.s8.s32 v12;
	v13 =	vunpack.c.0.s8.s32 v13;
	v47 =	vcombine.low v2, v3;
	[tilespmem:$0x1FE80] =	vst v45  }
0x19: {  	v9 =	vunpack.c.0.s8.s32 v9;
	s5 =	sand.u32 $0xC00, s5;
	s0 =	ssub.s32 s0, s20;
	s24 =	sor.u32 $0x4, s8;
	v49 =	vcombine.low v7, v8;
	v0 =	vand.u32 $0xF, v0;
	[tilespmem:$0x1FE90] =	vst v46  }
0x1a: {  	v10 =	vunpack.c.0.s8.s32 v10;
	s7 =	sand.u32 $0xFF000, s4;
	s25 =	sor.u32 $0x5, s8;
	v51 =	vcombine.low v12, v13;
	[dreg:$0x8] =	wrdreg s24;
	v1 =	vand.u32 $0xF, v47;
	[tilespmem:$0x1FEA0] =	vst v0  }
0x1b: {  	v5 =	vunpack.c.0.s8.s32 v5;
	s4 =	sadd.s32 $0xC00, s6;
	s26 =	sor.u32 $0x6, s8;
	v40 =	vcombine.low v8, v7;
	[dreg:$0x9] =	wrdreg s25;
	v2 =	vand.u32 $0xF, v49;
	[tilespmem:$0x1FEB0] =	vst v1  }
0x1c: {  	s31 =	sor.u32 $0x7, s8;
	s0 =	smax.u32 s0, $0x1;
	v50 =	vcombine.low v9, v10;
	[dreg:$0xa] =	wrdreg s26;
	v54 =	vand.u32 $0xF, v51;
	v4 =	vunpack.c.0.s8.s32 v37;
	[tilespmem:$0x1FED0] =	vst v2  }
0x1d: {  	v42 =	vcombine.low v13, v12;
	s7 =	sor.u32 s5, s7;
	s5 =	sadd.s32 $0x19C00, s6;
	[dreg:$0xb] =	wrdreg s31;
	v6 =	vand.u32 $0xF, v40;
	[tilespmem:$0x1FEF0] =	vst v54  }
0x1e: {  	s6 =	sadd.s32 $0x400, s6;
	[dreg:$0xc] =	wrdreg s0;
	s7 =	sshrl.u32 s7, $0x3;
	v1 =	vand.u32 $0xF, v50;
	[tilespmem:$0x1FE50] =	vst v6;
	v11 =	vcombine.low v4, v5  }
0x1f: {  	s1 =	simm.s32 $0x3500;
	v41 =	vcombine.low v10, v9;
	[dreg:$0x3] =	wrdreg s6;
	s7 =	sadd.s32 s4, s7;
	v6 =	vand.u32 $0xF, v42;
	[tilespmem:$0x1FEE0] =	vst v1  }
.Ltmp0:
0x20: {  	s21 =	sadd.s32 $0x10, s7;
	[dreg:$0x4] =	wrdreg s7;
	[tilespmem:$0x1FE70] =	vst v6;
	v48 =	vcombine.low v5, v4;
	v39 =	vand.u32 $0xF, v11;
	(pc) =	sbr.rel .LBB2_1-.Ltmp0, $4  }
0x21: {  	s20 =	simm.s32 $0x11500;
	v52 =	vcombine.low v14, v15;
	s22 =	sadd.s32 $0x20, s7;
	[dreg:$0x5] =	wrdreg s21;
	v11 =	vand.u32 $0xF, v41;
	[tilespmem:$0x1FE40] =	vst v39  }
0x22: {  	s25 =	simm.s32 $0x5500;
	s23 =	sadd.s32 $0x30, s7;
	[dreg:$0x6] =	wrdreg s22;
	v0 =	vand.u32 $0xF, v48;
	[tilespmem:$0x1FE60] =	vst v11  }
0x23: {  	s24 =	simm.s32 $0xD500;
	s7 =	simm.s32 $0x0;
	[dreg:$0x7] =	wrdreg s23;
	[tilespmem:$0x1FEC0] =	vst v0;
	v0 =	vand.u32 $0xF, v52  }
0x24: {  	v26 =	vlaneseq.u32;
	v18 =	vmov v59;
	s23 =	simm.s32 $0x7500;
	s21 =	simm.s32 $0xA;
	s22 =	simm.s32 $0xB;
	[tilespmem:$0x1FF00] =	vst v0  }
.LBB2_23:
0x25: {  	_ =	swait.ge [sflag:s22], $0x400  }
0x26: {  	[sflag:s22] =	ssyncset.done $0x0  }
0x27: {  	[sflag:s22] =	ssyncadd.s32 $0xFFFFFC00  }
0x28: {  	_ =	swait.ge [sflag:s22], $0x400  }
0x29: {  	[sflag:s22] =	ssyncset.done $0x0  }
0x2a: {  	[sflag:s22] =	ssyncadd.s32 $0xFFFFFC00  }
0x2b: {  	_ =	swait.ge [sflag:s22], $0x400  }
0x2c: {  	[sflag:s22] =	ssyncset.done $0x0  }
0x2d: {  	[sflag:s22] =	ssyncadd.s32 $0xFFFFFC00  }
0x2e: {  	_ =	swait.ge [sflag:s22], $0x400  }
0x2f: {  	[sflag:s22] =	ssyncset.done $0x0  }
0x30: {  	[sflag:s22] =	ssyncadd.s32 $0xFFFFFC00  }
0x31: {  	_ =	swait.ge [sflag:s22], $0x400  }
0x32: {  	[sflag:s22] =	ssyncset.done $0x0  }
0x33: {  	[sflag:s22] =	ssyncadd.s32 $0xFFFFFC00  }
0x34: {  	_ =	swait.ge [sflag:s22], $0x400  }
0x35: {  	[sflag:s22] =	ssyncset.done $0x0  }
0x36: {  	[sflag:s22] =	ssyncadd.s32 $0xFFFFFC00  }
0x37: {  	_ =	swait.ge [sflag:s22], $0x400  }
0x38: {  	[sflag:s22] =	ssyncset.done $0x0  }
0x39: {  	[sflag:s22] =	ssyncadd.s32 $0xFFFFFC00  }
0x3a: {  	_ =	swait.ge [sflag:s22], $0x400  }
0x3b: {  	[sflag:s22] =	ssyncset.done $0x0  }
0x3c: {  	s6 =	simm.s32 $0xC;
	[sflag:s22] =	ssyncadd.s32 $0xFFFFFC00  }
0x3d: {  	_ =	swait.ge [sflag:s6], $0x400  }
0x3e: {  	[sflag:s6] =	ssyncset.done $0x0  }
0x3f: {  	[sflag:s6] =	ssyncadd.s32 $0xFFFFFC00  }
0x40: {  	_ =	swait.ge [sflag:s6], $0x400  }
0x41: {  	[sflag:s6] =	ssyncset.done $0x0  }
0x42: {  	[sflag:s6] =	ssyncadd.s32 $0xFFFFFC00  }
0x43: {  	_ =	swait.ge [sflag:s6], $0x400  }
0x44: {  	[sflag:s6] =	ssyncset.done $0x0  }
0x45: {  	[sflag:s6] =	ssyncadd.s32 $0xFFFFFC00  }
0x46: {  	_ =	swait.ge [sflag:s6], $0x400  }
0x47: {  	[sflag:s6] =	ssyncset.done $0x0  }
0x48: {  	[sflag:s6] =	ssyncadd.s32 $0xFFFFFC00  }
0x49: {  	_ =	swait.ge [sflag:s6], $0x400  }
0x4a: {  	[sflag:s6] =	ssyncset.done $0x0  }
0x4b: {  	[sflag:s6] =	ssyncadd.s32 $0xFFFFFC00  }
0x4c: {  	_ =	swait.ge [sflag:s6], $0x400  }
0x4d: {  	[sflag:s6] =	ssyncset.done $0x0  }
0x4e: {  	[sflag:s6] =	ssyncadd.s32 $0xFFFFFC00  }
0x4f: {  	_ =	swait.ge [sflag:s6], $0x400  }
0x50: {  	[sflag:s6] =	ssyncset.done $0x0  }
0x51: {  	[sflag:s6] =	ssyncadd.s32 $0xFFFFFC00  }
0x52: {  	_ =	swait.ge [sflag:s6], $0x400  }
0x53: {  	s7 =	rddreg [dreg:$0xd]  }
0x54: {  	s0 =	rddreg [dreg:$0xc];
	s7 =	sadd.s32 $0x1, s7  }
0x55: {  	p0 =	sne.s32 s7, s0  }
.Ltmp1:
0x56: {  	_ = 	snop;
	(pc) =	sbr.rel @!p0 .LBB2_24-.Ltmp1, $3  }
0x57: {  	_ =	sdelay $0x1  }
0x58: {  	[sflag:s6] =	ssyncset.done $0x0  }
0x59: {  	v31 =	vmov v0;
	v28 =	vmov v6;
	v29 =	vld [tilespmem:$0x1FF50];
	[sflag:s6] =	ssyncadd.s32 $0xFFFFFC00  }
.LBB2_1:
0x5a: {  	[dreg:$0xd] =	wrdreg s7  }
0x5b: {  	s0 =	rddreg [dreg:$0x3];
	s6 =	simm.s32 $0xD  }
0x5c: {  	[tilespmem:s3], [sflag:$0xD] =	stream.linear.gather [hbm4b:s0+s3], $0x3200, $0x38;
	[tilespmem:$0x13500] =	vst v63  }
0x5d: {  	_ =	swait.ge [sflag:s6], $0x3200  }
0x5e: {  	v0 =	vld [tilespmem:$0x1FE20]  }
0x5f: {  	v48 =	vld [tilespmem:$0x1FE30]  }
0x60: {  	[sflag:s6] =	ssyncset.done $0x0;
	v49 =	vld [tilespmem:$0x1FE40]  }
0x61: {  	v50 =	vld [tilespmem:$0x1FE50];
	[sflag:s6] =	ssyncadd.s32 $0xFFFFCE00  }
0x62: {  	v51 =	vld [tilespmem:$0x1FE60];
	[tilespmem:$0x3200] =	vst v26  }
0x63: {  	v52 =	vld [tilespmem:$0x1FE70];
	[tilespmem:$0x3210] =	vst v0  }
0x64: {  	v53 =	vld [tilespmem:$0x1FE80];
	[tilespmem:$0x3220] =	vst v48  }
0x65: {  	v54 =	vld [tilespmem:$0x1FE90];
	[tilespmem:$0x3230] =	vst v49  }
0x66: {  	v55 =	vld [tilespmem:$0x1FEA0];
	[tilespmem:$0x3240] =	vst v50  }
0x67: {  	v56 =	vld [tilespmem:$0x1FEB0];
	[tilespmem:$0x3250] =	vst v51  }
0x68: {  	v57 =	vld [tilespmem:$0x1FEC0];
	[tilespmem:$0x3260] =	vst v52  }
0x69: {  	v58 =	vld [tilespmem:$0x1FED0];
	[tilespmem:$0x3270] =	vst v53  }
0x6a: {  	v59 =	vld [tilespmem:$0x1FEE0];
	[tilespmem:$0x3280] =	vst v54  }
0x6b: {  	v60 =	vld [tilespmem:$0x1FEF0];
	[tilespmem:$0x3290] =	vst v55  }
0x6c: {  	v61 =	vld [tilespmem:$0x1FF00];
	[tilespmem:$0x32A0] =	vst v56  }
0x6d: {  	[tilespmem:$0x32B0] =	vst v57  }
0x6e: {  	[tilespmem:$0x32C0] =	vst v58  }
0x6f: {  	[tilespmem:$0x32D0] =	vst v59  }
0x70: {  	[tilespmem:$0x32E0] =	vst v60  }
0x71: {  	s7 =	rddreg [dreg:$0x4];
	s6 =	simm.s32 $0x3300;
	[tilespmem:$0x32F0] =	vst v61  }
0x72: {  	[tilespmem:s6], [sflag:$0x1] =	stream.linear.gather [hbm4b:s7+s3], $0x80, $0x38;
	[tilespmem:$0x13500] =	vst v63  }
0x73: {  	s10 =	rddreg [dreg:$0x5];
	s7 =	simm.s32 $0x3380  }
0x74: {  	[tilespmem:s7], [sflag:$0x2] =	stream.linear.gather [hbm4b:s10+s3], $0x80, $0x38;
	[tilespmem:$0x13500] =	vst v63  }
0x75: {  	s11 =	rddreg [dreg:$0x6];
	s10 =	simm.s32 $0x3400  }
0x76: {  	[tilespmem:s10], [sflag:$0x3] =	stream.linear.gather [hbm4b:s11+s3], $0x80, $0x38;
	[tilespmem:$0x13500] =	vst v63  }
0x77: {  	s31 =	simm.s32 $0x3480;
	s26 =	rddreg [dreg:$0x7];
	s11 =	simm.s32 $0x1  }
0x78: {  	[tilespmem:s31], [sflag:$0x4] =	stream.linear.gather [hbm4b:s26+s3], $0x80, $0x38;
	[tilespmem:$0x13500] =	vst v63  }
0x79: {  	_ =	swait.ge [sflag:s11], $0x80  }
0x7a: {  	[sflag:s11] =	ssyncset.done $0x0  }
0x7b: {  	s26 =	simm.s32 $0x80;
	s31 =	simm.s32 $0x2;
	[sflag:s11] =	ssyncadd.s32 $0xFFFFFF80  }
0x7c: {  	[tilespmem:s1], [sflag:$0x5] =	stream.indirect.gather [hbm4b:s5+s26], $0x40, s6, s26, $0xb8;
	[tilespmem:$0x13500] =	vst v63  }
0x7d: {  	_ =	swait.ge [sflag:s31], $0x80  }
0x7e: {  	[sflag:s31] =	ssyncset.done $0x0  }
0x7f: {  	s0 =	simm.s32 $0x0;
	[sflag:s31] =	ssyncadd.s32 $0xFFFFFF80  }
0x80: {  	[tilespmem:s25], [sflag:$0x6] =	stream.indirect.gather [hbm4b:s5+s26], $0x40, s7, s26, $0xb8;
	[tilespmem:$0x13500] =	vst v63  }
.LBB2_2:
0x81: {  	s6 =	sshll.u32 s0, $0x2  }
0x82: {  	s11 =	sadd.s32 s8, s6  }
0x83: {  	s26 =	simm.s32 $0x5;
	s7 =	sshrl.u32 s11, $0x5  }
0x84: {  	_ =	swait.ge [sflag:s26], $0x2000;
	s10 =	sshll.u32 s7, $0x6  }
0x85: {  	[sflag:s26] =	ssyncset.done $0x0;
	v22 =	vmov s10  }
0x86: {  	s31 =	simm.s32 $0x0;
	v26 =	vld [tilespmem:$0x1FF10];
	[sflag:s26] =	ssyncadd.s32 $0xFFFFE000;
	[tilespmem:$0x1FE10] =	vst v22  }
.LBB2_3:
0x87: {  	s10 =	simm.s32 $0x3220  }
0x88: {  	v0 =	vld [tilespmem:s10+$0x0];
	_ =	sdelay $0x3  }
0x89: {  	v19 =	vmov s31  }
0x8a: {  	v2 =	vadd.s32 v19, v0  }
0x8b: {  	v0 =	vand.u32 $0x7, v0;
	v1 =	vand.u32 $0xFFFFFFF8, v2  }
0x8c: {  	v30 =	vor.u32 v0, v1;
	v1 =	vld [tilespmem:$0x1FF30];
	_ =	sdelay $0x1  }
0x8d: {  	v3 =	vadd.s32 v22, v2  }
0x8e: {  	v3 =	vand.u32 $0xFFFFFFF8, v3  }
0x8f: {  	v4 =	vld [tilespmem:s10+$0xFFFFFFF0];
	v0 =	vor.u32 v0, v3  }
0x90: {  	v5 =	vadd.s32 v1, v30;
	_ =	sdelay $0x1  }
0x91: {  	v3 =	vld [tilespmem:s10+$0x10]  }
0x92: {  	v20 =	vld [tilespmem:$0x1FF40]  }
0x93: {  	v17 =	vlaneseq.u32;
	v6 =	vadd.s32 v19, v4;
	v32 =	vld.idx.msk [tilespmem:v0+s3+$0x0], $0xffff  }
0x94: {  	v45 =	vshll.u32 v2, $0x7;
	v2 =	vadd.s32 v22, v6;
	v9 =	vand.u32 $0xFFFFFFF8, v6;
	v5 =	vld.idx.msk [tilespmem:v5+s1+$0x0], $0xffff  }
0x95: {  	v8 =	vld [tilespmem:s10+$0xFFFFFFE0];
	v2 =	vand.u32 $0xFFFFFFF8, v2;
	v10 =	vor.u32 v17, v45;
	v0 =	vand.u32 $0x7, v4  }
0x96: {  	v7 =	vadd.s32 v19, v3;
	v2 =	vor.u32 v0, v2;
	v36 =	vor.u32 v0, v9  }
0x97: {  	v3 =	vand.u32 $0x7, v3;
	v11 =	vand.u32 $0xFFFFFFF8, v7;
	v9 =	vadd.s32 v1, v36  }
0x98: {  	v0 =	vadd.s32 v22, v7;
	v39 =	vor.u32 v3, v11  }
0x99: {  	v0 =	vand.u32 $0xFFFFFFF8, v0;
	v11 =	vadd.s32 v1, v39;
	v5 =	vadd.f32 v5, v32  }
0x9a: {  	v4 =	vadd.s32 v20, v30;
	v0 =	vor.u32 v3, v0;
	v3 =	vadd.s32 v19, v8  }
0x9b: {  	v33 =	vld.idx.msk [tilespmem:v2+s3+$0x0], $0xffff;
	v2 =	vand.u32 $0x7, v8;
	v8 =	vadd.s32 v22, v3;
	[tilespmem:v10+s9+$0x0] =	vst.idx.msk $0xffff, v5;
	v5 =	vand.u32 $0xFFFFFFF8, v3  }
0x9c: {  	v8 =	vand.u32 $0xFFFFFFF8, v8;
	v41 =	vor.u32 v2, v5;
	v5 =	vld.idx.msk [tilespmem:v9+s1+$0x0], $0xffff  }
0x9d: {  	v38 =	vshll.u32 v6, $0x7;
	v2 =	vor.u32 v2, v8  }
0x9e: {  	v6 =	vld.idx.msk [tilespmem:v11+s1+$0x0], $0xffff;
	v8 =	vor.u32 v17, v38;
	v9 =	vadd.s32 v1, v41  }
0x9f: {  	v35 =	vld.idx.msk [tilespmem:v0+s3+$0x0], $0xffff;
	v0 =	vadd.s32 v20, v36  }
0xa0: {  	s26 =	simm.s32 $0x3260;
	v37 =	vshll.u32 v7, $0x7;
	v4 =	vld.idx.msk [tilespmem:v4+s1+$0x0], $0xffff  }
0xa1: {  	v16 =	vld [tilespmem:s26+$0x10];
	v11 =	vor.u32 v17, v37;
	v5 =	vadd.f32 v5, v33  }
0xa2: {  	v7 =	vor.u32 v28, v45;
	v12 =	vadd.s32 v20, v39;
	v34 =	vld.idx.msk [tilespmem:v2+s3+$0x0], $0xffff  }
0xa3: {  	v9 =	vld.idx.msk [tilespmem:v9+s1+$0x0], $0xffff;
	[tilespmem:v8+s9+$0x0] =	vst.idx.msk $0xffff, v5  }
0xa4: {  	v40 =	vshll.u32 v3, $0x7;
	v10 =	vadd.s32 v31, v30;
	v2 =	vadd.f32 v6, v35;
	v0 =	vld.idx.msk [tilespmem:v0+s1+$0x0], $0xffff  }
0xa5: {  	v3 =	vor.u32 v17, v40;
	v4 =	vadd.f32 v4, v32  }
0xa6: {  	[tilespmem:v11+s9+$0x0] =	vst.idx.msk $0xffff, v2;
	v2 =	vor.u32 v28, v38;
	v5 =	vadd.s32 v20, v41;
	v8 =	vld [tilespmem:s26+$0x0]  }
0xa7: {  	[tilespmem:v7+s9+$0x0] =	vst.idx.msk $0xffff, v4;
	v7 =	vadd.s32 v31, v36;
	v6 =	vld.idx.msk [tilespmem:v12+s1+$0x0], $0xffff  }
0xa8: {  	v9 =	vadd.f32 v9, v34  }
0xa9: {  	v59 =	vadd.s32 v19, v16;
	v4 =	vld.idx.msk [tilespmem:v10+s1+$0x0], $0xffff;
	v10 =	vor.u32 v28, v37;
	v0 =	vadd.f32 v0, v33  }
0xaa: {  	v49 =	vor.u32 v21, v45;
	v11 =	vadd.s32 v31, v39;
	[tilespmem:v3+s9+$0x0] =	vst.idx.msk $0xffff, v9  }
0xab: {  	v55 =	vor.u32 v29, v38;
	v46 =	vadd.s32 v26, v30;
	v5 =	vld.idx.msk [tilespmem:v5+s1+$0x0], $0xffff;
	[tilespmem:v2+s9+$0x0] =	vst.idx.msk $0xffff, v0  }
0xac: {  	v53 =	vor.u32 v29, v37;
	v2 =	vadd.f32 v6, v35;
	v6 =	vld.idx.msk [tilespmem:v7+s1+$0x0], $0xffff;
	v7 =	vadd.s32 v19, v8  }
0xad: {  	v13 =	vld [tilespmem:s26+$0xFFFFFFF0];
	v8 =	vand.u32 $0x7, v8;
	v14 =	vadd.s32 v22, v7;
	v15 =	vand.u32 $0xFFFFFFF8, v7  }
0xae: {  	v3 =	vor.u32 v28, v40;
	[tilespmem:v10+s9+$0x0] =	vst.idx.msk $0xffff, v2;
	v2 =	vld [tilespmem:s26+$0xFFFFFFE0];
	v14 =	vand.u32 $0xFFFFFFF8, v14;
	v42 =	vor.u32 v8, v15  }
0xaf: {  	v51 =	vadd.s32 v26, v36;
	v11 =	vld.idx.msk [tilespmem:v11+s1+$0x0], $0xffff;
	v8 =	vor.u32 v8, v14;
	v14 =	vadd.s32 v1, v42  }
0xb0: {  	v50 =	vadd.s32 v26, v39;
	v12 =	vadd.s32 v26, v41;
	v10 =	vor.u32 v21, v38  }
0xb1: {  	v0 =	vadd.s32 v31, v41;
	v15 =	vor.u32 v21, v37;
	v5 =	vadd.f32 v5, v34  }
0xb2: {  	v4 =	vadd.f32 v4, v32;
	v9 =	vor.u32 v21, v40;
	v6 =	vadd.f32 v6, v33  }
0xb3: {  	v52 =	vand.u32 $0x7, v13;
	[tilespmem:v3+s9+$0x0] =	vst.idx.msk $0xffff, v5;
	v3 =	vadd.s32 v22, v59;
	v5 =	vadd.s32 v19, v13  }
0xb4: {  	v47 =	vshll.u32 v7, $0x7;
	v56 =	vadd.s32 v19, v2;
	v11 =	vadd.f32 v11, v35;
	v14 =	vld.idx.msk [tilespmem:v14+s1+$0x0], $0xffff;
	[tilespmem:$0x1FE00] =	vst v19  }
0xb5: {  	v2 =	vand.u32 $0x7, v2;
	v13 =	vadd.s32 v22, v5;
	v58 =	vand.u32 $0xFFFFFFF8, v56;
	[tilespmem:v10+s9+$0x0] =	vst.idx.msk $0xffff, v6  }
0xb6: {  	v58 =	vor.u32 v2, v58;
	v6 =	vand.u32 $0x7, v16;
	v10 =	vand.u32 $0xFFFFFFF8, v59;
	v0 =	vld.idx.msk [tilespmem:v0+s1+$0x0], $0xffff;
	[tilespmem:v15+s9+$0x0] =	vst.idx.msk $0xffff, v11  }
0xb7: {  	v43 =	vld.idx.msk [tilespmem:v8+s3+$0x0], $0xffff;
	v8 =	vand.u32 $0xFFFFFFF8, v5;
	[tilespmem:v49+s9+$0x0] =	vst.idx.msk $0xffff, v4;
	v54 =	vor.u32 v6, v10;
	v10 =	vand.u32 $0xFFFFFFF8, v13  }
0xb8: {  	v4 =	vadd.s32 v1, v58;
	v57 =	vor.u32 v52, v8;
	v8 =	vor.u32 v52, v10;
	v10 =	vld.idx.msk [tilespmem:v50+s1+$0x0], $0xffff  }
0xb9: {  	v3 =	vand.u32 $0xFFFFFFF8, v3;
	v11 =	vadd.s32 v22, v56;
	v16 =	vor.u32 v17, v47;
	v13 =	vld.idx.msk [tilespmem:v51+s1+$0x0], $0xffff  }
0xba: {  	v7 =	vadd.s32 v20, v42;
	v11 =	vand.u32 $0xFFFFFFF8, v11;
	v49 =	vor.u32 v6, v3;
	v6 =	vld.idx.msk [tilespmem:v46+s1+$0x0], $0xffff  }
0xbb: {  	v15 =	vadd.s32 v1, v57;
	v11 =	vor.u32 v2, v11;
	v0 =	vadd.f32 v0, v34  }
0xbc: {  	v52 =	vshll.u32 v5, $0x7;
	v5 =	vor.u32 v29, v45;
	v2 =	vadd.f32 v14, v43  }
0xbd: {  	v48 =	vadd.s32 v63, v36;
	v4 =	vld.idx.msk [tilespmem:v4+s1+$0x0], $0xffff;
	[tilespmem:v9+s9+$0x0] =	vst.idx.msk $0xffff, v0;
	v0 =	vadd.f32 v10, v35  }
0xbe: {  	v9 =	vadd.f32 v13, v33;
	[tilespmem:v16+s9+$0x0] =	vst.idx.msk $0xffff, v2;
	v10 =	vld.idx.msk [tilespmem:v12+s1+$0x0], $0xffff  }
0xbf: {  	v60 =	vadd.s32 v63, v41;
	v46 =	vld.idx.msk [tilespmem:v8+s3+$0x0], $0xffff;
	v13 =	vadd.f32 v6, v32;
	[tilespmem:v53+s9+$0x0] =	vst.idx.msk $0xffff, v0  }
0xc0: {  	v14 =	vadd.s32 v63, v30;
	v0 =	vld.idx.msk [tilespmem:v7+s1+$0x0], $0xffff;
	[tilespmem:v55+s9+$0x0] =	vst.idx.msk $0xffff, v9;
	v9 =	vor.u32 v29, v40  }
0xc1: {  	v44 =	vor.u32 v28, v47;
	v61 =	vadd.s32 v31, v42;
	[tilespmem:v5+s9+$0x0] =	vst.idx.msk $0xffff, v13;
	v5 =	vld.idx.msk [tilespmem:v15+s1+$0x0], $0xffff  }
0xc2: {  	v51 =	vshll.u32 v59, $0x7;
	v50 =	vshll.u32 v56, $0x7;
	v8 =	vadd.s32 v1, v54;
	v56 =	vld.idx.msk [tilespmem:v48+s1+$0x0], $0xffff  }
0xc3: {  	v59 =	vadd.s32 v18, v30;
	v15 =	vadd.s32 v63, v39;
	v48 =	vld.idx.msk [tilespmem:v11+s3+$0x0], $0xffff;
	v10 =	vadd.f32 v10, v34  }
0xc4: {  	v3 =	vadd.s32 v23, v36;
	v19 =	vadd.s32 v20, v57;
	v21 =	vor.u32 v17, v52;
	v49 =	vld.idx.msk [tilespmem:v49+s3+$0x0], $0xffff  }
0xc5: {  	v2 =	vor.u32 v28, v52;
	v6 =	vor.u32 v17, v50;
	v14 =	vld.idx.msk [tilespmem:v14+s1+$0x0], $0xffff;
	[tilespmem:v9+s9+$0x0] =	vst.idx.msk $0xffff, v10  }
0xc6: {  	v16 =	vor.u32 v17, v51;
	v17 =	vadd.s32 v20, v54;
	v13 =	vor.u32 v24, v38;
	v10 =	vld [tilespmem:$0x1FF80]  }
0xc7: {  	v12 =	vor.u32 v24, v45;
	v7 =	vadd.s32 v20, v58;
	v8 =	vld.idx.msk [tilespmem:v8+s1+$0x0], $0xffff;
	v0 =	vadd.f32 v0, v43  }
0xc8: {  	v63 =	vadd.s32 v62, v30;
	v5 =	vadd.f32 v5, v46;
	v20 =	vld.idx.msk [tilespmem:v15+s1+$0x0], $0xffff;
	v11 =	vadd.f32 v4, v48  }
0xc9: {  	v4 =	vor.u32 v28, v50;
	[tilespmem:v44+s9+$0x0] =	vst.idx.msk $0xffff, v0;
	v0 =	vadd.f32 v56, v33;
	v1 =	vld.idx.msk [tilespmem:v60+s1+$0x0], $0xffff  }
0xca: {  	v60 =	vadd.s32 v18, v39;
	v9 =	vld [tilespmem:$0x1FF20];
	[tilespmem:v21+s9+$0x0] =	vst.idx.msk $0xffff, v5;
	v5 =	vadd.f32 v14, v32  }
0xcb: {  	v61 =	vld.idx.msk [tilespmem:v61+s1+$0x0], $0xffff;
	v14 =	vor.u32 v24, v37;
	[tilespmem:v13+s9+$0x0] =	vst.idx.msk $0xffff, v0;
	v55 =	vor.u32 v10, v45  }
0xcc: {  	v27 =	vor.u32 v10, v40;
	v25 =	vor.u32 v10, v37;
	v10 =	vadd.s32 v23, v30  }
0xcd: {  	v13 =	vor.u32 v24, v40;
	v0 =	vadd.f32 v8, v49;
	v8 =	vld.idx.msk [tilespmem:v3+s1+$0x0], $0xffff;
	v3 =	vadd.s32 v23, v39  }
0xce: {  	[tilespmem:v12+s9+$0x0] =	vst.idx.msk $0xffff, v5;
	v5 =	vadd.s32 v31, v58;
	v12 =	vadd.f32 v20, v35  }
0xcf: {  	v15 =	vld.idx.msk [tilespmem:v19+s1+$0x0], $0xffff;
	[tilespmem:v16+s9+$0x0] =	vst.idx.msk $0xffff, v0;
	v0 =	vadd.f32 v1, v34;
	v62 =	vor.u32 v9, v45  }
0xd0: {  	s10 =	simm.s32 $0x4;
	s26 =	simm.s32 $0x32A0;
	v16 =	vld.idx.msk [tilespmem:v17+s1+$0x0], $0xffff;
	v9 =	vadd.s32 v23, v41;
	v1 =	vadd.f32 v61, v43;
	v61 =	vadd.s32 v18, v41  }
.LBB2_4:
0xd1: {  	v10 =	vld.idx.msk [tilespmem:v10+s1+$0x0], $0xffff  }
0xd2: {  	v24 =	vld [tilespmem:$0x1FFC0]  }
0xd3: {  	v29 =	vmov v25;
	v25 =	vld [tilespmem:$0x1FFE0]  }
0xd4: {  	v44 =	vld [tilespmem:$0x1FF20]  }
0xd5: {  	v20 =	vld [tilespmem:s26+$0x0]  }
0xd6: {  	v56 =	vmov v27;
	v27 =	vld [tilespmem:$0x1FFB0]  }
0xd7: {  	[tilespmem:v13+s9+$0x0] =	vst.idx.msk $0xffff, v0;
	v30 =	vld [tilespmem:$0x1FF80]  }
0xd8: {  	v0 =	vadd.s32 v18, v36;
	v17 =	vadd.s32 v31, v57;
	v21 =	vadd.s32 v31, v54;
	v53 =	vld [tilespmem:$0x1FFF0]  }
0xd9: {  	v15 =	vadd.f32 v15, v46;
	v9 =	vld.idx.msk [tilespmem:v9+s1+$0x0], $0xffff;
	[tilespmem:v14+s9+$0x0] =	vst.idx.msk $0xffff, v12;
	v18 =	vor.u32 v24, v38  }
0xda: {  	v14 =	vor.u32 v28, v51;
	[tilespmem:v6+s9+$0x0] =	vst.idx.msk $0xffff, v11;
	v28 =	vld [tilespmem:$0x1FF30];
	v13 =	vor.u32 v24, v45  }
0xdb: {  	v31 =	vmovc v23;
	v3 =	vld.idx.msk [tilespmem:v3+s1+$0x0], $0xffff;
	v22 =	vadd.s32 v25, v36;
	v45 =	vmov v47;
	v47 =	vor.u32 v24, v40  }
0xdc: {  	v8 =	vadd.f32 v8, v33;
	[tilespmem:v2+s9+$0x0] =	vst.idx.msk $0xffff, v15;
	v12 =	vadd.s32 v25, v39;
	v39 =	vmov v54;
	v54 =	vld [tilespmem:$0x1FE00]  }
0xdd: {  	v23 =	vor.u32 v24, v37;
	v24 =	vadd.s32 v25, v41;
	v36 =	vmovc v57;
	v10 =	vadd.f32 v10, v32;
	v57 =	vld [tilespmem:$0x1FE10]  }
0xde: {  	v15 =	vld.idx.msk [tilespmem:v17+s1+$0x0], $0xffff;
	v9 =	vadd.f32 v9, v34;
	[tilespmem:v18+s9+$0x0] =	vst.idx.msk $0xffff, v8  }
0xdf: {  	v7 =	vld.idx.msk [tilespmem:v7+s1+$0x0], $0xffff;
	[tilespmem:v13+s9+$0x0] =	vst.idx.msk $0xffff, v10  }
0xe0: {  	[tilespmem:v47+s9+$0x0] =	vst.idx.msk $0xffff, v9;
	v9 =	vadd.f32 v3, v35;
	v17 =	vld.idx.msk [tilespmem:v22+s1+$0x0], $0xffff  }
0xe1: {  	v11 =	vadd.f32 v16, v49;
	v16 =	vand.u32 $0x7, v20;
	v8 =	vadd.s32 v54, v20;
	v20 =	vld.idx.msk [tilespmem:v63+s1+$0x0], $0xffff  }
0xe2: {  	v13 =	vadd.s32 v57, v8;
	v18 =	vand.u32 $0xFFFFFFF8, v8;
	v22 =	vld.idx.msk [tilespmem:v24+s1+$0x0], $0xffff;
	[tilespmem:v23+s9+$0x0] =	vst.idx.msk $0xffff, v9  }
0xe3: {  	v10 =	vld [tilespmem:s26+$0xFFFFFFF0];
	v13 =	vand.u32 $0xFFFFFFF8, v13;
	v3 =	vor.u32 v16, v18;
	v18 =	vor.u32 v27, v52;
	[tilespmem:v14+s9+$0x0] =	vst.idx.msk $0xffff, v11  }
0xe4: {  	v19 =	vor.u32 v44, v38;
	v13 =	vor.u32 v16, v13;
	v16 =	vadd.s32 v28, v3;
	v11 =	vld.idx.msk [tilespmem:v12+s1+$0x0], $0xffff  }
0xe5: {  	v2 =	vadd.s32 v26, v58;
	v6 =	vor.u32 v27, v50;
	v41 =	vmovc v58;
	v58 =	vor.u32 v44, v37;
	v12 =	vld [tilespmem:s26+$0xFFFFFFE0]  }
0xe6: {  	v37 =	vmov v51;
	v7 =	vadd.f32 v7, v48;
	v14 =	vadd.f32 v15, v46;
	v21 =	vld.idx.msk [tilespmem:v21+s1+$0x0], $0xffff  }
0xe7: {  	v24 =	vadd.s32 v26, v42;
	v15 =	vor.u32 v44, v40;
	v40 =	vmovc v50;
	v50 =	vld [tilespmem:s26+$0x10];
	v17 =	vadd.f32 v17, v33  }
0xe8: {  	v47 =	vshll.u32 v8, $0x7;
	v9 =	vor.u32 v27, v51;
	[tilespmem:v18+s9+$0x0] =	vst.idx.msk $0xffff, v14;
	v18 =	vor.u32 v27, v45;
	v27 =	vld [tilespmem:$0x1FF50]  }
0xe9: {  	v23 =	vor.u32 v30, v38;
	v16 =	vld.idx.msk [tilespmem:v16+s1+$0x0], $0xffff;
	[tilespmem:v19+s9+$0x0] =	vst.idx.msk $0xffff, v17;
	v17 =	vadd.f32 v20, v32  }
0xea: {  	v51 =	vadd.s32 v26, v36;
	v22 =	vadd.f32 v22, v34;
	v14 =	vadd.s32 v53, v36;
	v0 =	vld.idx.msk [tilespmem:v0+s1+$0x0], $0xffff  }
0xeb: {  	v20 =	vadd.s32 v26, v39;
	v13 =	vld.idx.msk [tilespmem:v13+s3+$0x0], $0xffff;
	v11 =	vadd.f32 v11, v35;
	[tilespmem:v62+s9+$0x0] =	vst.idx.msk $0xffff, v17  }
0xec: {  	v38 =	vmov v52;
	[tilespmem:v15+s9+$0x0] =	vst.idx.msk $0xffff, v22;
	v22 =	vadd.s32 v54, v12;
	v12 =	vand.u32 $0x7, v12;
	v15 =	vld.idx.msk [tilespmem:v59+s1+$0x0], $0xffff  }
0xed: {  	v21 =	vadd.f32 v21, v49;
	v17 =	vand.u32 $0x7, v10;
	v62 =	vld [tilespmem:$0x1FF40];
	[tilespmem:v58+s9+$0x0] =	vst.idx.msk $0xffff, v11;
	v59 =	vadd.s32 v54, v50  }
0xee: {  	[tilespmem:v4+s9+$0x0] =	vst.idx.msk $0xffff, v7;
	v19 =	vor.u32 v27, v52;
	v4 =	vld.idx.msk [tilespmem:v60+s1+$0x0], $0xffff;
	v52 =	vand.u32 $0x7, v50;
	v60 =	vand.u32 $0xFFFFFFF8, v59  }
0xef: {  	v26 =	vlaneseq.u32;
	[tilespmem:v9+s9+$0x0] =	vst.idx.msk $0xffff, v21;
	v9 =	vadd.s32 v54, v10;
	v10 =	vld.idx.msk [tilespmem:v61+s1+$0x0], $0xffff;
	v0 =	vadd.f32 v0, v33  }
0xf0: {  	v5 =	vld.idx.msk [tilespmem:v5+s1+$0x0], $0xffff;
	v63 =	vor.u32 v27, v37;
	v54 =	vor.u32 v52, v60;
	v50 =	vadd.s32 v57, v9  }
0xf1: {  	v11 =	vand.u32 $0xFFFFFFF8, v22;
	v60 =	vld.idx.msk [tilespmem:v51+s1+$0x0], $0xffff;
	v61 =	vand.u32 $0xFFFFFFF8, v50;
	[tilespmem:v23+s9+$0x0] =	vst.idx.msk $0xffff, v0;
	v0 =	vadd.f32 v15, v32  }
0xf2: {  	v7 =	vadd.s32 v57, v59;
	v21 =	vadd.s32 v57, v22;
	v15 =	vor.u32 v17, v61  }
0xf3: {  	v58 =	vor.u32 v12, v11;
	v57 =	vand.u32 $0xFFFFFFF8, v9;
	v20 =	vld.idx.msk [tilespmem:v20+s1+$0x0], $0xffff;
	v21 =	vand.u32 $0xFFFFFFF8, v21;
	[tilespmem:v55+s9+$0x0] =	vst.idx.msk $0xffff, v0  }
0xf4: {  	v7 =	vand.u32 $0xFFFFFFF8, v7;
	v23 =	vor.u32 v26, v47;
	[tilespmem:v18+s9+$0x0] =	vst.idx.msk $0xffff, v1;
	v1 =	vadd.f32 v10, v34  }
0xf5: {  	v57 =	vor.u32 v17, v57;
	v11 =	vor.u32 v52, v7;
	v5 =	vadd.f32 v5, v48;
	v7 =	vld.idx.msk [tilespmem:v24+s1+$0x0], $0xffff  }
0xf6: {  	v33 =	vmov v46;
	v8 =	vadd.s32 v62, v3;
	v0 =	vadd.f32 v4, v35;
	v24 =	vld [tilespmem:$0x1FF60];
	[tilespmem:v56+s9+$0x0] =	vst.idx.msk $0xffff, v1  }
0xf7: {  	v17 =	vadd.s32 v28, v57;
	v10 =	vadd.f32 v16, v13;
	v46 =	vld.idx.msk [tilespmem:v15+s3+$0x0], $0xffff;
	[tilespmem:v6+s9+$0x0] =	vst.idx.msk $0xffff, v5  }
0xf8: {  	v4 =	vor.u32 v12, v21;
	[tilespmem:v29+s9+$0x0] =	vst.idx.msk $0xffff, v0;
	v15 =	vadd.f32 v60, v33;
	v5 =	vld.idx.msk [tilespmem:v2+s1+$0x0], $0xffff  }
0xf9: {  	v52 =	vshll.u32 v9, $0x7;
	v12 =	vadd.s32 v28, v54;
	v0 =	vadd.s32 v28, v58;
	v28 =	vld [tilespmem:$0x1FF90];
	[tilespmem:v23+s9+$0x0] =	vst.idx.msk $0xffff, v10  }
0xfa: {  	v9 =	vor.u32 v27, v45;
	v1 =	vadd.f32 v20, v49;
	v23 =	vmov v31;
	v31 =	vld [tilespmem:$0x1FFA0];
	[tilespmem:v19+s9+$0x0] =	vst.idx.msk $0xffff, v15  }
0xfb: {  	v32 =	vmovc v43;
	v43 =	vmov v13;
	v34 =	vmov v48;
	v10 =	vor.u32 v27, v40;
	v13 =	vld.idx.msk [tilespmem:v14+s1+$0x0], $0xffff  }
0xfc: {  	v8 =	vld.idx.msk [tilespmem:v8+s1+$0x0], $0xffff;
	[tilespmem:v63+s9+$0x0] =	vst.idx.msk $0xffff, v1;
	v15 =	vadd.s32 v53, v42;
	v19 =	vadd.s32 v53, v41  }
0xfd: {  	v48 =	vld.idx.msk [tilespmem:v4+s3+$0x0], $0xffff;
	v14 =	vadd.f32 v7, v32;
	v4 =	vadd.f32 v5, v34;
	v5 =	vor.u32 v24, v38  }
0xfe: {  	v35 =	vmov v49;
	v49 =	vld.idx.msk [tilespmem:v11+s3+$0x0], $0xffff;
	v11 =	vadd.s32 v23, v36;
	v18 =	vor.u32 v28, v47  }
0xff: {  	v0 =	vld.idx.msk [tilespmem:v0+s1+$0x0], $0xffff;
	[tilespmem:v9+s9+$0x0] =	vst.idx.msk $0xffff, v14  }
0x100: {  	v17 =	vld.idx.msk [tilespmem:v17+s1+$0x0], $0xffff;
	v20 =	vadd.s32 v31, v3;
	[tilespmem:v10+s9+$0x0] =	vst.idx.msk $0xffff, v4;
	v4 =	vadd.f32 v13, v33  }
0x101: {  	v8 =	vadd.f32 v8, v43;
	v14 =	vld.idx.msk [tilespmem:v15+s1+$0x0], $0xffff  }
0x102: {  	v15 =	vld.idx.msk [tilespmem:v19+s1+$0x0], $0xffff;
	[tilespmem:v5+s9+$0x0] =	vst.idx.msk $0xffff, v4  }
0x103: {  	v16 =	vor.u32 v26, v52;
	v9 =	vadd.s32 v53, v39;
	[tilespmem:v18+s9+$0x0] =	vst.idx.msk $0xffff, v8;
	v8 =	vld.idx.msk [tilespmem:v11+s1+$0x0], $0xffff  }
0x104: {  	v1 =	vadd.s32 v62, v57;
	v11 =	vadd.f32 v0, v48;
	v0 =	vld [tilespmem:$0x1FF70]  }
0x105: {  	v51 =	vshll.u32 v59, $0x7;
	v50 =	vshll.u32 v22, $0x7;
	v18 =	vld.idx.msk [tilespmem:v20+s1+$0x0], $0xffff  }
0x106: {  	v22 =	vadd.s32 v62, v54;
	v21 =	vor.u32 v26, v51;
	v6 =	vld [tilespmem:$0x1FF70];
	v17 =	vadd.f32 v17, v46  }
0x107: {  	v55 =	vor.u32 v30, v45;
	v27 =	vor.u32 v30, v40;
	v63 =	vadd.s32 v25, v42;
	v12 =	vld.idx.msk [tilespmem:v12+s1+$0x0], $0xffff  }
0x108: {  	v25 =	vor.u32 v30, v37;
	v2 =	vor.u32 v28, v52;
	v19 =	vld.idx.msk [tilespmem:v9+s1+$0x0], $0xffff;
	[tilespmem:v16+s9+$0x0] =	vst.idx.msk $0xffff, v17  }
0x109: {  	s10 =	sadd.s32 $0x4, s10;
	v7 =	vadd.s32 v62, v58;
	v60 =	vadd.s32 v0, v39;
	v0 =	vadd.f32 v15, v34;
	v15 =	vld.idx.msk [tilespmem:v1+s1+$0x0], $0xffff  }
0x10a: {  	p0 =	slt.u32 s10, $0xC;
	v62 =	vor.u32 v44, v45;
	v20 =	vor.u32 v24, v45;
	v1 =	vadd.f32 v18, v43;
	v18 =	vld [tilespmem:$0x1FF70]  }
.Ltmp2:
0x10b: {  	v59 =	vadd.s32 v6, v42;
	v6 =	vor.u32 v26, v50;
	v10 =	vadd.s32 v23, v42;
	(pc) =	sbr.rel @p0 .LBB2_4-.Ltmp2, $4  }
0x10c: {  	v13 =	vor.u32 v24, v40;
	v42 =	vmovc v3;
	v3 =	vadd.s32 v23, v39;
	v5 =	vadd.f32 v12, v49  }
0x10d: {  	v9 =	vadd.s32 v23, v41;
	v4 =	vor.u32 v28, v50;
	v12 =	vadd.f32 v14, v32  }
0x10e: {  	v26 =	vld [tilespmem:$0x1FF10];
	v14 =	vor.u32 v24, v37;
	[tilespmem:v21+s9+$0x0] =	vst.idx.msk $0xffff, v5;
	v5 =	vadd.s32 v31, v58  }
0x10f: {  	s26 =	sadd.s32 $0x40, s26;
	v16 =	vld.idx.msk [tilespmem:v22+s1+$0x0], $0xffff;
	[tilespmem:v20+s9+$0x0] =	vst.idx.msk $0xffff, v12;
	v12 =	vadd.f32 v19, v35;
	v61 =	vadd.s32 v18, v41  }
0x110: {  	_ =	sdelay $0x3  }
0x111: {  	v17 =	vadd.s32 v31, v57;
	[tilespmem:v6+s9+$0x0] =	vst.idx.msk $0xffff, v11;
	v6 =	vor.u32 v28, v51  }
0x112: {  	v44 =	vadd.f32 v15, v46  }
0x113: {  	[tilespmem:v13+s9+$0x0] =	vst.idx.msk $0xffff, v0  }
0x114: {  	v7 =	vld.idx.msk [tilespmem:v7+s1+$0x0], $0xffff;
	[tilespmem:v2+s9+$0x0] =	vst.idx.msk $0xffff, v44;
	v53 =	vadd.f32 v16, v49  }
0x115: {  	v21 =	vld [tilespmem:$0x1FFB0]  }
0x116: {  	v56 =	vld.idx.msk [tilespmem:v17+s1+$0x0], $0xffff;
	[tilespmem:v6+s9+$0x0] =	vst.idx.msk $0xffff, v53  }
0x117: {  	v2 =	vadd.s32 v31, v54;
	v17 =	vld [tilespmem:$0x1FFC0];
	_ =	sdelay $0x2  }
0x118: {  	v0 =	vor.u32 v21, v52  }
0x119: {  	v13 =	vor.u32 v21, v47  }
0x11a: {  	v7 =	vadd.f32 v7, v48;
	v2 =	vld.idx.msk [tilespmem:v2+s1+$0x0], $0xffff;
	v6 =	vor.u32 v17, v38  }
0x11b: {  	[tilespmem:v14+s9+$0x0] =	vst.idx.msk $0xffff, v12;
	v53 =	vadd.f32 v56, v46  }
0x11c: {  	v44 =	vadd.s32 v26, v57;
	[tilespmem:v4+s9+$0x0] =	vst.idx.msk $0xffff, v7;
	v7 =	vor.u32 v21, v51  }
0x11d: {  	v10 =	vld.idx.msk [tilespmem:v10+s1+$0x0], $0xffff;
	v56 =	vadd.f32 v8, v33;
	[tilespmem:v0+s9+$0x0] =	vst.idx.msk $0xffff, v53  }
0x11e: {  	v9 =	vld.idx.msk [tilespmem:v9+s1+$0x0], $0xffff;
	[tilespmem:v13+s9+$0x0] =	vst.idx.msk $0xffff, v1  }
0x11f: {  	v5 =	vld.idx.msk [tilespmem:v5+s1+$0x0], $0xffff;
	v8 =	vadd.s32 v26, v42;
	v2 =	vadd.f32 v2, v49;
	[tilespmem:v6+s9+$0x0] =	vst.idx.msk $0xffff, v56  }
0x120: {  	v14 =	vor.u32 v17, v45;
	v0 =	vadd.s32 v26, v54;
	v29 =	vld [tilespmem:$0x1FF50]  }
0x121: {  	v44 =	vld.idx.msk [tilespmem:v44+s1+$0x0], $0xffff;
	[tilespmem:v7+s9+$0x0] =	vst.idx.msk $0xffff, v2  }
0x122: {  	v45 =	vor.u32 v17, v40;
	v19 =	vld [tilespmem:$0x1FFF0]  }
0x123: {  	v56 =	vadd.f32 v10, v32  }
0x124: {  	v15 =	vadd.f32 v9, v34;
	v12 =	vor.u32 v21, v50;
	v13 =	vld.idx.msk [tilespmem:v8+s1+$0x0], $0xffff  }
0x125: {  	v53 =	vadd.s32 v26, v58;
	[tilespmem:v14+s9+$0x0] =	vst.idx.msk $0xffff, v56;
	v0 =	vld.idx.msk [tilespmem:v0+s1+$0x0], $0xffff;
	v10 =	vor.u32 v29, v52  }
0x126: {  	v5 =	vadd.f32 v5, v48;
	v4 =	vadd.f32 v44, v46;
	v20 =	vld [tilespmem:$0x1FFE0];
	v44 =	vor.u32 v29, v47  }
0x127: {  	[tilespmem:v45+s9+$0x0] =	vst.idx.msk $0xffff, v15;
	v45 =	vor.u32 v29, v51;
	v2 =	vadd.s32 v19, v57;
	_ =	sdelay $0x1  }
0x128: {  	[tilespmem:v12+s9+$0x0] =	vst.idx.msk $0xffff, v5;
	v7 =	vadd.f32 v13, v43  }
0x129: {  	v53 =	vld.idx.msk [tilespmem:v53+s1+$0x0], $0xffff;
	v56 =	vadd.s32 v19, v42;
	v0 =	vadd.f32 v0, v49;
	[tilespmem:v10+s9+$0x0] =	vst.idx.msk $0xffff, v4  }
0x12a: {  	v14 =	vadd.s32 v20, v36;
	[tilespmem:v44+s9+$0x0] =	vst.idx.msk $0xffff, v7  }
0x12b: {  	v4 =	vor.u32 v29, v50;
	[tilespmem:v45+s9+$0x0] =	vst.idx.msk $0xffff, v0;
	v2 =	vld.idx.msk [tilespmem:v2+s1+$0x0], $0xffff  }
0x12c: {  	v10 =	vadd.s32 v19, v54;
	v15 =	vld [tilespmem:$0x1FF20]  }
0x12d: {  	v3 =	vld.idx.msk [tilespmem:v3+s1+$0x0], $0xffff;
	v12 =	vadd.s32 v19, v58  }
0x12e: {  	v5 =	vor.u32 v24, v52;
	v44 =	vadd.f32 v53, v48;
	v45 =	vld.idx.msk [tilespmem:v56+s1+$0x0], $0xffff  }
0x12f: {  	v1 =	vld.idx.msk [tilespmem:v14+s1+$0x0], $0xffff  }
0x130: {  	v14 =	vld.idx.msk [tilespmem:v63+s1+$0x0], $0xffff;
	[tilespmem:v4+s9+$0x0] =	vst.idx.msk $0xffff, v44;
	v4 =	vor.u32 v24, v47  }
0x131: {  	v56 =	vadd.s32 v23, v57;
	v53 =	vor.u32 v15, v38;
	v9 =	vadd.f32 v2, v46;
	v2 =	vld.idx.msk [tilespmem:v10+s1+$0x0], $0xffff  }
0x132: {  	v11 =	vor.u32 v17, v37;
	v0 =	vadd.s32 v23, v42;
	v63 =	vadd.s32 v20, v41;
	v13 =	vld.idx.msk [tilespmem:v12+s1+$0x0], $0xffff  }
0x133: {  	v6 =	vadd.f32 v45, v43;
	[tilespmem:v5+s9+$0x0] =	vst.idx.msk $0xffff, v9;
	v5 =	vor.u32 v24, v51  }
0x134: {  	v44 =	vor.u32 v24, v50;
	v45 =	vadd.s32 v23, v54;
	v1 =	vadd.f32 v1, v33  }
0x135: {  	v3 =	vadd.f32 v3, v35;
	v12 =	vadd.s32 v20, v39;
	[tilespmem:v4+s9+$0x0] =	vst.idx.msk $0xffff, v6  }
0x136: {  	v56 =	vld.idx.msk [tilespmem:v56+s1+$0x0], $0xffff;
	[tilespmem:v53+s9+$0x0] =	vst.idx.msk $0xffff, v1;
	v53 =	vadd.s32 v23, v58;
	v2 =	vadd.f32 v2, v49  }
0x137: {  	[tilespmem:v11+s9+$0x0] =	vst.idx.msk $0xffff, v3;
	v3 =	vadd.f32 v13, v48;
	v0 =	vld.idx.msk [tilespmem:v0+s1+$0x0], $0xffff  }
0x138: {  	v4 =	vld.idx.msk [tilespmem:v63+s1+$0x0], $0xffff;
	[tilespmem:v5+s9+$0x0] =	vst.idx.msk $0xffff, v2  }
0x139: {  	[tilespmem:v44+s9+$0x0] =	vst.idx.msk $0xffff, v3;
	v5 =	vor.u32 v17, v47;
	v3 =	vld.idx.msk [tilespmem:v45+s1+$0x0], $0xffff  }
0x13a: {  	v41 =	vadd.s32 v20, v42;
	v39 =	vadd.s32 v20, v57;
	v13 =	vor.u32 v17, v52;
	v6 =	vld.idx.msk [tilespmem:v12+s1+$0x0], $0xffff  }
0x13b: {  	v14 =	vadd.f32 v14, v32;
	v63 =	vadd.s32 v18, v36;
	v44 =	vor.u32 v17, v51;
	v1 =	vld.idx.msk [tilespmem:v53+s1+$0x0], $0xffff  }
0x13c: {  	v36 =	vor.u32 v15, v37;
	v45 =	vadd.s32 v20, v54;
	v0 =	vadd.f32 v0, v43  }
0x13d: {  	[tilespmem:v62+s9+$0x0] =	vst.idx.msk $0xffff, v14;
	v7 =	vadd.f32 v56, v46;
	v53 =	vor.u32 v17, v50  }
0x13e: {  	v62 =	vadd.s32 v20, v58;
	[tilespmem:v5+s9+$0x0] =	vst.idx.msk $0xffff, v0;
	v3 =	vadd.f32 v3, v49  }
0x13f: {  	v56 =	vor.u32 v15, v40;
	[tilespmem:v13+s9+$0x0] =	vst.idx.msk $0xffff, v7;
	v40 =	vadd.f32 v6, v35;
	v2 =	vld.idx.msk [tilespmem:v41+s1+$0x0], $0xffff  }
0x140: {  	v37 =	vadd.f32 v1, v48;
	v1 =	vld.idx.msk [tilespmem:v39+s1+$0x0], $0xffff;
	[tilespmem:v44+s9+$0x0] =	vst.idx.msk $0xffff, v3  }
0x141: {  	[tilespmem:v36+s9+$0x0] =	vst.idx.msk $0xffff, v40;
	v44 =	vld.idx.msk [tilespmem:v45+s1+$0x0], $0xffff;
	v45 =	vor.u32 v15, v47  }
0x142: {  	v41 =	vor.u32 v15, v52;
	v14 =	vld.idx.msk [tilespmem:v60+s1+$0x0], $0xffff;
	v39 =	vadd.f32 v4, v34;
	[tilespmem:v53+s9+$0x0] =	vst.idx.msk $0xffff, v37  }
0x143: {  	v53 =	vadd.s32 v18, v57;
	v57 =	vadd.s32 v18, v42;
	v7 =	vld.idx.msk [tilespmem:v62+s1+$0x0], $0xffff  }
0x144: {  	[tilespmem:v56+s9+$0x0] =	vst.idx.msk $0xffff, v39;
	v56 =	vld.idx.msk [tilespmem:v63+s1+$0x0], $0xffff;
	v62 =	vor.u32 v15, v51;
	v2 =	vadd.f32 v2, v43  }
0x145: {  	v36 =	vadd.s32 v18, v54;
	v37 =	vor.u32 v15, v50;
	v16 =	vld [tilespmem:$0x1FF80];
	v1 =	vadd.f32 v1, v46  }
0x146: {  	v63 =	vld.idx.msk [tilespmem:v59+s1+$0x0], $0xffff;
	v39 =	vadd.s32 v18, v58;
	[tilespmem:v45+s9+$0x0] =	vst.idx.msk $0xffff, v2  }
0x147: {  	v40 =	vld.idx.msk [tilespmem:v61+s1+$0x0], $0xffff;
	[tilespmem:v41+s9+$0x0] =	vst.idx.msk $0xffff, v1;
	v41 =	vadd.f32 v44, v49  }
0x148: {  	v0 =	vld.idx.msk [tilespmem:v57+s1+$0x0], $0xffff;
	v42 =	vadd.f32 v7, v48  }
0x149: {  	v45 =	vadd.f32 v56, v33;
	v44 =	vld.idx.msk [tilespmem:v53+s1+$0x0], $0xffff;
	[tilespmem:v62+s9+$0x0] =	vst.idx.msk $0xffff, v41  }
0x14a: {  	v57 =	vadd.f32 v14, v35;
	v38 =	vor.u32 v16, v38;
	[tilespmem:v37+s9+$0x0] =	vst.idx.msk $0xffff, v42;
	v56 =	vld.idx.msk [tilespmem:v36+s1+$0x0], $0xffff  }
0x14b: {  	v53 =	vadd.f32 v63, v32;
	v58 =	vor.u32 v16, v47;
	v59 =	vld.idx.msk [tilespmem:v39+s1+$0x0], $0xffff  }
0x14c: {  	v54 =	vor.u32 v16, v52;
	v1 =	vadd.f32 v40, v34;
	[tilespmem:v25+s9+$0x0] =	vst.idx.msk $0xffff, v57  }
0x14d: {  	v60 =	vor.u32 v16, v51;
	[tilespmem:v55+s9+$0x0] =	vst.idx.msk $0xffff, v53  }
0x14e: {  	v61 =	vor.u32 v16, v50;
	[tilespmem:v27+s9+$0x0] =	vst.idx.msk $0xffff, v1;
	v0 =	vadd.f32 v0, v43  }
0x14f: {  	p0 =	slt.u32 s31, $0x30;
	[tilespmem:v38+s9+$0x0] =	vst.idx.msk $0xffff, v45;
	v3 =	vadd.f32 v44, v46  }
.Ltmp3:
0x150: {  	[tilespmem:v58+s9+$0x0] =	vst.idx.msk $0xffff, v0;
	v62 =	vadd.f32 v56, v49;
	v63 =	vadd.f32 v59, v48;
	(pc) =	sbr.rel @p0 .LBB2_3-.Ltmp3, $4  }
0x151: {  	[tilespmem:v54+s9+$0x0] =	vst.idx.msk $0xffff, v3  }
0x152: {  	[tilespmem:v60+s9+$0x0] =	vst.idx.msk $0xffff, v62  }
0x153: {  	s10 =	sadd.s32 $0x10, s31;
	[tilespmem:v61+s9+$0x0] =	vst.idx.msk $0xffff, v63  }
0x154: {  	s31 =	smov.u32 s10;
	v62 =	vmov v20;
	v22 =	vld [tilespmem:$0x1FE10];
	v63 =	vmov v19  }
0x155: {  	s10 =	sshll.u32 s11, $0x7  }
0x156: {  	s7 =	sshll.u32 s7, $0xF;
	s10 =	sand.u32 $0xE00, s10  }
0x157: {  	s7 =	sor.u32 s10, s7  }
0x158: {  	s10 =	sadd.s32 s2, s7  }
0x159: {  	[hbm4b:s10+s3] =	stream.linear.scatter [tilespmem:s9], [sflag:$0x9], $0x400, $0x38;
	[tilespmem:$0x13500] =	vst v63  }
0x15a: {  	s31 =	simm.s32 $0xB900;
	s26 =	sadd.s32 s7, s12  }
0x15b: {  	[hbm4b:s26+s3] =	stream.linear.scatter [tilespmem:s31], [sflag:$0x9], $0x400, $0x38;
	[tilespmem:$0x13500] =	vst v63  }
0x15c: {  	s26 =	sadd.s32 s7, s13;
	s31 =	simm.s32 $0xBD00  }
0x15d: {  	[hbm4b:s26+s3] =	stream.linear.scatter [tilespmem:s31], [sflag:$0x9], $0x400, $0x38;
	[tilespmem:$0x13500] =	vst v63  }
0x15e: {  	s26 =	sadd.s32 s7, s14;
	s31 =	simm.s32 $0xC100  }
0x15f: {  	[hbm4b:s26+s3] =	stream.linear.scatter [tilespmem:s31], [sflag:$0x9], $0x400, $0x38;
	[tilespmem:$0x13500] =	vst v63  }
0x160: {  	s26 =	sadd.s32 s7, s15;
	s31 =	simm.s32 $0xC500  }
0x161: {  	[hbm4b:s26+s3] =	stream.linear.scatter [tilespmem:s31], [sflag:$0x9], $0x400, $0x38;
	[tilespmem:$0x13500] =	vst v63  }
0x162: {  	s26 =	sadd.s32 s7, s16;
	s31 =	simm.s32 $0xC900  }
0x163: {  	[hbm4b:s26+s3] =	stream.linear.scatter [tilespmem:s31], [sflag:$0x9], $0x400, $0x38;
	[tilespmem:$0x13500] =	vst v63  }
0x164: {  	p0 =	seq.s32 s0, $0x31;
	s11 =	sadd.s32 s7, s17;
	s26 =	simm.s32 $0xCD00  }
0x165: {  	[hbm4b:s11+s3] =	stream.linear.scatter [tilespmem:s26], [sflag:$0x9], $0x400, $0x38;
	[tilespmem:$0x13500] =	vst v63  }
0x166: {  	p1 =	seq.s32 @!p0 s0, $0x0;
	s7 =	sadd.s32 s7, s18;
	s31 =	simm.s32 $0xD100  }
0x167: {  	[hbm4b:s7+s3] =	stream.linear.scatter [tilespmem:s31], [sflag:$0x9], $0x400, $0x38;
	[tilespmem:$0x13500] =	vst v63  }
0x168: {  	p1 =	por p0, !p1;
	s7 =	rddreg [dreg:$0x8]  }
.Ltmp4:
0x169: {  	s7 =	sadd.s32 @!p0 s6, s7;
	(pc) =	sbr.rel @!p1 .LBB2_7-.Ltmp4, $4  }
0x16a: {  	s7 =	sshll.u32 @!p0 s7, $0x4  }
0x16b: {  	s7 =	sand.u32 @!p0 $0xFFFFFC0, s7  }
0x16c: {  	s10 =	simm.s32 @!p0 $0x0;
	s11 =	simm.s32 @!p0 $0x3300;
	s7 =	sadd.s32 @!p0 s4, s7  }
0x16d: {  	[tilespmem:s11], [sflag:$0x1] =	stream.linear.gather @!p0 [hbm4b:s7+s10], $0x80, $0x38;
	[tilespmem:$0x13500] =	vst v63  }
0x16e: {  	_ =	swait.ge [sflag:s22], $0x400  }
0x16f: {  	[sflag:s22] =	ssyncset.done $0x0  }
0x170: {  	[sflag:s22] =	ssyncadd.s32 $0xFFFFFC00  }
0x171: {  	_ =	swait.ge [sflag:s22], $0x400  }
0x172: {  	[sflag:s22] =	ssyncset.done $0x0  }
0x173: {  	[sflag:s22] =	ssyncadd.s32 $0xFFFFFC00  }
0x174: {  	_ =	swait.ge [sflag:s22], $0x400  }
0x175: {  	[sflag:s22] =	ssyncset.done $0x0  }
0x176: {  	[sflag:s22] =	ssyncadd.s32 $0xFFFFFC00  }
0x177: {  	_ =	swait.ge [sflag:s22], $0x400  }
0x178: {  	[sflag:s22] =	ssyncset.done $0x0  }
0x179: {  	[sflag:s22] =	ssyncadd.s32 $0xFFFFFC00  }
0x17a: {  	_ =	swait.ge [sflag:s22], $0x400  }
0x17b: {  	[sflag:s22] =	ssyncset.done $0x0  }
0x17c: {  	[sflag:s22] =	ssyncadd.s32 $0xFFFFFC00  }
0x17d: {  	_ =	swait.ge [sflag:s22], $0x400  }
0x17e: {  	[sflag:s22] =	ssyncset.done $0x0  }
0x17f: {  	[sflag:s22] =	ssyncadd.s32 $0xFFFFFC00  }
0x180: {  	_ =	swait.ge [sflag:s22], $0x400  }
.Ltmp5:
0x181: {  	[sflag:s22] =	ssyncset.done $0x0;
	(pc) =	sbr.rel .LBB2_9-.Ltmp5, $4  }
0x182: {  	[sflag:s22] =	ssyncadd.s32 $0xFFFFFC00  }
0x183: {  	_ =	swait.ge [sflag:s22], $0x400  }
0x184: {  	[sflag:s22] =	ssyncset.done $0x0  }
0x185: {  	p1 =	por $0x0, $0x0;
	v61 =	vld [tilespmem:$0x1FF80];
	[sflag:s22] =	ssyncadd.s32 $0xFFFFFC00  }
.LBB2_7:
0x186: {  	p1 =	por @!p0 $0x1, $0x1;
	v61 =	vld [tilespmem:$0x1FF80]  }
.LBB2_9:
0x187: {  	s7 =	simm.s32 $0x3  }
0x188: {  	_ =	swait.ge [sflag:s7], $0x80  }
0x189: {  	[sflag:s7] =	ssyncset.done $0x0  }
0x18a: {  	s11 =	simm.s32 $0x3400;
	s26 =	sadd.s32 s6, s8;
	[sflag:s7] =	ssyncadd.s32 $0xFFFFFF80  }
0x18b: {  	[tilespmem:s23], [sflag:$0x7] =	stream.indirect.gather [hbm4b:s5+s19], $0x40, s11, s19, $0xb8;
	[tilespmem:$0x13500] =	vst v63  }
0x18c: {  	s11 =	sadd.s32 $0x1, s26  }
0x18d: {  	s26 =	simm.s32 $0x6;
	s7 =	sshrl.u32 s11, $0x5  }
0x18e: {  	_ =	swait.ge [sflag:s26], $0x2000;
	s10 =	sshll.u32 s7, $0x6  }
0x18f: {  	[sflag:s26] =	ssyncset.done $0x0;
	v44 =	vmov s10  }
0x190: {  	s31 =	simm.s32 $0x0;
	v56 =	vld [tilespmem:$0x1FF20];
	[sflag:s26] =	ssyncadd.s32 $0xFFFFE000;
	[tilespmem:$0x1FDF0] =	vst v44  }
.LBB2_10:
0x191: {  	s10 =	simm.s32 $0x3220  }
0x192: {  	v0 =	vld [tilespmem:s10+$0x0];
	_ =	sdelay $0x2  }
0x193: {  	v30 =	vld [tilespmem:$0x1FF30]  }
0x194: {  	v43 =	vmov s31  }
0x195: {  	v1 =	vadd.s32 v43, v0  }
0x196: {  	v0 =	vand.u32 $0x7, v0;
	v2 =	vand.u32 $0xFFFFFFF8, v1  }
0x197: {  	v3 =	vadd.s32 v44, v1;
	v60 =	vor.u32 v0, v2  }
0x198: {  	v2 =	vld [tilespmem:s10+$0xFFFFFFF0];
	v3 =	vand.u32 $0xFFFFFFF8, v3;
	v4 =	vadd.s32 v30, v60  }
0x199: {  	v0 =	vor.u32 v0, v3;
	_ =	sdelay $0x1  }
0x19a: {  	v3 =	vld [tilespmem:s10+$0x10]  }
0x19b: {  	v53 =	vld [tilespmem:$0x1FF40]  }
0x19c: {  	v27 =	vmovc v26;
	v26 =	vlaneseq.u32;
	v45 =	vshll.u32 v1, $0x7;
	v5 =	vadd.s32 v43, v2;
	v4 =	vld.idx.msk [tilespmem:v4+s25+$0x0], $0xffff  }
0x19d: {  	v9 =	vor.u32 v26, v45;
	v32 =	vld.idx.msk [tilespmem:v0+s3+$0x0], $0xffff;
	v1 =	vadd.s32 v44, v5  }
0x19e: {  	v7 =	vld [tilespmem:s10+$0xFFFFFFE0];
	v0 =	vand.u32 $0x7, v2;
	v8 =	vand.u32 $0xFFFFFFF8, v5;
	v1 =	vand.u32 $0xFFFFFFF8, v1  }
0x19f: {  	v6 =	vadd.s32 v43, v3;
	v36 =	vor.u32 v0, v8;
	v1 =	vor.u32 v0, v1  }
0x1a0: {  	v3 =	vand.u32 $0x7, v3;
	v10 =	vand.u32 $0xFFFFFFF8, v6;
	v8 =	vadd.s32 v30, v36  }
0x1a1: {  	v2 =	vadd.s32 v53, v60;
	v0 =	vadd.s32 v44, v6;
	v39 =	vor.u32 v3, v10  }
0x1a2: {  	v0 =	vand.u32 $0xFFFFFFF8, v0;
	v10 =	vadd.s32 v30, v39;
	v4 =	vadd.f32 v4, v32  }
0x1a3: {  	v0 =	vor.u32 v3, v0;
	v3 =	vadd.s32 v43, v7  }
0x1a4: {  	v33 =	vld.idx.msk [tilespmem:v1+s3+$0x0], $0xffff;
	[tilespmem:v9+s24+$0x0] =	vst.idx.msk $0xffff, v4;
	v1 =	vand.u32 $0x7, v7;
	v4 =	vand.u32 $0xFFFFFFF8, v3  }
0x1a5: {  	v7 =	vadd.s32 v44, v3;
	v41 =	vor.u32 v1, v4;
	v4 =	vld.idx.msk [tilespmem:v8+s25+$0x0], $0xffff  }
0x1a6: {  	v38 =	vshll.u32 v5, $0x7;
	v2 =	vld.idx.msk [tilespmem:v2+s25+$0x0], $0xffff;
	v7 =	vand.u32 $0xFFFFFFF8, v7;
	v8 =	vadd.s32 v30, v41  }
0x1a7: {  	v5 =	vld.idx.msk [tilespmem:v10+s25+$0x0], $0xffff;
	v1 =	vor.u32 v1, v7;
	v7 =	vor.u32 v26, v38  }
0x1a8: {  	v35 =	vld.idx.msk [tilespmem:v0+s3+$0x0], $0xffff;
	v0 =	vadd.s32 v53, v36  }
0x1a9: {  	s26 =	simm.s32 $0x3260;
	v37 =	vshll.u32 v6, $0x7;
	v6 =	vor.u32 v28, v45  }
0x1aa: {  	v15 =	vld [tilespmem:s26+$0x10];
	v10 =	vor.u32 v26, v37;
	v4 =	vadd.f32 v4, v33  }
0x1ab: {  	v11 =	vadd.s32 v53, v39;
	v8 =	vld.idx.msk [tilespmem:v8+s25+$0x0], $0xffff  }
0x1ac: {  	v2 =	vadd.f32 v2, v32;
	v34 =	vld.idx.msk [tilespmem:v1+s3+$0x0], $0xffff;
	[tilespmem:v7+s24+$0x0] =	vst.idx.msk $0xffff, v4  }
0x1ad: {  	v40 =	vshll.u32 v3, $0x7;
	v1 =	vadd.f32 v5, v35;
	v0 =	vld.idx.msk [tilespmem:v0+s25+$0x0], $0xffff  }
0x1ae: {  	v9 =	vadd.s32 v31, v60;
	[tilespmem:v6+s24+$0x0] =	vst.idx.msk $0xffff, v2;
	v2 =	vor.u32 v26, v40  }
0x1af: {  	v4 =	vadd.s32 v53, v41;
	v7 =	vld [tilespmem:s26+$0x0];
	[tilespmem:v10+s24+$0x0] =	vst.idx.msk $0xffff, v1;
	v1 =	vor.u32 v28, v38  }
0x1b0: {  	v6 =	vadd.s32 v31, v36;
	v5 =	vld.idx.msk [tilespmem:v11+s25+$0x0], $0xffff  }
0x1b1: {  	v8 =	vadd.f32 v8, v34  }
0x1b2: {  	v46 =	vadd.s32 v43, v15;
	v18 =	vor.u32 v21, v45;
	v0 =	vadd.f32 v0, v33  }
0x1b3: {  	v55 =	vor.u32 v61, v45;
	v3 =	vld.idx.msk [tilespmem:v9+s25+$0x0], $0xffff;
	v9 =	vor.u32 v28, v37;
	[tilespmem:v2+s24+$0x0] =	vst.idx.msk $0xffff, v8  }
0x1b4: {  	v16 =	vadd.s32 v27, v60;
	v10 =	vadd.s32 v31, v39;
	v4 =	vld.idx.msk [tilespmem:v4+s25+$0x0], $0xffff;
	[tilespmem:v1+s24+$0x0] =	vst.idx.msk $0xffff, v0  }
0x1b5: {  	v20 =	vor.u32 v29, v38;
	v1 =	vadd.f32 v5, v35;
	v5 =	vld.idx.msk [tilespmem:v6+s25+$0x0], $0xffff;
	v6 =	vadd.s32 v43, v7  }
0x1b6: {  	v7 =	vand.u32 $0x7, v7;
	v13 =	vadd.s32 v44, v6;
	v14 =	vand.u32 $0xFFFFFFF8, v6  }
0x1b7: {  	v25 =	vmovc v21;
	v12 =	vld [tilespmem:s26+$0xFFFFFFF0];
	v2 =	vor.u32 v28, v40;
	v13 =	vand.u32 $0xFFFFFFF8, v13;
	v42 =	vor.u32 v7, v14  }
0x1b8: {  	v51 =	vshll.u32 v46, $0x7;
	[tilespmem:v9+s24+$0x0] =	vst.idx.msk $0xffff, v1;
	v1 =	vld [tilespmem:s26+$0xFFFFFFE0];
	v7 =	vor.u32 v7, v13;
	v13 =	vadd.s32 v30, v42  }
0x1b9: {  	v19 =	vor.u32 v29, v37;
	v22 =	vadd.s32 v27, v36;
	v0 =	vadd.s32 v31, v41;
	v10 =	vld.idx.msk [tilespmem:v10+s25+$0x0], $0xffff  }
0x1ba: {  	v49 =	vmovc v31;
	v11 =	vadd.s32 v27, v41;
	v9 =	vor.u32 v21, v38;
	v4 =	vadd.f32 v4, v34  }
0x1bb: {  	v3 =	vadd.f32 v3, v32;
	v8 =	vor.u32 v21, v40;
	v31 =	vmovc v23;
	v14 =	vor.u32 v21, v37  }
0x1bc: {  	v23 =	vand.u32 $0x7, v12;
	v21 =	vadd.s32 v27, v39;
	v5 =	vadd.f32 v5, v33;
	[tilespmem:v2+s24+$0x0] =	vst.idx.msk $0xffff, v4  }
0x1bd: {  	v47 =	vshll.u32 v6, $0x7;
	v4 =	vadd.s32 v43, v12;
	v24 =	vadd.s32 v43, v1;
	v13 =	vld.idx.msk [tilespmem:v13+s25+$0x0], $0xffff;
	[tilespmem:$0x1FDE0] =	vst v43  }
0x1be: {  	v1 =	vand.u32 $0x7, v1;
	v12 =	vadd.s32 v44, v4;
	v10 =	vadd.f32 v10, v35;
	v0 =	vld.idx.msk [tilespmem:v0+s25+$0x0], $0xffff  }
0x1bf: {  	[tilespmem:v9+s24+$0x0] =	vst.idx.msk $0xffff, v5;
	v5 =	vand.u32 $0x7, v15;
	v9 =	vand.u32 $0xFFFFFFF8, v46;
	v43 =	vld.idx.msk [tilespmem:v7+s3+$0x0], $0xffff;
	v7 =	vand.u32 $0xFFFFFFF8, v4  }
0x1c0: {  	[tilespmem:v14+s24+$0x0] =	vst.idx.msk $0xffff, v10;
	v10 =	vadd.s32 v44, v24;
	v54 =	vor.u32 v5, v9;
	v9 =	vand.u32 $0xFFFFFFF8, v12  }
0x1c1: {  	v57 =	vor.u32 v23, v7;
	v10 =	vand.u32 $0xFFFFFFF8, v10;
	v7 =	vor.u32 v23, v9  }
0x1c2: {  	v6 =	vadd.s32 v53, v42;
	v2 =	vadd.s32 v44, v46;
	v9 =	vld.idx.msk [tilespmem:v21+s25+$0x0], $0xffff;
	v10 =	vor.u32 v1, v10  }
0x1c3: {  	v2 =	vand.u32 $0xFFFFFFF8, v2;
	v48 =	vand.u32 $0xFFFFFFF8, v24;
	v15 =	vor.u32 v26, v47;
	v12 =	vld.idx.msk [tilespmem:v22+s25+$0x0], $0xffff  }
0x1c4: {  	v52 =	vshll.u32 v4, $0x7;
	v50 =	vshll.u32 v24, $0x7;
	v58 =	vor.u32 v1, v48;
	v24 =	vld [tilespmem:$0x1FF60];
	[tilespmem:v18+s24+$0x0] =	vst.idx.msk $0xffff, v3  }
0x1c5: {  	v1 =	vadd.s32 v30, v58;
	v0 =	vadd.f32 v0, v34;
	v3 =	vadd.f32 v13, v43;
	v13 =	vld.idx.msk [tilespmem:v16+s25+$0x0], $0xffff  }
0x1c6: {  	v17 =	vadd.s32 v63, v36;
	v5 =	vor.u32 v5, v2;
	v2 =	vor.u32 v28, v52;
	v46 =	vld.idx.msk [tilespmem:v7+s3+$0x0], $0xffff  }
0x1c7: {  	v14 =	vadd.s32 v30, v57;
	[tilespmem:v8+s24+$0x0] =	vst.idx.msk $0xffff, v0;
	v0 =	vadd.f32 v9, v35;
	v48 =	vld.idx.msk [tilespmem:v10+s3+$0x0], $0xffff  }
0x1c8: {  	v8 =	vadd.f32 v12, v33;
	[tilespmem:v15+s24+$0x0] =	vst.idx.msk $0xffff, v3;
	v3 =	vor.u32 v29, v45;
	v4 =	vld.idx.msk [tilespmem:v11+s25+$0x0], $0xffff  }
0x1c9: {  	v21 =	vadd.s32 v31, v36;
	v7 =	vadd.s32 v30, v54;
	[tilespmem:v19+s24+$0x0] =	vst.idx.msk $0xffff, v0;
	v0 =	vld.idx.msk [tilespmem:v6+s25+$0x0], $0xffff  }
0x1ca: {  	v30 =	vmov v49;
	v11 =	vadd.s32 v63, v60;
	[tilespmem:v20+s24+$0x0] =	vst.idx.msk $0xffff, v8;
	v8 =	vld.idx.msk [tilespmem:v1+s25+$0x0], $0xffff  }
0x1cb: {  	v1 =	vor.u32 v29, v40;
	v19 =	vadd.s32 v49, v42;
	v49 =	vld.idx.msk [tilespmem:v5+s3+$0x0], $0xffff;
	v9 =	vadd.f32 v13, v32  }
0x1cc: {  	v22 =	vadd.s32 v53, v54;
	v16 =	vor.u32 v28, v47;
	v13 =	vld.idx.msk [tilespmem:v17+s25+$0x0], $0xffff;
	v17 =	vadd.s32 v63, v41  }
0x1cd: {  	v12 =	vor.u32 v26, v52;
	v15 =	vadd.s32 v53, v57;
	v6 =	vld [tilespmem:$0x1FF70];
	[tilespmem:v3+s24+$0x0] =	vst.idx.msk $0xffff, v9  }
0x1ce: {  	v3 =	vld.idx.msk [tilespmem:v14+s25+$0x0], $0xffff;
	v9 =	vor.u32 v24, v38;
	v14 =	vadd.s32 v63, v39;
	v4 =	vadd.f32 v4, v34  }
0x1cf: {  	v10 =	vadd.s32 v31, v60;
	v20 =	vor.u32 v26, v51;
	v18 =	vld.idx.msk [tilespmem:v7+s25+$0x0], $0xffff;
	v0 =	vadd.f32 v0, v43  }
0x1d0: {  	v7 =	vadd.s32 v53, v58;
	v53 =	vor.u32 v61, v40;
	v5 =	vld.idx.msk [tilespmem:v11+s25+$0x0], $0xffff;
	[tilespmem:v1+s24+$0x0] =	vst.idx.msk $0xffff, v4  }
0x1d1: {  	v11 =	vadd.f32 v8, v48;
	[tilespmem:v16+s24+$0x0] =	vst.idx.msk $0xffff, v0;
	v0 =	vadd.f32 v13, v33;
	v16 =	vld.idx.msk [tilespmem:v17+s25+$0x0], $0xffff  }
0x1d2: {  	v59 =	vadd.s32 v6, v60;
	v6 =	vor.u32 v26, v50;
	v1 =	vadd.s32 v62, v60;
	v17 =	vld.idx.msk [tilespmem:v19+s25+$0x0], $0xffff  }
0x1d3: {  	v62 =	vor.u32 v56, v45;
	v19 =	vor.u32 v24, v45;
	v44 =	vld.idx.msk [tilespmem:v14+s25+$0x0], $0xffff;
	[tilespmem:v9+s24+$0x0] =	vst.idx.msk $0xffff, v0  }
0x1d4: {  	v56 =	vor.u32 v61, v37;
	v3 =	vadd.f32 v3, v46;
	v0 =	vadd.f32 v18, v49;
	v18 =	vld [tilespmem:$0x1FF70]  }
0x1d5: {  	v4 =	vor.u32 v28, v50;
	v13 =	vor.u32 v24, v40;
	v14 =	vor.u32 v24, v37  }
0x1d6: {  	v26 =	vmov v27;
	v9 =	vadd.s32 v31, v41;
	v5 =	vadd.f32 v5, v32;
	[tilespmem:v12+s24+$0x0] =	vst.idx.msk $0xffff, v3  }
0x1d7: {  	v8 =	vld.idx.msk [tilespmem:v21+s25+$0x0], $0xffff;
	v3 =	vadd.s32 v31, v39;
	[tilespmem:v20+s24+$0x0] =	vst.idx.msk $0xffff, v0;
	v0 =	vadd.f32 v16, v34  }
0x1d8: {  	v15 =	vld.idx.msk [tilespmem:v15+s25+$0x0], $0xffff;
	v63 =	vadd.f32 v17, v43;
	[tilespmem:v19+s24+$0x0] =	vst.idx.msk $0xffff, v5;
	v5 =	vadd.s32 v30, v58  }
0x1d9: {  	s10 =	simm.s32 $0x4;
	s26 =	simm.s32 $0x32A0;
	v16 =	vld.idx.msk [tilespmem:v22+s25+$0x0], $0xffff;
	v12 =	vadd.f32 v44, v35;
	v60 =	vadd.s32 v18, v39;
	v31 =	vadd.s32 v18, v41  }
.LBB2_11:
0x1da: {  	v10 =	vld.idx.msk [tilespmem:v10+s25+$0x0], $0xffff  }
0x1db: {  	v24 =	vld [tilespmem:$0x1FFC0]  }
0x1dc: {  	v44 =	vld [tilespmem:$0x1FFA0]  }
0x1dd: {  	v30 =	vld [tilespmem:$0x1FFE0]  }
0x1de: {  	v27 =	vld [tilespmem:$0x1FF20]  }
0x1df: {  	v20 =	vld [tilespmem:s26+$0x0];
	[tilespmem:v13+s24+$0x0] =	vst.idx.msk $0xffff, v0  }
0x1e0: {  	v0 =	vadd.s32 v18, v36;
	[tilespmem:v14+s24+$0x0] =	vst.idx.msk $0xffff, v12;
	v14 =	vor.u32 v28, v51;
	v28 =	vld [tilespmem:$0x1FF50]  }
0x1e1: {  	v9 =	vld.idx.msk [tilespmem:v9+s25+$0x0], $0xffff;
	v15 =	vadd.f32 v15, v46;
	v17 =	vadd.s32 v44, v57;
	v18 =	vor.u32 v24, v38  }
0x1e2: {  	v3 =	vld.idx.msk [tilespmem:v3+s25+$0x0], $0xffff;
	v13 =	vor.u32 v24, v45;
	v12 =	vadd.s32 v30, v39;
	v21 =	vadd.s32 v44, v54  }
0x1e3: {  	v22 =	vadd.s32 v30, v36;
	v23 =	vor.u32 v24, v37;
	v24 =	vor.u32 v24, v40;
	v39 =	vmovc v54;
	v54 =	vld [tilespmem:$0x1FDE0]  }
0x1e4: {  	v8 =	vadd.f32 v8, v33;
	v29 =	vmov v26;
	[tilespmem:v6+s24+$0x0] =	vst.idx.msk $0xffff, v11;
	v36 =	vmov v57;
	v57 =	vld [tilespmem:$0x1FDF0]  }
0x1e5: {  	v45 =	vmov v47;
	v10 =	vadd.f32 v10, v32;
	[tilespmem:v2+s24+$0x0] =	vst.idx.msk $0xffff, v15;
	v2 =	vadd.s32 v26, v58;
	v26 =	vld [tilespmem:$0x1FF30]  }
0x1e6: {  	v47 =	vadd.s32 v30, v41;
	v9 =	vadd.f32 v9, v34;
	v15 =	vld.idx.msk [tilespmem:v17+s25+$0x0], $0xffff;
	[tilespmem:v18+s24+$0x0] =	vst.idx.msk $0xffff, v8  }
0x1e7: {  	v7 =	vld.idx.msk [tilespmem:v7+s25+$0x0], $0xffff;
	v11 =	vadd.f32 v16, v49;
	[tilespmem:v13+s24+$0x0] =	vst.idx.msk $0xffff, v10  }
0x1e8: {  	v8 =	vadd.s32 v54, v20;
	[tilespmem:v24+s24+$0x0] =	vst.idx.msk $0xffff, v9;
	v9 =	vadd.f32 v3, v35;
	v17 =	vld.idx.msk [tilespmem:v22+s25+$0x0], $0xffff  }
0x1e9: {  	v16 =	vand.u32 $0x7, v20;
	v13 =	vadd.s32 v57, v8;
	v18 =	vand.u32 $0xFFFFFFF8, v8;
	v1 =	vld.idx.msk [tilespmem:v1+s25+$0x0], $0xffff  }
0x1ea: {  	v10 =	vld [tilespmem:s26+$0xFFFFFFF0];
	v13 =	vand.u32 $0xFFFFFFF8, v13;
	v3 =	vor.u32 v16, v18;
	v18 =	vor.u32 v25, v52;
	[tilespmem:v23+s24+$0x0] =	vst.idx.msk $0xffff, v9  }
0x1eb: {  	v20 =	vld.idx.msk [tilespmem:v47+s25+$0x0], $0xffff;
	v13 =	vor.u32 v16, v13;
	v16 =	vadd.s32 v26, v3;
	[tilespmem:v14+s24+$0x0] =	vst.idx.msk $0xffff, v11  }
0x1ec: {  	v19 =	vor.u32 v27, v38;
	v11 =	vld.idx.msk [tilespmem:v12+s25+$0x0], $0xffff  }
0x1ed: {  	v12 =	vld [tilespmem:s26+$0xFFFFFFE0]  }
0x1ee: {  	v6 =	vor.u32 v25, v50;
	v21 =	vld.idx.msk [tilespmem:v21+s25+$0x0], $0xffff;
	v14 =	vadd.f32 v15, v46;
	v15 =	vor.u32 v27, v40  }
0x1ef: {  	v41 =	vmovc v58;
	v7 =	vadd.f32 v7, v48;
	v24 =	vor.u32 v27, v37;
	v58 =	vld [tilespmem:s26+$0x10];
	v17 =	vadd.f32 v17, v33  }
0x1f0: {  	v22 =	vor.u32 v61, v38;
	v1 =	vadd.f32 v1, v32;
	[tilespmem:v18+s24+$0x0] =	vst.idx.msk $0xffff, v14;
	v16 =	vld.idx.msk [tilespmem:v16+s25+$0x0], $0xffff  }
0x1f1: {  	v37 =	vmov v51;
	v9 =	vor.u32 v25, v51;
	v20 =	vadd.f32 v20, v34;
	[tilespmem:v19+s24+$0x0] =	vst.idx.msk $0xffff, v17;
	v17 =	vld [tilespmem:$0x1FF50]  }
0x1f2: {  	v28 =	vor.u32 v28, v37;
	v13 =	vld.idx.msk [tilespmem:v13+s3+$0x0], $0xffff;
	[tilespmem:v62+s24+$0x0] =	vst.idx.msk $0xffff, v1;
	v1 =	vadd.f32 v11, v35  }
0x1f3: {  	v23 =	vadd.s32 v29, v42;
	v51 =	vadd.s32 v29, v36;
	v0 =	vld.idx.msk [tilespmem:v0+s25+$0x0], $0xffff;
	[tilespmem:v15+s24+$0x0] =	vst.idx.msk $0xffff, v20  }
0x1f4: {  	v19 =	vadd.s32 v29, v39;
	v21 =	vadd.f32 v21, v49;
	v15 =	vld.idx.msk [tilespmem:v59+s25+$0x0], $0xffff;
	[tilespmem:v24+s24+$0x0] =	vst.idx.msk $0xffff, v1  }
0x1f5: {  	v18 =	vor.u32 v25, v45;
	v11 =	vand.u32 $0x7, v10;
	[tilespmem:v4+s24+$0x0] =	vst.idx.msk $0xffff, v7;
	v4 =	vld.idx.msk [tilespmem:v60+s25+$0x0], $0xffff  }
0x1f6: {  	v20 =	vadd.s32 v54, v12;
	[tilespmem:v9+s24+$0x0] =	vst.idx.msk $0xffff, v21;
	v9 =	vadd.s32 v54, v10;
	v10 =	vld.idx.msk [tilespmem:v31+s25+$0x0], $0xffff  }
0x1f7: {  	v12 =	vand.u32 $0x7, v12;
	v1 =	vand.u32 $0xFFFFFFF8, v20;
	v24 =	vadd.s32 v54, v58;
	v5 =	vld.idx.msk [tilespmem:v5+s25+$0x0], $0xffff  }
0x1f8: {  	v61 =	vmovc v53;
	v53 =	vld [tilespmem:$0x1FFF0];
	v7 =	vadd.s32 v57, v24;
	v59 =	vand.u32 $0xFFFFFFF8, v24;
	v0 =	vadd.f32 v0, v33  }
0x1f9: {  	v38 =	vmovc v52;
	v21 =	vadd.s32 v57, v20;
	v17 =	vor.u32 v17, v52;
	v52 =	vand.u32 $0x7, v58;
	v19 =	vld.idx.msk [tilespmem:v19+s25+$0x0], $0xffff  }
0x1fa: {  	v54 =	vor.u32 v52, v59;
	v59 =	vld.idx.msk [tilespmem:v51+s25+$0x0], $0xffff;
	[tilespmem:v22+s24+$0x0] =	vst.idx.msk $0xffff, v0;
	v0 =	vadd.f32 v15, v32  }
0x1fb: {  	v62 =	vld [tilespmem:$0x1FF40];
	v60 =	vadd.s32 v57, v9;
	v58 =	vor.u32 v12, v1;
	v1 =	vadd.f32 v10, v34  }
0x1fc: {  	v31 =	vld [tilespmem:$0x1FFD0];
	v57 =	vand.u32 $0xFFFFFFF8, v9;
	v60 =	vand.u32 $0xFFFFFFF8, v60;
	v5 =	vadd.f32 v5, v48;
	[tilespmem:v55+s24+$0x0] =	vst.idx.msk $0xffff, v0  }
0x1fd: {  	v57 =	vor.u32 v11, v57;
	v51 =	vshll.u32 v24, $0x7;
	v24 =	vld [tilespmem:$0x1FF60];
	v0 =	vadd.f32 v4, v35;
	[tilespmem:v61+s24+$0x0] =	vst.idx.msk $0xffff, v1  }
0x1fe: {  	v11 =	vor.u32 v11, v60;
	v1 =	vadd.f32 v19, v49;
	v61 =	vld [tilespmem:$0x1FF80];
	[tilespmem:v6+s24+$0x0] =	vst.idx.msk $0xffff, v5  }
0x1ff: {  	v47 =	vshll.u32 v8, $0x7;
	v60 =	vlaneseq.u32;
	[tilespmem:v56+s24+$0x0] =	vst.idx.msk $0xffff, v0;
	v5 =	vld.idx.msk [tilespmem:v2+s25+$0x0], $0xffff  }
0x200: {  	v22 =	vor.u32 v60, v47;
	[tilespmem:v28+s24+$0x0] =	vst.idx.msk $0xffff, v1;
	v1 =	vld [tilespmem:$0x1FF50]  }
0x201: {  	v8 =	vadd.s32 v62, v3;
	v21 =	vand.u32 $0xFFFFFFF8, v21;
	v7 =	vand.u32 $0xFFFFFFF8, v7;
	[tilespmem:v18+s24+$0x0] =	vst.idx.msk $0xffff, v63;
	v2 =	vld [tilespmem:$0x1FF50]  }
0x202: {  	v14 =	vadd.s32 v53, v36;
	v4 =	vor.u32 v12, v21;
	v12 =	vor.u32 v52, v7;
	v7 =	vld.idx.msk [tilespmem:v23+s25+$0x0], $0xffff  }
0x203: {  	v33 =	vmov v46;
	v15 =	vadd.s32 v26, v57;
	v10 =	vadd.f32 v16, v13;
	v46 =	vld.idx.msk [tilespmem:v11+s3+$0x0], $0xffff  }
0x204: {  	v16 =	vadd.f32 v59, v33;
	v0 =	vadd.s32 v26, v58;
	v28 =	vld [tilespmem:$0x1FF90]  }
0x205: {  	v11 =	vadd.s32 v26, v54;
	v26 =	vmov v29;
	[tilespmem:v22+s24+$0x0] =	vst.idx.msk $0xffff, v10;
	v29 =	vmov v1;
	v1 =	vld [tilespmem:$0x1FF70]  }
0x206: {  	v52 =	vshll.u32 v9, $0x7;
	[tilespmem:v17+s24+$0x0] =	vst.idx.msk $0xffff, v16;
	v8 =	vld.idx.msk [tilespmem:v8+s25+$0x0], $0xffff;
	v9 =	vor.u32 v2, v45  }
0x207: {  	v10 =	vld.idx.msk [tilespmem:v14+s25+$0x0], $0xffff  }
0x208: {  	v40 =	vmovc v50;
	v32 =	vmov v43;
	v43 =	vmov v13;
	v34 =	vmov v48;
	v15 =	vld.idx.msk [tilespmem:v15+s25+$0x0], $0xffff  }
0x209: {  	v14 =	vadd.s32 v53, v42;
	v48 =	vld.idx.msk [tilespmem:v4+s3+$0x0], $0xffff;
	v13 =	vadd.f32 v7, v32;
	v16 =	vor.u32 v28, v47  }
0x20a: {  	v50 =	vshll.u32 v20, $0x7;
	v20 =	vadd.s32 v44, v3;
	v35 =	vmovc v49;
	v49 =	vld.idx.msk [tilespmem:v12+s3+$0x0], $0xffff;
	v59 =	vadd.s32 v1, v42  }
0x20b: {  	v0 =	vld.idx.msk [tilespmem:v0+s25+$0x0], $0xffff;
	v1 =	vor.u32 v29, v40;
	[tilespmem:v9+s24+$0x0] =	vst.idx.msk $0xffff, v13;
	v9 =	vadd.s32 v53, v39  }
0x20c: {  	v17 =	vld.idx.msk [tilespmem:v11+s25+$0x0], $0xffff;
	v11 =	vadd.s32 v53, v41;
	v8 =	vadd.f32 v8, v43  }
0x20d: {  	v21 =	vadd.s32 v31, v36;
	v2 =	vld [tilespmem:$0x1FF90];
	v4 =	vadd.f32 v5, v34;
	v5 =	vor.u32 v24, v38  }
0x20e: {  	v18 =	vor.u32 v60, v52;
	v19 =	vadd.s32 v62, v57;
	v14 =	vld.idx.msk [tilespmem:v14+s25+$0x0], $0xffff;
	[tilespmem:v16+s24+$0x0] =	vst.idx.msk $0xffff, v8  }
0x20f: {  	v6 =	vor.u32 v60, v50;
	v22 =	vadd.s32 v62, v54;
	v12 =	vor.u32 v60, v51;
	v20 =	vld.idx.msk [tilespmem:v20+s25+$0x0], $0xffff  }
0x210: {  	v55 =	vor.u32 v61, v45;
	[tilespmem:v1+s24+$0x0] =	vst.idx.msk $0xffff, v4;
	v4 =	vadd.f32 v10, v33;
	v23 =	vld.idx.msk [tilespmem:v9+s25+$0x0], $0xffff  }
0x211: {  	v56 =	vor.u32 v61, v37;
	v7 =	vadd.s32 v62, v58;
	v62 =	vor.u32 v27, v45;
	v16 =	vld.idx.msk [tilespmem:v11+s25+$0x0], $0xffff  }
0x212: {  	v15 =	vadd.f32 v15, v46;
	v11 =	vadd.f32 v0, v48;
	v0 =	vld [tilespmem:$0x1FF70];
	[tilespmem:v5+s24+$0x0] =	vst.idx.msk $0xffff, v4  }
0x213: {  	s10 =	sadd.s32 $0x4, s10;
	v2 =	vor.u32 v2, v52;
	v53 =	vor.u32 v61, v40;
	v13 =	vor.u32 v24, v40;
	v8 =	vld.idx.msk [tilespmem:v21+s25+$0x0], $0xffff  }
0x214: {  	p2 =	slt.u32 s10, $0xC;
	v1 =	vadd.s32 v30, v42;
	v21 =	vor.u32 v24, v45;
	[tilespmem:v18+s24+$0x0] =	vst.idx.msk $0xffff, v15;
	v18 =	vld [tilespmem:$0x1FF70]  }
.Ltmp6:
0x215: {  	v10 =	vadd.s32 v31, v42;
	v9 =	vadd.s32 v31, v41;
	v5 =	vadd.f32 v17, v49;
	(pc) =	sbr.rel @p2 .LBB2_11-.Ltmp6, $4  }
0x216: {  	v42 =	vmovc v3;
	v3 =	vadd.s32 v31, v39;
	v4 =	vor.u32 v28, v50;
	v17 =	vadd.f32 v14, v32  }
0x217: {  	v14 =	vor.u32 v24, v37;
	v63 =	vadd.f32 v20, v43;
	[tilespmem:v12+s24+$0x0] =	vst.idx.msk $0xffff, v5  }
0x218: {  	v15 =	vld.idx.msk [tilespmem:v19+s25+$0x0], $0xffff;
	v5 =	vadd.s32 v44, v58;
	v12 =	vadd.f32 v23, v35;
	v60 =	vadd.s32 v0, v39  }
0x219: {  	s26 =	sadd.s32 $0x40, s26;
	v0 =	vadd.f32 v16, v34;
	v16 =	vld.idx.msk [tilespmem:v22+s25+$0x0], $0xffff;
	v31 =	vadd.s32 v18, v41;
	[tilespmem:v21+s24+$0x0] =	vst.idx.msk $0xffff, v17  }
0x21a: {  	_ =	sdelay $0x1  }
0x21b: {  	v19 =	vld [tilespmem:$0x1FFA0];
	_ =	sdelay $0x1  }
0x21c: {  	[tilespmem:v6+s24+$0x0] =	vst.idx.msk $0xffff, v11;
	v6 =	vor.u32 v28, v51;
	_ =	sdelay $0x1  }
0x21d: {  	v15 =	vadd.f32 v15, v46  }
0x21e: {  	[tilespmem:v13+s24+$0x0] =	vst.idx.msk $0xffff, v0;
	v11 =	vadd.f32 v16, v49;
	v17 =	vadd.s32 v19, v57  }
0x21f: {  	[tilespmem:v2+s24+$0x0] =	vst.idx.msk $0xffff, v15  }
0x220: {  	v7 =	vld.idx.msk [tilespmem:v7+s25+$0x0], $0xffff;
	v2 =	vadd.s32 v19, v54;
	[tilespmem:v6+s24+$0x0] =	vst.idx.msk $0xffff, v11  }
0x221: {  	v16 =	vld [tilespmem:$0x1FFC0];
	_ =	sdelay $0x1  }
0x222: {  	v44 =	vld.idx.msk [tilespmem:v17+s25+$0x0], $0xffff  }
0x223: {  	v13 =	vor.u32 v25, v47  }
0x224: {  	v0 =	vor.u32 v25, v52;
	v7 =	vadd.f32 v7, v48;
	v2 =	vld.idx.msk [tilespmem:v2+s25+$0x0], $0xffff  }
0x225: {  	v6 =	vor.u32 v16, v38  }
0x226: {  	[tilespmem:v4+s24+$0x0] =	vst.idx.msk $0xffff, v7;
	v7 =	vor.u32 v25, v51  }
0x227: {  	v10 =	vld.idx.msk [tilespmem:v10+s25+$0x0], $0xffff;
	v11 =	vadd.s32 v26, v57;
	[tilespmem:v14+s24+$0x0] =	vst.idx.msk $0xffff, v12;
	v12 =	vadd.f32 v44, v46  }
0x228: {  	[tilespmem:v13+s24+$0x0] =	vst.idx.msk $0xffff, v63;
	v17 =	vadd.f32 v8, v33;
	v8 =	vadd.s32 v26, v42  }
0x229: {  	v44 =	vor.u32 v16, v45;
	v2 =	vadd.f32 v2, v49;
	[tilespmem:v0+s24+$0x0] =	vst.idx.msk $0xffff, v12  }
0x22a: {  	v5 =	vld.idx.msk [tilespmem:v5+s25+$0x0], $0xffff;
	[tilespmem:v6+s24+$0x0] =	vst.idx.msk $0xffff, v17  }
0x22b: {  	v9 =	vld.idx.msk [tilespmem:v9+s25+$0x0], $0xffff;
	v0 =	vadd.s32 v26, v54;
	[tilespmem:v7+s24+$0x0] =	vst.idx.msk $0xffff, v2  }
0x22c: {  	v10 =	vadd.f32 v10, v32;
	v12 =	vor.u32 v25, v50;
	v63 =	vld [tilespmem:$0x1FFF0]  }
0x22d: {  	v15 =	vld.idx.msk [tilespmem:v8+s25+$0x0], $0xffff;
	v17 =	vor.u32 v16, v40  }
0x22e: {  	v4 =	vld.idx.msk [tilespmem:v11+s25+$0x0], $0xffff;
	[tilespmem:v44+s24+$0x0] =	vst.idx.msk $0xffff, v10  }
0x22f: {  	v5 =	vadd.f32 v5, v48;
	v20 =	vld [tilespmem:$0x1FFE0]  }
0x230: {  	v13 =	vor.u32 v29, v52;
	v9 =	vadd.f32 v9, v34;
	v45 =	vadd.s32 v26, v58;
	v0 =	vld.idx.msk [tilespmem:v0+s25+$0x0], $0xffff  }
0x231: {  	[tilespmem:v12+s24+$0x0] =	vst.idx.msk $0xffff, v5;
	v5 =	vor.u32 v29, v47;
	v2 =	vadd.s32 v63, v57  }
0x232: {  	v6 =	vor.u32 v29, v51;
	[tilespmem:v17+s24+$0x0] =	vst.idx.msk $0xffff, v9;
	v17 =	vadd.s32 v63, v42  }
0x233: {  	v4 =	vadd.f32 v4, v46  }
0x234: {  	v3 =	vld.idx.msk [tilespmem:v3+s25+$0x0], $0xffff;
	v7 =	vadd.f32 v15, v43  }
0x235: {  	v45 =	vld.idx.msk [tilespmem:v45+s25+$0x0], $0xffff;
	[tilespmem:v13+s24+$0x0] =	vst.idx.msk $0xffff, v4;
	v44 =	vadd.s32 v20, v36;
	v0 =	vadd.f32 v0, v49  }
0x236: {  	[tilespmem:v5+s24+$0x0] =	vst.idx.msk $0xffff, v7;
	v2 =	vld.idx.msk [tilespmem:v2+s25+$0x0], $0xffff  }
0x237: {  	[tilespmem:v6+s24+$0x0] =	vst.idx.msk $0xffff, v0;
	v6 =	vld.idx.msk [tilespmem:v17+s25+$0x0], $0xffff  }
0x238: {  	v17 =	vld [tilespmem:$0x1FF20]  }
0x239: {  	v11 =	vadd.s32 v63, v54;
	v4 =	vor.u32 v29, v50;
	v23 =	vld [tilespmem:$0x1FFD0]  }
0x23a: {  	v12 =	vor.u32 v16, v37;
	v8 =	vld.idx.msk [tilespmem:v44+s25+$0x0], $0xffff;
	v44 =	vadd.s32 v63, v58  }
0x23b: {  	v5 =	vor.u32 v24, v52  }
0x23c: {  	v45 =	vadd.f32 v45, v48  }
0x23d: {  	v3 =	vadd.f32 v3, v35  }
0x23e: {  	[tilespmem:v4+s24+$0x0] =	vst.idx.msk $0xffff, v45;
	v14 =	vadd.f32 v2, v46;
	v2 =	vld.idx.msk [tilespmem:v11+s25+$0x0], $0xffff;
	v7 =	vor.u32 v17, v38  }
0x23f: {  	v4 =	vor.u32 v24, v47;
	[tilespmem:v12+s24+$0x0] =	vst.idx.msk $0xffff, v3;
	v9 =	vadd.s32 v23, v57;
	v44 =	vld.idx.msk [tilespmem:v44+s25+$0x0], $0xffff  }
0x240: {  	[tilespmem:v5+s24+$0x0] =	vst.idx.msk $0xffff, v14;
	v0 =	vadd.s32 v23, v42;
	v5 =	vor.u32 v24, v51  }
0x241: {  	v1 =	vld.idx.msk [tilespmem:v1+s25+$0x0], $0xffff;
	v45 =	vor.u32 v24, v50;
	v12 =	vadd.s32 v23, v54;
	v15 =	vadd.f32 v8, v33  }
0x242: {  	v6 =	vadd.f32 v6, v43;
	v13 =	vadd.s32 v23, v58  }
0x243: {  	v2 =	vadd.f32 v2, v49;
	[tilespmem:v7+s24+$0x0] =	vst.idx.msk $0xffff, v15;
	v15 =	vadd.s32 v20, v41  }
0x244: {  	[tilespmem:v4+s24+$0x0] =	vst.idx.msk $0xffff, v6;
	v14 =	vld.idx.msk [tilespmem:v9+s25+$0x0], $0xffff;
	v41 =	vadd.s32 v20, v39;
	v8 =	vadd.f32 v44, v48  }
0x245: {  	[tilespmem:v5+s24+$0x0] =	vst.idx.msk $0xffff, v2;
	v0 =	vld.idx.msk [tilespmem:v0+s25+$0x0], $0xffff  }
0x246: {  	v1 =	vadd.f32 v1, v32;
	v44 =	vor.u32 v16, v52;
	v2 =	vld.idx.msk [tilespmem:v12+s25+$0x0], $0xffff;
	[tilespmem:v45+s24+$0x0] =	vst.idx.msk $0xffff, v8  }
0x247: {  	v10 =	vor.u32 v16, v51;
	v45 =	vor.u32 v16, v47;
	v8 =	vadd.s32 v20, v57;
	v3 =	vld.idx.msk [tilespmem:v13+s25+$0x0], $0xffff  }
0x248: {  	[tilespmem:v62+s24+$0x0] =	vst.idx.msk $0xffff, v1;
	v1 =	vadd.s32 v20, v42;
	v11 =	vadd.s32 v20, v54;
	v4 =	vld.idx.msk [tilespmem:v15+s25+$0x0], $0xffff  }
0x249: {  	v40 =	vor.u32 v17, v40;
	v39 =	vor.u32 v16, v50;
	v7 =	vadd.f32 v14, v46;
	v6 =	vld.idx.msk [tilespmem:v41+s25+$0x0], $0xffff  }
0x24a: {  	v12 =	vadd.s32 v20, v58;
	v0 =	vadd.f32 v0, v43;
	v41 =	vadd.s32 v18, v36  }
0x24b: {  	v2 =	vadd.f32 v2, v49;
	[tilespmem:v44+s24+$0x0] =	vst.idx.msk $0xffff, v7;
	v44 =	vor.u32 v17, v37  }
0x24c: {  	[tilespmem:v45+s24+$0x0] =	vst.idx.msk $0xffff, v0;
	v62 =	vld.idx.msk [tilespmem:v8+s25+$0x0], $0xffff;
	v45 =	vadd.f32 v3, v48  }
0x24d: {  	[tilespmem:v10+s24+$0x0] =	vst.idx.msk $0xffff, v2;
	v1 =	vld.idx.msk [tilespmem:v1+s25+$0x0], $0xffff;
	v15 =	vadd.f32 v4, v34  }
0x24e: {  	v36 =	vor.u32 v17, v52;
	v37 =	vld.idx.msk [tilespmem:v11+s25+$0x0], $0xffff;
	v16 =	vadd.f32 v6, v35;
	[tilespmem:v39+s24+$0x0] =	vst.idx.msk $0xffff, v45  }
0x24f: {  	v39 =	vor.u32 v17, v47;
	[tilespmem:v40+s24+$0x0] =	vst.idx.msk $0xffff, v15;
	v40 =	vadd.s32 v18, v57;
	v7 =	vld.idx.msk [tilespmem:v12+s25+$0x0], $0xffff  }
0x250: {  	v42 =	vadd.s32 v18, v42;
	v41 =	vld.idx.msk [tilespmem:v41+s25+$0x0], $0xffff;
	[tilespmem:v44+s24+$0x0] =	vst.idx.msk $0xffff, v16;
	v44 =	vor.u32 v17, v51  }
0x251: {  	v45 =	vld.idx.msk [tilespmem:v59+s25+$0x0], $0xffff;
	v59 =	vor.u32 v17, v50;
	v57 =	vadd.s32 v18, v54;
	v3 =	vadd.f32 v62, v46  }
0x252: {  	v18 =	vadd.s32 v18, v58;
	v14 =	vld.idx.msk [tilespmem:v60+s25+$0x0], $0xffff;
	v1 =	vadd.f32 v1, v43  }
0x253: {  	v62 =	vor.u32 v61, v38;
	v37 =	vadd.f32 v37, v49;
	[tilespmem:v36+s24+$0x0] =	vst.idx.msk $0xffff, v3;
	v36 =	vld.idx.msk [tilespmem:v31+s25+$0x0], $0xffff  }
0x254: {  	[tilespmem:v39+s24+$0x0] =	vst.idx.msk $0xffff, v1;
	v38 =	vadd.f32 v7, v48;
	v39 =	vld.idx.msk [tilespmem:v40+s25+$0x0], $0xffff  }
0x255: {  	[tilespmem:v44+s24+$0x0] =	vst.idx.msk $0xffff, v37;
	v0 =	vld.idx.msk [tilespmem:v42+s25+$0x0], $0xffff  }
0x256: {  	v40 =	vadd.f32 v41, v33;
	v44 =	vld.idx.msk [tilespmem:v57+s25+$0x0], $0xffff;
	[tilespmem:v59+s24+$0x0] =	vst.idx.msk $0xffff, v38  }
0x257: {  	v41 =	vadd.f32 v45, v32;
	v42 =	vor.u32 v61, v52;
	v54 =	vld.idx.msk [tilespmem:v18+s25+$0x0], $0xffff  }
0x258: {  	v52 =	vor.u32 v61, v47;
	v45 =	vadd.f32 v14, v35;
	[tilespmem:v62+s24+$0x0] =	vst.idx.msk $0xffff, v40  }
0x259: {  	v58 =	vor.u32 v61, v51;
	[tilespmem:v55+s24+$0x0] =	vst.idx.msk $0xffff, v41;
	v57 =	vadd.f32 v36, v34  }
0x25a: {  	v59 =	vor.u32 v61, v50;
	[tilespmem:v56+s24+$0x0] =	vst.idx.msk $0xffff, v45;
	v2 =	vadd.f32 v39, v46  }
0x25b: {  	p2 =	slt.u32 s31, $0x30;
	[tilespmem:v53+s24+$0x0] =	vst.idx.msk $0xffff, v57;
	v0 =	vadd.f32 v0, v43  }
.Ltmp7:
0x25c: {  	v60 =	vadd.f32 v44, v49;
	[tilespmem:v42+s24+$0x0] =	vst.idx.msk $0xffff, v2;
	v62 =	vadd.f32 v54, v48;
	(pc) =	sbr.rel @p2 .LBB2_10-.Ltmp7, $4  }
0x25d: {  	[tilespmem:v52+s24+$0x0] =	vst.idx.msk $0xffff, v0  }
0x25e: {  	[tilespmem:v58+s24+$0x0] =	vst.idx.msk $0xffff, v60  }
0x25f: {  	s10 =	sadd.s32 $0x10, s31;
	[tilespmem:v59+s24+$0x0] =	vst.idx.msk $0xffff, v62  }
0x260: {  	v21 =	vmovc v25;
	s31 =	smov.u32 s10;
	v31 =	vmov v19;
	v56 =	vmov v17;
	v44 =	vld [tilespmem:$0x1FDF0];
	v62 =	vmov v20  }
0x261: {  	s10 =	sshll.u32 s11, $0x7  }
0x262: {  	s7 =	sshll.u32 s7, $0xF;
	s10 =	sand.u32 $0xE80, s10  }
0x263: {  	s7 =	sor.u32 s10, s7  }
0x264: {  	s10 =	sadd.s32 s2, s7  }
0x265: {  	[hbm4b:s10+s3] =	stream.linear.scatter [tilespmem:s24], [sflag:$0xA], $0x400, $0x38;
	[tilespmem:$0x13500] =	vst v63  }
0x266: {  	s26 =	simm.s32 $0xD900;
	s11 =	sadd.s32 s7, s12  }
0x267: {  	[hbm4b:s11+s3] =	stream.linear.scatter [tilespmem:s26], [sflag:$0xA], $0x400, $0x38;
	[tilespmem:$0x13500] =	vst v63  }
0x268: {  	s11 =	sadd.s32 s7, s13;
	s26 =	simm.s32 $0xDD00  }
0x269: {  	[hbm4b:s11+s3] =	stream.linear.scatter [tilespmem:s26], [sflag:$0xA], $0x400, $0x38;
	[tilespmem:$0x13500] =	vst v63  }
0x26a: {  	s11 =	sadd.s32 s7, s14;
	s26 =	simm.s32 $0xE100  }
0x26b: {  	[hbm4b:s11+s3] =	stream.linear.scatter [tilespmem:s26], [sflag:$0xA], $0x400, $0x38;
	[tilespmem:$0x13500] =	vst v63  }
0x26c: {  	s11 =	sadd.s32 s7, s15;
	s26 =	simm.s32 $0xE500  }
0x26d: {  	[hbm4b:s11+s3] =	stream.linear.scatter [tilespmem:s26], [sflag:$0xA], $0x400, $0x38;
	[tilespmem:$0x13500] =	vst v63  }
0x26e: {  	s11 =	sadd.s32 s7, s16;
	s26 =	simm.s32 $0xE900  }
0x26f: {  	[hbm4b:s11+s3] =	stream.linear.scatter [tilespmem:s26], [sflag:$0xA], $0x400, $0x38;
	[tilespmem:$0x13500] =	vst v63  }
0x270: {  	s11 =	sadd.s32 s7, s17;
	s26 =	simm.s32 $0xED00  }
0x271: {  	[hbm4b:s11+s3] =	stream.linear.scatter [tilespmem:s26], [sflag:$0xA], $0x400, $0x38;
	[tilespmem:$0x13500] =	vst v63  }
0x272: {  	s7 =	sadd.s32 s7, s18;
	s26 =	simm.s32 $0xF100  }
0x273: {  	[hbm4b:s7+s3] =	stream.linear.scatter [tilespmem:s26], [sflag:$0xA], $0x400, $0x38;
	[tilespmem:$0x13500] =	vst v63  }
0x274: {  	s7 =	rddreg [dreg:$0x9]  }
0x275: {  	s7 =	sadd.s32 @!p0 s6, s7  }
0x276: {  	s7 =	sshll.u32 @!p0 s7, $0x4  }
0x277: {  	s7 =	sand.u32 @!p0 $0xFFFFFD0, s7  }
0x278: {  	s10 =	simm.s32 @!p0 $0x0;
	s11 =	simm.s32 @!p0 $0x3380;
	s7 =	sadd.s32 @!p0 s4, s7  }
0x279: {  	[tilespmem:s11], [sflag:$0x2] =	stream.linear.gather @!p0 [hbm4b:s7+s10], $0x80, $0x38;
	[tilespmem:$0x13500] =	vst v63  }
0x27a: {  	s7 =	simm.s32 @!p1 $0xC  }
0x27b: {  	_ =	swait.ge @!p1 [sflag:s7], $0x400  }
0x27c: {  	[sflag:s7] =	ssyncset.done @!p1 $0x0  }
0x27d: {  	[sflag:s7] =	ssyncadd.s32 @!p1 $0xFFFFFC00  }
0x27e: {  	_ =	swait.ge @!p1 [sflag:s7], $0x400  }
0x27f: {  	[sflag:s7] =	ssyncset.done @!p1 $0x0  }
0x280: {  	[sflag:s7] =	ssyncadd.s32 @!p1 $0xFFFFFC00  }
0x281: {  	_ =	swait.ge @!p1 [sflag:s7], $0x400  }
0x282: {  	[sflag:s7] =	ssyncset.done @!p1 $0x0  }
0x283: {  	[sflag:s7] =	ssyncadd.s32 @!p1 $0xFFFFFC00  }
0x284: {  	_ =	swait.ge @!p1 [sflag:s7], $0x400  }
0x285: {  	[sflag:s7] =	ssyncset.done @!p1 $0x0  }
0x286: {  	[sflag:s7] =	ssyncadd.s32 @!p1 $0xFFFFFC00  }
0x287: {  	_ =	swait.ge @!p1 [sflag:s7], $0x400  }
0x288: {  	[sflag:s7] =	ssyncset.done @!p1 $0x0  }
0x289: {  	[sflag:s7] =	ssyncadd.s32 @!p1 $0xFFFFFC00  }
0x28a: {  	_ =	swait.ge @!p1 [sflag:s7], $0x400  }
0x28b: {  	[sflag:s7] =	ssyncset.done @!p1 $0x0  }
0x28c: {  	[sflag:s7] =	ssyncadd.s32 @!p1 $0xFFFFFC00  }
0x28d: {  	_ =	swait.ge @!p1 [sflag:s7], $0x400  }
0x28e: {  	[sflag:s7] =	ssyncset.done @!p1 $0x0  }
0x28f: {  	[sflag:s7] =	ssyncadd.s32 @!p1 $0xFFFFFC00  }
0x290: {  	_ =	swait.ge @!p1 [sflag:s7], $0x400  }
0x291: {  	[sflag:s7] =	ssyncset.done @!p1 $0x0  }
0x292: {  	[sflag:s7] =	ssyncadd.s32 @!p1 $0xFFFFFC00;
	s7 =	simm.s32 $0x4  }
0x293: {  	_ =	swait.ge [sflag:s7], $0x80  }
0x294: {  	s11 =	sor.u32 $0x2, s6;
	[sflag:s7] =	ssyncset.done $0x0  }
0x295: {  	s26 =	simm.s32 $0x3480;
	s11 =	sadd.s32 s8, s11;
	[sflag:s7] =	ssyncadd.s32 $0xFFFFFF80  }
0x296: {  	[tilespmem:s30], [sflag:$0x8] =	stream.indirect.gather [hbm4b:s5+s19], $0x40, s26, s19, $0xb8;
	[tilespmem:$0x13500] =	vst v63  }
0x297: {  	s7 =	sshrl.u32 s11, $0x5;
	s26 =	simm.s32 $0x7  }
0x298: {  	s10 =	sshll.u32 s7, $0x6;
	_ =	swait.ge [sflag:s26], $0x2000  }
0x299: {  	v44 =	vmov s10;
	[sflag:s26] =	ssyncset.done $0x0  }
0x29a: {  	s31 =	simm.s32 $0x0;
	v19 =	vmov v31;
	v20 =	vmov v29;
	v6 =	vmov v28;
	[tilespmem:$0x1FDD0] =	vst v44;
	[sflag:s26] =	ssyncadd.s32 $0xFFFFE000  }
.LBB2_14:
0x29b: {  	s10 =	simm.s32 $0x3220  }
0x29c: {  	v0 =	vld [tilespmem:s10+$0x0];
	_ =	sdelay $0x2  }
0x29d: {  	v27 =	vld [tilespmem:$0x1FF30]  }
0x29e: {  	v31 =	vmov s31  }
0x29f: {  	v1 =	vadd.s32 v31, v0  }
0x2a0: {  	v0 =	vand.u32 $0x7, v0;
	v2 =	vand.u32 $0xFFFFFFF8, v1  }
0x2a1: {  	v3 =	vadd.s32 v44, v1;
	v60 =	vor.u32 v0, v2  }
0x2a2: {  	v2 =	vld [tilespmem:s10+$0xFFFFFFF0];
	v3 =	vand.u32 $0xFFFFFFF8, v3;
	v4 =	vadd.s32 v27, v60  }
0x2a3: {  	v0 =	vor.u32 v0, v3;
	_ =	sdelay $0x1  }
0x2a4: {  	v3 =	vld [tilespmem:s10+$0x10]  }
0x2a5: {  	v53 =	vld [tilespmem:$0x1FF40]  }
0x2a6: {  	v22 =	vmovc v26;
	v26 =	vlaneseq.u32;
	v45 =	vshll.u32 v1, $0x7;
	v5 =	vadd.s32 v31, v2;
	v4 =	vld.idx.msk [tilespmem:v4+s23+$0x0], $0xffff  }
0x2a7: {  	v9 =	vor.u32 v26, v45;
	v32 =	vld.idx.msk [tilespmem:v0+s3+$0x0], $0xffff;
	v1 =	vadd.s32 v44, v5  }
0x2a8: {  	v7 =	vld [tilespmem:s10+$0xFFFFFFE0];
	v0 =	vand.u32 $0x7, v2;
	v8 =	vand.u32 $0xFFFFFFF8, v5;
	v1 =	vand.u32 $0xFFFFFFF8, v1  }
0x2a9: {  	v28 =	vmovc v6;
	v6 =	vadd.s32 v31, v3;
	v36 =	vor.u32 v0, v8;
	v1 =	vor.u32 v0, v1  }
0x2aa: {  	v3 =	vand.u32 $0x7, v3;
	v10 =	vand.u32 $0xFFFFFFF8, v6;
	v8 =	vadd.s32 v27, v36  }
0x2ab: {  	v2 =	vadd.s32 v53, v60;
	v0 =	vadd.s32 v44, v6;
	v39 =	vor.u32 v3, v10  }
0x2ac: {  	v0 =	vand.u32 $0xFFFFFFF8, v0;
	v10 =	vadd.s32 v27, v39;
	v4 =	vadd.f32 v4, v32  }
0x2ad: {  	v0 =	vor.u32 v3, v0;
	v3 =	vadd.s32 v31, v7  }
0x2ae: {  	v33 =	vld.idx.msk [tilespmem:v1+s3+$0x0], $0xffff;
	[tilespmem:v9+s28+$0x0] =	vst.idx.msk $0xffff, v4;
	v1 =	vand.u32 $0x7, v7;
	v4 =	vand.u32 $0xFFFFFFF8, v3  }
0x2af: {  	v7 =	vadd.s32 v44, v3;
	v41 =	vor.u32 v1, v4;
	v4 =	vld.idx.msk [tilespmem:v8+s23+$0x0], $0xffff  }
0x2b0: {  	v38 =	vshll.u32 v5, $0x7;
	v2 =	vld.idx.msk [tilespmem:v2+s23+$0x0], $0xffff;
	v7 =	vand.u32 $0xFFFFFFF8, v7;
	v8 =	vadd.s32 v27, v41  }
0x2b1: {  	v5 =	vld.idx.msk [tilespmem:v10+s23+$0x0], $0xffff;
	v1 =	vor.u32 v1, v7;
	v7 =	vor.u32 v26, v38  }
0x2b2: {  	v35 =	vld.idx.msk [tilespmem:v0+s3+$0x0], $0xffff;
	v0 =	vadd.s32 v53, v36  }
0x2b3: {  	v37 =	vshll.u32 v6, $0x7;
	v6 =	vor.u32 v28, v45  }
0x2b4: {  	v10 =	vor.u32 v26, v37;
	v4 =	vadd.f32 v4, v33  }
0x2b5: {  	v11 =	vadd.s32 v53, v39;
	v8 =	vld.idx.msk [tilespmem:v8+s23+$0x0], $0xffff  }
0x2b6: {  	v2 =	vadd.f32 v2, v32;
	v34 =	vld.idx.msk [tilespmem:v1+s3+$0x0], $0xffff;
	[tilespmem:v7+s28+$0x0] =	vst.idx.msk $0xffff, v4  }
0x2b7: {  	s26 =	simm.s32 $0x3260;
	v40 =	vshll.u32 v3, $0x7;
	v9 =	vadd.s32 v19, v60;
	v1 =	vadd.f32 v5, v35;
	v0 =	vld.idx.msk [tilespmem:v0+s23+$0x0], $0xffff  }
0x2b8: {  	v15 =	vld [tilespmem:s26+$0x10];
	[tilespmem:v6+s28+$0x0] =	vst.idx.msk $0xffff, v2;
	v2 =	vor.u32 v26, v40  }
0x2b9: {  	v4 =	vadd.s32 v53, v41;
	v7 =	vld [tilespmem:s26+$0x0];
	[tilespmem:v10+s28+$0x0] =	vst.idx.msk $0xffff, v1;
	v1 =	vor.u32 v28, v38  }
0x2ba: {  	v6 =	vadd.s32 v19, v36;
	v5 =	vld.idx.msk [tilespmem:v11+s23+$0x0], $0xffff  }
0x2bb: {  	v8 =	vadd.f32 v8, v34  }
0x2bc: {  	v3 =	vld.idx.msk [tilespmem:v9+s23+$0x0], $0xffff;
	v9 =	vor.u32 v28, v37;
	v0 =	vadd.f32 v0, v33  }
0x2bd: {  	v10 =	vadd.s32 v19, v39;
	[tilespmem:v2+s28+$0x0] =	vst.idx.msk $0xffff, v8  }
0x2be: {  	v25 =	vadd.s32 v31, v15;
	v4 =	vld.idx.msk [tilespmem:v4+s23+$0x0], $0xffff;
	[tilespmem:v1+s28+$0x0] =	vst.idx.msk $0xffff, v0  }
0x2bf: {  	v18 =	vor.u32 v21, v45;
	v1 =	vadd.f32 v5, v35;
	v5 =	vld.idx.msk [tilespmem:v6+s23+$0x0], $0xffff;
	v6 =	vadd.s32 v31, v7  }
0x2c0: {  	v7 =	vand.u32 $0x7, v7;
	v13 =	vadd.s32 v44, v6;
	v14 =	vand.u32 $0xFFFFFFF8, v6  }
0x2c1: {  	v12 =	vld [tilespmem:s26+$0xFFFFFFF0];
	v2 =	vor.u32 v28, v40;
	[tilespmem:v9+s28+$0x0] =	vst.idx.msk $0xffff, v1;
	v13 =	vand.u32 $0xFFFFFFF8, v13;
	v42 =	vor.u32 v7, v14  }
0x2c2: {  	v16 =	vadd.s32 v22, v60;
	v10 =	vld.idx.msk [tilespmem:v10+s23+$0x0], $0xffff;
	v7 =	vor.u32 v7, v13;
	v13 =	vadd.s32 v27, v42  }
0x2c3: {  	v50 =	vadd.s32 v22, v39;
	v0 =	vadd.s32 v19, v41;
	v9 =	vor.u32 v21, v38  }
0x2c4: {  	v11 =	vadd.s32 v22, v41;
	v14 =	vor.u32 v21, v37;
	v4 =	vadd.f32 v4, v34  }
0x2c5: {  	v22 =	vadd.s32 v22, v36;
	v3 =	vadd.f32 v3, v32;
	v8 =	vor.u32 v21, v40  }
0x2c6: {  	v51 =	vand.u32 $0x7, v12;
	v19 =	vor.u32 v20, v37;
	v1 =	vld [tilespmem:s26+$0xFFFFFFE0];
	v5 =	vadd.f32 v5, v33;
	[tilespmem:v2+s28+$0x0] =	vst.idx.msk $0xffff, v4  }
0x2c7: {  	v47 =	vshll.u32 v6, $0x7;
	v4 =	vadd.s32 v31, v12;
	v10 =	vadd.f32 v10, v35;
	v13 =	vld.idx.msk [tilespmem:v13+s23+$0x0], $0xffff;
	[tilespmem:$0x1FDC0] =	vst v31  }
0x2c8: {  	v12 =	vadd.s32 v44, v4;
	[tilespmem:v9+s28+$0x0] =	vst.idx.msk $0xffff, v5;
	v5 =	vand.u32 $0x7, v15;
	v9 =	vand.u32 $0xFFFFFFF8, v25;
	v0 =	vld.idx.msk [tilespmem:v0+s23+$0x0], $0xffff  }
0x2c9: {  	v43 =	vld.idx.msk [tilespmem:v7+s3+$0x0], $0xffff;
	[tilespmem:v14+s28+$0x0] =	vst.idx.msk $0xffff, v10;
	v7 =	vand.u32 $0xFFFFFFF8, v4;
	v54 =	vor.u32 v5, v9;
	v9 =	vand.u32 $0xFFFFFFF8, v12  }
0x2ca: {  	v2 =	vadd.s32 v44, v25;
	v57 =	vor.u32 v51, v7;
	v7 =	vor.u32 v51, v9;
	v9 =	vld.idx.msk [tilespmem:v50+s23+$0x0], $0xffff  }
0x2cb: {  	v29 =	vmovc v20;
	v20 =	vor.u32 v20, v38;
	v2 =	vand.u32 $0xFFFFFFF8, v2;
	v15 =	vor.u32 v26, v47;
	v12 =	vld.idx.msk [tilespmem:v22+s23+$0x0], $0xffff  }
0x2cc: {  	v6 =	vadd.s32 v53, v42;
	v24 =	vadd.s32 v31, v1;
	v5 =	vor.u32 v5, v2  }
0x2cd: {  	v1 =	vand.u32 $0x7, v1;
	v46 =	vand.u32 $0xFFFFFFF8, v24;
	v0 =	vadd.f32 v0, v34  }
0x2ce: {  	v10 =	vadd.s32 v44, v24;
	v50 =	vshll.u32 v24, $0x7;
	v24 =	vld [tilespmem:$0x1FF60];
	[tilespmem:v18+s28+$0x0] =	vst.idx.msk $0xffff, v3;
	v3 =	vadd.f32 v13, v43  }
0x2cf: {  	v58 =	vor.u32 v1, v46;
	[tilespmem:v8+s28+$0x0] =	vst.idx.msk $0xffff, v0;
	v0 =	vadd.f32 v9, v35  }
0x2d0: {  	v10 =	vand.u32 $0xFFFFFFF8, v10;
	v13 =	vld.idx.msk [tilespmem:v16+s23+$0x0], $0xffff;
	v8 =	vadd.f32 v12, v33;
	[tilespmem:v15+s28+$0x0] =	vst.idx.msk $0xffff, v3  }
0x2d1: {  	v10 =	vor.u32 v1, v10;
	v1 =	vadd.s32 v27, v58;
	v49 =	vld.idx.msk [tilespmem:v5+s3+$0x0], $0xffff;
	[tilespmem:v19+s28+$0x0] =	vst.idx.msk $0xffff, v0  }
0x2d2: {  	v17 =	vadd.s32 v63, v36;
	v46 =	vld.idx.msk [tilespmem:v7+s3+$0x0], $0xffff;
	[tilespmem:v20+s28+$0x0] =	vst.idx.msk $0xffff, v8  }
0x2d3: {  	v19 =	vld [tilespmem:$0x1FFA0]  }
0x2d4: {  	v52 =	vshll.u32 v4, $0x7;
	v14 =	vadd.s32 v27, v57;
	v3 =	vor.u32 v29, v45;
	v4 =	vld.idx.msk [tilespmem:v11+s23+$0x0], $0xffff  }
0x2d5: {  	v7 =	vadd.s32 v27, v54;
	v0 =	vld.idx.msk [tilespmem:v6+s23+$0x0], $0xffff  }
0x2d6: {  	v11 =	vadd.s32 v63, v60;
	v8 =	vld.idx.msk [tilespmem:v1+s23+$0x0], $0xffff;
	v1 =	vor.u32 v29, v40  }
0x2d7: {  	v16 =	vor.u32 v28, v47;
	v9 =	vadd.f32 v13, v32;
	v13 =	vld.idx.msk [tilespmem:v17+s23+$0x0], $0xffff;
	v17 =	vadd.s32 v63, v41  }
0x2d8: {  	v6 =	vld [tilespmem:$0x1FF70];
	v19 =	vadd.s32 v19, v42  }
0x2d9: {  	[tilespmem:v3+s28+$0x0] =	vst.idx.msk $0xffff, v9;
	v3 =	vld.idx.msk [tilespmem:v14+s23+$0x0], $0xffff;
	v4 =	vadd.f32 v4, v34  }
0x2da: {  	v18 =	vld.idx.msk [tilespmem:v7+s23+$0x0], $0xffff;
	v9 =	vor.u32 v24, v38;
	v0 =	vadd.f32 v0, v43  }
0x2db: {  	v51 =	vshll.u32 v25, $0x7;
	v12 =	vor.u32 v26, v52;
	v5 =	vld.idx.msk [tilespmem:v11+s23+$0x0], $0xffff;
	[tilespmem:v1+s28+$0x0] =	vst.idx.msk $0xffff, v4  }
0x2dc: {  	v20 =	vor.u32 v26, v51;
	[tilespmem:v16+s28+$0x0] =	vst.idx.msk $0xffff, v0;
	v16 =	vld.idx.msk [tilespmem:v17+s23+$0x0], $0xffff  }
0x2dd: {  	v14 =	vadd.s32 v63, v39;
	v0 =	vadd.f32 v13, v33;
	v17 =	vld.idx.msk [tilespmem:v19+s23+$0x0], $0xffff;
	v19 =	vor.u32 v24, v45  }
0x2de: {  	v55 =	vor.u32 v61, v45;
	v48 =	vld.idx.msk [tilespmem:v10+s3+$0x0], $0xffff;
	v3 =	vadd.f32 v3, v46  }
0x2df: {  	v2 =	vor.u32 v28, v52;
	[tilespmem:v9+s28+$0x0] =	vst.idx.msk $0xffff, v0;
	v0 =	vadd.f32 v18, v49  }
0x2e0: {  	v30 =	vmov v23;
	v31 =	vadd.s32 v53, v54;
	v5 =	vadd.f32 v5, v32;
	v18 =	vld [tilespmem:$0x1FF70];
	[tilespmem:v12+s28+$0x0] =	vst.idx.msk $0xffff, v3  }
0x2e1: {  	v15 =	vadd.s32 v53, v57;
	v29 =	vadd.s32 v30, v36;
	[tilespmem:v20+s28+$0x0] =	vst.idx.msk $0xffff, v0  }
0x2e2: {  	v10 =	vadd.s32 v30, v60;
	v7 =	vadd.s32 v53, v58;
	v44 =	vld.idx.msk [tilespmem:v14+s23+$0x0], $0xffff;
	[tilespmem:v19+s28+$0x0] =	vst.idx.msk $0xffff, v5  }
0x2e3: {  	v53 =	vor.u32 v61, v40;
	v11 =	vadd.f32 v8, v48;
	v59 =	vadd.s32 v6, v60;
	v19 =	vld [tilespmem:$0x1FFA0]  }
0x2e4: {  	v6 =	vor.u32 v26, v50;
	v1 =	vadd.s32 v62, v60;
	v62 =	vor.u32 v56, v45  }
0x2e5: {  	v25 =	vmovc v56;
	v56 =	vor.u32 v61, v37;
	v4 =	vor.u32 v28, v50;
	v13 =	vor.u32 v24, v40  }
0x2e6: {  	v14 =	vor.u32 v24, v37;
	v9 =	vadd.s32 v30, v41;
	v8 =	vld.idx.msk [tilespmem:v29+s23+$0x0], $0xffff;
	v3 =	vadd.s32 v30, v39  }
0x2e7: {  	v15 =	vld.idx.msk [tilespmem:v15+s23+$0x0], $0xffff;
	v0 =	vadd.f32 v16, v34;
	v12 =	vadd.f32 v44, v35;
	v60 =	vadd.s32 v18, v39  }
0x2e8: {  	s10 =	simm.s32 $0x4;
	s26 =	simm.s32 $0x32A0;
	v16 =	vld.idx.msk [tilespmem:v31+s23+$0x0], $0xffff;
	v61 =	vadd.s32 v18, v41;
	v63 =	vadd.f32 v17, v43;
	v5 =	vadd.s32 v19, v58  }
.LBB2_15:
0x2e9: {  	v10 =	vld.idx.msk [tilespmem:v10+s23+$0x0], $0xffff  }
0x2ea: {  	v24 =	vld [tilespmem:$0x1FFC0]  }
0x2eb: {  	v44 =	vld [tilespmem:$0x1FFE0]  }
0x2ec: {  	v31 =	vld [tilespmem:$0x1FF90]  }
0x2ed: {  	v20 =	vld [tilespmem:s26+$0x0]  }
0x2ee: {  	v21 =	vld [tilespmem:$0x1FFA0]  }
0x2ef: {  	v26 =	vld [tilespmem:$0x1FFB0]  }
0x2f0: {  	v28 =	vld [tilespmem:$0x1FF30]  }
0x2f1: {  	v29 =	vld [tilespmem:$0x1FF80]  }
0x2f2: {  	v30 =	vld [tilespmem:$0x1FF50];
	[tilespmem:v13+s28+$0x0] =	vst.idx.msk $0xffff, v0  }
0x2f3: {  	v17 =	vadd.s32 v19, v57;
	[tilespmem:v14+s28+$0x0] =	vst.idx.msk $0xffff, v12;
	v9 =	vld.idx.msk [tilespmem:v9+s23+$0x0], $0xffff  }
0x2f4: {  	v0 =	vadd.s32 v18, v36;
	v3 =	vld.idx.msk [tilespmem:v3+s23+$0x0], $0xffff;
	[tilespmem:v6+s28+$0x0] =	vst.idx.msk $0xffff, v11;
	v13 =	vor.u32 v24, v45  }
0x2f5: {  	v7 =	vld.idx.msk [tilespmem:v7+s23+$0x0], $0xffff;
	v18 =	vor.u32 v24, v38;
	v23 =	vor.u32 v24, v37;
	v24 =	vor.u32 v24, v40  }
0x2f6: {  	v15 =	vadd.f32 v15, v46;
	v45 =	vmov v47;
	v47 =	vld [tilespmem:$0x1FF10]  }
0x2f7: {  	v12 =	vadd.s32 v44, v39;
	v21 =	vadd.s32 v21, v54;
	v22 =	vadd.s32 v44, v36;
	v39 =	vmovc v54;
	v54 =	vld [tilespmem:$0x1FDC0]  }
0x2f8: {  	[tilespmem:v2+s28+$0x0] =	vst.idx.msk $0xffff, v15;
	v36 =	vmov v57;
	v57 =	vld [tilespmem:$0x1FDD0];
	v9 =	vadd.f32 v9, v34  }
0x2f9: {  	v19 =	vor.u32 v25, v38;
	v8 =	vadd.f32 v8, v33;
	v14 =	vor.u32 v31, v51;
	v15 =	vld.idx.msk [tilespmem:v17+s23+$0x0], $0xffff  }
0x2fa: {  	v25 =	vadd.s32 v44, v41;
	v10 =	vadd.f32 v10, v32;
	[tilespmem:v24+s28+$0x0] =	vst.idx.msk $0xffff, v9;
	v24 =	vld [tilespmem:$0x1FF20]  }
0x2fb: {  	v41 =	vmovc v58;
	v2 =	vadd.s32 v47, v58;
	[tilespmem:v18+s28+$0x0] =	vst.idx.msk $0xffff, v8;
	v58 =	vmov v55;
	v55 =	vmov v53;
	v53 =	vld [tilespmem:$0x1FFF0]  }
0x2fc: {  	v11 =	vadd.f32 v16, v49;
	v8 =	vadd.s32 v54, v20;
	v17 =	vld.idx.msk [tilespmem:v22+s23+$0x0], $0xffff  }
0x2fd: {  	[tilespmem:v13+s28+$0x0] =	vst.idx.msk $0xffff, v10;
	v9 =	vadd.f32 v3, v35;
	v10 =	vld [tilespmem:s26+$0xFFFFFFF0];
	v13 =	vadd.s32 v57, v8  }
0x2fe: {  	v16 =	vand.u32 $0x7, v20;
	v18 =	vand.u32 $0xFFFFFFF8, v8;
	v1 =	vld.idx.msk [tilespmem:v1+s23+$0x0], $0xffff;
	v13 =	vand.u32 $0xFFFFFFF8, v13  }
0x2ff: {  	v20 =	vld.idx.msk [tilespmem:v25+s23+$0x0], $0xffff;
	v3 =	vor.u32 v16, v18;
	[tilespmem:v23+s28+$0x0] =	vst.idx.msk $0xffff, v9;
	v13 =	vor.u32 v16, v13  }
0x300: {  	v16 =	vadd.s32 v28, v3;
	[tilespmem:v14+s28+$0x0] =	vst.idx.msk $0xffff, v11;
	v14 =	vadd.f32 v15, v46;
	v15 =	vld [tilespmem:$0x1FF20]  }
0x301: {  	v18 =	vor.u32 v26, v52;
	v11 =	vld.idx.msk [tilespmem:v12+s23+$0x0], $0xffff  }
0x302: {  	v12 =	vld [tilespmem:s26+$0xFFFFFFE0]  }
0x303: {  	v6 =	vor.u32 v26, v50;
	v7 =	vadd.f32 v7, v48;
	v21 =	vld.idx.msk [tilespmem:v21+s23+$0x0], $0xffff  }
0x304: {  	v22 =	vor.u32 v29, v38;
	v9 =	vor.u32 v26, v51;
	v23 =	vadd.s32 v47, v42;
	v25 =	vld [tilespmem:s26+$0x10]  }
0x305: {  	v24 =	vor.u32 v24, v37;
	v17 =	vadd.f32 v17, v33;
	v1 =	vadd.f32 v1, v32;
	v16 =	vld.idx.msk [tilespmem:v16+s23+$0x0], $0xffff  }
0x306: {  	v20 =	vadd.f32 v20, v34;
	[tilespmem:v18+s28+$0x0] =	vst.idx.msk $0xffff, v14;
	v14 =	vadd.s32 v53, v36;
	v13 =	vld.idx.msk [tilespmem:v13+s3+$0x0], $0xffff  }
0x307: {  	v37 =	vmov v51;
	v18 =	vor.u32 v26, v45;
	v15 =	vor.u32 v15, v40;
	[tilespmem:v62+s28+$0x0] =	vst.idx.msk $0xffff, v1;
	v62 =	vld [tilespmem:$0x1FF40]  }
0x308: {  	v26 =	vor.u32 v30, v37;
	[tilespmem:v19+s28+$0x0] =	vst.idx.msk $0xffff, v17;
	v1 =	vadd.f32 v11, v35  }
0x309: {  	v40 =	vmovc v50;
	v17 =	vor.u32 v30, v52;
	v19 =	vadd.s32 v47, v39;
	v50 =	vadd.s32 v47, v36  }
0x30a: {  	v47 =	vshll.u32 v8, $0x7;
	v0 =	vld.idx.msk [tilespmem:v0+s23+$0x0], $0xffff;
	v11 =	vand.u32 $0x7, v10;
	[tilespmem:v24+s28+$0x0] =	vst.idx.msk $0xffff, v1;
	v24 =	vadd.s32 v54, v25  }
0x30b: {  	v21 =	vadd.f32 v21, v49;
	v25 =	vand.u32 $0x7, v25;
	v51 =	vshll.u32 v24, $0x7  }
0x30c: {  	v8 =	vadd.s32 v62, v3;
	[tilespmem:v15+s28+$0x0] =	vst.idx.msk $0xffff, v20;
	v15 =	vld.idx.msk [tilespmem:v59+s23+$0x0], $0xffff;
	v20 =	vadd.s32 v54, v12  }
0x30d: {  	v12 =	vand.u32 $0x7, v12;
	v59 =	vand.u32 $0xFFFFFFF8, v24;
	v1 =	vand.u32 $0xFFFFFFF8, v20;
	[tilespmem:v4+s28+$0x0] =	vst.idx.msk $0xffff, v7  }
0x30e: {  	v27 =	vlaneseq.u32;
	v4 =	vld.idx.msk [tilespmem:v60+s23+$0x0], $0xffff;
	v7 =	vadd.s32 v57, v24;
	[tilespmem:v9+s28+$0x0] =	vst.idx.msk $0xffff, v21;
	v9 =	vadd.s32 v54, v10  }
0x30f: {  	v54 =	vor.u32 v25, v59;
	v0 =	vadd.f32 v0, v33;
	v21 =	vadd.s32 v57, v20;
	v10 =	vld.idx.msk [tilespmem:v61+s23+$0x0], $0xffff  }
0x310: {  	v59 =	vld.idx.msk [tilespmem:v50+s23+$0x0], $0xffff;
	v50 =	vshll.u32 v20, $0x7;
	v60 =	vadd.s32 v57, v9;
	v61 =	vand.u32 $0xFFFFFFF8, v9  }
0x311: {  	v24 =	vld [tilespmem:$0x1FF60];
	v21 =	vand.u32 $0xFFFFFFF8, v21;
	v60 =	vand.u32 $0xFFFFFFF8, v60;
	[tilespmem:v22+s28+$0x0] =	vst.idx.msk $0xffff, v0;
	v0 =	vadd.f32 v15, v32  }
0x312: {  	v19 =	vld.idx.msk [tilespmem:v19+s23+$0x0], $0xffff;
	v57 =	vor.u32 v11, v61;
	v61 =	vor.u32 v27, v47;
	v11 =	vor.u32 v11, v60  }
0x313: {  	v5 =	vld.idx.msk [tilespmem:v5+s23+$0x0], $0xffff;
	[tilespmem:v58+s28+$0x0] =	vst.idx.msk $0xffff, v0;
	v0 =	vadd.f32 v4, v35;
	v4 =	vor.u32 v12, v21  }
0x314: {  	v20 =	vld [tilespmem:$0x1FFA0];
	v7 =	vand.u32 $0xFFFFFFF8, v7;
	v58 =	vor.u32 v12, v1;
	v1 =	vadd.f32 v10, v34;
	[tilespmem:v18+s28+$0x0] =	vst.idx.msk $0xffff, v63  }
0x315: {  	v33 =	vmov v46;
	v10 =	vadd.f32 v16, v13;
	v12 =	vor.u32 v25, v7;
	v25 =	vld [tilespmem:$0x1FF20];
	[tilespmem:v56+s28+$0x0] =	vst.idx.msk $0xffff, v0  }
0x316: {  	v15 =	vadd.s32 v28, v57;
	v16 =	vadd.f32 v59, v33;
	v7 =	vld.idx.msk [tilespmem:v23+s23+$0x0], $0xffff;
	[tilespmem:v55+s28+$0x0] =	vst.idx.msk $0xffff, v1  }
0x317: {  	v46 =	vld.idx.msk [tilespmem:v11+s3+$0x0], $0xffff;
	v1 =	vadd.f32 v19, v49;
	[tilespmem:v61+s28+$0x0] =	vst.idx.msk $0xffff, v10  }
0x318: {  	[tilespmem:v17+s28+$0x0] =	vst.idx.msk $0xffff, v16;
	v8 =	vld.idx.msk [tilespmem:v8+s23+$0x0], $0xffff  }
0x319: {  	v5 =	vadd.f32 v5, v48;
	[tilespmem:v26+s28+$0x0] =	vst.idx.msk $0xffff, v1;
	v1 =	vld [tilespmem:$0x1FF70]  }
0x31a: {  	v38 =	vmov v52;
	v52 =	vshll.u32 v9, $0x7;
	v9 =	vor.u32 v30, v45;
	v10 =	vld.idx.msk [tilespmem:v14+s23+$0x0], $0xffff  }
0x31b: {  	v11 =	vadd.s32 v28, v54;
	[tilespmem:v6+s28+$0x0] =	vst.idx.msk $0xffff, v5;
	v15 =	vld.idx.msk [tilespmem:v15+s23+$0x0], $0xffff  }
0x31c: {  	v32 =	vmov v43;
	v0 =	vadd.s32 v28, v58;
	v5 =	vld.idx.msk [tilespmem:v2+s23+$0x0], $0xffff  }
0x31d: {  	v43 =	vmovc v13;
	v16 =	vor.u32 v31, v47;
	v14 =	vadd.s32 v53, v42;
	v26 =	vld [tilespmem:$0x1FFD0];
	v13 =	vadd.f32 v7, v32  }
0x31e: {  	v20 =	vadd.s32 v20, v3;
	v34 =	vmovc v48;
	v35 =	vmov v49;
	v48 =	vld.idx.msk [tilespmem:v4+s3+$0x0], $0xffff;
	v59 =	vadd.s32 v1, v42  }
0x31f: {  	v49 =	vld.idx.msk [tilespmem:v12+s3+$0x0], $0xffff;
	v1 =	vor.u32 v30, v40;
	[tilespmem:v9+s28+$0x0] =	vst.idx.msk $0xffff, v13;
	v9 =	vadd.s32 v53, v39  }
0x320: {  	v17 =	vld.idx.msk [tilespmem:v11+s23+$0x0], $0xffff;
	v11 =	vadd.s32 v53, v41;
	v8 =	vadd.f32 v8, v43  }
0x321: {  	v0 =	vld.idx.msk [tilespmem:v0+s23+$0x0], $0xffff;
	v4 =	vadd.f32 v5, v34;
	v5 =	vor.u32 v24, v38  }
0x322: {  	v21 =	vadd.s32 v26, v36;
	v14 =	vld.idx.msk [tilespmem:v14+s23+$0x0], $0xffff;
	[tilespmem:v16+s28+$0x0] =	vst.idx.msk $0xffff, v8  }
0x323: {  	v18 =	vor.u32 v27, v52;
	v20 =	vld.idx.msk [tilespmem:v20+s23+$0x0], $0xffff  }
0x324: {  	v19 =	vadd.s32 v62, v57;
	[tilespmem:v1+s28+$0x0] =	vst.idx.msk $0xffff, v4;
	v4 =	vadd.f32 v10, v33;
	v23 =	vld.idx.msk [tilespmem:v9+s23+$0x0], $0xffff  }
0x325: {  	v22 =	vadd.s32 v62, v54;
	v16 =	vld.idx.msk [tilespmem:v11+s23+$0x0], $0xffff  }
0x326: {  	v63 =	vlaneseq.u32;
	v15 =	vadd.f32 v15, v46;
	v11 =	vadd.f32 v0, v48;
	v0 =	vld [tilespmem:$0x1FF70];
	[tilespmem:v5+s28+$0x0] =	vst.idx.msk $0xffff, v4  }
0x327: {  	v55 =	vor.u32 v29, v45;
	v56 =	vor.u32 v29, v37;
	v6 =	vor.u32 v63, v50;
	v8 =	vld.idx.msk [tilespmem:v21+s23+$0x0], $0xffff  }
0x328: {  	v2 =	vor.u32 v31, v52;
	v12 =	vor.u32 v63, v51;
	[tilespmem:v18+s28+$0x0] =	vst.idx.msk $0xffff, v15;
	v18 =	vld [tilespmem:$0x1FF70]  }
0x329: {  	s10 =	sadd.s32 $0x4, s10;
	v7 =	vadd.s32 v62, v58;
	v62 =	vor.u32 v25, v45;
	v53 =	vor.u32 v29, v40;
	v15 =	vld.idx.msk [tilespmem:v19+s23+$0x0], $0xffff  }
0x32a: {  	p1 =	slt.u32 s10, $0xC;
	v13 =	vor.u32 v24, v40;
	v1 =	vadd.s32 v44, v42;
	v21 =	vor.u32 v24, v45;
	v19 =	vld [tilespmem:$0x1FFA0]  }
.Ltmp8:
0x32b: {  	v10 =	vadd.s32 v26, v42;
	v9 =	vadd.s32 v26, v41;
	v5 =	vadd.f32 v17, v49;
	(pc) =	sbr.rel @p1 .LBB2_15-.Ltmp8, $4  }
0x32c: {  	v42 =	vmovc v3;
	v3 =	vadd.s32 v26, v39;
	v4 =	vor.u32 v31, v50;
	v17 =	vadd.f32 v14, v32  }
0x32d: {  	v14 =	vor.u32 v24, v37;
	v63 =	vadd.f32 v20, v43;
	[tilespmem:v12+s28+$0x0] =	vst.idx.msk $0xffff, v5  }
0x32e: {  	v12 =	vadd.f32 v23, v35;
	v60 =	vadd.s32 v0, v39;
	v0 =	vadd.f32 v16, v34  }
0x32f: {  	s26 =	sadd.s32 $0x40, s26;
	v16 =	vld.idx.msk [tilespmem:v22+s23+$0x0], $0xffff;
	v61 =	vadd.s32 v18, v41;
	[tilespmem:v21+s28+$0x0] =	vst.idx.msk $0xffff, v17;
	v5 =	vadd.s32 v19, v58  }
0x330: {  	_ =	sdelay $0x3  }
0x331: {  	[tilespmem:v6+s28+$0x0] =	vst.idx.msk $0xffff, v11  }
0x332: {  	v20 =	vld [tilespmem:$0x1FF90];
	_ =	sdelay $0x4  }
0x333: {  	v6 =	vor.u32 v20, v51  }
0x334: {  	v15 =	vadd.f32 v15, v46  }
0x335: {  	v17 =	vadd.s32 v19, v57;
	[tilespmem:v13+s28+$0x0] =	vst.idx.msk $0xffff, v0  }
0x336: {  	[tilespmem:v2+s28+$0x0] =	vst.idx.msk $0xffff, v15;
	v11 =	vadd.f32 v16, v49  }
0x337: {  	v21 =	vld [tilespmem:$0x1FFB0]  }
0x338: {  	v7 =	vld.idx.msk [tilespmem:v7+s23+$0x0], $0xffff;
	[tilespmem:v6+s28+$0x0] =	vst.idx.msk $0xffff, v11  }
0x339: {  	v2 =	vadd.s32 v19, v54;
	v16 =	vld [tilespmem:$0x1FFC0]  }
0x33a: {  	v44 =	vld.idx.msk [tilespmem:v17+s23+$0x0], $0xffff  }
0x33b: {  	v26 =	vld [tilespmem:$0x1FF10]  }
0x33c: {  	v0 =	vor.u32 v21, v52  }
0x33d: {  	v13 =	vor.u32 v21, v47  }
0x33e: {  	v7 =	vadd.f32 v7, v48;
	v2 =	vld.idx.msk [tilespmem:v2+s23+$0x0], $0xffff;
	v6 =	vor.u32 v16, v38  }
0x33f: {  	v44 =	vadd.f32 v44, v46;
	[tilespmem:v14+s28+$0x0] =	vst.idx.msk $0xffff, v12  }
0x340: {  	[tilespmem:v4+s28+$0x0] =	vst.idx.msk $0xffff, v7;
	v7 =	vor.u32 v21, v51;
	v11 =	vadd.s32 v26, v57  }
0x341: {  	v10 =	vld.idx.msk [tilespmem:v10+s23+$0x0], $0xffff;
	v4 =	vadd.f32 v8, v33;
	[tilespmem:v0+s28+$0x0] =	vst.idx.msk $0xffff, v44  }
0x342: {  	v9 =	vld.idx.msk [tilespmem:v9+s23+$0x0], $0xffff;
	[tilespmem:v13+s28+$0x0] =	vst.idx.msk $0xffff, v63;
	v8 =	vadd.s32 v26, v42;
	v14 =	vor.u32 v16, v45  }
0x343: {  	v5 =	vld.idx.msk [tilespmem:v5+s23+$0x0], $0xffff;
	v0 =	vadd.s32 v26, v54;
	v2 =	vadd.f32 v2, v49;
	[tilespmem:v6+s28+$0x0] =	vst.idx.msk $0xffff, v4  }
0x344: {  	v22 =	vld [tilespmem:$0x1FF50]  }
0x345: {  	v12 =	vor.u32 v21, v50;
	v4 =	vld.idx.msk [tilespmem:v11+s23+$0x0], $0xffff;
	[tilespmem:v7+s28+$0x0] =	vst.idx.msk $0xffff, v2  }
0x346: {  	v10 =	vadd.f32 v10, v32;
	v6 =	vor.u32 v16, v40;
	v63 =	vld [tilespmem:$0x1FFF0]  }
0x347: {  	v7 =	vld.idx.msk [tilespmem:v8+s23+$0x0], $0xffff  }
0x348: {  	v5 =	vadd.f32 v5, v48;
	[tilespmem:v14+s28+$0x0] =	vst.idx.msk $0xffff, v10;
	v0 =	vld.idx.msk [tilespmem:v0+s23+$0x0], $0xffff  }
0x349: {  	v9 =	vadd.f32 v9, v34;
	v44 =	vadd.s32 v26, v58;
	v27 =	vld [tilespmem:$0x1FFE0];
	v45 =	vor.u32 v22, v52  }
0x34a: {  	[tilespmem:v12+s28+$0x0] =	vst.idx.msk $0xffff, v5;
	v5 =	vor.u32 v22, v47  }
0x34b: {  	[tilespmem:v6+s28+$0x0] =	vst.idx.msk $0xffff, v9;
	v6 =	vor.u32 v22, v51;
	v15 =	vadd.s32 v63, v57  }
0x34c: {  	v4 =	vadd.f32 v4, v46  }
0x34d: {  	v7 =	vadd.f32 v7, v43;
	v10 =	vadd.s32 v63, v42  }
0x34e: {  	v9 =	vld.idx.msk [tilespmem:v44+s23+$0x0], $0xffff;
	v0 =	vadd.f32 v0, v49;
	v8 =	vadd.s32 v27, v36;
	[tilespmem:v45+s28+$0x0] =	vst.idx.msk $0xffff, v4  }
0x34f: {  	v3 =	vld.idx.msk [tilespmem:v3+s23+$0x0], $0xffff;
	[tilespmem:v5+s28+$0x0] =	vst.idx.msk $0xffff, v7  }
0x350: {  	v4 =	vor.u32 v22, v50;
	[tilespmem:v6+s28+$0x0] =	vst.idx.msk $0xffff, v0;
	v2 =	vld.idx.msk [tilespmem:v15+s23+$0x0], $0xffff  }
0x351: {  	v44 =	vadd.s32 v63, v54;
	v23 =	vld [tilespmem:$0x1FFD0]  }
0x352: {  	v45 =	vor.u32 v16, v37;
	v6 =	vld.idx.msk [tilespmem:v10+s23+$0x0], $0xffff  }
0x353: {  	v13 =	vadd.s32 v63, v58;
	v14 =	vadd.f32 v9, v48;
	v5 =	vor.u32 v24, v52;
	v8 =	vld.idx.msk [tilespmem:v8+s23+$0x0], $0xffff;
	_ =	sdelay $0x1  }
0x354: {  	v3 =	vadd.f32 v3, v35;
	[tilespmem:v4+s28+$0x0] =	vst.idx.msk $0xffff, v14;
	v4 =	vor.u32 v24, v47  }
0x355: {  	v7 =	vor.u32 v25, v38;
	v44 =	vld.idx.msk [tilespmem:v44+s23+$0x0], $0xffff;
	v9 =	vadd.s32 v23, v57;
	v15 =	vadd.f32 v2, v46  }
0x356: {  	[tilespmem:v45+s28+$0x0] =	vst.idx.msk $0xffff, v3;
	v12 =	vadd.s32 v23, v42;
	v6 =	vadd.f32 v6, v43  }
0x357: {  	v45 =	vadd.f32 v8, v33;
	v8 =	vld.idx.msk [tilespmem:v13+s23+$0x0], $0xffff;
	[tilespmem:v5+s28+$0x0] =	vst.idx.msk $0xffff, v15;
	v5 =	vor.u32 v24, v51  }
0x358: {  	v1 =	vld.idx.msk [tilespmem:v1+s23+$0x0], $0xffff;
	v14 =	vadd.s32 v23, v54  }
0x359: {  	v13 =	vor.u32 v24, v50;
	[tilespmem:v4+s28+$0x0] =	vst.idx.msk $0xffff, v6;
	v4 =	vadd.s32 v27, v41  }
0x35a: {  	v2 =	vadd.f32 v44, v49;
	v15 =	vadd.s32 v23, v58;
	[tilespmem:v7+s28+$0x0] =	vst.idx.msk $0xffff, v45;
	v7 =	vld.idx.msk [tilespmem:v9+s23+$0x0], $0xffff  }
0x35b: {  	v6 =	vadd.s32 v27, v39  }
0x35c: {  	v44 =	vor.u32 v16, v52;
	v0 =	vld.idx.msk [tilespmem:v12+s23+$0x0], $0xffff;
	v8 =	vadd.f32 v8, v48;
	[tilespmem:v5+s28+$0x0] =	vst.idx.msk $0xffff, v2  }
0x35d: {  	v1 =	vadd.f32 v1, v32;
	v2 =	vld.idx.msk [tilespmem:v14+s23+$0x0], $0xffff  }
0x35e: {  	v5 =	vor.u32 v16, v47;
	[tilespmem:v13+s28+$0x0] =	vst.idx.msk $0xffff, v8;
	v4 =	vld.idx.msk [tilespmem:v4+s23+$0x0], $0xffff  }
0x35f: {  	[tilespmem:v62+s28+$0x0] =	vst.idx.msk $0xffff, v1;
	v45 =	vor.u32 v16, v51;
	v3 =	vld.idx.msk [tilespmem:v15+s23+$0x0], $0xffff;
	v7 =	vadd.f32 v7, v46  }
0x360: {  	v1 =	vadd.s32 v27, v42;
	v62 =	vor.u32 v25, v40;
	v8 =	vadd.s32 v27, v57;
	v6 =	vld.idx.msk [tilespmem:v6+s23+$0x0], $0xffff  }
0x361: {  	v0 =	vadd.f32 v0, v43;
	[tilespmem:v44+s28+$0x0] =	vst.idx.msk $0xffff, v7;
	v7 =	vor.u32 v16, v50  }
0x362: {  	v11 =	vadd.s32 v27, v54;
	v40 =	vor.u32 v25, v37;
	v2 =	vadd.f32 v2, v49  }
0x363: {  	[tilespmem:v5+s28+$0x0] =	vst.idx.msk $0xffff, v0;
	v44 =	vadd.f32 v4, v34  }
0x364: {  	v12 =	vadd.s32 v27, v58;
	v41 =	vadd.f32 v3, v48;
	[tilespmem:v45+s28+$0x0] =	vst.idx.msk $0xffff, v2  }
0x365: {  	v39 =	vadd.s32 v18, v36;
	v1 =	vld.idx.msk [tilespmem:v1+s23+$0x0], $0xffff;
	v45 =	vadd.f32 v6, v35;
	[tilespmem:v62+s28+$0x0] =	vst.idx.msk $0xffff, v44  }
0x366: {  	v3 =	vld.idx.msk [tilespmem:v8+s23+$0x0], $0xffff;
	[tilespmem:v7+s28+$0x0] =	vst.idx.msk $0xffff, v41  }
0x367: {  	v5 =	vld.idx.msk [tilespmem:v11+s23+$0x0], $0xffff;
	[tilespmem:v40+s28+$0x0] =	vst.idx.msk $0xffff, v45  }
0x368: {  	v4 =	vor.u32 v25, v52;
	v17 =	vld [tilespmem:$0x1FF80]  }
0x369: {  	v6 =	vadd.s32 v18, v57;
	v62 =	vor.u32 v25, v47;
	v7 =	vld.idx.msk [tilespmem:v12+s23+$0x0], $0xffff  }
0x36a: {  	v37 =	vor.u32 v25, v51;
	v36 =	vadd.s32 v18, v42;
	v8 =	vld.idx.msk [tilespmem:v39+s23+$0x0], $0xffff  }
0x36b: {  	v39 =	vld.idx.msk [tilespmem:v59+s23+$0x0], $0xffff;
	v40 =	vadd.s32 v18, v54;
	v41 =	vor.u32 v25, v50;
	v3 =	vadd.f32 v3, v46  }
0x36c: {  	v44 =	vadd.s32 v18, v58;
	v45 =	vld.idx.msk [tilespmem:v61+s23+$0x0], $0xffff;
	v1 =	vadd.f32 v1, v43  }
0x36d: {  	v14 =	vld.idx.msk [tilespmem:v60+s23+$0x0], $0xffff;
	[tilespmem:v4+s28+$0x0] =	vst.idx.msk $0xffff, v3;
	v4 =	vadd.f32 v5, v49;
	v42 =	vor.u32 v17, v38  }
0x36e: {  	[tilespmem:v62+s28+$0x0] =	vst.idx.msk $0xffff, v1;
	v57 =	vld.idx.msk [tilespmem:v6+s23+$0x0], $0xffff;
	v54 =	vadd.f32 v7, v48  }
0x36f: {  	v0 =	vld.idx.msk [tilespmem:v36+s23+$0x0], $0xffff;
	[tilespmem:v37+s28+$0x0] =	vst.idx.msk $0xffff, v4  }
0x370: {  	v4 =	vadd.f32 v8, v33;
	v6 =	vld.idx.msk [tilespmem:v40+s23+$0x0], $0xffff;
	[tilespmem:v41+s28+$0x0] =	vst.idx.msk $0xffff, v54  }
0x371: {  	v58 =	vadd.f32 v39, v32;
	v5 =	vor.u32 v17, v52;
	v8 =	vld.idx.msk [tilespmem:v44+s23+$0x0], $0xffff  }
0x372: {  	v7 =	vor.u32 v17, v47;
	[tilespmem:v42+s28+$0x0] =	vst.idx.msk $0xffff, v4;
	v4 =	vadd.f32 v14, v35  }
0x373: {  	[tilespmem:v55+s28+$0x0] =	vst.idx.msk $0xffff, v58;
	v59 =	vadd.f32 v45, v34;
	v60 =	vor.u32 v17, v51  }
0x374: {  	v2 =	vadd.f32 v57, v46;
	[tilespmem:v56+s28+$0x0] =	vst.idx.msk $0xffff, v4;
	v4 =	vor.u32 v17, v50  }
0x375: {  	p1 =	slt.u32 s31, $0x30;
	[tilespmem:v53+s28+$0x0] =	vst.idx.msk $0xffff, v59;
	v0 =	vadd.f32 v0, v43  }
.Ltmp9:
0x376: {  	[tilespmem:v5+s28+$0x0] =	vst.idx.msk $0xffff, v2;
	v61 =	vadd.f32 v6, v49;
	v62 =	vadd.f32 v8, v48;
	(pc) =	sbr.rel @p1 .LBB2_14-.Ltmp9, $4  }
0x377: {  	[tilespmem:v7+s28+$0x0] =	vst.idx.msk $0xffff, v0  }
0x378: {  	[tilespmem:v60+s28+$0x0] =	vst.idx.msk $0xffff, v61  }
0x379: {  	s10 =	sadd.s32 $0x10, s31;
	[tilespmem:v4+s28+$0x0] =	vst.idx.msk $0xffff, v62  }
0x37a: {  	s31 =	smov.u32 s10;
	v6 =	vmovc v20;
	v20 =	vmovc v22;
	v56 =	vmov v25;
	v61 =	vmov v17;
	v62 =	vmov v27;
	v44 =	vld [tilespmem:$0x1FDD0]  }
0x37b: {  	s10 =	sshll.u32 s11, $0x7  }
0x37c: {  	s7 =	sshll.u32 s7, $0xF;
	s10 =	sand.u32 $0xF00, s10  }
0x37d: {  	s7 =	sor.u32 s10, s7  }
0x37e: {  	s10 =	sadd.s32 s2, s7  }
0x37f: {  	[hbm4b:s10+s3] =	stream.linear.scatter [tilespmem:s28], [sflag:$0xB], $0x400, $0x38;
	[tilespmem:$0x13500] =	vst v63  }
0x380: {  	s26 =	simm.s32 $0xF900;
	s11 =	sadd.s32 s7, s12  }
0x381: {  	[hbm4b:s11+s3] =	stream.linear.scatter [tilespmem:s26], [sflag:$0xB], $0x400, $0x38;
	[tilespmem:$0x13500] =	vst v63  }
0x382: {  	s11 =	sadd.s32 s7, s13;
	s26 =	simm.s32 $0xFD00  }
0x383: {  	[hbm4b:s11+s3] =	stream.linear.scatter [tilespmem:s26], [sflag:$0xB], $0x400, $0x38;
	[tilespmem:$0x13500] =	vst v63  }
0x384: {  	s11 =	sadd.s32 s7, s14;
	s26 =	simm.s32 $0x10100  }
0x385: {  	[hbm4b:s11+s3] =	stream.linear.scatter [tilespmem:s26], [sflag:$0xB], $0x400, $0x38;
	[tilespmem:$0x13500] =	vst v63  }
0x386: {  	s11 =	sadd.s32 s7, s15;
	s26 =	simm.s32 $0x10500  }
0x387: {  	[hbm4b:s11+s3] =	stream.linear.scatter [tilespmem:s26], [sflag:$0xB], $0x400, $0x38;
	[tilespmem:$0x13500] =	vst v63  }
0x388: {  	s11 =	sadd.s32 s7, s16;
	s26 =	simm.s32 $0x10900  }
0x389: {  	[hbm4b:s11+s3] =	stream.linear.scatter [tilespmem:s26], [sflag:$0xB], $0x400, $0x38;
	[tilespmem:$0x13500] =	vst v63  }
0x38a: {  	s11 =	sadd.s32 s7, s17;
	s26 =	simm.s32 $0x10D00  }
0x38b: {  	[hbm4b:s11+s3] =	stream.linear.scatter [tilespmem:s26], [sflag:$0xB], $0x400, $0x38;
	[tilespmem:$0x13500] =	vst v63  }
0x38c: {  	s7 =	sadd.s32 s7, s18;
	s11 =	simm.s32 $0x11100  }
0x38d: {  	[hbm4b:s7+s3] =	stream.linear.scatter [tilespmem:s11], [sflag:$0xB], $0x400, $0x38;
	[tilespmem:$0x13500] =	vst v63  }
0x38e: {  	s7 =	rddreg [dreg:$0xa]  }
0x38f: {  	s7 =	sadd.s32 @!p0 s6, s7  }
0x390: {  	s7 =	sshll.u32 @!p0 s7, $0x4  }
0x391: {  	s7 =	sand.u32 @!p0 $0xFFFFFE0, s7  }
0x392: {  	s10 =	simm.s32 @!p0 $0x0;
	s11 =	simm.s32 @!p0 $0x3400;
	s7 =	sadd.s32 @!p0 s4, s7  }
0x393: {  	[tilespmem:s11], [sflag:$0x3] =	stream.linear.gather @!p0 [hbm4b:s7+s10], $0x80, $0x38;
	[tilespmem:$0x13500] =	vst v63  }
0x394: {  	_ =	swait.ge [sflag:s29], $0x400  }
0x395: {  	[sflag:s29] =	ssyncset.done $0x0  }
0x396: {  	[sflag:s29] =	ssyncadd.s32 $0xFFFFFC00  }
0x397: {  	_ =	swait.ge [sflag:s29], $0x400  }
0x398: {  	[sflag:s29] =	ssyncset.done $0x0  }
0x399: {  	[sflag:s29] =	ssyncadd.s32 $0xFFFFFC00  }
0x39a: {  	_ =	swait.ge [sflag:s29], $0x400  }
0x39b: {  	[sflag:s29] =	ssyncset.done $0x0  }
0x39c: {  	[sflag:s29] =	ssyncadd.s32 $0xFFFFFC00  }
0x39d: {  	_ =	swait.ge [sflag:s29], $0x400  }
0x39e: {  	[sflag:s29] =	ssyncset.done $0x0  }
0x39f: {  	[sflag:s29] =	ssyncadd.s32 $0xFFFFFC00  }
0x3a0: {  	_ =	swait.ge [sflag:s29], $0x400  }
0x3a1: {  	[sflag:s29] =	ssyncset.done $0x0  }
0x3a2: {  	[sflag:s29] =	ssyncadd.s32 $0xFFFFFC00  }
0x3a3: {  	_ =	swait.ge [sflag:s29], $0x400  }
0x3a4: {  	[sflag:s29] =	ssyncset.done $0x0  }
0x3a5: {  	[sflag:s29] =	ssyncadd.s32 $0xFFFFFC00  }
0x3a6: {  	_ =	swait.ge [sflag:s29], $0x400  }
0x3a7: {  	[sflag:s29] =	ssyncset.done $0x0  }
0x3a8: {  	[sflag:s29] =	ssyncadd.s32 $0xFFFFFC00  }
0x3a9: {  	_ =	swait.ge [sflag:s29], $0x400  }
0x3aa: {  	[sflag:s29] =	ssyncset.done $0x0  }
0x3ab: {  	s7 =	simm.s32 @!p0 $0x1;
	[sflag:s29] =	ssyncadd.s32 $0xFFFFFC00  }
0x3ac: {  	_ =	swait.ge @!p0 [sflag:s7], $0x80  }
0x3ad: {  	s26 =	sor.u32 $0x3, s6;
	s10 =	simm.s32 @!p0 $0x3300;
	[sflag:s7] =	ssyncset.done @!p0 $0x0  }
0x3ae: {  	s11 =	simm.s32 @!p0 $0x3500;
	[sflag:s7] =	ssyncadd.s32 @!p0 $0xFFFFFF80;
	s7 =	simm.s32 @!p0 $0x80  }
0x3af: {  	[tilespmem:s11], [sflag:$0x5] =	stream.indirect.gather @!p0 [hbm4b:s5+s7], $0x40, s10, s7, $0xb8;
	[tilespmem:$0x13500] =	vst v63  }
0x3b0: {  	s11 =	sadd.s32 s8, s26  }
0x3b1: {  	s26 =	simm.s32 $0x8;
	s7 =	sshrl.u32 s11, $0x5  }
0x3b2: {  	_ =	swait.ge [sflag:s26], $0x2000;
	s10 =	sshll.u32 s7, $0x6  }
0x3b3: {  	[sflag:s26] =	ssyncset.done $0x0;
	v44 =	vmov s10  }
0x3b4: {  	s31 =	simm.s32 $0x0;
	v7 =	vmov v26;
	[sflag:s26] =	ssyncadd.s32 $0xFFFFE000;
	[tilespmem:$0x1FDB0] =	vst v44  }
.LBB2_18:
0x3b5: {  	s10 =	simm.s32 $0x3220  }
0x3b6: {  	v0 =	vld [tilespmem:s10+$0x0];
	_ =	sdelay $0x2  }
0x3b7: {  	v15 =	vld [tilespmem:$0x1FF30]  }
0x3b8: {  	v43 =	vmov s31  }
0x3b9: {  	v1 =	vadd.s32 v43, v0  }
0x3ba: {  	v0 =	vand.u32 $0x7, v0;
	v2 =	vand.u32 $0xFFFFFFF8, v1  }
0x3bb: {  	v3 =	vadd.s32 v44, v1;
	v60 =	vor.u32 v0, v2  }
0x3bc: {  	v2 =	vld [tilespmem:s10+$0xFFFFFFF0];
	v3 =	vand.u32 $0xFFFFFFF8, v3;
	v4 =	vadd.s32 v15, v60  }
0x3bd: {  	v0 =	vor.u32 v0, v3  }
0x3be: {  	v53 =	vld [tilespmem:$0x1FF40]  }
0x3bf: {  	v3 =	vld [tilespmem:s10+$0x10];
	_ =	sdelay $0x1  }
0x3c0: {  	v12 =	vlaneseq.u32;
	v45 =	vshll.u32 v1, $0x7;
	v5 =	vadd.s32 v43, v2;
	v4 =	vld.idx.msk [tilespmem:v4+s30+$0x0], $0xffff  }
0x3c1: {  	v9 =	vor.u32 v12, v45;
	v32 =	vld.idx.msk [tilespmem:v0+s3+$0x0], $0xffff;
	v1 =	vadd.s32 v44, v5  }
0x3c2: {  	v0 =	vand.u32 $0x7, v2;
	v2 =	vadd.s32 v53, v60;
	v1 =	vand.u32 $0xFFFFFFF8, v1  }
0x3c3: {  	v29 =	vmovc v6;
	v22 =	vmovc v7;
	v7 =	vld [tilespmem:s10+$0xFFFFFFE0];
	v6 =	vadd.s32 v43, v3;
	v8 =	vand.u32 $0xFFFFFFF8, v5;
	v1 =	vor.u32 v0, v1  }
0x3c4: {  	v3 =	vand.u32 $0x7, v3;
	v10 =	vand.u32 $0xFFFFFFF8, v6;
	v36 =	vor.u32 v0, v8  }
0x3c5: {  	v0 =	vadd.s32 v44, v6;
	v39 =	vor.u32 v3, v10;
	v8 =	vadd.s32 v15, v36  }
0x3c6: {  	v0 =	vand.u32 $0xFFFFFFF8, v0;
	v10 =	vadd.s32 v15, v39;
	v4 =	vadd.f32 v4, v32  }
0x3c7: {  	v0 =	vor.u32 v3, v0  }
0x3c8: {  	v3 =	vadd.s32 v43, v7;
	v33 =	vld.idx.msk [tilespmem:v1+s3+$0x0], $0xffff;
	[tilespmem:v9+s20+$0x0] =	vst.idx.msk $0xffff, v4  }
0x3c9: {  	v1 =	vand.u32 $0x7, v7;
	v4 =	vand.u32 $0xFFFFFFF8, v3;
	v2 =	vld.idx.msk [tilespmem:v2+s30+$0x0], $0xffff  }
0x3ca: {  	v7 =	vadd.s32 v44, v3;
	v41 =	vor.u32 v1, v4;
	v4 =	vld.idx.msk [tilespmem:v8+s30+$0x0], $0xffff  }
0x3cb: {  	v38 =	vshll.u32 v5, $0x7;
	v7 =	vand.u32 $0xFFFFFFF8, v7;
	v5 =	vld.idx.msk [tilespmem:v10+s30+$0x0], $0xffff;
	v8 =	vadd.s32 v15, v41  }
0x3cc: {  	v1 =	vor.u32 v1, v7;
	v7 =	vor.u32 v12, v38;
	v35 =	vld.idx.msk [tilespmem:v0+s3+$0x0], $0xffff  }
0x3cd: {  	v37 =	vshll.u32 v6, $0x7;
	v6 =	vor.u32 v29, v45;
	v0 =	vadd.s32 v53, v36  }
0x3ce: {  	v10 =	vor.u32 v12, v37  }
0x3cf: {  	v11 =	vadd.s32 v53, v39;
	v4 =	vadd.f32 v4, v33  }
0x3d0: {  	v2 =	vadd.f32 v2, v32;
	v8 =	vld.idx.msk [tilespmem:v8+s30+$0x0], $0xffff  }
0x3d1: {  	v9 =	vadd.s32 v19, v60;
	v34 =	vld.idx.msk [tilespmem:v1+s3+$0x0], $0xffff;
	v1 =	vadd.f32 v5, v35;
	[tilespmem:v7+s20+$0x0] =	vst.idx.msk $0xffff, v4  }
0x3d2: {  	v40 =	vshll.u32 v3, $0x7;
	[tilespmem:v6+s20+$0x0] =	vst.idx.msk $0xffff, v2;
	v0 =	vld.idx.msk [tilespmem:v0+s30+$0x0], $0xffff  }
0x3d3: {  	v2 =	vor.u32 v12, v40;
	[tilespmem:v10+s20+$0x0] =	vst.idx.msk $0xffff, v1  }
0x3d4: {  	s26 =	simm.s32 $0x3260;
	v4 =	vadd.s32 v53, v41;
	v1 =	vor.u32 v29, v38;
	v5 =	vld.idx.msk [tilespmem:v11+s30+$0x0], $0xffff  }
0x3d5: {  	v6 =	vadd.s32 v19, v36;
	v7 =	vld [tilespmem:s26+$0x0]  }
0x3d6: {  	v3 =	vld.idx.msk [tilespmem:v9+s30+$0x0], $0xffff;
	v9 =	vor.u32 v29, v37;
	v8 =	vadd.f32 v8, v34  }
0x3d7: {  	v10 =	vadd.s32 v19, v39;
	v0 =	vadd.f32 v0, v33  }
0x3d8: {  	v12 =	vld [tilespmem:s26+$0xFFFFFFF0];
	[tilespmem:v2+s20+$0x0] =	vst.idx.msk $0xffff, v8  }
0x3d9: {  	v18 =	vor.u32 v21, v45;
	v4 =	vld.idx.msk [tilespmem:v4+s30+$0x0], $0xffff;
	[tilespmem:v1+s20+$0x0] =	vst.idx.msk $0xffff, v0;
	v1 =	vadd.f32 v5, v35  }
0x3da: {  	v16 =	vadd.s32 v22, v60;
	v50 =	vadd.s32 v22, v39;
	v5 =	vld.idx.msk [tilespmem:v6+s30+$0x0], $0xffff;
	v6 =	vadd.s32 v43, v7  }
0x3db: {  	v7 =	vand.u32 $0x7, v7;
	v13 =	vadd.s32 v44, v6;
	v14 =	vand.u32 $0xFFFFFFF8, v6;
	[tilespmem:v9+s20+$0x0] =	vst.idx.msk $0xffff, v1;
	v1 =	vld [tilespmem:s26+$0xFFFFFFE0]  }
0x3dc: {  	v2 =	vor.u32 v29, v40;
	v13 =	vand.u32 $0xFFFFFFF8, v13;
	v42 =	vor.u32 v7, v14;
	v10 =	vld.idx.msk [tilespmem:v10+s30+$0x0], $0xffff  }
0x3dd: {  	v11 =	vadd.s32 v22, v41;
	v7 =	vor.u32 v7, v13;
	v13 =	vadd.s32 v15, v42;
	v15 =	vld [tilespmem:s26+$0x10]  }
0x3de: {  	v22 =	vadd.s32 v22, v36;
	v0 =	vadd.s32 v19, v41;
	v9 =	vor.u32 v21, v38  }
0x3df: {  	v3 =	vadd.f32 v3, v32;
	v14 =	vor.u32 v21, v37;
	v4 =	vadd.f32 v4, v34  }
0x3e0: {  	v8 =	vor.u32 v21, v40;
	v19 =	vor.u32 v20, v37;
	v5 =	vadd.f32 v5, v33  }
0x3e1: {  	v27 =	vlaneseq.u32;
	[tilespmem:v2+s20+$0x0] =	vst.idx.msk $0xffff, v4;
	v4 =	vadd.s32 v43, v12;
	v24 =	vadd.s32 v43, v1  }
0x3e2: {  	v51 =	vand.u32 $0x7, v12;
	v10 =	vadd.f32 v10, v35;
	v13 =	vld.idx.msk [tilespmem:v13+s30+$0x0], $0xffff;
	v25 =	vadd.s32 v43, v15;
	[tilespmem:$0x1FDA0] =	vst v43  }
0x3e3: {  	v12 =	vadd.s32 v44, v4;
	[tilespmem:v9+s20+$0x0] =	vst.idx.msk $0xffff, v5;
	v5 =	vand.u32 $0x7, v15;
	v9 =	vand.u32 $0xFFFFFFF8, v25;
	v0 =	vld.idx.msk [tilespmem:v0+s30+$0x0], $0xffff  }
0x3e4: {  	v43 =	vld.idx.msk [tilespmem:v7+s3+$0x0], $0xffff;
	[tilespmem:v14+s20+$0x0] =	vst.idx.msk $0xffff, v10;
	v7 =	vand.u32 $0xFFFFFFF8, v4;
	v54 =	vor.u32 v5, v9;
	v9 =	vand.u32 $0xFFFFFFF8, v12  }
0x3e5: {  	v30 =	vmovc v20;
	v47 =	vshll.u32 v6, $0x7;
	v57 =	vor.u32 v51, v7;
	v7 =	vor.u32 v51, v9;
	v9 =	vld.idx.msk [tilespmem:v50+s30+$0x0], $0xffff  }
0x3e6: {  	v20 =	vor.u32 v20, v38;
	v2 =	vadd.s32 v44, v25;
	v15 =	vor.u32 v27, v47;
	v12 =	vld.idx.msk [tilespmem:v22+s30+$0x0], $0xffff  }
0x3e7: {  	v6 =	vadd.s32 v53, v42;
	v1 =	vand.u32 $0x7, v1;
	v2 =	vand.u32 $0xFFFFFFF8, v2  }
0x3e8: {  	v26 =	vand.u32 $0xFFFFFFF8, v24;
	v5 =	vor.u32 v5, v2;
	v0 =	vadd.f32 v0, v34  }
0x3e9: {  	v10 =	vadd.s32 v44, v24;
	v50 =	vshll.u32 v24, $0x7;
	v24 =	vld [tilespmem:$0x1FF60];
	[tilespmem:v18+s20+$0x0] =	vst.idx.msk $0xffff, v3;
	v3 =	vadd.f32 v13, v43  }
0x3ea: {  	v58 =	vor.u32 v1, v26;
	[tilespmem:v8+s20+$0x0] =	vst.idx.msk $0xffff, v0;
	v0 =	vadd.f32 v9, v35  }
0x3eb: {  	v10 =	vand.u32 $0xFFFFFFF8, v10;
	v13 =	vld.idx.msk [tilespmem:v16+s30+$0x0], $0xffff;
	v8 =	vadd.f32 v12, v33;
	[tilespmem:v15+s20+$0x0] =	vst.idx.msk $0xffff, v3  }
0x3ec: {  	v10 =	vor.u32 v1, v10;
	v1 =	vadd.s32 v28, v58;
	v46 =	vld.idx.msk [tilespmem:v7+s3+$0x0], $0xffff;
	[tilespmem:v19+s20+$0x0] =	vst.idx.msk $0xffff, v0  }
0x3ed: {  	v17 =	vadd.s32 v63, v36;
	v49 =	vld.idx.msk [tilespmem:v5+s3+$0x0], $0xffff;
	[tilespmem:v20+s20+$0x0] =	vst.idx.msk $0xffff, v8  }
0x3ee: {  	v19 =	vld [tilespmem:$0x1FFA0]  }
0x3ef: {  	v52 =	vshll.u32 v4, $0x7;
	v14 =	vadd.s32 v28, v57;
	v3 =	vor.u32 v30, v45;
	v4 =	vld.idx.msk [tilespmem:v11+s30+$0x0], $0xffff  }
0x3f0: {  	v7 =	vadd.s32 v28, v54;
	v0 =	vld.idx.msk [tilespmem:v6+s30+$0x0], $0xffff  }
0x3f1: {  	v11 =	vadd.s32 v63, v60;
	v8 =	vld.idx.msk [tilespmem:v1+s30+$0x0], $0xffff;
	v1 =	vor.u32 v30, v40  }
0x3f2: {  	v16 =	vor.u32 v29, v47;
	v9 =	vadd.f32 v13, v32;
	v13 =	vld.idx.msk [tilespmem:v17+s30+$0x0], $0xffff;
	v17 =	vadd.s32 v63, v41  }
0x3f3: {  	v6 =	vld [tilespmem:$0x1FF70];
	v19 =	vadd.s32 v19, v42  }
0x3f4: {  	[tilespmem:v3+s20+$0x0] =	vst.idx.msk $0xffff, v9;
	v3 =	vld.idx.msk [tilespmem:v14+s30+$0x0], $0xffff;
	v4 =	vadd.f32 v4, v34  }
0x3f5: {  	v21 =	vlaneseq.u32;
	v18 =	vld.idx.msk [tilespmem:v7+s30+$0x0], $0xffff;
	v9 =	vor.u32 v24, v38;
	v0 =	vadd.f32 v0, v43  }
0x3f6: {  	v51 =	vshll.u32 v25, $0x7;
	v12 =	vor.u32 v21, v52;
	v5 =	vld.idx.msk [tilespmem:v11+s30+$0x0], $0xffff;
	[tilespmem:v1+s20+$0x0] =	vst.idx.msk $0xffff, v4  }
0x3f7: {  	v20 =	vor.u32 v21, v51;
	[tilespmem:v16+s20+$0x0] =	vst.idx.msk $0xffff, v0;
	v16 =	vld.idx.msk [tilespmem:v17+s30+$0x0], $0xffff  }
0x3f8: {  	v14 =	vadd.s32 v63, v39;
	v0 =	vadd.f32 v13, v33;
	v17 =	vld.idx.msk [tilespmem:v19+s30+$0x0], $0xffff;
	v19 =	vor.u32 v24, v45  }
0x3f9: {  	v55 =	vor.u32 v61, v40;
	v3 =	vadd.f32 v3, v46  }
0x3fa: {  	v2 =	vor.u32 v29, v52;
	v48 =	vld.idx.msk [tilespmem:v10+s3+$0x0], $0xffff;
	[tilespmem:v9+s20+$0x0] =	vst.idx.msk $0xffff, v0;
	v0 =	vadd.f32 v18, v49  }
0x3fb: {  	v31 =	vmov v23;
	v59 =	vadd.s32 v6, v60;
	v5 =	vadd.f32 v5, v32;
	v18 =	vld [tilespmem:$0x1FF70];
	[tilespmem:v12+s20+$0x0] =	vst.idx.msk $0xffff, v3  }
0x3fc: {  	v6 =	vor.u32 v21, v50;
	v21 =	vadd.s32 v31, v36;
	[tilespmem:v20+s20+$0x0] =	vst.idx.msk $0xffff, v0  }
0x3fd: {  	v22 =	vadd.s32 v53, v54;
	v15 =	vadd.s32 v53, v57;
	v44 =	vld.idx.msk [tilespmem:v14+s30+$0x0], $0xffff;
	[tilespmem:v19+s20+$0x0] =	vst.idx.msk $0xffff, v5  }
0x3fe: {  	v10 =	vadd.s32 v31, v60;
	v7 =	vadd.s32 v53, v58;
	v53 =	vor.u32 v61, v45;
	v19 =	vld [tilespmem:$0x1FFA0]  }
0x3ff: {  	v11 =	vadd.f32 v8, v48;
	v1 =	vadd.s32 v62, v60;
	v62 =	vor.u32 v56, v45  }
0x400: {  	v25 =	vmovc v56;
	v56 =	vor.u32 v61, v37;
	v4 =	vor.u32 v29, v50;
	v13 =	vor.u32 v24, v40  }
0x401: {  	v14 =	vor.u32 v24, v37;
	v9 =	vadd.s32 v31, v41;
	v3 =	vadd.s32 v31, v39;
	v8 =	vld.idx.msk [tilespmem:v21+s30+$0x0], $0xffff  }
0x402: {  	v15 =	vld.idx.msk [tilespmem:v15+s30+$0x0], $0xffff;
	v0 =	vadd.f32 v16, v34;
	v12 =	vadd.f32 v44, v35;
	v60 =	vadd.s32 v18, v39  }
0x403: {  	s10 =	simm.s32 $0x4;
	s26 =	simm.s32 $0x32A0;
	v16 =	vld.idx.msk [tilespmem:v22+s30+$0x0], $0xffff;
	v61 =	vadd.s32 v18, v41;
	v63 =	vadd.f32 v17, v43;
	v5 =	vadd.s32 v19, v58  }
.LBB2_19:
0x404: {  	v10 =	vld.idx.msk [tilespmem:v10+s30+$0x0], $0xffff  }
0x405: {  	v24 =	vld [tilespmem:$0x1FFC0]  }
0x406: {  	v44 =	vld [tilespmem:$0x1FFE0]  }
0x407: {  	v31 =	vld [tilespmem:$0x1FF90]  }
0x408: {  	v20 =	vld [tilespmem:s26+$0x0]  }
0x409: {  	v21 =	vld [tilespmem:$0x1FFA0]  }
0x40a: {  	v26 =	vld [tilespmem:$0x1FFB0]  }
0x40b: {  	v29 =	vld [tilespmem:$0x1FF80]  }
0x40c: {  	v30 =	vld [tilespmem:$0x1FF50];
	[tilespmem:v13+s20+$0x0] =	vst.idx.msk $0xffff, v0  }
0x40d: {  	v17 =	vadd.s32 v19, v57;
	[tilespmem:v14+s20+$0x0] =	vst.idx.msk $0xffff, v12;
	v9 =	vld.idx.msk [tilespmem:v9+s30+$0x0], $0xffff  }
0x40e: {  	v19 =	vor.u32 v25, v38;
	v0 =	vadd.s32 v18, v36;
	v3 =	vld.idx.msk [tilespmem:v3+s30+$0x0], $0xffff;
	v18 =	vor.u32 v24, v38  }
0x40f: {  	v13 =	vor.u32 v24, v45;
	v23 =	vor.u32 v24, v37;
	v45 =	vmovc v47;
	v24 =	vor.u32 v24, v40;
	v47 =	vld [tilespmem:$0x1FF10]  }
0x410: {  	v15 =	vadd.f32 v15, v46;
	v12 =	vadd.s32 v44, v39;
	v21 =	vadd.s32 v21, v54;
	v39 =	vmovc v54;
	v54 =	vld [tilespmem:$0x1FDA0]  }
0x411: {  	v8 =	vadd.f32 v8, v33;
	[tilespmem:v6+s20+$0x0] =	vst.idx.msk $0xffff, v11;
	v22 =	vadd.s32 v44, v36;
	v36 =	vmov v57;
	v57 =	vld [tilespmem:$0x1FDB0]  }
0x412: {  	[tilespmem:v2+s20+$0x0] =	vst.idx.msk $0xffff, v15;
	v7 =	vld.idx.msk [tilespmem:v7+s30+$0x0], $0xffff;
	v11 =	vadd.f32 v16, v49;
	v9 =	vadd.f32 v9, v34  }
0x413: {  	v14 =	vor.u32 v31, v51;
	v10 =	vadd.f32 v10, v32;
	v15 =	vld.idx.msk [tilespmem:v17+s30+$0x0], $0xffff;
	[tilespmem:v18+s20+$0x0] =	vst.idx.msk $0xffff, v8  }
0x414: {  	v25 =	vadd.s32 v44, v41;
	v16 =	vand.u32 $0x7, v20;
	v41 =	vmov v58;
	[tilespmem:v24+s20+$0x0] =	vst.idx.msk $0xffff, v9;
	v24 =	vld [tilespmem:$0x1FF20]  }
0x415: {  	v2 =	vadd.s32 v47, v58;
	v8 =	vadd.s32 v54, v20;
	[tilespmem:v13+s20+$0x0] =	vst.idx.msk $0xffff, v10;
	v58 =	vmov v53;
	v53 =	vld [tilespmem:$0x1FFF0]  }
0x416: {  	v9 =	vadd.f32 v3, v35;
	v17 =	vld.idx.msk [tilespmem:v22+s30+$0x0], $0xffff;
	v13 =	vadd.s32 v57, v8;
	v18 =	vand.u32 $0xFFFFFFF8, v8  }
0x417: {  	v10 =	vld [tilespmem:s26+$0xFFFFFFF0];
	v13 =	vand.u32 $0xFFFFFFF8, v13;
	v3 =	vor.u32 v16, v18  }
0x418: {  	v18 =	vor.u32 v26, v52;
	[tilespmem:v23+s20+$0x0] =	vst.idx.msk $0xffff, v9;
	v13 =	vor.u32 v16, v13;
	v16 =	vld [tilespmem:$0x1FF30]  }
0x419: {  	[tilespmem:v14+s20+$0x0] =	vst.idx.msk $0xffff, v11;
	v14 =	vadd.f32 v15, v46;
	v15 =	vld [tilespmem:$0x1FF20]  }
0x41a: {  	v1 =	vld.idx.msk [tilespmem:v1+s30+$0x0], $0xffff  }
0x41b: {  	v20 =	vld.idx.msk [tilespmem:v25+s30+$0x0], $0xffff  }
0x41c: {  	v6 =	vor.u32 v26, v50;
	v7 =	vadd.f32 v7, v48;
	v11 =	vld.idx.msk [tilespmem:v12+s30+$0x0], $0xffff;
	v17 =	vadd.f32 v17, v33  }
0x41d: {  	v22 =	vor.u32 v29, v38;
	v12 =	vld [tilespmem:s26+$0xFFFFFFE0];
	[tilespmem:v18+s20+$0x0] =	vst.idx.msk $0xffff, v14;
	v16 =	vadd.s32 v16, v3  }
0x41e: {  	v9 =	vor.u32 v26, v51;
	v21 =	vld.idx.msk [tilespmem:v21+s30+$0x0], $0xffff;
	v15 =	vor.u32 v15, v40;
	[tilespmem:v19+s20+$0x0] =	vst.idx.msk $0xffff, v17  }
0x41f: {  	v23 =	vadd.s32 v47, v42;
	v24 =	vor.u32 v24, v37;
	v1 =	vadd.f32 v1, v32;
	v0 =	vld.idx.msk [tilespmem:v0+s30+$0x0], $0xffff  }
0x420: {  	v25 =	vld [tilespmem:s26+$0x10];
	v37 =	vmovc v51;
	v20 =	vadd.f32 v20, v34;
	v14 =	vadd.s32 v53, v36;
	v18 =	vor.u32 v26, v45  }
0x421: {  	v26 =	vor.u32 v30, v37;
	v17 =	vor.u32 v30, v52;
	v19 =	vadd.s32 v47, v39;
	v13 =	vld.idx.msk [tilespmem:v13+s3+$0x0], $0xffff  }
0x422: {  	v40 =	vmov v50;
	v50 =	vadd.s32 v47, v36;
	v47 =	vshll.u32 v8, $0x7;
	v16 =	vld.idx.msk [tilespmem:v16+s30+$0x0], $0xffff;
	[tilespmem:v62+s20+$0x0] =	vst.idx.msk $0xffff, v1  }
0x423: {  	v21 =	vadd.f32 v21, v49;
	v1 =	vadd.f32 v11, v35;
	v11 =	vand.u32 $0x7, v10;
	v62 =	vld [tilespmem:$0x1FF40];
	[tilespmem:v15+s20+$0x0] =	vst.idx.msk $0xffff, v20  }
0x424: {  	v27 =	vlaneseq.u32;
	v20 =	vadd.s32 v54, v12;
	v15 =	vld.idx.msk [tilespmem:v59+s30+$0x0], $0xffff;
	[tilespmem:v4+s20+$0x0] =	vst.idx.msk $0xffff, v7;
	v0 =	vadd.f32 v0, v33  }
0x425: {  	v12 =	vand.u32 $0x7, v12;
	[tilespmem:v24+s20+$0x0] =	vst.idx.msk $0xffff, v1;
	v1 =	vand.u32 $0xFFFFFFF8, v20;
	v24 =	vadd.s32 v54, v25;
	v5 =	vld.idx.msk [tilespmem:v5+s30+$0x0], $0xffff  }
0x426: {  	v25 =	vand.u32 $0x7, v25;
	v4 =	vld.idx.msk [tilespmem:v60+s30+$0x0], $0xffff;
	v7 =	vadd.s32 v57, v24;
	v59 =	vand.u32 $0xFFFFFFF8, v24  }
0x427: {  	[tilespmem:v9+s20+$0x0] =	vst.idx.msk $0xffff, v21;
	v9 =	vadd.s32 v54, v10;
	v21 =	vadd.s32 v57, v20;
	v51 =	vshll.u32 v24, $0x7  }
0x428: {  	v10 =	vld.idx.msk [tilespmem:v61+s30+$0x0], $0xffff;
	v54 =	vor.u32 v25, v59;
	v60 =	vadd.s32 v57, v9;
	v61 =	vand.u32 $0xFFFFFFF8, v9  }
0x429: {  	v59 =	vld.idx.msk [tilespmem:v50+s30+$0x0], $0xffff;
	[tilespmem:v22+s20+$0x0] =	vst.idx.msk $0xffff, v0;
	v21 =	vand.u32 $0xFFFFFFF8, v21;
	v7 =	vand.u32 $0xFFFFFFF8, v7;
	v0 =	vadd.f32 v15, v32  }
0x42a: {  	v19 =	vld.idx.msk [tilespmem:v19+s30+$0x0], $0xffff;
	v8 =	vadd.s32 v62, v3;
	v60 =	vand.u32 $0xFFFFFFF8, v60;
	v57 =	vor.u32 v11, v61  }
0x42b: {  	v24 =	vld [tilespmem:$0x1FF60];
	v50 =	vshll.u32 v20, $0x7;
	v61 =	vor.u32 v27, v47;
	v11 =	vor.u32 v11, v60;
	[tilespmem:v58+s20+$0x0] =	vst.idx.msk $0xffff, v0  }
0x42c: {  	v38 =	vmovc v52;
	v20 =	vld [tilespmem:$0x1FFA0];
	v0 =	vadd.f32 v4, v35;
	v4 =	vor.u32 v12, v21;
	v58 =	vor.u32 v12, v1  }
0x42d: {  	v52 =	vshll.u32 v9, $0x7;
	v1 =	vadd.f32 v10, v34;
	v12 =	vor.u32 v25, v7;
	v25 =	vld [tilespmem:$0x1FF20];
	[tilespmem:v18+s20+$0x0] =	vst.idx.msk $0xffff, v63  }
0x42e: {  	v10 =	vadd.f32 v16, v13;
	v18 =	vor.u32 v27, v52;
	v27 =	vld [tilespmem:$0x1FFD0];
	[tilespmem:v56+s20+$0x0] =	vst.idx.msk $0xffff, v0  }
0x42f: {  	v33 =	vmov v46;
	v7 =	vld.idx.msk [tilespmem:v23+s30+$0x0], $0xffff;
	[tilespmem:v55+s20+$0x0] =	vst.idx.msk $0xffff, v1;
	v1 =	vadd.f32 v19, v49  }
0x430: {  	v15 =	vadd.s32 v28, v57;
	v5 =	vadd.f32 v5, v48;
	[tilespmem:v61+s20+$0x0] =	vst.idx.msk $0xffff, v10;
	v46 =	vld.idx.msk [tilespmem:v11+s3+$0x0], $0xffff  }
0x431: {  	v16 =	vadd.f32 v59, v33;
	[tilespmem:v26+s20+$0x0] =	vst.idx.msk $0xffff, v1;
	v1 =	vld [tilespmem:$0x1FF70]  }
0x432: {  	v9 =	vor.u32 v30, v45;
	[tilespmem:v6+s20+$0x0] =	vst.idx.msk $0xffff, v5;
	v8 =	vld.idx.msk [tilespmem:v8+s30+$0x0], $0xffff  }
0x433: {  	v11 =	vadd.s32 v28, v54;
	[tilespmem:v17+s20+$0x0] =	vst.idx.msk $0xffff, v16;
	v5 =	vld.idx.msk [tilespmem:v2+s30+$0x0], $0xffff  }
0x434: {  	v32 =	vmov v43;
	v43 =	vmov v13;
	v0 =	vadd.s32 v28, v58;
	v10 =	vld.idx.msk [tilespmem:v14+s30+$0x0], $0xffff  }
0x435: {  	v16 =	vor.u32 v31, v47;
	v14 =	vadd.s32 v53, v42;
	v15 =	vld.idx.msk [tilespmem:v15+s30+$0x0], $0xffff;
	v13 =	vadd.f32 v7, v32  }
0x436: {  	v34 =	vmovc v48;
	v35 =	vmov v49;
	v20 =	vadd.s32 v20, v3;
	v48 =	vld.idx.msk [tilespmem:v4+s3+$0x0], $0xffff;
	v59 =	vadd.s32 v1, v42  }
0x437: {  	v49 =	vld.idx.msk [tilespmem:v12+s3+$0x0], $0xffff;
	v1 =	vor.u32 v30, v40;
	[tilespmem:v9+s20+$0x0] =	vst.idx.msk $0xffff, v13;
	v9 =	vadd.s32 v53, v39  }
0x438: {  	v17 =	vld.idx.msk [tilespmem:v11+s30+$0x0], $0xffff;
	v11 =	vadd.s32 v53, v41;
	v8 =	vadd.f32 v8, v43  }
0x439: {  	v0 =	vld.idx.msk [tilespmem:v0+s30+$0x0], $0xffff;
	v4 =	vadd.f32 v5, v34;
	v5 =	vor.u32 v24, v38  }
0x43a: {  	v21 =	vadd.s32 v27, v36;
	v14 =	vld.idx.msk [tilespmem:v14+s30+$0x0], $0xffff;
	[tilespmem:v16+s20+$0x0] =	vst.idx.msk $0xffff, v8  }
0x43b: {  	v20 =	vld.idx.msk [tilespmem:v20+s30+$0x0], $0xffff  }
0x43c: {  	v19 =	vadd.s32 v62, v57;
	[tilespmem:v1+s20+$0x0] =	vst.idx.msk $0xffff, v4;
	v4 =	vadd.f32 v10, v33;
	v23 =	vld.idx.msk [tilespmem:v9+s30+$0x0], $0xffff  }
0x43d: {  	v22 =	vadd.s32 v62, v54;
	v16 =	vld.idx.msk [tilespmem:v11+s30+$0x0], $0xffff  }
0x43e: {  	v63 =	vlaneseq.u32;
	v15 =	vadd.f32 v15, v46;
	v11 =	vadd.f32 v0, v48;
	v0 =	vld [tilespmem:$0x1FF70];
	[tilespmem:v5+s20+$0x0] =	vst.idx.msk $0xffff, v4  }
0x43f: {  	v55 =	vor.u32 v29, v40;
	v56 =	vor.u32 v29, v37;
	v6 =	vor.u32 v63, v50;
	v8 =	vld.idx.msk [tilespmem:v21+s30+$0x0], $0xffff  }
0x440: {  	v2 =	vor.u32 v31, v52;
	v12 =	vor.u32 v63, v51;
	[tilespmem:v18+s20+$0x0] =	vst.idx.msk $0xffff, v15;
	v18 =	vld [tilespmem:$0x1FF70]  }
0x441: {  	s10 =	sadd.s32 $0x4, s10;
	v7 =	vadd.s32 v62, v58;
	v62 =	vor.u32 v25, v45;
	v53 =	vor.u32 v29, v45;
	v15 =	vld.idx.msk [tilespmem:v19+s30+$0x0], $0xffff  }
0x442: {  	p1 =	slt.u32 s10, $0xC;
	v13 =	vor.u32 v24, v40;
	v1 =	vadd.s32 v44, v42;
	v21 =	vor.u32 v24, v45;
	v19 =	vld [tilespmem:$0x1FFA0]  }
.Ltmp10:
0x443: {  	v10 =	vadd.s32 v27, v42;
	v9 =	vadd.s32 v27, v41;
	v5 =	vadd.f32 v17, v49;
	(pc) =	sbr.rel @p1 .LBB2_19-.Ltmp10, $4  }
0x444: {  	v42 =	vmovc v3;
	v3 =	vadd.s32 v27, v39;
	v4 =	vor.u32 v31, v50;
	v17 =	vadd.f32 v14, v32  }
0x445: {  	v14 =	vor.u32 v24, v37;
	v63 =	vadd.f32 v20, v43;
	[tilespmem:v12+s20+$0x0] =	vst.idx.msk $0xffff, v5  }
0x446: {  	v12 =	vadd.f32 v23, v35;
	v60 =	vadd.s32 v0, v39;
	v0 =	vadd.f32 v16, v34  }
0x447: {  	s26 =	sadd.s32 $0x40, s26;
	v26 =	vlaneseq.u32;
	v16 =	vld.idx.msk [tilespmem:v22+s30+$0x0], $0xffff;
	v61 =	vadd.s32 v18, v41;
	[tilespmem:v21+s20+$0x0] =	vst.idx.msk $0xffff, v17;
	v5 =	vadd.s32 v19, v58  }
0x448: {  	_ =	sdelay $0x3  }
0x449: {  	[tilespmem:v6+s20+$0x0] =	vst.idx.msk $0xffff, v11  }
0x44a: {  	v20 =	vld [tilespmem:$0x1FF90];
	_ =	sdelay $0x4  }
0x44b: {  	v6 =	vor.u32 v20, v51  }
0x44c: {  	v15 =	vadd.f32 v15, v46  }
0x44d: {  	v17 =	vadd.s32 v19, v57;
	[tilespmem:v13+s20+$0x0] =	vst.idx.msk $0xffff, v0  }
0x44e: {  	[tilespmem:v2+s20+$0x0] =	vst.idx.msk $0xffff, v15;
	v11 =	vadd.f32 v16, v49  }
0x44f: {  	v21 =	vld [tilespmem:$0x1FFB0]  }
0x450: {  	v7 =	vld.idx.msk [tilespmem:v7+s30+$0x0], $0xffff;
	[tilespmem:v6+s20+$0x0] =	vst.idx.msk $0xffff, v11  }
0x451: {  	v2 =	vadd.s32 v19, v54;
	v22 =	vld [tilespmem:$0x1FFC0]  }
0x452: {  	v44 =	vld.idx.msk [tilespmem:v17+s30+$0x0], $0xffff  }
0x453: {  	v16 =	vld [tilespmem:$0x1FF10]  }
0x454: {  	v0 =	vor.u32 v21, v52  }
0x455: {  	v13 =	vor.u32 v21, v47  }
0x456: {  	v7 =	vadd.f32 v7, v48;
	v2 =	vld.idx.msk [tilespmem:v2+s30+$0x0], $0xffff;
	v6 =	vor.u32 v22, v38  }
0x457: {  	v44 =	vadd.f32 v44, v46;
	[tilespmem:v14+s20+$0x0] =	vst.idx.msk $0xffff, v12  }
0x458: {  	[tilespmem:v4+s20+$0x0] =	vst.idx.msk $0xffff, v7;
	v7 =	vor.u32 v21, v51;
	v11 =	vadd.s32 v16, v57  }
0x459: {  	v10 =	vld.idx.msk [tilespmem:v10+s30+$0x0], $0xffff;
	v4 =	vadd.f32 v8, v33;
	[tilespmem:v0+s20+$0x0] =	vst.idx.msk $0xffff, v44  }
0x45a: {  	v9 =	vld.idx.msk [tilespmem:v9+s30+$0x0], $0xffff;
	[tilespmem:v13+s20+$0x0] =	vst.idx.msk $0xffff, v63;
	v8 =	vadd.s32 v16, v42;
	v14 =	vor.u32 v22, v45  }
0x45b: {  	v5 =	vld.idx.msk [tilespmem:v5+s30+$0x0], $0xffff;
	v0 =	vadd.s32 v16, v54;
	v2 =	vadd.f32 v2, v49;
	[tilespmem:v6+s20+$0x0] =	vst.idx.msk $0xffff, v4  }
0x45c: {  	v27 =	vld [tilespmem:$0x1FF50]  }
0x45d: {  	v12 =	vor.u32 v21, v50;
	v4 =	vld.idx.msk [tilespmem:v11+s30+$0x0], $0xffff;
	[tilespmem:v7+s20+$0x0] =	vst.idx.msk $0xffff, v2  }
0x45e: {  	v10 =	vadd.f32 v10, v32;
	v6 =	vor.u32 v22, v40;
	v63 =	vld [tilespmem:$0x1FFF0]  }
0x45f: {  	v7 =	vld.idx.msk [tilespmem:v8+s30+$0x0], $0xffff  }
0x460: {  	v5 =	vadd.f32 v5, v48;
	[tilespmem:v14+s20+$0x0] =	vst.idx.msk $0xffff, v10;
	v0 =	vld.idx.msk [tilespmem:v0+s30+$0x0], $0xffff  }
0x461: {  	v9 =	vadd.f32 v9, v34;
	v44 =	vadd.s32 v16, v58;
	v29 =	vld [tilespmem:$0x1FFE0];
	v45 =	vor.u32 v27, v52  }
0x462: {  	[tilespmem:v12+s20+$0x0] =	vst.idx.msk $0xffff, v5;
	v5 =	vor.u32 v27, v47  }
0x463: {  	[tilespmem:v6+s20+$0x0] =	vst.idx.msk $0xffff, v9;
	v6 =	vor.u32 v27, v51;
	v15 =	vadd.s32 v63, v57  }
0x464: {  	v4 =	vadd.f32 v4, v46  }
0x465: {  	v7 =	vadd.f32 v7, v43;
	v10 =	vadd.s32 v63, v42  }
0x466: {  	v9 =	vld.idx.msk [tilespmem:v44+s30+$0x0], $0xffff;
	v0 =	vadd.f32 v0, v49;
	v8 =	vadd.s32 v29, v36;
	[tilespmem:v45+s20+$0x0] =	vst.idx.msk $0xffff, v4  }
0x467: {  	v3 =	vld.idx.msk [tilespmem:v3+s30+$0x0], $0xffff;
	[tilespmem:v5+s20+$0x0] =	vst.idx.msk $0xffff, v7  }
0x468: {  	v4 =	vor.u32 v27, v50;
	[tilespmem:v6+s20+$0x0] =	vst.idx.msk $0xffff, v0;
	v2 =	vld.idx.msk [tilespmem:v15+s30+$0x0], $0xffff  }
0x469: {  	v44 =	vadd.s32 v63, v54;
	v23 =	vld [tilespmem:$0x1FFD0]  }
0x46a: {  	v45 =	vor.u32 v22, v37;
	v6 =	vld.idx.msk [tilespmem:v10+s30+$0x0], $0xffff  }
0x46b: {  	v13 =	vadd.s32 v63, v58;
	v14 =	vadd.f32 v9, v48;
	v5 =	vor.u32 v24, v52;
	v8 =	vld.idx.msk [tilespmem:v8+s30+$0x0], $0xffff;
	_ =	sdelay $0x1  }
0x46c: {  	v3 =	vadd.f32 v3, v35;
	[tilespmem:v4+s20+$0x0] =	vst.idx.msk $0xffff, v14;
	v4 =	vor.u32 v24, v47  }
0x46d: {  	v7 =	vor.u32 v25, v38;
	v44 =	vld.idx.msk [tilespmem:v44+s30+$0x0], $0xffff;
	v9 =	vadd.s32 v23, v57;
	v15 =	vadd.f32 v2, v46  }
0x46e: {  	[tilespmem:v45+s20+$0x0] =	vst.idx.msk $0xffff, v3;
	v12 =	vadd.s32 v23, v42;
	v6 =	vadd.f32 v6, v43  }
0x46f: {  	v45 =	vadd.f32 v8, v33;
	v8 =	vld.idx.msk [tilespmem:v13+s30+$0x0], $0xffff;
	[tilespmem:v5+s20+$0x0] =	vst.idx.msk $0xffff, v15;
	v5 =	vor.u32 v24, v51  }
0x470: {  	v1 =	vld.idx.msk [tilespmem:v1+s30+$0x0], $0xffff;
	v14 =	vadd.s32 v23, v54  }
0x471: {  	v13 =	vor.u32 v24, v50;
	[tilespmem:v4+s20+$0x0] =	vst.idx.msk $0xffff, v6;
	v4 =	vadd.s32 v29, v41  }
0x472: {  	v2 =	vadd.f32 v44, v49;
	v15 =	vadd.s32 v23, v58;
	[tilespmem:v7+s20+$0x0] =	vst.idx.msk $0xffff, v45;
	v7 =	vld.idx.msk [tilespmem:v9+s30+$0x0], $0xffff  }
0x473: {  	v6 =	vadd.s32 v29, v39  }
0x474: {  	v44 =	vor.u32 v22, v52;
	v0 =	vld.idx.msk [tilespmem:v12+s30+$0x0], $0xffff;
	v8 =	vadd.f32 v8, v48;
	[tilespmem:v5+s20+$0x0] =	vst.idx.msk $0xffff, v2  }
0x475: {  	v1 =	vadd.f32 v1, v32;
	v2 =	vld.idx.msk [tilespmem:v14+s30+$0x0], $0xffff  }
0x476: {  	v5 =	vor.u32 v22, v47;
	[tilespmem:v13+s20+$0x0] =	vst.idx.msk $0xffff, v8;
	v4 =	vld.idx.msk [tilespmem:v4+s30+$0x0], $0xffff  }
0x477: {  	[tilespmem:v62+s20+$0x0] =	vst.idx.msk $0xffff, v1;
	v45 =	vor.u32 v22, v51;
	v3 =	vld.idx.msk [tilespmem:v15+s30+$0x0], $0xffff;
	v7 =	vadd.f32 v7, v46  }
0x478: {  	v1 =	vadd.s32 v29, v42;
	v62 =	vor.u32 v25, v40;
	v8 =	vadd.s32 v29, v57;
	v6 =	vld.idx.msk [tilespmem:v6+s30+$0x0], $0xffff  }
0x479: {  	v0 =	vadd.f32 v0, v43;
	[tilespmem:v44+s20+$0x0] =	vst.idx.msk $0xffff, v7;
	v7 =	vor.u32 v22, v50  }
0x47a: {  	v11 =	vadd.s32 v29, v54;
	v40 =	vor.u32 v25, v37;
	v2 =	vadd.f32 v2, v49  }
0x47b: {  	[tilespmem:v5+s20+$0x0] =	vst.idx.msk $0xffff, v0;
	v44 =	vadd.f32 v4, v34  }
0x47c: {  	v12 =	vadd.s32 v29, v58;
	v41 =	vadd.f32 v3, v48;
	[tilespmem:v45+s20+$0x0] =	vst.idx.msk $0xffff, v2  }
0x47d: {  	v39 =	vadd.s32 v18, v36;
	v1 =	vld.idx.msk [tilespmem:v1+s30+$0x0], $0xffff;
	v45 =	vadd.f32 v6, v35;
	[tilespmem:v62+s20+$0x0] =	vst.idx.msk $0xffff, v44  }
0x47e: {  	v3 =	vld.idx.msk [tilespmem:v8+s30+$0x0], $0xffff;
	[tilespmem:v7+s20+$0x0] =	vst.idx.msk $0xffff, v41  }
0x47f: {  	v5 =	vld.idx.msk [tilespmem:v11+s30+$0x0], $0xffff;
	[tilespmem:v40+s20+$0x0] =	vst.idx.msk $0xffff, v45  }
0x480: {  	v4 =	vor.u32 v25, v52;
	v17 =	vld [tilespmem:$0x1FF80]  }
0x481: {  	v6 =	vadd.s32 v18, v57;
	v62 =	vor.u32 v25, v47;
	v7 =	vld.idx.msk [tilespmem:v12+s30+$0x0], $0xffff  }
0x482: {  	v37 =	vor.u32 v25, v51;
	v36 =	vadd.s32 v18, v42;
	v8 =	vld.idx.msk [tilespmem:v39+s30+$0x0], $0xffff  }
0x483: {  	v39 =	vld.idx.msk [tilespmem:v59+s30+$0x0], $0xffff;
	v40 =	vadd.s32 v18, v54;
	v41 =	vor.u32 v25, v50;
	v3 =	vadd.f32 v3, v46  }
0x484: {  	v44 =	vadd.s32 v18, v58;
	v45 =	vld.idx.msk [tilespmem:v61+s30+$0x0], $0xffff;
	v1 =	vadd.f32 v1, v43  }
0x485: {  	v14 =	vld.idx.msk [tilespmem:v60+s30+$0x0], $0xffff;
	[tilespmem:v4+s20+$0x0] =	vst.idx.msk $0xffff, v3;
	v4 =	vadd.f32 v5, v49;
	v42 =	vor.u32 v17, v38  }
0x486: {  	[tilespmem:v62+s20+$0x0] =	vst.idx.msk $0xffff, v1;
	v57 =	vld.idx.msk [tilespmem:v6+s30+$0x0], $0xffff;
	v54 =	vadd.f32 v7, v48  }
0x487: {  	v0 =	vld.idx.msk [tilespmem:v36+s30+$0x0], $0xffff;
	[tilespmem:v37+s20+$0x0] =	vst.idx.msk $0xffff, v4  }
0x488: {  	v4 =	vadd.f32 v8, v33;
	v6 =	vld.idx.msk [tilespmem:v40+s30+$0x0], $0xffff;
	[tilespmem:v41+s20+$0x0] =	vst.idx.msk $0xffff, v54  }
0x489: {  	v58 =	vadd.f32 v39, v32;
	v5 =	vor.u32 v17, v52;
	v8 =	vld.idx.msk [tilespmem:v44+s30+$0x0], $0xffff  }
0x48a: {  	v7 =	vor.u32 v17, v47;
	[tilespmem:v42+s20+$0x0] =	vst.idx.msk $0xffff, v4;
	v4 =	vadd.f32 v14, v35  }
0x48b: {  	[tilespmem:v53+s20+$0x0] =	vst.idx.msk $0xffff, v58;
	v59 =	vadd.f32 v45, v34;
	v60 =	vor.u32 v17, v51  }
0x48c: {  	v2 =	vadd.f32 v57, v46;
	[tilespmem:v56+s20+$0x0] =	vst.idx.msk $0xffff, v4;
	v4 =	vor.u32 v17, v50  }
0x48d: {  	p1 =	slt.u32 s31, $0x30;
	[tilespmem:v55+s20+$0x0] =	vst.idx.msk $0xffff, v59;
	v0 =	vadd.f32 v0, v43  }
.Ltmp11:
0x48e: {  	[tilespmem:v5+s20+$0x0] =	vst.idx.msk $0xffff, v2;
	v61 =	vadd.f32 v6, v49;
	v62 =	vadd.f32 v8, v48;
	(pc) =	sbr.rel @p1 .LBB2_18-.Ltmp11, $4  }
0x48f: {  	[tilespmem:v7+s20+$0x0] =	vst.idx.msk $0xffff, v0  }
0x490: {  	[tilespmem:v60+s20+$0x0] =	vst.idx.msk $0xffff, v61  }
0x491: {  	s10 =	sadd.s32 $0x10, s31;
	v6 =	vmov v20;
	[tilespmem:v4+s20+$0x0] =	vst.idx.msk $0xffff, v62  }
0x492: {  	s31 =	smov.u32 s10;
	v7 =	vmovc v16;
	v20 =	vmovc v27;
	v56 =	vmov v25;
	v61 =	vmov v17;
	v62 =	vmov v29;
	v44 =	vld [tilespmem:$0x1FDB0]  }
0x493: {  	s10 =	sshll.u32 s11, $0x7  }
0x494: {  	s7 =	sshll.u32 s7, $0xF;
	s10 =	sand.u32 $0xF80, s10  }
0x495: {  	s7 =	sor.u32 s10, s7  }
0x496: {  	s10 =	sadd.s32 s2, s7  }
0x497: {  	[hbm4b:s10+s3] =	stream.linear.scatter [tilespmem:s20], [sflag:$0xC], $0x400, $0x38;
	[tilespmem:$0x13500] =	vst v63  }
0x498: {  	s31 =	simm.s32 $0x11900;
	s26 =	sadd.s32 s7, s12  }
0x499: {  	[hbm4b:s26+s3] =	stream.linear.scatter [tilespmem:s31], [sflag:$0xC], $0x400, $0x38;
	[tilespmem:$0x13500] =	vst v63  }
0x49a: {  	s26 =	sadd.s32 s7, s13;
	s31 =	simm.s32 $0x11D00  }
0x49b: {  	[hbm4b:s26+s3] =	stream.linear.scatter [tilespmem:s31], [sflag:$0xC], $0x400, $0x38;
	[tilespmem:$0x13500] =	vst v63  }
0x49c: {  	s26 =	sadd.s32 s7, s14;
	s31 =	simm.s32 $0x12100  }
0x49d: {  	[hbm4b:s26+s3] =	stream.linear.scatter [tilespmem:s31], [sflag:$0xC], $0x400, $0x38;
	[tilespmem:$0x13500] =	vst v63  }
0x49e: {  	s26 =	sadd.s32 s7, s15;
	s31 =	simm.s32 $0x12500  }
0x49f: {  	[hbm4b:s26+s3] =	stream.linear.scatter [tilespmem:s31], [sflag:$0xC], $0x400, $0x38;
	[tilespmem:$0x13500] =	vst v63  }
0x4a0: {  	s26 =	sadd.s32 s7, s16;
	s31 =	simm.s32 $0x12900  }
0x4a1: {  	[hbm4b:s26+s3] =	stream.linear.scatter [tilespmem:s31], [sflag:$0xC], $0x400, $0x38;
	[tilespmem:$0x13500] =	vst v63  }
0x4a2: {  	s11 =	sadd.s32 s7, s17;
	s26 =	simm.s32 $0x12D00  }
0x4a3: {  	[hbm4b:s11+s3] =	stream.linear.scatter [tilespmem:s26], [sflag:$0xC], $0x400, $0x38;
	[tilespmem:$0x13500] =	vst v63  }
0x4a4: {  	s7 =	sadd.s32 s7, s18;
	s31 =	simm.s32 $0x13100  }
0x4a5: {  	[hbm4b:s7+s3] =	stream.linear.scatter [tilespmem:s31], [sflag:$0xC], $0x400, $0x38;
	[tilespmem:$0x13500] =	vst v63  }
0x4a6: {  	s7 =	rddreg [dreg:$0xb]  }
0x4a7: {  	s6 =	sadd.s32 @!p0 s6, s7  }
0x4a8: {  	s6 =	sshll.u32 @!p0 s6, $0x4  }
0x4a9: {  	s6 =	sand.u32 @!p0 $0xFFFFFF0, s6  }
0x4aa: {  	s10 =	simm.s32 @!p0 $0x3480;
	s7 =	simm.s32 @!p0 $0x0;
	s6 =	sadd.s32 @!p0 s4, s6  }
0x4ab: {  	[tilespmem:s10], [sflag:$0x4] =	stream.linear.gather @!p0 [hbm4b:s6+s7], $0x80, $0x38;
	[tilespmem:$0x13500] =	vst v63  }
0x4ac: {  	_ =	swait.ge [sflag:s21], $0x400  }
0x4ad: {  	[sflag:s21] =	ssyncset.done $0x0  }
0x4ae: {  	[sflag:s21] =	ssyncadd.s32 $0xFFFFFC00  }
0x4af: {  	_ =	swait.ge [sflag:s21], $0x400  }
0x4b0: {  	[sflag:s21] =	ssyncset.done $0x0  }
0x4b1: {  	[sflag:s21] =	ssyncadd.s32 $0xFFFFFC00  }
0x4b2: {  	_ =	swait.ge [sflag:s21], $0x400  }
0x4b3: {  	[sflag:s21] =	ssyncset.done $0x0  }
0x4b4: {  	[sflag:s21] =	ssyncadd.s32 $0xFFFFFC00  }
0x4b5: {  	_ =	swait.ge [sflag:s21], $0x400  }
0x4b6: {  	[sflag:s21] =	ssyncset.done $0x0  }
0x4b7: {  	[sflag:s21] =	ssyncadd.s32 $0xFFFFFC00  }
0x4b8: {  	_ =	swait.ge [sflag:s21], $0x400  }
0x4b9: {  	[sflag:s21] =	ssyncset.done $0x0  }
0x4ba: {  	[sflag:s21] =	ssyncadd.s32 $0xFFFFFC00  }
0x4bb: {  	_ =	swait.ge [sflag:s21], $0x400  }
0x4bc: {  	[sflag:s21] =	ssyncset.done $0x0  }
0x4bd: {  	[sflag:s21] =	ssyncadd.s32 $0xFFFFFC00  }
0x4be: {  	_ =	swait.ge [sflag:s21], $0x400  }
.Ltmp12:
0x4bf: {  	[sflag:s21] =	ssyncset.done $0x0;
	(pc) =	sbr.rel @p0 .LBB2_23-.Ltmp12, $4  }
0x4c0: {  	[sflag:s21] =	ssyncadd.s32 $0xFFFFFC00  }
0x4c1: {  	_ =	swait.ge [sflag:s21], $0x400  }
0x4c2: {  	[sflag:s21] =	ssyncset.done $0x0  }
0x4c3: {  	v0 =	vmov v19;
	[sflag:s21] =	ssyncadd.s32 $0xFFFFFC00  }
.Ltmp13:
0x4c4: {  	s6 =	simm.s32 $0x2;
	(pc) =	sbr.rel .LBB2_2-.Ltmp13, $4  }
0x4c5: {  	_ =	swait.ge [sflag:s6], $0x80  }
0x4c6: {  	[sflag:s6] =	ssyncset.done $0x0  }
0x4c7: {  	s31 =	simm.s32 $0x3380;
	s0 =	sadd.s32 $0x1, s0;
	[sflag:s6] =	ssyncadd.s32 $0xFFFFFF80  }
0x4c8: {  	v31 =	vmov v0;
	v28 =	vmov v6;
	v29 =	vld [tilespmem:$0x1FF50];
	[tilespmem:s25], [sflag:$0x6] =	stream.indirect.gather [hbm4b:s5+s19], $0x40, s31, s19, $0xb8  }
.LBB2_24:
0x4c9: {  	_ =	sfence.sel $0x180000  }
0x4ca: {  	[bflag:$0x0] =	sbarrier.arrive $0xFFFF  }
0x4cb: {  	_ =	strace $0x90000047  }
0x4cc: {  	s0 =	stileid.u32;
	[bflag:$0x2] =	sbarrier.arrive $0xFFFF  }
0x4cd: {  	p0 =	sne.s32 s0, $0x0;
	s0 =	rddreg [dreg:$0x2]  }
0x4ce: {  	s0 =	sadd.s32 @!p0 $0x100000, s0  }
0x4cf: {  	[sflag:s0] =	ssyncadd.tile.s32 @!p0 $0x1;
	_ =	shalt  }
.Lfunc_end2:
_tile_overlayer_lowered:
.L_overlay_start_2:
0x4d0: {  	(tag) =	ssettag $0x2  }
0x4d1: {  	s0 =	rddreg [dreg:$0x0];
	s2 =	stileid.u32  }
0x4d2: {  	s1 =	rddreg [dreg:$0x1];
	p0 =	sne.s32 s2, $0x0  }
0x4d3: {  	s3 =	rddreg [dreg:$0x2];
	[bflag:$0x3] =	sbarrier.arrive $0xFFFF;
	s2 =	simm.s32 @!p0 $0x1C0D  }
0x4d4: {  	[timem:s3], [sflag:s2] =	dma.local @!p0 [hbm:s0], s1  }
0x4d5: {  	s0 =	simm.s32 @!p0 $0xD  }
0x4d6: {  	_ =	swait.ge @!p0 [sflag:s0], s1  }
0x4d7: {  	s1 =	ssub.s32 @!p0 $0x0, s1;
	[sflag:s0] =	ssyncset.done @!p0 $0x0  }
0x4d8: {  	[sflag:s0] =	ssyncadd.s32 @!p0 s1  }
0x4d9: {  	[bflag:$0x3] =	sbarrier.arrive $0xFFFF  }
0x4da: {  	_ =	shalt  }

</sc_bundles>
